<compile_context>
chip_gen: v7x
topology: tpu7x:2x2x1
jax: 0.10.2.dev20260603
libtpu: 0.0.44.dev20260713+nightly
codegen_flags: <defaults>
</compile_context>

<pallas_src>
import functools

import jax
import jax.numpy as jnp
from jax import lax
from jax.experimental import pallas as pl
from jax.experimental.pallas import tpu as pltpu
import jax.experimental.pallas.tpu_sc as plsc

B, N, E, S, D = 4, 10000, 160000, 2, 150
DP = 160
DH = DP // 2
PASSES = 2
H, OUT = 256, 10

NC, NT = 2, 16
EPT = E // NT
CH = 128
NCHUNK = (EPT + CH - 1) // CH
EPT_PAD = NCHUNK * CH
RPT = 632
NP = RPT * NT
LAST = N - (NT - 1) * RPT
TN = 2000



def _msg_body(h_ref, w_ref, b_ref, out_ref):
    x = h_ref[0]
    w = w_ref[0]
    out_ref[0, 0] = jnp.dot(x, w, preferred_element_type=jnp.float32) + b_ref[0]


def _msg_tc(h, w_t, b_p):
    return pl.pallas_call(
        _msg_body,
        grid=(2, S),
        in_specs=[
            pl.BlockSpec((1, N, D), lambda i, s: (i, 0, 0)),
            pl.BlockSpec((1, D, DP), lambda i, s: (s, 0, 0)),
            pl.BlockSpec((1, 1, DP), lambda i, s: (s, 0, 0)),
        ],
        out_specs=pl.BlockSpec((1, 1, N, DP), lambda i, s: (i, s, 0, 0)),
        out_shape=jax.ShapeDtypeStruct((2, S, N, DP), jnp.float32),
    )(h, w_t, b_p.reshape(S, 1, DP))



NF = S * NCHUNK


def _sc_body(base, msg_hbm, srcg0_hbm, srcg1_hbm, dstg_hbm, zeros_hbm, out_hbm,
             src_v, dst_v, rows_v, acc, sem0, sem1):
    c = lax.axis_index("c")
    t = lax.axis_index("s")
    srcs = (srcg0_hbm, srcg1_hbm)

    def gather(f, buf, sem):
        pltpu.async_copy(msg_hbm.at[src_v.at[f]], rows_v.at[buf], sem)

    def gwait(buf, sem):
        pltpu.make_async_copy(msg_hbm.at[src_v.at[0]], rows_v.at[buf], sem).wait()

    def scatter(f, buf):
        pltpu.sync_copy(rows_v.at[buf], acc.at[dst_v.at[f]], add=True)

    if True:
        i = base + c
        for s in range(S):
            pltpu.sync_copy(dstg_hbm.at[i, s, t],
                            dst_v.at[pl.ds(s * NCHUNK, NCHUNK)])
        for hf in range(2):
            pltpu.sync_copy(zeros_hbm, acc.at[pl.ds(t * RPT, RPT)])
            for s in range(S):
                pltpu.sync_copy(srcs[hf].at[i, s, t],
                                src_v.at[pl.ds(s * NCHUNK, NCHUNK)])
            plsc.subcore_barrier()
            gather(0, 0, sem0)

            @pl.loop(0, NF // 2)
            def _pair(jj):
                f0 = 2 * jj
                gather(f0 + 1, 1, sem1)
                gwait(0, sem0)
                scatter(f0, 0)

                @pl.when(jj < NF // 2 - 1)
                def _():
                    gather(f0 + 2, 0, sem0)
                gwait(1, sem1)
                scatter(f0 + 1, 1)
            plsc.subcore_barrier()

            @pl.when(t < NT - 1)
            def _():
                pltpu.sync_copy(
                    acc.at[pl.ds(t * RPT, RPT)],
                    out_hbm.at[c, pl.ds(t * RPT, RPT), pl.ds(hf * DH, DH)])

            @pl.when(t == NT - 1)
            def _():
                pltpu.sync_copy(
                    acc.at[pl.ds((NT - 1) * RPT, LAST)],
                    out_hbm.at[c, pl.ds((NT - 1) * RPT, LAST), pl.ds(hf * DH, DH)])
            plsc.subcore_barrier()


@functools.cache
def _build_sc_scatter(base):
    return functools.partial(
        pl.kernel,
        out_type=jax.ShapeDtypeStruct((2, N, DP), jnp.float32),
        mesh=plsc.VectorSubcoreMesh(core_axis_name="c", subcore_axis_name="s"),
        compiler_params=pltpu.CompilerParams(use_tc_tiling_on_sc=False),
        scratch_types=[
            pltpu.VMEM((NF, CH), jnp.int32),
            pltpu.VMEM((NF, CH), jnp.int32),
            pltpu.VMEM((2, CH, DH), jnp.float32),
            pltpu.VMEM_SHARED((NP, DH), jnp.float32),
            pltpu.SemaphoreType.DMA,
            pltpu.SemaphoreType.DMA,
        ],
    )(functools.partial(_sc_body, base))


def _sc_scatter(msg2, src_g0, src_g1, dst_g, zeros, base):
    return _build_sc_scatter(base)(msg2, src_g0, src_g1, dst_g, zeros)



def _gru_body(inc_ref, h_ref, wi_ref, wh_ref, bi_ref, bh_ref, out_ref):
    x = inc_ref[0][:, :D]
    hh = h_ref[0]
    dot = lambda a, w: jnp.dot(a, w, preferred_element_type=jnp.float32)
    i_r = dot(x, wi_ref[0]) + bi_ref[0]
    i_z = dot(x, wi_ref[1]) + bi_ref[1]
    i_n = dot(x, wi_ref[2]) + bi_ref[2]
    h_r = dot(hh, wh_ref[0]) + bh_ref[0]
    h_z = dot(hh, wh_ref[1]) + bh_ref[1]
    h_n = dot(hh, wh_ref[2]) + bh_ref[2]
    sig = lambda u: 1.0 / (1.0 + jnp.exp(-u))
    r = sig(i_r + h_r)
    z = sig(i_z + h_z)
    n = jnp.tanh(i_n + r * h_n)
    out_ref[0] = (1.0 - z) * n + z * hh


def _gru_tc(inc, h, wi_t, wh_t, bi, bh):
    nb = 2 * N // TN
    return pl.pallas_call(
        _gru_body,
        grid=(nb,),
        in_specs=[
            pl.BlockSpec((1, TN, DP), lambda i: (i, 0, 0)),
            pl.BlockSpec((1, TN, D), lambda i: (i, 0, 0)),
            pl.BlockSpec((3, D, D), lambda i: (0, 0, 0)),
            pl.BlockSpec((3, D, D), lambda i: (0, 0, 0)),
            pl.BlockSpec((3, 1, D), lambda i: (0, 0, 0)),
            pl.BlockSpec((3, 1, D), lambda i: (0, 0, 0)),
        ],
        out_specs=pl.BlockSpec((1, TN, D), lambda i: (i, 0, 0)),
        out_shape=jax.ShapeDtypeStruct((nb, TN, D), jnp.float32),
    )(inc.reshape(nb, TN, DP), h.reshape(nb, TN, D),
      wi_t, wh_t, bi.reshape(3, 1, D), bh.reshape(3, 1, D)).reshape(2, N, D)



def _readout_body(h_ref, pc_ref, w1a_ref, w1b_ref, b1_ref, w2_ref, b2_ref, out_ref):
    s = jnp.sum(h_ref[0], axis=0, keepdims=True)
    v = jnp.log(s)
    v = jnp.where(v != v, 0.0, v)
    v = jnp.maximum(v, 0.0)
    x = (jnp.dot(v, w1a_ref[...], preferred_element_type=jnp.float32)
         + pc_ref[0] * w1b_ref[...] + b1_ref[...])
    x = jnp.where(x >= 0.0, x, 0.01 * x)
    out_ref[0] = (jnp.dot(x, w2_ref[...], preferred_element_type=jnp.float32)
                  + b2_ref[...])


def _readout_tc(h, pc, w1a, w1b, b1, w2, b2):
    return pl.pallas_call(
        _readout_body,
        grid=(2,),
        in_specs=[
            pl.BlockSpec((1, N, D), lambda i: (i, 0, 0)),
            pl.BlockSpec((1, 1, 1), lambda i: (i, 0, 0)),
            pl.BlockSpec((D, H), lambda i: (0, 0)),
            pl.BlockSpec((1, H), lambda i: (0, 0)),
            pl.BlockSpec((1, H), lambda i: (0, 0)),
            pl.BlockSpec((H, OUT), lambda i: (0, 0)),
            pl.BlockSpec((1, OUT), lambda i: (0, 0)),
        ],
        out_specs=pl.BlockSpec((1, 1, OUT), lambda i: (i, 0, 0)),
        out_shape=jax.ShapeDtypeStruct((2, 1, OUT), jnp.float32),
    )(h, pc.reshape(2, 1, 1), w1a, w1b, b1, w2, b2).reshape(2, OUT)



def kernel(problemClass, nodesBatch, backwards_edge_dictBatch, W_edge, b_edge,
           W_ih, W_hh, b_ih, b_hh, fc1_W, fc1_b, fc2_W, fc2_b):
    w_t = jnp.pad(jnp.transpose(W_edge, (0, 2, 1)), ((0, 0), (0, 0), (0, DP - D)))
    b_p = jnp.pad(b_edge, ((0, 0), (0, DP - D)))
    wi_t = jnp.transpose(W_ih.reshape(3, D, D), (0, 2, 1))
    wh_t = jnp.transpose(W_hh.reshape(3, D, D), (0, 2, 1))
    bi = b_ih.reshape(3, D)
    bh = b_hh.reshape(3, D)
    w1a = jnp.transpose(fc1_W[:, :D])
    w1b = fc1_W[:, D].reshape(1, H)
    b1 = fc1_b.reshape(1, H)
    w2 = jnp.transpose(fc2_W)
    b2 = fc2_b.reshape(1, OUT)

    e = backwards_edge_dictBatch
    base = (((jnp.arange(B, dtype=jnp.int32) % 2)[:, None] * S
             + jnp.arange(S, dtype=jnp.int32)[None, :]) * N)
    src2 = 2 * (e[:, :, 0, :] + base[:, :, None]).reshape(B, S, NT, EPT)
    dst = e[:, :, 1, :].reshape(B, S, NT, EPT)
    pad = EPT_PAD - EPT
    padw = ((0, 0),) * 3 + ((0, pad),)
    src_g0 = jnp.pad(src2, padw).reshape(B, S, NT, NCHUNK, CH)
    src_g1 = jnp.pad(src2 + 1, padw, constant_values=1).reshape(B, S, NT, NCHUNK, CH)
    dst_g = jnp.pad(dst, padw, constant_values=N).reshape(B, S, NT, NCHUNK, CH)
    zeros = jnp.zeros((RPT, DH), jnp.float32)

    hA, hB = nodesBatch[0:2], nodesBatch[2:4]
    for _ in range(PASSES):
        msgA = _msg_tc(hA, w_t, b_p)
        msgB = _msg_tc(hB, w_t, b_p)
        incA = _sc_scatter(msgA.reshape(2 * S * N * 2, DH),
                           src_g0, src_g1, dst_g, zeros, 0)
        incB = _sc_scatter(msgB.reshape(2 * S * N * 2, DH),
                           src_g0, src_g1, dst_g, zeros, 2)
        hA = _gru_tc(incA, hA, wi_t, wh_t, bi, bh)
        hB = _gru_tc(incB, hB, wi_t, wh_t, bi, bh)
    outA = _readout_tc(hA, problemClass[0:2], w1a, w1b, b1, w2, b2)
    outB = _readout_tc(hB, problemClass[2:4], w1a, w1b, b1, w2, b2)
    return jnp.concatenate([outA, outB], axis=0)

# --- scband reference (transcript-rebuilt; emitter-appended) ---
"""Pipeline reference for scband-ggnn-62732292325694 (READ-ONLY COPY).

The authoritative reference and input builder live on the scoring server;
editing this copy changes nothing except your own understanding.
"""

import jax, jax.numpy as jnp
import numpy as np

B, N, E, S, D, H, OUT, PASSES = 4, 10000, 160000, 2, 150, 256, 10, 2

def gru_cell(x, h, W_ih, W_hh, b_ih, b_hh):
    gi = x @ W_ih.T + b_ih
    gh = h @ W_hh.T + b_hh
    i_r, i_z, i_n = jnp.split(gi, 3, axis=-1)
    h_r, h_z, h_n = jnp.split(gh, 3, axis=-1)
    r = jax.nn.sigmoid(i_r + h_r)
    z = jax.nn.sigmoid(i_z + h_z)
    n = jnp.tanh(i_n + r * h_n)
    return (1.0 - z) * n + z * h

def setup_inputs(seed: int = 0):
    key = jax.random.key(seed)
    ks = jax.random.split(key, 16)
    nodesBatch = jax.random.normal(ks[0], (B, N, D), dtype=jnp.float32)
    problemClass = jax.random.uniform(ks[1], (B, 1), dtype=jnp.float32)
    backwards_edge_dictBatch = jax.random.randint(ks[2], (B, S, 2, E), 0, N, dtype=jnp.int32)
    W_edge = jax.random.normal(ks[3], (S, D, D), dtype=jnp.float32) * 0.05
    b_edge = jax.random.normal(ks[4], (S, D), dtype=jnp.float32) * 0.05
    W_ih = jax.random.normal(ks[5], (3 * D, D), dtype=jnp.float32) * 0.05
    W_hh = jax.random.normal(ks[6], (3 * D, D), dtype=jnp.float32) * 0.05
    b_ih = jax.random.normal(ks[7], (3 * D,), dtype=jnp.float32) * 0.05
    b_hh = jax.random.normal(ks[8], (3 * D,), dtype=jnp.float32) * 0.05
    fc1_W = jax.random.normal(ks[9], (H, D + 1), dtype=jnp.float32) * 0.05
    fc1_b = jax.random.normal(ks[10], (H,), dtype=jnp.float32) * 0.05
    fc2_W = jax.random.normal(ks[11], (OUT, H), dtype=jnp.float32) * 0.05
    fc2_b = jax.random.normal(ks[12], (OUT,), dtype=jnp.float32) * 0.05
    return {"problemClass": problemClass, "nodesBatch": nodesBatch,
            "backwards_edge_dictBatch": backwards_edge_dictBatch,
            "W_edge": W_edge, "b_edge": b_edge, "W_ih": W_ih, "W_hh": W_hh,
            "b_ih": b_ih, "b_hh": b_hh, "fc1_W": fc1_W, "fc1_b": fc1_b,
            "fc2_W": fc2_W, "fc2_b": fc2_b}

def reference(problemClass, nodesBatch, backwards_edge_dictBatch, W_edge, b_edge,
              W_ih, W_hh, b_ih, b_hh, fc1_W, fc1_b, fc2_W, fc2_b):
    h = nodesBatch
    for _ in range(PASSES):
        new_h = []
        for i in range(B):
            incoming = jnp.zeros((N, D), dtype=jnp.float32)
            for s in range(S):
                # edgeNets[s] applied to source-node reps, scatter-added into dst (sum of inset)
                msg = h[i] @ W_edge[s].T + b_edge[s]
                src = backwards_edge_dictBatch[i, s, 0]
                dst = backwards_edge_dictBatch[i, s, 1]
                incoming = incoming.at[dst].add(msg[src])
            new_h.append(gru_cell(incoming, h[i], W_ih, W_hh, b_ih, b_hh))
        h = jnp.stack(new_h)
    feats = []
    for i in range(B):
        v = jnp.log(h[i].sum(axis=0))
        v = jnp.where(v != v, 0.0, v)  # NaN -> 0, mirrors x[x!=x]=0
        v = jax.nn.relu(v)
        feats.append(jnp.concatenate([v, problemClass[i]]))
    x = jnp.stack(feats)
    x = x @ fc1_W.T + fc1_b
    x = jnp.where(x >= 0.0, x, 0.01 * x)  # leaky_relu
    x = x @ fc2_W.T + fc2_b
    return x

if __name__ == "__main__":
    import jax
    _d = setup_inputs()
    print(jax.jit(kernel)(*tuple(_d.values())))

</pallas_src>

<mosaic_0001>
#map = affine_map<(d0, d1) -> (0, 0)>
#map1 = affine_map<(d0, d1) -> (0, 0, 0, 0, 0)>
#map2 = affine_map<(d0, d1) -> (0, 0, 0)>
module attributes {stable_mosaic.version = 14 : i64} {
  func.func @_sc_body(%arg0: i32, %arg1: i32, %arg2: memref<80000x80xf32, #tpu.memory_space<hbm>>, %arg3: memref<4x2x16x79x128xi32, #tpu.memory_space<hbm>>, %arg4: memref<4x2x16x79x128xi32, #tpu.memory_space<hbm>>, %arg5: memref<4x2x16x79x128xi32, #tpu.memory_space<hbm>>, %arg6: memref<632x80xf32, #tpu.memory_space<hbm>>, %arg7: memref<2x10000x160xf32, #tpu.memory_space<hbm>>, %arg8: memref<158x128xi32, #tpu.memory_space<vmem>>, %arg9: memref<158x128xi32, #tpu.memory_space<vmem>>, %arg10: memref<2x128x80xf32, #tpu.memory_space<vmem>>, %arg11: memref<10112x80xf32, #tpu.memory_space<vmem_shared>>, %arg12: memref<!tpu.dma_semaphore, #tpu.memory_space<semaphore_mem>>, %arg13: memref<!tpu.dma_semaphore, #tpu.memory_space<semaphore_mem>>) attributes {dimension_semantics = [#tpu.dimension_semantics<core_parallel>, #tpu.dimension_semantics<subcore_parallel>], iteration_bounds = array<i64: 2, 16>, scalar_prefetch = 0 : i64, scratch_operands = 6 : i64, tpu.core_type = #tpu.core_type<sc_vector_subcore>, window_params = [{transform_indices = #map}, {transform_indices = #map1}, {transform_indices = #map1}, {transform_indices = #map1}, {transform_indices = #map}, {transform_indices = #map2}]} {
    %add3A = arith.constant 2 : i32
    %add3A_0 = arith.addi %add3A, %arg0 : i32
    %run_scoped3A = arith.constant 0 : i32
    "tpu.region"() ({
      %run_scoped3A_62 = tpu.sem_alloc : memref<!tpu.dma_semaphore, #tpu.memory_space<semaphore_mem>>
      %dma_start3A_63 = arith.constant 0 : i32
      %dma_start3A_64 = arith.constant 0 : i32
      %dma_start3A_65 = tpu.memref_slice %arg9[%dma_start3A_63, %dma_start3A_64] : memref<158x128xi32, #tpu.memory_space<vmem>> -> memref<79x128xi32, #tpu.memory_space<vmem>>
      %dma_start3A_66 = arith.constant 0 : i32
      %dma_start3A_67 = arith.constant 0 : i32
      %dma_start3A_68 = tpu.memref_slice %arg5[%add3A_0, %run_scoped3A, %arg1, %dma_start3A_66, %dma_start3A_67] : memref<4x2x16x79x128xi32, #tpu.memory_space<hbm>> -> memref<1x1x1x79x128xi32, #tpu.memory_space<hbm>>
      %dma_start3A_69 = tpu.memref_squeeze %dma_start3A_68 : memref<1x1x1x79x128xi32, #tpu.memory_space<hbm>> -> memref<79x128xi32, #tpu.memory_space<hbm>>
      %dma_start3A_70 = arith.constant 0 : i32
      %dma_start3A_71 = arith.constant 0 : i32
      %dma_start3A_72 = tpu.memref_slice %arg9[%dma_start3A_70, %dma_start3A_71] : memref<158x128xi32, #tpu.memory_space<vmem>> -> memref<79x128xi32, #tpu.memory_space<vmem>>
      %dma_start3A_73 = arith.constant 0 : i32
      %dma_start3A_74 = arith.constant 0 : i32
      %dma_start3A_75 = tpu.memref_slice %arg5[%add3A_0, %run_scoped3A, %arg1, %dma_start3A_73, %dma_start3A_74] : memref<4x2x16x79x128xi32, #tpu.memory_space<hbm>> -> memref<1x1x1x79x128xi32, #tpu.memory_space<hbm>>
      %dma_start3A_76 = tpu.memref_squeeze %dma_start3A_75 : memref<1x1x1x79x128xi32, #tpu.memory_space<hbm>> -> memref<79x128xi32, #tpu.memory_space<hbm>>
      tpu.enqueue_dma source(%dma_start3A_76 : memref<79x128xi32, #tpu.memory_space<hbm>>) target(%dma_start3A_72 : memref<79x128xi32, #tpu.memory_space<vmem>>) target_semaphore(%run_scoped3A_62 : memref<!tpu.dma_semaphore, #tpu.memory_space<semaphore_mem>>)
      %dma_wait3A = arith.constant 0 : i32
      %dma_wait3A_77 = arith.constant 0 : i32
      %dma_wait3A_78 = tpu.memref_slice %arg9[%dma_wait3A, %dma_wait3A_77] : memref<158x128xi32, #tpu.memory_space<vmem>> -> memref<79x128xi32, #tpu.memory_space<vmem>>
      %dma_wait3A_79 = arith.constant 0 : i32
      %dma_wait3A_80 = arith.constant 0 : i32
      %dma_wait3A_81 = tpu.memref_slice %arg5[%add3A_0, %run_scoped3A, %arg1, %dma_wait3A_79, %dma_wait3A_80] : memref<4x2x16x79x128xi32, #tpu.memory_space<hbm>> -> memref<1x1x1x79x128xi32, #tpu.memory_space<hbm>>
      %dma_wait3A_82 = tpu.memref_squeeze %dma_wait3A_81 : memref<1x1x1x79x128xi32, #tpu.memory_space<hbm>> -> memref<79x128xi32, #tpu.memory_space<hbm>>
      %dma_wait3A_83 = arith.constant 0 : i32
      %dma_wait3A_84 = arith.constant 0 : i32
      %dma_wait3A_85 = tpu.memref_slice %arg9[%dma_wait3A_83, %dma_wait3A_84] : memref<158x128xi32, #tpu.memory_space<vmem>> -> memref<79x128xi32, #tpu.memory_space<vmem>>
      %dma_wait3A_86 = arith.constant 0 : i32
      %dma_wait3A_87 = arith.constant 0 : i32
      %dma_wait3A_88 = tpu.memref_slice %arg5[%add3A_0, %run_scoped3A, %arg1, %dma_wait3A_86, %dma_wait3A_87] : memref<4x2x16x79x128xi32, #tpu.memory_space<hbm>> -> memref<1x1x1x79x128xi32, #tpu.memory_space<hbm>>
      %dma_wait3A_89 = tpu.memref_squeeze %dma_wait3A_88 : memref<1x1x1x79x128xi32, #tpu.memory_space<hbm>> -> memref<79x128xi32, #tpu.memory_space<hbm>>
      tpu.wait_dma2 semaphore(%run_scoped3A_62 : memref<!tpu.dma_semaphore, #tpu.memory_space<semaphore_mem>>) src(%dma_wait3A_89 : memref<79x128xi32, #tpu.memory_space<hbm>>) dst(%dma_wait3A_85 : memref<79x128xi32, #tpu.memory_space<vmem>>)
      tpu.yield
    }) : () -> ()
    %run_scoped3A_1 = arith.constant 1 : i32
    "tpu.region"() ({
      %run_scoped3A_62 = tpu.sem_alloc : memref<!tpu.dma_semaphore, #tpu.memory_space<semaphore_mem>>
      %dma_start3A_63 = arith.constant 79 : i32
      %dma_start3A_64 = arith.constant 0 : i32
      %dma_start3A_65 = tpu.memref_slice %arg9[%dma_start3A_63, %dma_start3A_64] : memref<158x128xi32, #tpu.memory_space<vmem>> -> memref<79x128xi32, #tpu.memory_space<vmem>>
      %dma_start3A_66 = arith.constant 0 : i32
      %dma_start3A_67 = arith.constant 0 : i32
      %dma_start3A_68 = tpu.memref_slice %arg5[%add3A_0, %run_scoped3A_1, %arg1, %dma_start3A_66, %dma_start3A_67] : memref<4x2x16x79x128xi32, #tpu.memory_space<hbm>> -> memref<1x1x1x79x128xi32, #tpu.memory_space<hbm>>
      %dma_start3A_69 = tpu.memref_squeeze %dma_start3A_68 : memref<1x1x1x79x128xi32, #tpu.memory_space<hbm>> -> memref<79x128xi32, #tpu.memory_space<hbm>>
      %dma_start3A_70 = arith.constant 79 : i32
      %dma_start3A_71 = arith.constant 0 : i32
      %dma_start3A_72 = tpu.memref_slice %arg9[%dma_start3A_70, %dma_start3A_71] : memref<158x128xi32, #tpu.memory_space<vmem>> -> memref<79x128xi32, #tpu.memory_space<vmem>>
      %dma_start3A_73 = arith.constant 0 : i32
      %dma_start3A_74 = arith.constant 0 : i32
      %dma_start3A_75 = tpu.memref_slice %arg5[%add3A_0, %run_scoped3A_1, %arg1, %dma_start3A_73, %dma_start3A_74] : memref<4x2x16x79x128xi32, #tpu.memory_space<hbm>> -> memref<1x1x1x79x128xi32, #tpu.memory_space<hbm>>
      %dma_start3A_76 = tpu.memref_squeeze %dma_start3A_75 : memref<1x1x1x79x128xi32, #tpu.memory_space<hbm>> -> memref<79x128xi32, #tpu.memory_space<hbm>>
      tpu.enqueue_dma source(%dma_start3A_76 : memref<79x128xi32, #tpu.memory_space<hbm>>) target(%dma_start3A_72 : memref<79x128xi32, #tpu.memory_space<vmem>>) target_semaphore(%run_scoped3A_62 : memref<!tpu.dma_semaphore, #tpu.memory_space<semaphore_mem>>)
      %dma_wait3A = arith.constant 79 : i32
      %dma_wait3A_77 = arith.constant 0 : i32
      %dma_wait3A_78 = tpu.memref_slice %arg9[%dma_wait3A, %dma_wait3A_77] : memref<158x128xi32, #tpu.memory_space<vmem>> -> memref<79x128xi32, #tpu.memory_space<vmem>>
      %dma_wait3A_79 = arith.constant 0 : i32
      %dma_wait3A_80 = arith.constant 0 : i32
      %dma_wait3A_81 = tpu.memref_slice %arg5[%add3A_0, %run_scoped3A_1, %arg1, %dma_wait3A_79, %dma_wait3A_80] : memref<4x2x16x79x128xi32, #tpu.memory_space<hbm>> -> memref<1x1x1x79x128xi32, #tpu.memory_space<hbm>>
      %dma_wait3A_82 = tpu.memref_squeeze %dma_wait3A_81 : memref<1x1x1x79x128xi32, #tpu.memory_space<hbm>> -> memref<79x128xi32, #tpu.memory_space<hbm>>
      %dma_wait3A_83 = arith.constant 79 : i32
      %dma_wait3A_84 = arith.constant 0 : i32
      %dma_wait3A_85 = tpu.memref_slice %arg9[%dma_wait3A_83, %dma_wait3A_84] : memref<158x128xi32, #tpu.memory_space<vmem>> -> memref<79x128xi32, #tpu.memory_space<vmem>>
      %dma_wait3A_86 = arith.constant 0 : i32
      %dma_wait3A_87 = arith.constant 0 : i32
      %dma_wait3A_88 = tpu.memref_slice %arg5[%add3A_0, %run_scoped3A_1, %arg1, %dma_wait3A_86, %dma_wait3A_87] : memref<4x2x16x79x128xi32, #tpu.memory_space<hbm>> -> memref<1x1x1x79x128xi32, #tpu.memory_space<hbm>>
      %dma_wait3A_89 = tpu.memref_squeeze %dma_wait3A_88 : memref<1x1x1x79x128xi32, #tpu.memory_space<hbm>> -> memref<79x128xi32, #tpu.memory_space<hbm>>
      tpu.wait_dma2 semaphore(%run_scoped3A_62 : memref<!tpu.dma_semaphore, #tpu.memory_space<semaphore_mem>>) src(%dma_wait3A_89 : memref<79x128xi32, #tpu.memory_space<hbm>>) dst(%dma_wait3A_85 : memref<79x128xi32, #tpu.memory_space<vmem>>)
      tpu.yield
    }) : () -> ()
    %mul3A = arith.constant 632 : i32
    %mul3A_2 = arith.muli %arg1, %mul3A : i32
    "tpu.region"() ({
      %run_scoped3A_62 = tpu.sem_alloc : memref<!tpu.dma_semaphore, #tpu.memory_space<semaphore_mem>>
      %dma_start3A_63 = arith.constant 0 : i32
      %dma_start3A_64 = tpu.memref_slice %arg11[%mul3A_2, %dma_start3A_63] : memref<10112x80xf32, #tpu.memory_space<vmem_shared>> -> memref<632x80xf32, #tpu.memory_space<vmem_shared>>
      tpu.enqueue_dma source(%arg6 : memref<632x80xf32, #tpu.memory_space<hbm>>) target(%dma_start3A_64 : memref<632x80xf32, #tpu.memory_space<vmem_shared>>) target_semaphore(%run_scoped3A_62 : memref<!tpu.dma_semaphore, #tpu.memory_space<semaphore_mem>>)
      %dma_wait3A = arith.constant 0 : i32
      %dma_wait3A_65 = tpu.memref_slice %arg11[%mul3A_2, %dma_wait3A] : memref<10112x80xf32, #tpu.memory_space<vmem_shared>> -> memref<632x80xf32, #tpu.memory_space<vmem_shared>>
      tpu.wait_dma2 semaphore(%run_scoped3A_62 : memref<!tpu.dma_semaphore, #tpu.memory_space<semaphore_mem>>) src(%arg6 : memref<632x80xf32, #tpu.memory_space<hbm>>) dst(%dma_wait3A_65 : memref<632x80xf32, #tpu.memory_space<vmem_shared>>)
      tpu.yield
    }) : () -> ()
    %run_scoped3A_3 = arith.constant 0 : i32
    "tpu.region"() ({
      %run_scoped3A_62 = tpu.sem_alloc : memref<!tpu.dma_semaphore, #tpu.memory_space<semaphore_mem>>
      %dma_start3A_63 = arith.constant 0 : i32
      %dma_start3A_64 = arith.constant 0 : i32
      %dma_start3A_65 = tpu.memref_slice %arg8[%dma_start3A_63, %dma_start3A_64] : memref<158x128xi32, #tpu.memory_space<vmem>> -> memref<79x128xi32, #tpu.memory_space<vmem>>
      %dma_start3A_66 = arith.constant 0 : i32
      %dma_start3A_67 = arith.constant 0 : i32
      %dma_start3A_68 = tpu.memref_slice %arg3[%add3A_0, %run_scoped3A_3, %arg1, %dma_start3A_66, %dma_start3A_67] : memref<4x2x16x79x128xi32, #tpu.memory_space<hbm>> -> memref<1x1x1x79x128xi32, #tpu.memory_space<hbm>>
      %dma_start3A_69 = tpu.memref_squeeze %dma_start3A_68 : memref<1x1x1x79x128xi32, #tpu.memory_space<hbm>> -> memref<79x128xi32, #tpu.memory_space<hbm>>
      %dma_start3A_70 = arith.constant 0 : i32
      %dma_start3A_71 = arith.constant 0 : i32
      %dma_start3A_72 = tpu.memref_slice %arg8[%dma_start3A_70, %dma_start3A_71] : memref<158x128xi32, #tpu.memory_space<vmem>> -> memref<79x128xi32, #tpu.memory_space<vmem>>
      %dma_start3A_73 = arith.constant 0 : i32
      %dma_start3A_74 = arith.constant 0 : i32
      %dma_start3A_75 = tpu.memref_slice %arg3[%add3A_0, %run_scoped3A_3, %arg1, %dma_start3A_73, %dma_start3A_74] : memref<4x2x16x79x128xi32, #tpu.memory_space<hbm>> -> memref<1x1x1x79x128xi32, #tpu.memory_space<hbm>>
      %dma_start3A_76 = tpu.memref_squeeze %dma_start3A_75 : memref<1x1x1x79x128xi32, #tpu.memory_space<hbm>> -> memref<79x128xi32, #tpu.memory_space<hbm>>
      tpu.enqueue_dma source(%dma_start3A_76 : memref<79x128xi32, #tpu.memory_space<hbm>>) target(%dma_start3A_72 : memref<79x128xi32, #tpu.memory_space<vmem>>) target_semaphore(%run_scoped3A_62 : memref<!tpu.dma_semaphore, #tpu.memory_space<semaphore_mem>>)
      %dma_wait3A = arith.constant 0 : i32
      %dma_wait3A_77 = arith.constant 0 : i32
      %dma_wait3A_78 = tpu.memref_slice %arg8[%dma_wait3A, %dma_wait3A_77] : memref<158x128xi32, #tpu.memory_space<vmem>> -> memref<79x128xi32, #tpu.memory_space<vmem>>
      %dma_wait3A_79 = arith.constant 0 : i32
      %dma_wait3A_80 = arith.constant 0 : i32
      %dma_wait3A_81 = tpu.memref_slice %arg3[%add3A_0, %run_scoped3A_3, %arg1, %dma_wait3A_79, %dma_wait3A_80] : memref<4x2x16x79x128xi32, #tpu.memory_space<hbm>> -> memref<1x1x1x79x128xi32, #tpu.memory_space<hbm>>
      %dma_wait3A_82 = tpu.memref_squeeze %dma_wait3A_81 : memref<1x1x1x79x128xi32, #tpu.memory_space<hbm>> -> memref<79x128xi32, #tpu.memory_space<hbm>>
      %dma_wait3A_83 = arith.constant 0 : i32
      %dma_wait3A_84 = arith.constant 0 : i32
      %dma_wait3A_85 = tpu.memref_slice %arg8[%dma_wait3A_83, %dma_wait3A_84] : memref<158x128xi32, #tpu.memory_space<vmem>> -> memref<79x128xi32, #tpu.memory_space<vmem>>
      %dma_wait3A_86 = arith.constant 0 : i32
      %dma_wait3A_87 = arith.constant 0 : i32
      %dma_wait3A_88 = tpu.memref_slice %arg3[%add3A_0, %run_scoped3A_3, %arg1, %dma_wait3A_86, %dma_wait3A_87] : memref<4x2x16x79x128xi32, #tpu.memory_space<hbm>> -> memref<1x1x1x79x128xi32, #tpu.memory_space<hbm>>
      %dma_wait3A_89 = tpu.memref_squeeze %dma_wait3A_88 : memref<1x1x1x79x128xi32, #tpu.memory_space<hbm>> -> memref<79x128xi32, #tpu.memory_space<hbm>>
      tpu.wait_dma2 semaphore(%run_scoped3A_62 : memref<!tpu.dma_semaphore, #tpu.memory_space<semaphore_mem>>) src(%dma_wait3A_89 : memref<79x128xi32, #tpu.memory_space<hbm>>) dst(%dma_wait3A_85 : memref<79x128xi32, #tpu.memory_space<vmem>>)
      tpu.yield
    }) : () -> ()
    %run_scoped3A_4 = arith.constant 1 : i32
    "tpu.region"() ({
      %run_scoped3A_62 = tpu.sem_alloc : memref<!tpu.dma_semaphore, #tpu.memory_space<semaphore_mem>>
      %dma_start3A_63 = arith.constant 79 : i32
      %dma_start3A_64 = arith.constant 0 : i32
      %dma_start3A_65 = tpu.memref_slice %arg8[%dma_start3A_63, %dma_start3A_64] : memref<158x128xi32, #tpu.memory_space<vmem>> -> memref<79x128xi32, #tpu.memory_space<vmem>>
      %dma_start3A_66 = arith.constant 0 : i32
      %dma_start3A_67 = arith.constant 0 : i32
      %dma_start3A_68 = tpu.memref_slice %arg3[%add3A_0, %run_scoped3A_4, %arg1, %dma_start3A_66, %dma_start3A_67] : memref<4x2x16x79x128xi32, #tpu.memory_space<hbm>> -> memref<1x1x1x79x128xi32, #tpu.memory_space<hbm>>
      %dma_start3A_69 = tpu.memref_squeeze %dma_start3A_68 : memref<1x1x1x79x128xi32, #tpu.memory_space<hbm>> -> memref<79x128xi32, #tpu.memory_space<hbm>>
      %dma_start3A_70 = arith.constant 79 : i32
      %dma_start3A_71 = arith.constant 0 : i32
      %dma_start3A_72 = tpu.memref_slice %arg8[%dma_start3A_70, %dma_start3A_71] : memref<158x128xi32, #tpu.memory_space<vmem>> -> memref<79x128xi32, #tpu.memory_space<vmem>>
      %dma_start3A_73 = arith.constant 0 : i32
      %dma_start3A_74 = arith.constant 0 : i32
      %dma_start3A_75 = tpu.memref_slice %arg3[%add3A_0, %run_scoped3A_4, %arg1, %dma_start3A_73, %dma_start3A_74] : memref<4x2x16x79x128xi32, #tpu.memory_space<hbm>> -> memref<1x1x1x79x128xi32, #tpu.memory_space<hbm>>
      %dma_start3A_76 = tpu.memref_squeeze %dma_start3A_75 : memref<1x1x1x79x128xi32, #tpu.memory_space<hbm>> -> memref<79x128xi32, #tpu.memory_space<hbm>>
      tpu.enqueue_dma source(%dma_start3A_76 : memref<79x128xi32, #tpu.memory_space<hbm>>) target(%dma_start3A_72 : memref<79x128xi32, #tpu.memory_space<vmem>>) target_semaphore(%run_scoped3A_62 : memref<!tpu.dma_semaphore, #tpu.memory_space<semaphore_mem>>)
      %dma_wait3A = arith.constant 79 : i32
      %dma_wait3A_77 = arith.constant 0 : i32
      %dma_wait3A_78 = tpu.memref_slice %arg8[%dma_wait3A, %dma_wait3A_77] : memref<158x128xi32, #tpu.memory_space<vmem>> -> memref<79x128xi32, #tpu.memory_space<vmem>>
      %dma_wait3A_79 = arith.constant 0 : i32
      %dma_wait3A_80 = arith.constant 0 : i32
      %dma_wait3A_81 = tpu.memref_slice %arg3[%add3A_0, %run_scoped3A_4, %arg1, %dma_wait3A_79, %dma_wait3A_80] : memref<4x2x16x79x128xi32, #tpu.memory_space<hbm>> -> memref<1x1x1x79x128xi32, #tpu.memory_space<hbm>>
      %dma_wait3A_82 = tpu.memref_squeeze %dma_wait3A_81 : memref<1x1x1x79x128xi32, #tpu.memory_space<hbm>> -> memref<79x128xi32, #tpu.memory_space<hbm>>
      %dma_wait3A_83 = arith.constant 79 : i32
      %dma_wait3A_84 = arith.constant 0 : i32
      %dma_wait3A_85 = tpu.memref_slice %arg8[%dma_wait3A_83, %dma_wait3A_84] : memref<158x128xi32, #tpu.memory_space<vmem>> -> memref<79x128xi32, #tpu.memory_space<vmem>>
      %dma_wait3A_86 = arith.constant 0 : i32
      %dma_wait3A_87 = arith.constant 0 : i32
      %dma_wait3A_88 = tpu.memref_slice %arg3[%add3A_0, %run_scoped3A_4, %arg1, %dma_wait3A_86, %dma_wait3A_87] : memref<4x2x16x79x128xi32, #tpu.memory_space<hbm>> -> memref<1x1x1x79x128xi32, #tpu.memory_space<hbm>>
      %dma_wait3A_89 = tpu.memref_squeeze %dma_wait3A_88 : memref<1x1x1x79x128xi32, #tpu.memory_space<hbm>> -> memref<79x128xi32, #tpu.memory_space<hbm>>
      tpu.wait_dma2 semaphore(%run_scoped3A_62 : memref<!tpu.dma_semaphore, #tpu.memory_space<semaphore_mem>>) src(%dma_wait3A_89 : memref<79x128xi32, #tpu.memory_space<hbm>>) dst(%dma_wait3A_85 : memref<79x128xi32, #tpu.memory_space<vmem>>)
      tpu.yield
    }) : () -> ()
    %barrier3A = arith.constant 0 : index
    tpu.barrier barrier_id(%barrier3A)
    %dma_start3A = arith.constant 0 : i32
    %dma_start3A_5 = arith.constant 0 : i32
    %dma_start3A_6 = arith.constant 0 : i32
    %dma_start3A_7 = arith.constant 0 : i32
    %dma_start3A_8 = tpu.memref_slice %arg10[%dma_start3A_5, %dma_start3A_6, %dma_start3A_7] : memref<2x128x80xf32, #tpu.memory_space<vmem>> -> memref<1x128x80xf32, #tpu.memory_space<vmem>>
    %dma_start3A_9 = tpu.memref_squeeze %dma_start3A_8 : memref<1x128x80xf32, #tpu.memory_space<vmem>> -> memref<128x80xf32, #tpu.memory_space<vmem>>
    %dma_start3A_10 = arith.constant 0 : i32
    %dma_start3A_11 = tpu.memref_slice %arg8[%dma_start3A, %dma_start3A_10] : memref<158x128xi32, #tpu.memory_space<vmem>> -> memref<1x128xi32, #tpu.memory_space<vmem>>
    %dma_start3A_12 = tpu.memref_squeeze %dma_start3A_11 : memref<1x128xi32, #tpu.memory_space<vmem>> -> memref<128xi32, #tpu.memory_space<vmem>>
    %dma_start3A_13 = arith.constant 0 : i32
    %dma_start3A_14 = arith.constant 0 : i32
    %dma_start3A_15 = tpu.memref_slice %arg2[%dma_start3A_13, %dma_start3A_14] : memref<80000x80xf32, #tpu.memory_space<hbm>> -> memref<80000x80xf32, #tpu.memory_space<hbm>>
    tpu.enqueue_indirect_dma source(%dma_start3A_15 : memref<80000x80xf32, #tpu.memory_space<hbm>>) target(%dma_start3A_9 : memref<128x80xf32, #tpu.memory_space<vmem>>) offsets(%dma_start3A_12 : memref<128xi32, #tpu.memory_space<vmem>>) semaphore(%arg12 : memref<!tpu.dma_semaphore, #tpu.memory_space<semaphore_mem>>)
    %scan3A = arith.constant 0 : i32
    %scan3A_16 = arith.constant 79 : i32
    %scan3A_17 = arith.addi %scan3A, %scan3A_16 : i32
    %scan3A_18 = arith.constant 1 : i32
    scf.for %scan3A_62 = %scan3A to %scan3A_17 step %scan3A_18  : i32 {
      %mul3A_63 = arith.constant 1 : i32
      %mul3A_64 = arith.muli %scan3A_62, %mul3A_63 : i32
      %add3A_65 = arith.constant 0 : i32
      %add3A_66 = arith.addi %add3A_65, %mul3A_64 : i32
      %mul3A_67 = arith.constant 2 : i32
      %mul3A_68 = arith.muli %mul3A_67, %add3A_66 : i32
      %add3A_69 = arith.constant 1 : i32
      %add3A_70 = arith.addi %mul3A_68, %add3A_69 : i32
      %dma_start3A_71 = arith.constant 1 : i32
      %dma_start3A_72 = arith.constant 0 : i32
      %dma_start3A_73 = arith.constant 0 : i32
      %dma_start3A_74 = tpu.memref_slice %arg10[%dma_start3A_71, %dma_start3A_72, %dma_start3A_73] : memref<2x128x80xf32, #tpu.memory_space<vmem>> -> memref<1x128x80xf32, #tpu.memory_space<vmem>>
      %dma_start3A_75 = tpu.memref_squeeze %dma_start3A_74 : memref<1x128x80xf32, #tpu.memory_space<vmem>> -> memref<128x80xf32, #tpu.memory_space<vmem>>
      %dma_start3A_76 = arith.constant 0 : i32
      %dma_start3A_77 = tpu.memref_slice %arg8[%add3A_70, %dma_start3A_76] : memref<158x128xi32, #tpu.memory_space<vmem>> -> memref<1x128xi32, #tpu.memory_space<vmem>>
      %dma_start3A_78 = tpu.memref_squeeze %dma_start3A_77 : memref<1x128xi32, #tpu.memory_space<vmem>> -> memref<128xi32, #tpu.memory_space<vmem>>
      %dma_start3A_79 = arith.constant 0 : i32
      %dma_start3A_80 = arith.constant 0 : i32
      %dma_start3A_81 = tpu.memref_slice %arg2[%dma_start3A_79, %dma_start3A_80] : memref<80000x80xf32, #tpu.memory_space<hbm>> -> memref<80000x80xf32, #tpu.memory_space<hbm>>
      tpu.enqueue_indirect_dma source(%dma_start3A_81 : memref<80000x80xf32, #tpu.memory_space<hbm>>) target(%dma_start3A_75 : memref<128x80xf32, #tpu.memory_space<vmem>>) offsets(%dma_start3A_78 : memref<128xi32, #tpu.memory_space<vmem>>) semaphore(%arg13 : memref<!tpu.dma_semaphore, #tpu.memory_space<semaphore_mem>>)
      %dma_wait3A = arith.constant 0 : i32
      %dma_wait3A_82 = arith.constant 0 : i32
      %dma_wait3A_83 = arith.constant 0 : i32
      %dma_wait3A_84 = arith.constant 0 : i32
      %dma_wait3A_85 = tpu.memref_slice %arg10[%dma_wait3A_82, %dma_wait3A_83, %dma_wait3A_84] : memref<2x128x80xf32, #tpu.memory_space<vmem>> -> memref<1x128x80xf32, #tpu.memory_space<vmem>>
      %dma_wait3A_86 = tpu.memref_squeeze %dma_wait3A_85 : memref<1x128x80xf32, #tpu.memory_space<vmem>> -> memref<128x80xf32, #tpu.memory_space<vmem>>
      %dma_wait3A_87 = arith.constant 0 : i32
      %dma_wait3A_88 = tpu.memref_slice %arg8[%dma_wait3A, %dma_wait3A_87] : memref<158x128xi32, #tpu.memory_space<vmem>> -> memref<1x128xi32, #tpu.memory_space<vmem>>
      %dma_wait3A_89 = tpu.memref_squeeze %dma_wait3A_88 : memref<1x128xi32, #tpu.memory_space<vmem>> -> memref<128xi32, #tpu.memory_space<vmem>>
      %dma_wait3A_90 = arith.constant 0 : i32
      %dma_wait3A_91 = arith.constant 0 : i32
      %dma_wait3A_92 = tpu.memref_slice %arg2[%dma_wait3A_90, %dma_wait3A_91] : memref<80000x80xf32, #tpu.memory_space<hbm>> -> memref<80000x80xf32, #tpu.memory_space<hbm>>
      tpu.wait_indirect_dma semaphore(%arg12 : memref<!tpu.dma_semaphore, #tpu.memory_space<semaphore_mem>>) src(%dma_wait3A_92 : memref<80000x80xf32, #tpu.memory_space<hbm>>) dst(%dma_wait3A_86 : memref<128x80xf32, #tpu.memory_space<vmem>>)
      %run_scoped3A_93 = arith.constant 0 : i32
      "tpu.region"() ({
        %run_scoped3A_114 = tpu.sem_alloc : memref<!tpu.dma_semaphore, #tpu.memory_space<semaphore_mem>>
        %dma_start3A_115 = arith.constant 0 : i32
        %dma_start3A_116 = arith.constant 0 : i32
        %dma_start3A_117 = tpu.memref_slice %arg10[%run_scoped3A_93, %dma_start3A_115, %dma_start3A_116] : memref<2x128x80xf32, #tpu.memory_space<vmem>> -> memref<1x128x80xf32, #tpu.memory_space<vmem>>
        %dma_start3A_118 = tpu.memref_squeeze %dma_start3A_117 : memref<1x128x80xf32, #tpu.memory_space<vmem>> -> memref<128x80xf32, #tpu.memory_space<vmem>>
        %dma_start3A_119 = arith.constant 0 : i32
        %dma_start3A_120 = tpu.memref_slice %arg9[%mul3A_68, %dma_start3A_119] : memref<158x128xi32, #tpu.memory_space<vmem>> -> memref<1x128xi32, #tpu.memory_space<vmem>>
        %dma_start3A_121 = tpu.memref_squeeze %dma_start3A_120 : memref<1x128xi32, #tpu.memory_space<vmem>> -> memref<128xi32, #tpu.memory_space<vmem>>
        %dma_start3A_122 = arith.constant 0 : i32
        %dma_start3A_123 = arith.constant 0 : i32
        %dma_start3A_124 = tpu.memref_slice %arg11[%dma_start3A_122, %dma_start3A_123] : memref<10112x80xf32, #tpu.memory_space<vmem_shared>> -> memref<10112x80xf32, #tpu.memory_space<vmem_shared>>
        tpu.enqueue_indirect_dma source(%dma_start3A_118 : memref<128x80xf32, #tpu.memory_space<vmem>>) target(%dma_start3A_124 : memref<10112x80xf32, #tpu.memory_space<vmem_shared>>) offsets(%dma_start3A_121 : memref<128xi32, #tpu.memory_space<vmem>>) semaphore(%run_scoped3A_114 : memref<!tpu.dma_semaphore, #tpu.memory_space<semaphore_mem>>) {add = true}
        %dma_wait3A_125 = arith.constant 0 : i32
        %dma_wait3A_126 = arith.constant 0 : i32
        %dma_wait3A_127 = tpu.memref_slice %arg10[%run_scoped3A_93, %dma_wait3A_125, %dma_wait3A_126] : memref<2x128x80xf32, #tpu.memory_space<vmem>> -> memref<1x128x80xf32, #tpu.memory_space<vmem>>
        %dma_wait3A_128 = tpu.memref_squeeze %dma_wait3A_127 : memref<1x128x80xf32, #tpu.memory_space<vmem>> -> memref<128x80xf32, #tpu.memory_space<vmem>>
        %dma_wait3A_129 = arith.constant 0 : i32
        %dma_wait3A_130 = tpu.memref_slice %arg9[%mul3A_68, %dma_wait3A_129] : memref<158x128xi32, #tpu.memory_space<vmem>> -> memref<1x128xi32, #tpu.memory_space<vmem>>
        %dma_wait3A_131 = tpu.memref_squeeze %dma_wait3A_130 : memref<1x128xi32, #tpu.memory_space<vmem>> -> memref<128xi32, #tpu.memory_space<vmem>>
        %dma_wait3A_132 = arith.constant 0 : i32
        %dma_wait3A_133 = arith.constant 0 : i32
        %dma_wait3A_134 = tpu.memref_slice %arg11[%dma_wait3A_132, %dma_wait3A_133] : memref<10112x80xf32, #tpu.memory_space<vmem_shared>> -> memref<10112x80xf32, #tpu.memory_space<vmem_shared>>
        tpu.wait_indirect_dma semaphore(%run_scoped3A_114 : memref<!tpu.dma_semaphore, #tpu.memory_space<semaphore_mem>>) src(%dma_wait3A_128 : memref<128x80xf32, #tpu.memory_space<vmem>>) dst(%dma_wait3A_134 : memref<10112x80xf32, #tpu.memory_space<vmem_shared>>)
        tpu.yield
      }) : () -> ()
      %lt3A_94 = arith.constant 78 : i32
      %lt3A_95 = arith.cmpi slt, %add3A_66, %lt3A_94 : i32
      %convert_element_type3A_96 = arith.extui %lt3A_95 : i1 to i32
      %cond3A_97 = arith.constant 0 : i32
      %cond3A_98 = arith.cmpi ne, %convert_element_type3A_96, %cond3A_97 : i32
      scf.if %cond3A_98 {
        %add3A_114 = arith.constant 2 : i32
        %add3A_115 = arith.addi %mul3A_68, %add3A_114 : i32
        %dma_start3A_116 = arith.constant 0 : i32
        %dma_start3A_117 = arith.constant 0 : i32
        %dma_start3A_118 = arith.constant 0 : i32
        %dma_start3A_119 = tpu.memref_slice %arg10[%dma_start3A_116, %dma_start3A_117, %dma_start3A_118] : memref<2x128x80xf32, #tpu.memory_space<vmem>> -> memref<1x128x80xf32, #tpu.memory_space<vmem>>
        %dma_start3A_120 = tpu.memref_squeeze %dma_start3A_119 : memref<1x128x80xf32, #tpu.memory_space<vmem>> -> memref<128x80xf32, #tpu.memory_space<vmem>>
        %dma_start3A_121 = arith.constant 0 : i32
        %dma_start3A_122 = tpu.memref_slice %arg8[%add3A_115, %dma_start3A_121] : memref<158x128xi32, #tpu.memory_space<vmem>> -> memref<1x128xi32, #tpu.memory_space<vmem>>
        %dma_start3A_123 = tpu.memref_squeeze %dma_start3A_122 : memref<1x128xi32, #tpu.memory_space<vmem>> -> memref<128xi32, #tpu.memory_space<vmem>>
        %dma_start3A_124 = arith.constant 0 : i32
        %dma_start3A_125 = arith.constant 0 : i32
        %dma_start3A_126 = tpu.memref_slice %arg2[%dma_start3A_124, %dma_start3A_125] : memref<80000x80xf32, #tpu.memory_space<hbm>> -> memref<80000x80xf32, #tpu.memory_space<hbm>>
        tpu.enqueue_indirect_dma source(%dma_start3A_126 : memref<80000x80xf32, #tpu.memory_space<hbm>>) target(%dma_start3A_120 : memref<128x80xf32, #tpu.memory_space<vmem>>) offsets(%dma_start3A_123 : memref<128xi32, #tpu.memory_space<vmem>>) semaphore(%arg12 : memref<!tpu.dma_semaphore, #tpu.memory_space<semaphore_mem>>)
      } else {
      }
      %dma_wait3A_99 = arith.constant 0 : i32
      %dma_wait3A_100 = arith.constant 1 : i32
      %dma_wait3A_101 = arith.constant 0 : i32
      %dma_wait3A_102 = arith.constant 0 : i32
      %dma_wait3A_103 = tpu.memref_slice %arg10[%dma_wait3A_100, %dma_wait3A_101, %dma_wait3A_102] : memref<2x128x80xf32, #tpu.memory_space<vmem>> -> memref<1x128x80xf32, #tpu.memory_space<vmem>>
      %dma_wait3A_104 = tpu.memref_squeeze %dma_wait3A_103 : memref<1x128x80xf32, #tpu.memory_space<vmem>> -> memref<128x80xf32, #tpu.memory_space<vmem>>
      %dma_wait3A_105 = arith.constant 0 : i32
      %dma_wait3A_106 = tpu.memref_slice %arg8[%dma_wait3A_99, %dma_wait3A_105] : memref<158x128xi32, #tpu.memory_space<vmem>> -> memref<1x128xi32, #tpu.memory_space<vmem>>
      %dma_wait3A_107 = tpu.memref_squeeze %dma_wait3A_106 : memref<1x128xi32, #tpu.memory_space<vmem>> -> memref<128xi32, #tpu.memory_space<vmem>>
      %dma_wait3A_108 = arith.constant 0 : i32
      %dma_wait3A_109 = arith.constant 0 : i32
      %dma_wait3A_110 = tpu.memref_slice %arg2[%dma_wait3A_108, %dma_wait3A_109] : memref<80000x80xf32, #tpu.memory_space<hbm>> -> memref<80000x80xf32, #tpu.memory_space<hbm>>
      tpu.wait_indirect_dma semaphore(%arg13 : memref<!tpu.dma_semaphore, #tpu.memory_space<semaphore_mem>>) src(%dma_wait3A_110 : memref<80000x80xf32, #tpu.memory_space<hbm>>) dst(%dma_wait3A_104 : memref<128x80xf32, #tpu.memory_space<vmem>>)
      %add3A_111 = arith.constant 1 : i32
      %add3A_112 = arith.addi %mul3A_68, %add3A_111 : i32
      %run_scoped3A_113 = arith.constant 1 : i32
      "tpu.region"() ({
        %run_scoped3A_114 = tpu.sem_alloc : memref<!tpu.dma_semaphore, #tpu.memory_space<semaphore_mem>>
        %dma_start3A_115 = arith.constant 0 : i32
        %dma_start3A_116 = arith.constant 0 : i32
        %dma_start3A_117 = tpu.memref_slice %arg10[%run_scoped3A_113, %dma_start3A_115, %dma_start3A_116] : memref<2x128x80xf32, #tpu.memory_space<vmem>> -> memref<1x128x80xf32, #tpu.memory_space<vmem>>
        %dma_start3A_118 = tpu.memref_squeeze %dma_start3A_117 : memref<1x128x80xf32, #tpu.memory_space<vmem>> -> memref<128x80xf32, #tpu.memory_space<vmem>>
        %dma_start3A_119 = arith.constant 0 : i32
        %dma_start3A_120 = tpu.memref_slice %arg9[%add3A_112, %dma_start3A_119] : memref<158x128xi32, #tpu.memory_space<vmem>> -> memref<1x128xi32, #tpu.memory_space<vmem>>
        %dma_start3A_121 = tpu.memref_squeeze %dma_start3A_120 : memref<1x128xi32, #tpu.memory_space<vmem>> -> memref<128xi32, #tpu.memory_space<vmem>>
        %dma_start3A_122 = arith.constant 0 : i32
        %dma_start3A_123 = arith.constant 0 : i32
        %dma_start3A_124 = tpu.memref_slice %arg11[%dma_start3A_122, %dma_start3A_123] : memref<10112x80xf32, #tpu.memory_space<vmem_shared>> -> memref<10112x80xf32, #tpu.memory_space<vmem_shared>>
        tpu.enqueue_indirect_dma source(%dma_start3A_118 : memref<128x80xf32, #tpu.memory_space<vmem>>) target(%dma_start3A_124 : memref<10112x80xf32, #tpu.memory_space<vmem_shared>>) offsets(%dma_start3A_121 : memref<128xi32, #tpu.memory_space<vmem>>) semaphore(%run_scoped3A_114 : memref<!tpu.dma_semaphore, #tpu.memory_space<semaphore_mem>>) {add = true}
        %dma_wait3A_125 = arith.constant 0 : i32
        %dma_wait3A_126 = arith.constant 0 : i32
        %dma_wait3A_127 = tpu.memref_slice %arg10[%run_scoped3A_113, %dma_wait3A_125, %dma_wait3A_126] : memref<2x128x80xf32, #tpu.memory_space<vmem>> -> memref<1x128x80xf32, #tpu.memory_space<vmem>>
        %dma_wait3A_128 = tpu.memref_squeeze %dma_wait3A_127 : memref<1x128x80xf32, #tpu.memory_space<vmem>> -> memref<128x80xf32, #tpu.memory_space<vmem>>
        %dma_wait3A_129 = arith.constant 0 : i32
        %dma_wait3A_130 = tpu.memref_slice %arg9[%add3A_112, %dma_wait3A_129] : memref<158x128xi32, #tpu.memory_space<vmem>> -> memref<1x128xi32, #tpu.memory_space<vmem>>
        %dma_wait3A_131 = tpu.memref_squeeze %dma_wait3A_130 : memref<1x128xi32, #tpu.memory_space<vmem>> -> memref<128xi32, #tpu.memory_space<vmem>>
        %dma_wait3A_132 = arith.constant 0 : i32
        %dma_wait3A_133 = arith.constant 0 : i32
        %dma_wait3A_134 = tpu.memref_slice %arg11[%dma_wait3A_132, %dma_wait3A_133] : memref<10112x80xf32, #tpu.memory_space<vmem_shared>> -> memref<10112x80xf32, #tpu.memory_space<vmem_shared>>
        tpu.wait_indirect_dma semaphore(%run_scoped3A_114 : memref<!tpu.dma_semaphore, #tpu.memory_space<semaphore_mem>>) src(%dma_wait3A_128 : memref<128x80xf32, #tpu.memory_space<vmem>>) dst(%dma_wait3A_134 : memref<10112x80xf32, #tpu.memory_space<vmem_shared>>)
        tpu.yield
      }) : () -> ()
    }
    %scan3A_19 = arith.constant 79 : i32
    %barrier3A_20 = arith.constant 0 : index
    tpu.barrier barrier_id(%barrier3A_20)
    %lt3A = arith.constant 15 : i32
    %lt3A_21 = arith.cmpi slt, %arg1, %lt3A : i32
    %convert_element_type3A = arith.extui %lt3A_21 : i1 to i32
    %cond3A = arith.constant 0 : i32
    %cond3A_22 = arith.cmpi ne, %convert_element_type3A, %cond3A : i32
    scf.if %cond3A_22 {
      %mul3A_62 = arith.constant 632 : i32
      %mul3A_63 = arith.muli %arg1, %mul3A_62 : i32
      %mul3A_64 = arith.constant 632 : i32
      %mul3A_65 = arith.muli %arg1, %mul3A_64 : i32
      "tpu.region"() ({
        %run_scoped3A_66 = tpu.sem_alloc : memref<!tpu.dma_semaphore, #tpu.memory_space<semaphore_mem>>
        %dma_start3A_67 = arith.constant 0 : i32
        %dma_start3A_68 = tpu.memref_slice %arg7[%arg0, %mul3A_65, %dma_start3A_67] : memref<2x10000x160xf32, #tpu.memory_space<hbm>> -> memref<1x632x80xf32, #tpu.memory_space<hbm>>
        %dma_start3A_69 = tpu.memref_squeeze %dma_start3A_68 : memref<1x632x80xf32, #tpu.memory_space<hbm>> -> memref<632x80xf32, #tpu.memory_space<hbm>>
        %dma_start3A_70 = arith.constant 0 : i32
        %dma_start3A_71 = tpu.memref_slice %arg11[%mul3A_63, %dma_start3A_70] : memref<10112x80xf32, #tpu.memory_space<vmem_shared>> -> memref<632x80xf32, #tpu.memory_space<vmem_shared>>
        tpu.enqueue_dma source(%dma_start3A_71 : memref<632x80xf32, #tpu.memory_space<vmem_shared>>) target(%dma_start3A_69 : memref<632x80xf32, #tpu.memory_space<hbm>>) target_semaphore(%run_scoped3A_66 : memref<!tpu.dma_semaphore, #tpu.memory_space<semaphore_mem>>)
        %dma_wait3A = arith.constant 0 : i32
        %dma_wait3A_72 = tpu.memref_slice %arg7[%arg0, %mul3A_65, %dma_wait3A] : memref<2x10000x160xf32, #tpu.memory_space<hbm>> -> memref<1x632x80xf32, #tpu.memory_space<hbm>>
        %dma_wait3A_73 = tpu.memref_squeeze %dma_wait3A_72 : memref<1x632x80xf32, #tpu.memory_space<hbm>> -> memref<632x80xf32, #tpu.memory_space<hbm>>
        %dma_wait3A_74 = arith.constant 0 : i32
        %dma_wait3A_75 = tpu.memref_slice %arg11[%mul3A_63, %dma_wait3A_74] : memref<10112x80xf32, #tpu.memory_space<vmem_shared>> -> memref<632x80xf32, #tpu.memory_space<vmem_shared>>
        tpu.wait_dma2 semaphore(%run_scoped3A_66 : memref<!tpu.dma_semaphore, #tpu.memory_space<semaphore_mem>>) src(%dma_wait3A_75 : memref<632x80xf32, #tpu.memory_space<vmem_shared>>) dst(%dma_wait3A_73 : memref<632x80xf32, #tpu.memory_space<hbm>>)
        tpu.yield
      }) : () -> ()
    } else {
    }
    %eq3A = arith.constant 15 : i32
    %eq3A_23 = arith.cmpi eq, %arg1, %eq3A : i32
    %convert_element_type3A_24 = arith.extui %eq3A_23 : i1 to i32
    %cond3A_25 = arith.constant 0 : i32
    %cond3A_26 = arith.cmpi ne, %convert_element_type3A_24, %cond3A_25 : i32
    scf.if %cond3A_26 {
      "tpu.region"() ({
        %run_scoped3A_62 = tpu.sem_alloc : memref<!tpu.dma_semaphore, #tpu.memory_space<semaphore_mem>>
        %dma_start3A_63 = arith.constant 9480 : i32
        %dma_start3A_64 = arith.constant 0 : i32
        %dma_start3A_65 = tpu.memref_slice %arg7[%arg0, %dma_start3A_63, %dma_start3A_64] : memref<2x10000x160xf32, #tpu.memory_space<hbm>> -> memref<1x520x80xf32, #tpu.memory_space<hbm>>
        %dma_start3A_66 = tpu.memref_squeeze %dma_start3A_65 : memref<1x520x80xf32, #tpu.memory_space<hbm>> -> memref<520x80xf32, #tpu.memory_space<hbm>>
        %dma_start3A_67 = arith.constant 9480 : i32
        %dma_start3A_68 = arith.constant 0 : i32
        %dma_start3A_69 = tpu.memref_slice %arg11[%dma_start3A_67, %dma_start3A_68] : memref<10112x80xf32, #tpu.memory_space<vmem_shared>> -> memref<520x80xf32, #tpu.memory_space<vmem_shared>>
        tpu.enqueue_dma source(%dma_start3A_69 : memref<520x80xf32, #tpu.memory_space<vmem_shared>>) target(%dma_start3A_66 : memref<520x80xf32, #tpu.memory_space<hbm>>) target_semaphore(%run_scoped3A_62 : memref<!tpu.dma_semaphore, #tpu.memory_space<semaphore_mem>>)
        %dma_wait3A = arith.constant 9480 : i32
        %dma_wait3A_70 = arith.constant 0 : i32
        %dma_wait3A_71 = tpu.memref_slice %arg7[%arg0, %dma_wait3A, %dma_wait3A_70] : memref<2x10000x160xf32, #tpu.memory_space<hbm>> -> memref<1x520x80xf32, #tpu.memory_space<hbm>>
        %dma_wait3A_72 = tpu.memref_squeeze %dma_wait3A_71 : memref<1x520x80xf32, #tpu.memory_space<hbm>> -> memref<520x80xf32, #tpu.memory_space<hbm>>
        %dma_wait3A_73 = arith.constant 9480 : i32
        %dma_wait3A_74 = arith.constant 0 : i32
        %dma_wait3A_75 = tpu.memref_slice %arg11[%dma_wait3A_73, %dma_wait3A_74] : memref<10112x80xf32, #tpu.memory_space<vmem_shared>> -> memref<520x80xf32, #tpu.memory_space<vmem_shared>>
        tpu.wait_dma2 semaphore(%run_scoped3A_62 : memref<!tpu.dma_semaphore, #tpu.memory_space<semaphore_mem>>) src(%dma_wait3A_75 : memref<520x80xf32, #tpu.memory_space<vmem_shared>>) dst(%dma_wait3A_72 : memref<520x80xf32, #tpu.memory_space<hbm>>)
        tpu.yield
      }) : () -> ()
    } else {
    }
    %barrier3A_27 = arith.constant 0 : index
    tpu.barrier barrier_id(%barrier3A_27)
    %mul3A_28 = arith.constant 632 : i32
    %mul3A_29 = arith.muli %arg1, %mul3A_28 : i32
    "tpu.region"() ({
      %run_scoped3A_62 = tpu.sem_alloc : memref<!tpu.dma_semaphore, #tpu.memory_space<semaphore_mem>>
      %dma_start3A_63 = arith.constant 0 : i32
      %dma_start3A_64 = tpu.memref_slice %arg11[%mul3A_29, %dma_start3A_63] : memref<10112x80xf32, #tpu.memory_space<vmem_shared>> -> memref<632x80xf32, #tpu.memory_space<vmem_shared>>
      tpu.enqueue_dma source(%arg6 : memref<632x80xf32, #tpu.memory_space<hbm>>) target(%dma_start3A_64 : memref<632x80xf32, #tpu.memory_space<vmem_shared>>) target_semaphore(%run_scoped3A_62 : memref<!tpu.dma_semaphore, #tpu.memory_space<semaphore_mem>>)
      %dma_wait3A = arith.constant 0 : i32
      %dma_wait3A_65 = tpu.memref_slice %arg11[%mul3A_29, %dma_wait3A] : memref<10112x80xf32, #tpu.memory_space<vmem_shared>> -> memref<632x80xf32, #tpu.memory_space<vmem_shared>>
      tpu.wait_dma2 semaphore(%run_scoped3A_62 : memref<!tpu.dma_semaphore, #tpu.memory_space<semaphore_mem>>) src(%arg6 : memref<632x80xf32, #tpu.memory_space<hbm>>) dst(%dma_wait3A_65 : memref<632x80xf32, #tpu.memory_space<vmem_shared>>)
      tpu.yield
    }) : () -> ()
    %run_scoped3A_30 = arith.constant 0 : i32
    "tpu.region"() ({
      %run_scoped3A_62 = tpu.sem_alloc : memref<!tpu.dma_semaphore, #tpu.memory_space<semaphore_mem>>
      %dma_start3A_63 = arith.constant 0 : i32
      %dma_start3A_64 = arith.constant 0 : i32
      %dma_start3A_65 = tpu.memref_slice %arg8[%dma_start3A_63, %dma_start3A_64] : memref<158x128xi32, #tpu.memory_space<vmem>> -> memref<79x128xi32, #tpu.memory_space<vmem>>
      %dma_start3A_66 = arith.constant 0 : i32
      %dma_start3A_67 = arith.constant 0 : i32
      %dma_start3A_68 = tpu.memref_slice %arg4[%add3A_0, %run_scoped3A_30, %arg1, %dma_start3A_66, %dma_start3A_67] : memref<4x2x16x79x128xi32, #tpu.memory_space<hbm>> -> memref<1x1x1x79x128xi32, #tpu.memory_space<hbm>>
      %dma_start3A_69 = tpu.memref_squeeze %dma_start3A_68 : memref<1x1x1x79x128xi32, #tpu.memory_space<hbm>> -> memref<79x128xi32, #tpu.memory_space<hbm>>
      %dma_start3A_70 = arith.constant 0 : i32
      %dma_start3A_71 = arith.constant 0 : i32
      %dma_start3A_72 = tpu.memref_slice %arg8[%dma_start3A_70, %dma_start3A_71] : memref<158x128xi32, #tpu.memory_space<vmem>> -> memref<79x128xi32, #tpu.memory_space<vmem>>
      %dma_start3A_73 = arith.constant 0 : i32
      %dma_start3A_74 = arith.constant 0 : i32
      %dma_start3A_75 = tpu.memref_slice %arg4[%add3A_0, %run_scoped3A_30, %arg1, %dma_start3A_73, %dma_start3A_74] : memref<4x2x16x79x128xi32, #tpu.memory_space<hbm>> -> memref<1x1x1x79x128xi32, #tpu.memory_space<hbm>>
      %dma_start3A_76 = tpu.memref_squeeze %dma_start3A_75 : memref<1x1x1x79x128xi32, #tpu.memory_space<hbm>> -> memref<79x128xi32, #tpu.memory_space<hbm>>
      tpu.enqueue_dma source(%dma_start3A_76 : memref<79x128xi32, #tpu.memory_space<hbm>>) target(%dma_start3A_72 : memref<79x128xi32, #tpu.memory_space<vmem>>) target_semaphore(%run_scoped3A_62 : memref<!tpu.dma_semaphore, #tpu.memory_space<semaphore_mem>>)
      %dma_wait3A = arith.constant 0 : i32
      %dma_wait3A_77 = arith.constant 0 : i32
      %dma_wait3A_78 = tpu.memref_slice %arg8[%dma_wait3A, %dma_wait3A_77] : memref<158x128xi32, #tpu.memory_space<vmem>> -> memref<79x128xi32, #tpu.memory_space<vmem>>
      %dma_wait3A_79 = arith.constant 0 : i32
      %dma_wait3A_80 = arith.constant 0 : i32
      %dma_wait3A_81 = tpu.memref_slice %arg4[%add3A_0, %run_scoped3A_30, %arg1, %dma_wait3A_79, %dma_wait3A_80] : memref<4x2x16x79x128xi32, #tpu.memory_space<hbm>> -> memref<1x1x1x79x128xi32, #tpu.memory_space<hbm>>
      %dma_wait3A_82 = tpu.memref_squeeze %dma_wait3A_81 : memref<1x1x1x79x128xi32, #tpu.memory_space<hbm>> -> memref<79x128xi32, #tpu.memory_space<hbm>>
      %dma_wait3A_83 = arith.constant 0 : i32
      %dma_wait3A_84 = arith.constant 0 : i32
      %dma_wait3A_85 = tpu.memref_slice %arg8[%dma_wait3A_83, %dma_wait3A_84] : memref<158x128xi32, #tpu.memory_space<vmem>> -> memref<79x128xi32, #tpu.memory_space<vmem>>
      %dma_wait3A_86 = arith.constant 0 : i32
      %dma_wait3A_87 = arith.constant 0 : i32
      %dma_wait3A_88 = tpu.memref_slice %arg4[%add3A_0, %run_scoped3A_30, %arg1, %dma_wait3A_86, %dma_wait3A_87] : memref<4x2x16x79x128xi32, #tpu.memory_space<hbm>> -> memref<1x1x1x79x128xi32, #tpu.memory_space<hbm>>
      %dma_wait3A_89 = tpu.memref_squeeze %dma_wait3A_88 : memref<1x1x1x79x128xi32, #tpu.memory_space<hbm>> -> memref<79x128xi32, #tpu.memory_space<hbm>>
      tpu.wait_dma2 semaphore(%run_scoped3A_62 : memref<!tpu.dma_semaphore, #tpu.memory_space<semaphore_mem>>) src(%dma_wait3A_89 : memref<79x128xi32, #tpu.memory_space<hbm>>) dst(%dma_wait3A_85 : memref<79x128xi32, #tpu.memory_space<vmem>>)
      tpu.yield
    }) : () -> ()
    %run_scoped3A_31 = arith.constant 1 : i32
    "tpu.region"() ({
      %run_scoped3A_62 = tpu.sem_alloc : memref<!tpu.dma_semaphore, #tpu.memory_space<semaphore_mem>>
      %dma_start3A_63 = arith.constant 79 : i32
      %dma_start3A_64 = arith.constant 0 : i32
      %dma_start3A_65 = tpu.memref_slice %arg8[%dma_start3A_63, %dma_start3A_64] : memref<158x128xi32, #tpu.memory_space<vmem>> -> memref<79x128xi32, #tpu.memory_space<vmem>>
      %dma_start3A_66 = arith.constant 0 : i32
      %dma_start3A_67 = arith.constant 0 : i32
      %dma_start3A_68 = tpu.memref_slice %arg4[%add3A_0, %run_scoped3A_31, %arg1, %dma_start3A_66, %dma_start3A_67] : memref<4x2x16x79x128xi32, #tpu.memory_space<hbm>> -> memref<1x1x1x79x128xi32, #tpu.memory_space<hbm>>
      %dma_start3A_69 = tpu.memref_squeeze %dma_start3A_68 : memref<1x1x1x79x128xi32, #tpu.memory_space<hbm>> -> memref<79x128xi32, #tpu.memory_space<hbm>>
      %dma_start3A_70 = arith.constant 79 : i32
      %dma_start3A_71 = arith.constant 0 : i32
      %dma_start3A_72 = tpu.memref_slice %arg8[%dma_start3A_70, %dma_start3A_71] : memref<158x128xi32, #tpu.memory_space<vmem>> -> memref<79x128xi32, #tpu.memory_space<vmem>>
      %dma_start3A_73 = arith.constant 0 : i32
      %dma_start3A_74 = arith.constant 0 : i32
      %dma_start3A_75 = tpu.memref_slice %arg4[%add3A_0, %run_scoped3A_31, %arg1, %dma_start3A_73, %dma_start3A_74] : memref<4x2x16x79x128xi32, #tpu.memory_space<hbm>> -> memref<1x1x1x79x128xi32, #tpu.memory_space<hbm>>
      %dma_start3A_76 = tpu.memref_squeeze %dma_start3A_75 : memref<1x1x1x79x128xi32, #tpu.memory_space<hbm>> -> memref<79x128xi32, #tpu.memory_space<hbm>>
      tpu.enqueue_dma source(%dma_start3A_76 : memref<79x128xi32, #tpu.memory_space<hbm>>) target(%dma_start3A_72 : memref<79x128xi32, #tpu.memory_space<vmem>>) target_semaphore(%run_scoped3A_62 : memref<!tpu.dma_semaphore, #tpu.memory_space<semaphore_mem>>)
      %dma_wait3A = arith.constant 79 : i32
      %dma_wait3A_77 = arith.constant 0 : i32
      %dma_wait3A_78 = tpu.memref_slice %arg8[%dma_wait3A, %dma_wait3A_77] : memref<158x128xi32, #tpu.memory_space<vmem>> -> memref<79x128xi32, #tpu.memory_space<vmem>>
      %dma_wait3A_79 = arith.constant 0 : i32
      %dma_wait3A_80 = arith.constant 0 : i32
      %dma_wait3A_81 = tpu.memref_slice %arg4[%add3A_0, %run_scoped3A_31, %arg1, %dma_wait3A_79, %dma_wait3A_80] : memref<4x2x16x79x128xi32, #tpu.memory_space<hbm>> -> memref<1x1x1x79x128xi32, #tpu.memory_space<hbm>>
      %dma_wait3A_82 = tpu.memref_squeeze %dma_wait3A_81 : memref<1x1x1x79x128xi32, #tpu.memory_space<hbm>> -> memref<79x128xi32, #tpu.memory_space<hbm>>
      %dma_wait3A_83 = arith.constant 79 : i32
      %dma_wait3A_84 = arith.constant 0 : i32
      %dma_wait3A_85 = tpu.memref_slice %arg8[%dma_wait3A_83, %dma_wait3A_84] : memref<158x128xi32, #tpu.memory_space<vmem>> -> memref<79x128xi32, #tpu.memory_space<vmem>>
      %dma_wait3A_86 = arith.constant 0 : i32
      %dma_wait3A_87 = arith.constant 0 : i32
      %dma_wait3A_88 = tpu.memref_slice %arg4[%add3A_0, %run_scoped3A_31, %arg1, %dma_wait3A_86, %dma_wait3A_87] : memref<4x2x16x79x128xi32, #tpu.memory_space<hbm>> -> memref<1x1x1x79x128xi32, #tpu.memory_space<hbm>>
      %dma_wait3A_89 = tpu.memref_squeeze %dma_wait3A_88 : memref<1x1x1x79x128xi32, #tpu.memory_space<hbm>> -> memref<79x128xi32, #tpu.memory_space<hbm>>
      tpu.wait_dma2 semaphore(%run_scoped3A_62 : memref<!tpu.dma_semaphore, #tpu.memory_space<semaphore_mem>>) src(%dma_wait3A_89 : memref<79x128xi32, #tpu.memory_space<hbm>>) dst(%dma_wait3A_85 : memref<79x128xi32, #tpu.memory_space<vmem>>)
      tpu.yield
    }) : () -> ()
    %barrier3A_32 = arith.constant 0 : index
    tpu.barrier barrier_id(%barrier3A_32)
    %dma_start3A_33 = arith.constant 0 : i32
    %dma_start3A_34 = arith.constant 0 : i32
    %dma_start3A_35 = arith.constant 0 : i32
    %dma_start3A_36 = arith.constant 0 : i32
    %dma_start3A_37 = tpu.memref_slice %arg10[%dma_start3A_34, %dma_start3A_35, %dma_start3A_36] : memref<2x128x80xf32, #tpu.memory_space<vmem>> -> memref<1x128x80xf32, #tpu.memory_space<vmem>>
    %dma_start3A_38 = tpu.memref_squeeze %dma_start3A_37 : memref<1x128x80xf32, #tpu.memory_space<vmem>> -> memref<128x80xf32, #tpu.memory_space<vmem>>
    %dma_start3A_39 = arith.constant 0 : i32
    %dma_start3A_40 = tpu.memref_slice %arg8[%dma_start3A_33, %dma_start3A_39] : memref<158x128xi32, #tpu.memory_space<vmem>> -> memref<1x128xi32, #tpu.memory_space<vmem>>
    %dma_start3A_41 = tpu.memref_squeeze %dma_start3A_40 : memref<1x128xi32, #tpu.memory_space<vmem>> -> memref<128xi32, #tpu.memory_space<vmem>>
    %dma_start3A_42 = arith.constant 0 : i32
    %dma_start3A_43 = arith.constant 0 : i32
    %dma_start3A_44 = tpu.memref_slice %arg2[%dma_start3A_42, %dma_start3A_43] : memref<80000x80xf32, #tpu.memory_space<hbm>> -> memref<80000x80xf32, #tpu.memory_space<hbm>>
    tpu.enqueue_indirect_dma source(%dma_start3A_44 : memref<80000x80xf32, #tpu.memory_space<hbm>>) target(%dma_start3A_38 : memref<128x80xf32, #tpu.memory_space<vmem>>) offsets(%dma_start3A_41 : memref<128xi32, #tpu.memory_space<vmem>>) semaphore(%arg12 : memref<!tpu.dma_semaphore, #tpu.memory_space<semaphore_mem>>)
    %scan3A_45 = arith.constant 0 : i32
    %scan3A_46 = arith.constant 79 : i32
    %scan3A_47 = arith.addi %scan3A_45, %scan3A_46 : i32
    %scan3A_48 = arith.constant 1 : i32
    scf.for %scan3A_62 = %scan3A_45 to %scan3A_47 step %scan3A_48  : i32 {
      %mul3A_63 = arith.constant 1 : i32
      %mul3A_64 = arith.muli %scan3A_62, %mul3A_63 : i32
      %add3A_65 = arith.constant 0 : i32
      %add3A_66 = arith.addi %add3A_65, %mul3A_64 : i32
      %mul3A_67 = arith.constant 2 : i32
      %mul3A_68 = arith.muli %mul3A_67, %add3A_66 : i32
      %add3A_69 = arith.constant 1 : i32
      %add3A_70 = arith.addi %mul3A_68, %add3A_69 : i32
      %dma_start3A_71 = arith.constant 1 : i32
      %dma_start3A_72 = arith.constant 0 : i32
      %dma_start3A_73 = arith.constant 0 : i32
      %dma_start3A_74 = tpu.memref_slice %arg10[%dma_start3A_71, %dma_start3A_72, %dma_start3A_73] : memref<2x128x80xf32, #tpu.memory_space<vmem>> -> memref<1x128x80xf32, #tpu.memory_space<vmem>>
      %dma_start3A_75 = tpu.memref_squeeze %dma_start3A_74 : memref<1x128x80xf32, #tpu.memory_space<vmem>> -> memref<128x80xf32, #tpu.memory_space<vmem>>
      %dma_start3A_76 = arith.constant 0 : i32
      %dma_start3A_77 = tpu.memref_slice %arg8[%add3A_70, %dma_start3A_76] : memref<158x128xi32, #tpu.memory_space<vmem>> -> memref<1x128xi32, #tpu.memory_space<vmem>>
      %dma_start3A_78 = tpu.memref_squeeze %dma_start3A_77 : memref<1x128xi32, #tpu.memory_space<vmem>> -> memref<128xi32, #tpu.memory_space<vmem>>
      %dma_start3A_79 = arith.constant 0 : i32
      %dma_start3A_80 = arith.constant 0 : i32
      %dma_start3A_81 = tpu.memref_slice %arg2[%dma_start3A_79, %dma_start3A_80] : memref<80000x80xf32, #tpu.memory_space<hbm>> -> memref<80000x80xf32, #tpu.memory_space<hbm>>
      tpu.enqueue_indirect_dma source(%dma_start3A_81 : memref<80000x80xf32, #tpu.memory_space<hbm>>) target(%dma_start3A_75 : memref<128x80xf32, #tpu.memory_space<vmem>>) offsets(%dma_start3A_78 : memref<128xi32, #tpu.memory_space<vmem>>) semaphore(%arg13 : memref<!tpu.dma_semaphore, #tpu.memory_space<semaphore_mem>>)
      %dma_wait3A = arith.constant 0 : i32
      %dma_wait3A_82 = arith.constant 0 : i32
      %dma_wait3A_83 = arith.constant 0 : i32
      %dma_wait3A_84 = arith.constant 0 : i32
      %dma_wait3A_85 = tpu.memref_slice %arg10[%dma_wait3A_82, %dma_wait3A_83, %dma_wait3A_84] : memref<2x128x80xf32, #tpu.memory_space<vmem>> -> memref<1x128x80xf32, #tpu.memory_space<vmem>>
      %dma_wait3A_86 = tpu.memref_squeeze %dma_wait3A_85 : memref<1x128x80xf32, #tpu.memory_space<vmem>> -> memref<128x80xf32, #tpu.memory_space<vmem>>
      %dma_wait3A_87 = arith.constant 0 : i32
      %dma_wait3A_88 = tpu.memref_slice %arg8[%dma_wait3A, %dma_wait3A_87] : memref<158x128xi32, #tpu.memory_space<vmem>> -> memref<1x128xi32, #tpu.memory_space<vmem>>
      %dma_wait3A_89 = tpu.memref_squeeze %dma_wait3A_88 : memref<1x128xi32, #tpu.memory_space<vmem>> -> memref<128xi32, #tpu.memory_space<vmem>>
      %dma_wait3A_90 = arith.constant 0 : i32
      %dma_wait3A_91 = arith.constant 0 : i32
      %dma_wait3A_92 = tpu.memref_slice %arg2[%dma_wait3A_90, %dma_wait3A_91] : memref<80000x80xf32, #tpu.memory_space<hbm>> -> memref<80000x80xf32, #tpu.memory_space<hbm>>
      tpu.wait_indirect_dma semaphore(%arg12 : memref<!tpu.dma_semaphore, #tpu.memory_space<semaphore_mem>>) src(%dma_wait3A_92 : memref<80000x80xf32, #tpu.memory_space<hbm>>) dst(%dma_wait3A_86 : memref<128x80xf32, #tpu.memory_space<vmem>>)
      %run_scoped3A_93 = arith.constant 0 : i32
      "tpu.region"() ({
        %run_scoped3A_114 = tpu.sem_alloc : memref<!tpu.dma_semaphore, #tpu.memory_space<semaphore_mem>>
        %dma_start3A_115 = arith.constant 0 : i32
        %dma_start3A_116 = arith.constant 0 : i32
        %dma_start3A_117 = tpu.memref_slice %arg10[%run_scoped3A_93, %dma_start3A_115, %dma_start3A_116] : memref<2x128x80xf32, #tpu.memory_space<vmem>> -> memref<1x128x80xf32, #tpu.memory_space<vmem>>
        %dma_start3A_118 = tpu.memref_squeeze %dma_start3A_117 : memref<1x128x80xf32, #tpu.memory_space<vmem>> -> memref<128x80xf32, #tpu.memory_space<vmem>>
        %dma_start3A_119 = arith.constant 0 : i32
        %dma_start3A_120 = tpu.memref_slice %arg9[%mul3A_68, %dma_start3A_119] : memref<158x128xi32, #tpu.memory_space<vmem>> -> memref<1x128xi32, #tpu.memory_space<vmem>>
        %dma_start3A_121 = tpu.memref_squeeze %dma_start3A_120 : memref<1x128xi32, #tpu.memory_space<vmem>> -> memref<128xi32, #tpu.memory_space<vmem>>
        %dma_start3A_122 = arith.constant 0 : i32
        %dma_start3A_123 = arith.constant 0 : i32
        %dma_start3A_124 = tpu.memref_slice %arg11[%dma_start3A_122, %dma_start3A_123] : memref<10112x80xf32, #tpu.memory_space<vmem_shared>> -> memref<10112x80xf32, #tpu.memory_space<vmem_shared>>
        tpu.enqueue_indirect_dma source(%dma_start3A_118 : memref<128x80xf32, #tpu.memory_space<vmem>>) target(%dma_start3A_124 : memref<10112x80xf32, #tpu.memory_space<vmem_shared>>) offsets(%dma_start3A_121 : memref<128xi32, #tpu.memory_space<vmem>>) semaphore(%run_scoped3A_114 : memref<!tpu.dma_semaphore, #tpu.memory_space<semaphore_mem>>) {add = true}
        %dma_wait3A_125 = arith.constant 0 : i32
        %dma_wait3A_126 = arith.constant 0 : i32
        %dma_wait3A_127 = tpu.memref_slice %arg10[%run_scoped3A_93, %dma_wait3A_125, %dma_wait3A_126] : memref<2x128x80xf32, #tpu.memory_space<vmem>> -> memref<1x128x80xf32, #tpu.memory_space<vmem>>
        %dma_wait3A_128 = tpu.memref_squeeze %dma_wait3A_127 : memref<1x128x80xf32, #tpu.memory_space<vmem>> -> memref<128x80xf32, #tpu.memory_space<vmem>>
        %dma_wait3A_129 = arith.constant 0 : i32
        %dma_wait3A_130 = tpu.memref_slice %arg9[%mul3A_68, %dma_wait3A_129] : memref<158x128xi32, #tpu.memory_space<vmem>> -> memref<1x128xi32, #tpu.memory_space<vmem>>
        %dma_wait3A_131 = tpu.memref_squeeze %dma_wait3A_130 : memref<1x128xi32, #tpu.memory_space<vmem>> -> memref<128xi32, #tpu.memory_space<vmem>>
        %dma_wait3A_132 = arith.constant 0 : i32
        %dma_wait3A_133 = arith.constant 0 : i32
        %dma_wait3A_134 = tpu.memref_slice %arg11[%dma_wait3A_132, %dma_wait3A_133] : memref<10112x80xf32, #tpu.memory_space<vmem_shared>> -> memref<10112x80xf32, #tpu.memory_space<vmem_shared>>
        tpu.wait_indirect_dma semaphore(%run_scoped3A_114 : memref<!tpu.dma_semaphore, #tpu.memory_space<semaphore_mem>>) src(%dma_wait3A_128 : memref<128x80xf32, #tpu.memory_space<vmem>>) dst(%dma_wait3A_134 : memref<10112x80xf32, #tpu.memory_space<vmem_shared>>)
        tpu.yield
      }) : () -> ()
      %lt3A_94 = arith.constant 78 : i32
      %lt3A_95 = arith.cmpi slt, %add3A_66, %lt3A_94 : i32
      %convert_element_type3A_96 = arith.extui %lt3A_95 : i1 to i32
      %cond3A_97 = arith.constant 0 : i32
      %cond3A_98 = arith.cmpi ne, %convert_element_type3A_96, %cond3A_97 : i32
      scf.if %cond3A_98 {
        %add3A_114 = arith.constant 2 : i32
        %add3A_115 = arith.addi %mul3A_68, %add3A_114 : i32
        %dma_start3A_116 = arith.constant 0 : i32
        %dma_start3A_117 = arith.constant 0 : i32
        %dma_start3A_118 = arith.constant 0 : i32
        %dma_start3A_119 = tpu.memref_slice %arg10[%dma_start3A_116, %dma_start3A_117, %dma_start3A_118] : memref<2x128x80xf32, #tpu.memory_space<vmem>> -> memref<1x128x80xf32, #tpu.memory_space<vmem>>
        %dma_start3A_120 = tpu.memref_squeeze %dma_start3A_119 : memref<1x128x80xf32, #tpu.memory_space<vmem>> -> memref<128x80xf32, #tpu.memory_space<vmem>>
        %dma_start3A_121 = arith.constant 0 : i32
        %dma_start3A_122 = tpu.memref_slice %arg8[%add3A_115, %dma_start3A_121] : memref<158x128xi32, #tpu.memory_space<vmem>> -> memref<1x128xi32, #tpu.memory_space<vmem>>
        %dma_start3A_123 = tpu.memref_squeeze %dma_start3A_122 : memref<1x128xi32, #tpu.memory_space<vmem>> -> memref<128xi32, #tpu.memory_space<vmem>>
        %dma_start3A_124 = arith.constant 0 : i32
        %dma_start3A_125 = arith.constant 0 : i32
        %dma_start3A_126 = tpu.memref_slice %arg2[%dma_start3A_124, %dma_start3A_125] : memref<80000x80xf32, #tpu.memory_space<hbm>> -> memref<80000x80xf32, #tpu.memory_space<hbm>>
        tpu.enqueue_indirect_dma source(%dma_start3A_126 : memref<80000x80xf32, #tpu.memory_space<hbm>>) target(%dma_start3A_120 : memref<128x80xf32, #tpu.memory_space<vmem>>) offsets(%dma_start3A_123 : memref<128xi32, #tpu.memory_space<vmem>>) semaphore(%arg12 : memref<!tpu.dma_semaphore, #tpu.memory_space<semaphore_mem>>)
      } else {
      }
      %dma_wait3A_99 = arith.constant 0 : i32
      %dma_wait3A_100 = arith.constant 1 : i32
      %dma_wait3A_101 = arith.constant 0 : i32
      %dma_wait3A_102 = arith.constant 0 : i32
      %dma_wait3A_103 = tpu.memref_slice %arg10[%dma_wait3A_100, %dma_wait3A_101, %dma_wait3A_102] : memref<2x128x80xf32, #tpu.memory_space<vmem>> -> memref<1x128x80xf32, #tpu.memory_space<vmem>>
      %dma_wait3A_104 = tpu.memref_squeeze %dma_wait3A_103 : memref<1x128x80xf32, #tpu.memory_space<vmem>> -> memref<128x80xf32, #tpu.memory_space<vmem>>
      %dma_wait3A_105 = arith.constant 0 : i32
      %dma_wait3A_106 = tpu.memref_slice %arg8[%dma_wait3A_99, %dma_wait3A_105] : memref<158x128xi32, #tpu.memory_space<vmem>> -> memref<1x128xi32, #tpu.memory_space<vmem>>
      %dma_wait3A_107 = tpu.memref_squeeze %dma_wait3A_106 : memref<1x128xi32, #tpu.memory_space<vmem>> -> memref<128xi32, #tpu.memory_space<vmem>>
      %dma_wait3A_108 = arith.constant 0 : i32
      %dma_wait3A_109 = arith.constant 0 : i32
      %dma_wait3A_110 = tpu.memref_slice %arg2[%dma_wait3A_108, %dma_wait3A_109] : memref<80000x80xf32, #tpu.memory_space<hbm>> -> memref<80000x80xf32, #tpu.memory_space<hbm>>
      tpu.wait_indirect_dma semaphore(%arg13 : memref<!tpu.dma_semaphore, #tpu.memory_space<semaphore_mem>>) src(%dma_wait3A_110 : memref<80000x80xf32, #tpu.memory_space<hbm>>) dst(%dma_wait3A_104 : memref<128x80xf32, #tpu.memory_space<vmem>>)
      %add3A_111 = arith.constant 1 : i32
      %add3A_112 = arith.addi %mul3A_68, %add3A_111 : i32
      %run_scoped3A_113 = arith.constant 1 : i32
      "tpu.region"() ({
        %run_scoped3A_114 = tpu.sem_alloc : memref<!tpu.dma_semaphore, #tpu.memory_space<semaphore_mem>>
        %dma_start3A_115 = arith.constant 0 : i32
        %dma_start3A_116 = arith.constant 0 : i32
        %dma_start3A_117 = tpu.memref_slice %arg10[%run_scoped3A_113, %dma_start3A_115, %dma_start3A_116] : memref<2x128x80xf32, #tpu.memory_space<vmem>> -> memref<1x128x80xf32, #tpu.memory_space<vmem>>
        %dma_start3A_118 = tpu.memref_squeeze %dma_start3A_117 : memref<1x128x80xf32, #tpu.memory_space<vmem>> -> memref<128x80xf32, #tpu.memory_space<vmem>>
        %dma_start3A_119 = arith.constant 0 : i32
        %dma_start3A_120 = tpu.memref_slice %arg9[%add3A_112, %dma_start3A_119] : memref<158x128xi32, #tpu.memory_space<vmem>> -> memref<1x128xi32, #tpu.memory_space<vmem>>
        %dma_start3A_121 = tpu.memref_squeeze %dma_start3A_120 : memref<1x128xi32, #tpu.memory_space<vmem>> -> memref<128xi32, #tpu.memory_space<vmem>>
        %dma_start3A_122 = arith.constant 0 : i32
        %dma_start3A_123 = arith.constant 0 : i32
        %dma_start3A_124 = tpu.memref_slice %arg11[%dma_start3A_122, %dma_start3A_123] : memref<10112x80xf32, #tpu.memory_space<vmem_shared>> -> memref<10112x80xf32, #tpu.memory_space<vmem_shared>>
        tpu.enqueue_indirect_dma source(%dma_start3A_118 : memref<128x80xf32, #tpu.memory_space<vmem>>) target(%dma_start3A_124 : memref<10112x80xf32, #tpu.memory_space<vmem_shared>>) offsets(%dma_start3A_121 : memref<128xi32, #tpu.memory_space<vmem>>) semaphore(%run_scoped3A_114 : memref<!tpu.dma_semaphore, #tpu.memory_space<semaphore_mem>>) {add = true}
        %dma_wait3A_125 = arith.constant 0 : i32
        %dma_wait3A_126 = arith.constant 0 : i32
        %dma_wait3A_127 = tpu.memref_slice %arg10[%run_scoped3A_113, %dma_wait3A_125, %dma_wait3A_126] : memref<2x128x80xf32, #tpu.memory_space<vmem>> -> memref<1x128x80xf32, #tpu.memory_space<vmem>>
        %dma_wait3A_128 = tpu.memref_squeeze %dma_wait3A_127 : memref<1x128x80xf32, #tpu.memory_space<vmem>> -> memref<128x80xf32, #tpu.memory_space<vmem>>
        %dma_wait3A_129 = arith.constant 0 : i32
        %dma_wait3A_130 = tpu.memref_slice %arg9[%add3A_112, %dma_wait3A_129] : memref<158x128xi32, #tpu.memory_space<vmem>> -> memref<1x128xi32, #tpu.memory_space<vmem>>
        %dma_wait3A_131 = tpu.memref_squeeze %dma_wait3A_130 : memref<1x128xi32, #tpu.memory_space<vmem>> -> memref<128xi32, #tpu.memory_space<vmem>>
        %dma_wait3A_132 = arith.constant 0 : i32
        %dma_wait3A_133 = arith.constant 0 : i32
        %dma_wait3A_134 = tpu.memref_slice %arg11[%dma_wait3A_132, %dma_wait3A_133] : memref<10112x80xf32, #tpu.memory_space<vmem_shared>> -> memref<10112x80xf32, #tpu.memory_space<vmem_shared>>
        tpu.wait_indirect_dma semaphore(%run_scoped3A_114 : memref<!tpu.dma_semaphore, #tpu.memory_space<semaphore_mem>>) src(%dma_wait3A_128 : memref<128x80xf32, #tpu.memory_space<vmem>>) dst(%dma_wait3A_134 : memref<10112x80xf32, #tpu.memory_space<vmem_shared>>)
        tpu.yield
      }) : () -> ()
    }
    %scan3A_49 = arith.constant 79 : i32
    %barrier3A_50 = arith.constant 0 : index
    tpu.barrier barrier_id(%barrier3A_50)
    %lt3A_51 = arith.constant 15 : i32
    %lt3A_52 = arith.cmpi slt, %arg1, %lt3A_51 : i32
    %convert_element_type3A_53 = arith.extui %lt3A_52 : i1 to i32
    %cond3A_54 = arith.constant 0 : i32
    %cond3A_55 = arith.cmpi ne, %convert_element_type3A_53, %cond3A_54 : i32
    scf.if %cond3A_55 {
      %mul3A_62 = arith.constant 632 : i32
      %mul3A_63 = arith.muli %arg1, %mul3A_62 : i32
      %mul3A_64 = arith.constant 632 : i32
      %mul3A_65 = arith.muli %arg1, %mul3A_64 : i32
      "tpu.region"() ({
        %run_scoped3A_66 = tpu.sem_alloc : memref<!tpu.dma_semaphore, #tpu.memory_space<semaphore_mem>>
        %dma_start3A_67 = arith.constant 80 : i32
        %dma_start3A_68 = tpu.memref_slice %arg7[%arg0, %mul3A_65, %dma_start3A_67] : memref<2x10000x160xf32, #tpu.memory_space<hbm>> -> memref<1x632x80xf32, #tpu.memory_space<hbm>>
        %dma_start3A_69 = tpu.memref_squeeze %dma_start3A_68 : memref<1x632x80xf32, #tpu.memory_space<hbm>> -> memref<632x80xf32, #tpu.memory_space<hbm>>
        %dma_start3A_70 = arith.constant 0 : i32
        %dma_start3A_71 = tpu.memref_slice %arg11[%mul3A_63, %dma_start3A_70] : memref<10112x80xf32, #tpu.memory_space<vmem_shared>> -> memref<632x80xf32, #tpu.memory_space<vmem_shared>>
        tpu.enqueue_dma source(%dma_start3A_71 : memref<632x80xf32, #tpu.memory_space<vmem_shared>>) target(%dma_start3A_69 : memref<632x80xf32, #tpu.memory_space<hbm>>) target_semaphore(%run_scoped3A_66 : memref<!tpu.dma_semaphore, #tpu.memory_space<semaphore_mem>>)
        %dma_wait3A = arith.constant 80 : i32
        %dma_wait3A_72 = tpu.memref_slice %arg7[%arg0, %mul3A_65, %dma_wait3A] : memref<2x10000x160xf32, #tpu.memory_space<hbm>> -> memref<1x632x80xf32, #tpu.memory_space<hbm>>
        %dma_wait3A_73 = tpu.memref_squeeze %dma_wait3A_72 : memref<1x632x80xf32, #tpu.memory_space<hbm>> -> memref<632x80xf32, #tpu.memory_space<hbm>>
        %dma_wait3A_74 = arith.constant 0 : i32
        %dma_wait3A_75 = tpu.memref_slice %arg11[%mul3A_63, %dma_wait3A_74] : memref<10112x80xf32, #tpu.memory_space<vmem_shared>> -> memref<632x80xf32, #tpu.memory_space<vmem_shared>>
        tpu.wait_dma2 semaphore(%run_scoped3A_66 : memref<!tpu.dma_semaphore, #tpu.memory_space<semaphore_mem>>) src(%dma_wait3A_75 : memref<632x80xf32, #tpu.memory_space<vmem_shared>>) dst(%dma_wait3A_73 : memref<632x80xf32, #tpu.memory_space<hbm>>)
        tpu.yield
      }) : () -> ()
    } else {
    }
    %eq3A_56 = arith.constant 15 : i32
    %eq3A_57 = arith.cmpi eq, %arg1, %eq3A_56 : i32
    %convert_element_type3A_58 = arith.extui %eq3A_57 : i1 to i32
    %cond3A_59 = arith.constant 0 : i32
    %cond3A_60 = arith.cmpi ne, %convert_element_type3A_58, %cond3A_59 : i32
    scf.if %cond3A_60 {
      "tpu.region"() ({
        %run_scoped3A_62 = tpu.sem_alloc : memref<!tpu.dma_semaphore, #tpu.memory_space<semaphore_mem>>
        %dma_start3A_63 = arith.constant 9480 : i32
        %dma_start3A_64 = arith.constant 80 : i32
        %dma_start3A_65 = tpu.memref_slice %arg7[%arg0, %dma_start3A_63, %dma_start3A_64] : memref<2x10000x160xf32, #tpu.memory_space<hbm>> -> memref<1x520x80xf32, #tpu.memory_space<hbm>>
        %dma_start3A_66 = tpu.memref_squeeze %dma_start3A_65 : memref<1x520x80xf32, #tpu.memory_space<hbm>> -> memref<520x80xf32, #tpu.memory_space<hbm>>
        %dma_start3A_67 = arith.constant 9480 : i32
        %dma_start3A_68 = arith.constant 0 : i32
        %dma_start3A_69 = tpu.memref_slice %arg11[%dma_start3A_67, %dma_start3A_68] : memref<10112x80xf32, #tpu.memory_space<vmem_shared>> -> memref<520x80xf32, #tpu.memory_space<vmem_shared>>
        tpu.enqueue_dma source(%dma_start3A_69 : memref<520x80xf32, #tpu.memory_space<vmem_shared>>) target(%dma_start3A_66 : memref<520x80xf32, #tpu.memory_space<hbm>>) target_semaphore(%run_scoped3A_62 : memref<!tpu.dma_semaphore, #tpu.memory_space<semaphore_mem>>)
        %dma_wait3A = arith.constant 9480 : i32
        %dma_wait3A_70 = arith.constant 80 : i32
        %dma_wait3A_71 = tpu.memref_slice %arg7[%arg0, %dma_wait3A, %dma_wait3A_70] : memref<2x10000x160xf32, #tpu.memory_space<hbm>> -> memref<1x520x80xf32, #tpu.memory_space<hbm>>
        %dma_wait3A_72 = tpu.memref_squeeze %dma_wait3A_71 : memref<1x520x80xf32, #tpu.memory_space<hbm>> -> memref<520x80xf32, #tpu.memory_space<hbm>>
        %dma_wait3A_73 = arith.constant 9480 : i32
        %dma_wait3A_74 = arith.constant 0 : i32
        %dma_wait3A_75 = tpu.memref_slice %arg11[%dma_wait3A_73, %dma_wait3A_74] : memref<10112x80xf32, #tpu.memory_space<vmem_shared>> -> memref<520x80xf32, #tpu.memory_space<vmem_shared>>
        tpu.wait_dma2 semaphore(%run_scoped3A_62 : memref<!tpu.dma_semaphore, #tpu.memory_space<semaphore_mem>>) src(%dma_wait3A_75 : memref<520x80xf32, #tpu.memory_space<vmem_shared>>) dst(%dma_wait3A_72 : memref<520x80xf32, #tpu.memory_space<hbm>>)
        tpu.yield
      }) : () -> ()
    } else {
    }
    %barrier3A_61 = arith.constant 0 : index
    tpu.barrier barrier_id(%barrier3A_61)
    return
  }
}

#map = affine_map<(d0, d1) -> (0, 0)>
#map1 = affine_map<(d0, d1) -> (0, 0, 0, 0, 0)>
#map2 = affine_map<(d0, d1) -> (0, 0, 0)>
module attributes {stable_mosaic.version = 14 : i64} {
  func.func @_sc_body(%arg0: i32, %arg1: i32, %arg2: memref<80000x80xf32, #tpu.memory_space<hbm>>, %arg3: memref<4x2x16x79x128xi32, #tpu.memory_space<hbm>>, %arg4: memref<4x2x16x79x128xi32, #tpu.memory_space<hbm>>, %arg5: memref<4x2x16x79x128xi32, #tpu.memory_space<hbm>>, %arg6: memref<632x80xf32, #tpu.memory_space<hbm>>, %arg7: memref<2x10000x160xf32, #tpu.memory_space<hbm>>, %arg8: memref<158x128xi32, #tpu.memory_space<vmem>>, %arg9: memref<158x128xi32, #tpu.memory_space<vmem>>, %arg10: memref<2x128x80xf32, #tpu.memory_space<vmem>>, %arg11: memref<10112x80xf32, #tpu.memory_space<vmem_shared>>, %arg12: memref<!tpu.dma_semaphore, #tpu.memory_space<semaphore_mem>>, %arg13: memref<!tpu.dma_semaphore, #tpu.memory_space<semaphore_mem>>) attributes {dimension_semantics = [#tpu.dimension_semantics<core_parallel>, #tpu.dimension_semantics<subcore_parallel>], iteration_bounds = array<i64: 2, 16>, scalar_prefetch = 0 : i64, scratch_operands = 6 : i64, tpu.core_type = #tpu.core_type<sc_vector_subcore>, window_params = [{transform_indices = #map}, {transform_indices = #map1}, {transform_indices = #map1}, {transform_indices = #map1}, {transform_indices = #map}, {transform_indices = #map2}]} {
    %add3A = arith.constant 0 : i32
    %add3A_0 = arith.addi %add3A, %arg0 : i32
    %run_scoped3A = arith.constant 0 : i32
    "tpu.region"() ({
      %run_scoped3A_62 = tpu.sem_alloc : memref<!tpu.dma_semaphore, #tpu.memory_space<semaphore_mem>>
      %dma_start3A_63 = arith.constant 0 : i32
      %dma_start3A_64 = arith.constant 0 : i32
      %dma_start3A_65 = tpu.memref_slice %arg9[%dma_start3A_63, %dma_start3A_64] : memref<158x128xi32, #tpu.memory_space<vmem>> -> memref<79x128xi32, #tpu.memory_space<vmem>>
      %dma_start3A_66 = arith.constant 0 : i32
      %dma_start3A_67 = arith.constant 0 : i32
      %dma_start3A_68 = tpu.memref_slice %arg5[%add3A_0, %run_scoped3A, %arg1, %dma_start3A_66, %dma_start3A_67] : memref<4x2x16x79x128xi32, #tpu.memory_space<hbm>> -> memref<1x1x1x79x128xi32, #tpu.memory_space<hbm>>
      %dma_start3A_69 = tpu.memref_squeeze %dma_start3A_68 : memref<1x1x1x79x128xi32, #tpu.memory_space<hbm>> -> memref<79x128xi32, #tpu.memory_space<hbm>>
      %dma_start3A_70 = arith.constant 0 : i32
      %dma_start3A_71 = arith.constant 0 : i32
      %dma_start3A_72 = tpu.memref_slice %arg9[%dma_start3A_70, %dma_start3A_71] : memref<158x128xi32, #tpu.memory_space<vmem>> -> memref<79x128xi32, #tpu.memory_space<vmem>>
      %dma_start3A_73 = arith.constant 0 : i32
      %dma_start3A_74 = arith.constant 0 : i32
      %dma_start3A_75 = tpu.memref_slice %arg5[%add3A_0, %run_scoped3A, %arg1, %dma_start3A_73, %dma_start3A_74] : memref<4x2x16x79x128xi32, #tpu.memory_space<hbm>> -> memref<1x1x1x79x128xi32, #tpu.memory_space<hbm>>
      %dma_start3A_76 = tpu.memref_squeeze %dma_start3A_75 : memref<1x1x1x79x128xi32, #tpu.memory_space<hbm>> -> memref<79x128xi32, #tpu.memory_space<hbm>>
      tpu.enqueue_dma source(%dma_start3A_76 : memref<79x128xi32, #tpu.memory_space<hbm>>) target(%dma_start3A_72 : memref<79x128xi32, #tpu.memory_space<vmem>>) target_semaphore(%run_scoped3A_62 : memref<!tpu.dma_semaphore, #tpu.memory_space<semaphore_mem>>)
      %dma_wait3A = arith.constant 0 : i32
      %dma_wait3A_77 = arith.constant 0 : i32
      %dma_wait3A_78 = tpu.memref_slice %arg9[%dma_wait3A, %dma_wait3A_77] : memref<158x128xi32, #tpu.memory_space<vmem>> -> memref<79x128xi32, #tpu.memory_space<vmem>>
      %dma_wait3A_79 = arith.constant 0 : i32
      %dma_wait3A_80 = arith.constant 0 : i32
      %dma_wait3A_81 = tpu.memref_slice %arg5[%add3A_0, %run_scoped3A, %arg1, %dma_wait3A_79, %dma_wait3A_80] : memref<4x2x16x79x128xi32, #tpu.memory_space<hbm>> -> memref<1x1x1x79x128xi32, #tpu.memory_space<hbm>>
      %dma_wait3A_82 = tpu.memref_squeeze %dma_wait3A_81 : memref<1x1x1x79x128xi32, #tpu.memory_space<hbm>> -> memref<79x128xi32, #tpu.memory_space<hbm>>
      %dma_wait3A_83 = arith.constant 0 : i32
      %dma_wait3A_84 = arith.constant 0 : i32
      %dma_wait3A_85 = tpu.memref_slice %arg9[%dma_wait3A_83, %dma_wait3A_84] : memref<158x128xi32, #tpu.memory_space<vmem>> -> memref<79x128xi32, #tpu.memory_space<vmem>>
      %dma_wait3A_86 = arith.constant 0 : i32
      %dma_wait3A_87 = arith.constant 0 : i32
      %dma_wait3A_88 = tpu.memref_slice %arg5[%add3A_0, %run_scoped3A, %arg1, %dma_wait3A_86, %dma_wait3A_87] : memref<4x2x16x79x128xi32, #tpu.memory_space<hbm>> -> memref<1x1x1x79x128xi32, #tpu.memory_space<hbm>>
      %dma_wait3A_89 = tpu.memref_squeeze %dma_wait3A_88 : memref<1x1x1x79x128xi32, #tpu.memory_space<hbm>> -> memref<79x128xi32, #tpu.memory_space<hbm>>
      tpu.wait_dma2 semaphore(%run_scoped3A_62 : memref<!tpu.dma_semaphore, #tpu.memory_space<semaphore_mem>>) src(%dma_wait3A_89 : memref<79x128xi32, #tpu.memory_space<hbm>>) dst(%dma_wait3A_85 : memref<79x128xi32, #tpu.memory_space<vmem>>)
      tpu.yield
    }) : () -> ()
    %run_scoped3A_1 = arith.constant 1 : i32
    "tpu.region"() ({
      %run_scoped3A_62 = tpu.sem_alloc : memref<!tpu.dma_semaphore, #tpu.memory_space<semaphore_mem>>
      %dma_start3A_63 = arith.constant 79 : i32
      %dma_start3A_64 = arith.constant 0 : i32
      %dma_start3A_65 = tpu.memref_slice %arg9[%dma_start3A_63, %dma_start3A_64] : memref<158x128xi32, #tpu.memory_space<vmem>> -> memref<79x128xi32, #tpu.memory_space<vmem>>
      %dma_start3A_66 = arith.constant 0 : i32
      %dma_start3A_67 = arith.constant 0 : i32
      %dma_start3A_68 = tpu.memref_slice %arg5[%add3A_0, %run_scoped3A_1, %arg1, %dma_start3A_66, %dma_start3A_67] : memref<4x2x16x79x128xi32, #tpu.memory_space<hbm>> -> memref<1x1x1x79x128xi32, #tpu.memory_space<hbm>>
      %dma_start3A_69 = tpu.memref_squeeze %dma_start3A_68 : memref<1x1x1x79x128xi32, #tpu.memory_space<hbm>> -> memref<79x128xi32, #tpu.memory_space<hbm>>
      %dma_start3A_70 = arith.constant 79 : i32
      %dma_start3A_71 = arith.constant 0 : i32
      %dma_start3A_72 = tpu.memref_slice %arg9[%dma_start3A_70, %dma_start3A_71] : memref<158x128xi32, #tpu.memory_space<vmem>> -> memref<79x128xi32, #tpu.memory_space<vmem>>
      %dma_start3A_73 = arith.constant 0 : i32
      %dma_start3A_74 = arith.constant 0 : i32
      %dma_start3A_75 = tpu.memref_slice %arg5[%add3A_0, %run_scoped3A_1, %arg1, %dma_start3A_73, %dma_start3A_74] : memref<4x2x16x79x128xi32, #tpu.memory_space<hbm>> -> memref<1x1x1x79x128xi32, #tpu.memory_space<hbm>>
      %dma_start3A_76 = tpu.memref_squeeze %dma_start3A_75 : memref<1x1x1x79x128xi32, #tpu.memory_space<hbm>> -> memref<79x128xi32, #tpu.memory_space<hbm>>
      tpu.enqueue_dma source(%dma_start3A_76 : memref<79x128xi32, #tpu.memory_space<hbm>>) target(%dma_start3A_72 : memref<79x128xi32, #tpu.memory_space<vmem>>) target_semaphore(%run_scoped3A_62 : memref<!tpu.dma_semaphore, #tpu.memory_space<semaphore_mem>>)
      %dma_wait3A = arith.constant 79 : i32
      %dma_wait3A_77 = arith.constant 0 : i32
      %dma_wait3A_78 = tpu.memref_slice %arg9[%dma_wait3A, %dma_wait3A_77] : memref<158x128xi32, #tpu.memory_space<vmem>> -> memref<79x128xi32, #tpu.memory_space<vmem>>
      %dma_wait3A_79 = arith.constant 0 : i32
      %dma_wait3A_80 = arith.constant 0 : i32
      %dma_wait3A_81 = tpu.memref_slice %arg5[%add3A_0, %run_scoped3A_1, %arg1, %dma_wait3A_79, %dma_wait3A_80] : memref<4x2x16x79x128xi32, #tpu.memory_space<hbm>> -> memref<1x1x1x79x128xi32, #tpu.memory_space<hbm>>
      %dma_wait3A_82 = tpu.memref_squeeze %dma_wait3A_81 : memref<1x1x1x79x128xi32, #tpu.memory_space<hbm>> -> memref<79x128xi32, #tpu.memory_space<hbm>>
      %dma_wait3A_83 = arith.constant 79 : i32
      %dma_wait3A_84 = arith.constant 0 : i32
      %dma_wait3A_85 = tpu.memref_slice %arg9[%dma_wait3A_83, %dma_wait3A_84] : memref<158x128xi32, #tpu.memory_space<vmem>> -> memref<79x128xi32, #tpu.memory_space<vmem>>
      %dma_wait3A_86 = arith.constant 0 : i32
      %dma_wait3A_87 = arith.constant 0 : i32
      %dma_wait3A_88 = tpu.memref_slice %arg5[%add3A_0, %run_scoped3A_1, %arg1, %dma_wait3A_86, %dma_wait3A_87] : memref<4x2x16x79x128xi32, #tpu.memory_space<hbm>> -> memref<1x1x1x79x128xi32, #tpu.memory_space<hbm>>
      %dma_wait3A_89 = tpu.memref_squeeze %dma_wait3A_88 : memref<1x1x1x79x128xi32, #tpu.memory_space<hbm>> -> memref<79x128xi32, #tpu.memory_space<hbm>>
      tpu.wait_dma2 semaphore(%run_scoped3A_62 : memref<!tpu.dma_semaphore, #tpu.memory_space<semaphore_mem>>) src(%dma_wait3A_89 : memref<79x128xi32, #tpu.memory_space<hbm>>) dst(%dma_wait3A_85 : memref<79x128xi32, #tpu.memory_space<vmem>>)
      tpu.yield
    }) : () -> ()
    %mul3A = arith.constant 632 : i32
    %mul3A_2 = arith.muli %arg1, %mul3A : i32
    "tpu.region"() ({
      %run_scoped3A_62 = tpu.sem_alloc : memref<!tpu.dma_semaphore, #tpu.memory_space<semaphore_mem>>
      %dma_start3A_63 = arith.constant 0 : i32
      %dma_start3A_64 = tpu.memref_slice %arg11[%mul3A_2, %dma_start3A_63] : memref<10112x80xf32, #tpu.memory_space<vmem_shared>> -> memref<632x80xf32, #tpu.memory_space<vmem_shared>>
      tpu.enqueue_dma source(%arg6 : memref<632x80xf32, #tpu.memory_space<hbm>>) target(%dma_start3A_64 : memref<632x80xf32, #tpu.memory_space<vmem_shared>>) target_semaphore(%run_scoped3A_62 : memref<!tpu.dma_semaphore, #tpu.memory_space<semaphore_mem>>)
      %dma_wait3A = arith.constant 0 : i32
      %dma_wait3A_65 = tpu.memref_slice %arg11[%mul3A_2, %dma_wait3A] : memref<10112x80xf32, #tpu.memory_space<vmem_shared>> -> memref<632x80xf32, #tpu.memory_space<vmem_shared>>
      tpu.wait_dma2 semaphore(%run_scoped3A_62 : memref<!tpu.dma_semaphore, #tpu.memory_space<semaphore_mem>>) src(%arg6 : memref<632x80xf32, #tpu.memory_space<hbm>>) dst(%dma_wait3A_65 : memref<632x80xf32, #tpu.memory_space<vmem_shared>>)
      tpu.yield
    }) : () -> ()
    %run_scoped3A_3 = arith.constant 0 : i32
    "tpu.region"() ({
      %run_scoped3A_62 = tpu.sem_alloc : memref<!tpu.dma_semaphore, #tpu.memory_space<semaphore_mem>>
      %dma_start3A_63 = arith.constant 0 : i32
      %dma_start3A_64 = arith.constant 0 : i32
      %dma_start3A_65 = tpu.memref_slice %arg8[%dma_start3A_63, %dma_start3A_64] : memref<158x128xi32, #tpu.memory_space<vmem>> -> memref<79x128xi32, #tpu.memory_space<vmem>>
      %dma_start3A_66 = arith.constant 0 : i32
      %dma_start3A_67 = arith.constant 0 : i32
      %dma_start3A_68 = tpu.memref_slice %arg3[%add3A_0, %run_scoped3A_3, %arg1, %dma_start3A_66, %dma_start3A_67] : memref<4x2x16x79x128xi32, #tpu.memory_space<hbm>> -> memref<1x1x1x79x128xi32, #tpu.memory_space<hbm>>
      %dma_start3A_69 = tpu.memref_squeeze %dma_start3A_68 : memref<1x1x1x79x128xi32, #tpu.memory_space<hbm>> -> memref<79x128xi32, #tpu.memory_space<hbm>>
      %dma_start3A_70 = arith.constant 0 : i32
      %dma_start3A_71 = arith.constant 0 : i32
      %dma_start3A_72 = tpu.memref_slice %arg8[%dma_start3A_70, %dma_start3A_71] : memref<158x128xi32, #tpu.memory_space<vmem>> -> memref<79x128xi32, #tpu.memory_space<vmem>>
      %dma_start3A_73 = arith.constant 0 : i32
      %dma_start3A_74 = arith.constant 0 : i32
      %dma_start3A_75 = tpu.memref_slice %arg3[%add3A_0, %run_scoped3A_3, %arg1, %dma_start3A_73, %dma_start3A_74] : memref<4x2x16x79x128xi32, #tpu.memory_space<hbm>> -> memref<1x1x1x79x128xi32, #tpu.memory_space<hbm>>
      %dma_start3A_76 = tpu.memref_squeeze %dma_start3A_75 : memref<1x1x1x79x128xi32, #tpu.memory_space<hbm>> -> memref<79x128xi32, #tpu.memory_space<hbm>>
      tpu.enqueue_dma source(%dma_start3A_76 : memref<79x128xi32, #tpu.memory_space<hbm>>) target(%dma_start3A_72 : memref<79x128xi32, #tpu.memory_space<vmem>>) target_semaphore(%run_scoped3A_62 : memref<!tpu.dma_semaphore, #tpu.memory_space<semaphore_mem>>)
      %dma_wait3A = arith.constant 0 : i32
      %dma_wait3A_77 = arith.constant 0 : i32
      %dma_wait3A_78 = tpu.memref_slice %arg8[%dma_wait3A, %dma_wait3A_77] : memref<158x128xi32, #tpu.memory_space<vmem>> -> memref<79x128xi32, #tpu.memory_space<vmem>>
      %dma_wait3A_79 = arith.constant 0 : i32
      %dma_wait3A_80 = arith.constant 0 : i32
      %dma_wait3A_81 = tpu.memref_slice %arg3[%add3A_0, %run_scoped3A_3, %arg1, %dma_wait3A_79, %dma_wait3A_80] : memref<4x2x16x79x128xi32, #tpu.memory_space<hbm>> -> memref<1x1x1x79x128xi32, #tpu.memory_space<hbm>>
      %dma_wait3A_82 = tpu.memref_squeeze %dma_wait3A_81 : memref<1x1x1x79x128xi32, #tpu.memory_space<hbm>> -> memref<79x128xi32, #tpu.memory_space<hbm>>
      %dma_wait3A_83 = arith.constant 0 : i32
      %dma_wait3A_84 = arith.constant 0 : i32
      %dma_wait3A_85 = tpu.memref_slice %arg8[%dma_wait3A_83, %dma_wait3A_84] : memref<158x128xi32, #tpu.memory_space<vmem>> -> memref<79x128xi32, #tpu.memory_space<vmem>>
      %dma_wait3A_86 = arith.constant 0 : i32
      %dma_wait3A_87 = arith.constant 0 : i32
      %dma_wait3A_88 = tpu.memref_slice %arg3[%add3A_0, %run_scoped3A_3, %arg1, %dma_wait3A_86, %dma_wait3A_87] : memref<4x2x16x79x128xi32, #tpu.memory_space<hbm>> -> memref<1x1x1x79x128xi32, #tpu.memory_space<hbm>>
      %dma_wait3A_89 = tpu.memref_squeeze %dma_wait3A_88 : memref<1x1x1x79x128xi32, #tpu.memory_space<hbm>> -> memref<79x128xi32, #tpu.memory_space<hbm>>
      tpu.wait_dma2 semaphore(%run_scoped3A_62 : memref<!tpu.dma_semaphore, #tpu.memory_space<semaphore_mem>>) src(%dma_wait3A_89 : memref<79x128xi32, #tpu.memory_space<hbm>>) dst(%dma_wait3A_85 : memref<79x128xi32, #tpu.memory_space<vmem>>)
      tpu.yield
    }) : () -> ()
    %run_scoped3A_4 = arith.constant 1 : i32
    "tpu.region"() ({
      %run_scoped3A_62 = tpu.sem_alloc : memref<!tpu.dma_semaphore, #tpu.memory_space<semaphore_mem>>
      %dma_start3A_63 = arith.constant 79 : i32
      %dma_start3A_64 = arith.constant 0 : i32
      %dma_start3A_65 = tpu.memref_slice %arg8[%dma_start3A_63, %dma_start3A_64] : memref<158x128xi32, #tpu.memory_space<vmem>> -> memref<79x128xi32, #tpu.memory_space<vmem>>
      %dma_start3A_66 = arith.constant 0 : i32
      %dma_start3A_67 = arith.constant 0 : i32
      %dma_start3A_68 = tpu.memref_slice %arg3[%add3A_0, %run_scoped3A_4, %arg1, %dma_start3A_66, %dma_start3A_67] : memref<4x2x16x79x128xi32, #tpu.memory_space<hbm>> -> memref<1x1x1x79x128xi32, #tpu.memory_space<hbm>>
      %dma_start3A_69 = tpu.memref_squeeze %dma_start3A_68 : memref<1x1x1x79x128xi32, #tpu.memory_space<hbm>> -> memref<79x128xi32, #tpu.memory_space<hbm>>
      %dma_start3A_70 = arith.constant 79 : i32
      %dma_start3A_71 = arith.constant 0 : i32
      %dma_start3A_72 = tpu.memref_slice %arg8[%dma_start3A_70, %dma_start3A_71] : memref<158x128xi32, #tpu.memory_space<vmem>> -> memref<79x128xi32, #tpu.memory_space<vmem>>
      %dma_start3A_73 = arith.constant 0 : i32
      %dma_start3A_74 = arith.constant 0 : i32
      %dma_start3A_75 = tpu.memref_slice %arg3[%add3A_0, %run_scoped3A_4, %arg1, %dma_start3A_73, %dma_start3A_74] : memref<4x2x16x79x128xi32, #tpu.memory_space<hbm>> -> memref<1x1x1x79x128xi32, #tpu.memory_space<hbm>>
      %dma_start3A_76 = tpu.memref_squeeze %dma_start3A_75 : memref<1x1x1x79x128xi32, #tpu.memory_space<hbm>> -> memref<79x128xi32, #tpu.memory_space<hbm>>
      tpu.enqueue_dma source(%dma_start3A_76 : memref<79x128xi32, #tpu.memory_space<hbm>>) target(%dma_start3A_72 : memref<79x128xi32, #tpu.memory_space<vmem>>) target_semaphore(%run_scoped3A_62 : memref<!tpu.dma_semaphore, #tpu.memory_space<semaphore_mem>>)
      %dma_wait3A = arith.constant 79 : i32
      %dma_wait3A_77 = arith.constant 0 : i32
      %dma_wait3A_78 = tpu.memref_slice %arg8[%dma_wait3A, %dma_wait3A_77] : memref<158x128xi32, #tpu.memory_space<vmem>> -> memref<79x128xi32, #tpu.memory_space<vmem>>
      %dma_wait3A_79 = arith.constant 0 : i32
      %dma_wait3A_80 = arith.constant 0 : i32
      %dma_wait3A_81 = tpu.memref_slice %arg3[%add3A_0, %run_scoped3A_4, %arg1, %dma_wait3A_79, %dma_wait3A_80] : memref<4x2x16x79x128xi32, #tpu.memory_space<hbm>> -> memref<1x1x1x79x128xi32, #tpu.memory_space<hbm>>
      %dma_wait3A_82 = tpu.memref_squeeze %dma_wait3A_81 : memref<1x1x1x79x128xi32, #tpu.memory_space<hbm>> -> memref<79x128xi32, #tpu.memory_space<hbm>>
      %dma_wait3A_83 = arith.constant 79 : i32
      %dma_wait3A_84 = arith.constant 0 : i32
      %dma_wait3A_85 = tpu.memref_slice %arg8[%dma_wait3A_83, %dma_wait3A_84] : memref<158x128xi32, #tpu.memory_space<vmem>> -> memref<79x128xi32, #tpu.memory_space<vmem>>
      %dma_wait3A_86 = arith.constant 0 : i32
      %dma_wait3A_87 = arith.constant 0 : i32
      %dma_wait3A_88 = tpu.memref_slice %arg3[%add3A_0, %run_scoped3A_4, %arg1, %dma_wait3A_86, %dma_wait3A_87] : memref<4x2x16x79x128xi32, #tpu.memory_space<hbm>> -> memref<1x1x1x79x128xi32, #tpu.memory_space<hbm>>
      %dma_wait3A_89 = tpu.memref_squeeze %dma_wait3A_88 : memref<1x1x1x79x128xi32, #tpu.memory_space<hbm>> -> memref<79x128xi32, #tpu.memory_space<hbm>>
      tpu.wait_dma2 semaphore(%run_scoped3A_62 : memref<!tpu.dma_semaphore, #tpu.memory_space<semaphore_mem>>) src(%dma_wait3A_89 : memref<79x128xi32, #tpu.memory_space<hbm>>) dst(%dma_wait3A_85 : memref<79x128xi32, #tpu.memory_space<vmem>>)
      tpu.yield
    }) : () -> ()
    %barrier3A = arith.constant 0 : index
    tpu.barrier barrier_id(%barrier3A)
    %dma_start3A = arith.constant 0 : i32
    %dma_start3A_5 = arith.constant 0 : i32
    %dma_start3A_6 = arith.constant 0 : i32
    %dma_start3A_7 = arith.constant 0 : i32
    %dma_start3A_8 = tpu.memref_slice %arg10[%dma_start3A_5, %dma_start3A_6, %dma_start3A_7] : memref<2x128x80xf32, #tpu.memory_space<vmem>> -> memref<1x128x80xf32, #tpu.memory_space<vmem>>
    %dma_start3A_9 = tpu.memref_squeeze %dma_start3A_8 : memref<1x128x80xf32, #tpu.memory_space<vmem>> -> memref<128x80xf32, #tpu.memory_space<vmem>>
    %dma_start3A_10 = arith.constant 0 : i32
    %dma_start3A_11 = tpu.memref_slice %arg8[%dma_start3A, %dma_start3A_10] : memref<158x128xi32, #tpu.memory_space<vmem>> -> memref<1x128xi32, #tpu.memory_space<vmem>>
    %dma_start3A_12 = tpu.memref_squeeze %dma_start3A_11 : memref<1x128xi32, #tpu.memory_space<vmem>> -> memref<128xi32, #tpu.memory_space<vmem>>
    %dma_start3A_13 = arith.constant 0 : i32
    %dma_start3A_14 = arith.constant 0 : i32
    %dma_start3A_15 = tpu.memref_slice %arg2[%dma_start3A_13, %dma_start3A_14] : memref<80000x80xf32, #tpu.memory_space<hbm>> -> memref<80000x80xf32, #tpu.memory_space<hbm>>
    tpu.enqueue_indirect_dma source(%dma_start3A_15 : memref<80000x80xf32, #tpu.memory_space<hbm>>) target(%dma_start3A_9 : memref<128x80xf32, #tpu.memory_space<vmem>>) offsets(%dma_start3A_12 : memref<128xi32, #tpu.memory_space<vmem>>) semaphore(%arg12 : memref<!tpu.dma_semaphore, #tpu.memory_space<semaphore_mem>>)
    %scan3A = arith.constant 0 : i32
    %scan3A_16 = arith.constant 79 : i32
    %scan3A_17 = arith.addi %scan3A, %scan3A_16 : i32
    %scan3A_18 = arith.constant 1 : i32
    scf.for %scan3A_62 = %scan3A to %scan3A_17 step %scan3A_18  : i32 {
      %mul3A_63 = arith.constant 1 : i32
      %mul3A_64 = arith.muli %scan3A_62, %mul3A_63 : i32
      %add3A_65 = arith.constant 0 : i32
      %add3A_66 = arith.addi %add3A_65, %mul3A_64 : i32
      %mul3A_67 = arith.constant 2 : i32
      %mul3A_68 = arith.muli %mul3A_67, %add3A_66 : i32
      %add3A_69 = arith.constant 1 : i32
      %add3A_70 = arith.addi %mul3A_68, %add3A_69 : i32
      %dma_start3A_71 = arith.constant 1 : i32
      %dma_start3A_72 = arith.constant 0 : i32
      %dma_start3A_73 = arith.constant 0 : i32
      %dma_start3A_74 = tpu.memref_slice %arg10[%dma_start3A_71, %dma_start3A_72, %dma_start3A_73] : memref<2x128x80xf32, #tpu.memory_space<vmem>> -> memref<1x128x80xf32, #tpu.memory_space<vmem>>
      %dma_start3A_75 = tpu.memref_squeeze %dma_start3A_74 : memref<1x128x80xf32, #tpu.memory_space<vmem>> -> memref<128x80xf32, #tpu.memory_space<vmem>>
      %dma_start3A_76 = arith.constant 0 : i32
      %dma_start3A_77 = tpu.memref_slice %arg8[%add3A_70, %dma_start3A_76] : memref<158x128xi32, #tpu.memory_space<vmem>> -> memref<1x128xi32, #tpu.memory_space<vmem>>
      %dma_start3A_78 = tpu.memref_squeeze %dma_start3A_77 : memref<1x128xi32, #tpu.memory_space<vmem>> -> memref<128xi32, #tpu.memory_space<vmem>>
      %dma_start3A_79 = arith.constant 0 : i32
      %dma_start3A_80 = arith.constant 0 : i32
      %dma_start3A_81 = tpu.memref_slice %arg2[%dma_start3A_79, %dma_start3A_80] : memref<80000x80xf32, #tpu.memory_space<hbm>> -> memref<80000x80xf32, #tpu.memory_space<hbm>>
      tpu.enqueue_indirect_dma source(%dma_start3A_81 : memref<80000x80xf32, #tpu.memory_space<hbm>>) target(%dma_start3A_75 : memref<128x80xf32, #tpu.memory_space<vmem>>) offsets(%dma_start3A_78 : memref<128xi32, #tpu.memory_space<vmem>>) semaphore(%arg13 : memref<!tpu.dma_semaphore, #tpu.memory_space<semaphore_mem>>)
      %dma_wait3A = arith.constant 0 : i32
      %dma_wait3A_82 = arith.constant 0 : i32
      %dma_wait3A_83 = arith.constant 0 : i32
      %dma_wait3A_84 = arith.constant 0 : i32
      %dma_wait3A_85 = tpu.memref_slice %arg10[%dma_wait3A_82, %dma_wait3A_83, %dma_wait3A_84] : memref<2x128x80xf32, #tpu.memory_space<vmem>> -> memref<1x128x80xf32, #tpu.memory_space<vmem>>
      %dma_wait3A_86 = tpu.memref_squeeze %dma_wait3A_85 : memref<1x128x80xf32, #tpu.memory_space<vmem>> -> memref<128x80xf32, #tpu.memory_space<vmem>>
      %dma_wait3A_87 = arith.constant 0 : i32
      %dma_wait3A_88 = tpu.memref_slice %arg8[%dma_wait3A, %dma_wait3A_87] : memref<158x128xi32, #tpu.memory_space<vmem>> -> memref<1x128xi32, #tpu.memory_space<vmem>>
      %dma_wait3A_89 = tpu.memref_squeeze %dma_wait3A_88 : memref<1x128xi32, #tpu.memory_space<vmem>> -> memref<128xi32, #tpu.memory_space<vmem>>
      %dma_wait3A_90 = arith.constant 0 : i32
      %dma_wait3A_91 = arith.constant 0 : i32
      %dma_wait3A_92 = tpu.memref_slice %arg2[%dma_wait3A_90, %dma_wait3A_91] : memref<80000x80xf32, #tpu.memory_space<hbm>> -> memref<80000x80xf32, #tpu.memory_space<hbm>>
      tpu.wait_indirect_dma semaphore(%arg12 : memref<!tpu.dma_semaphore, #tpu.memory_space<semaphore_mem>>) src(%dma_wait3A_92 : memref<80000x80xf32, #tpu.memory_space<hbm>>) dst(%dma_wait3A_86 : memref<128x80xf32, #tpu.memory_space<vmem>>)
      %run_scoped3A_93 = arith.constant 0 : i32
      "tpu.region"() ({
        %run_scoped3A_114 = tpu.sem_alloc : memref<!tpu.dma_semaphore, #tpu.memory_space<semaphore_mem>>
        %dma_start3A_115 = arith.constant 0 : i32
        %dma_start3A_116 = arith.constant 0 : i32
        %dma_start3A_117 = tpu.memref_slice %arg10[%run_scoped3A_93, %dma_start3A_115, %dma_start3A_116] : memref<2x128x80xf32, #tpu.memory_space<vmem>> -> memref<1x128x80xf32, #tpu.memory_space<vmem>>
        %dma_start3A_118 = tpu.memref_squeeze %dma_start3A_117 : memref<1x128x80xf32, #tpu.memory_space<vmem>> -> memref<128x80xf32, #tpu.memory_space<vmem>>
        %dma_start3A_119 = arith.constant 0 : i32
        %dma_start3A_120 = tpu.memref_slice %arg9[%mul3A_68, %dma_start3A_119] : memref<158x128xi32, #tpu.memory_space<vmem>> -> memref<1x128xi32, #tpu.memory_space<vmem>>
        %dma_start3A_121 = tpu.memref_squeeze %dma_start3A_120 : memref<1x128xi32, #tpu.memory_space<vmem>> -> memref<128xi32, #tpu.memory_space<vmem>>
        %dma_start3A_122 = arith.constant 0 : i32
        %dma_start3A_123 = arith.constant 0 : i32
        %dma_start3A_124 = tpu.memref_slice %arg11[%dma_start3A_122, %dma_start3A_123] : memref<10112x80xf32, #tpu.memory_space<vmem_shared>> -> memref<10112x80xf32, #tpu.memory_space<vmem_shared>>
        tpu.enqueue_indirect_dma source(%dma_start3A_118 : memref<128x80xf32, #tpu.memory_space<vmem>>) target(%dma_start3A_124 : memref<10112x80xf32, #tpu.memory_space<vmem_shared>>) offsets(%dma_start3A_121 : memref<128xi32, #tpu.memory_space<vmem>>) semaphore(%run_scoped3A_114 : memref<!tpu.dma_semaphore, #tpu.memory_space<semaphore_mem>>) {add = true}
        %dma_wait3A_125 = arith.constant 0 : i32
        %dma_wait3A_126 = arith.constant 0 : i32
        %dma_wait3A_127 = tpu.memref_slice %arg10[%run_scoped3A_93, %dma_wait3A_125, %dma_wait3A_126] : memref<2x128x80xf32, #tpu.memory_space<vmem>> -> memref<1x128x80xf32, #tpu.memory_space<vmem>>
        %dma_wait3A_128 = tpu.memref_squeeze %dma_wait3A_127 : memref<1x128x80xf32, #tpu.memory_space<vmem>> -> memref<128x80xf32, #tpu.memory_space<vmem>>
        %dma_wait3A_129 = arith.constant 0 : i32
        %dma_wait3A_130 = tpu.memref_slice %arg9[%mul3A_68, %dma_wait3A_129] : memref<158x128xi32, #tpu.memory_space<vmem>> -> memref<1x128xi32, #tpu.memory_space<vmem>>
        %dma_wait3A_131 = tpu.memref_squeeze %dma_wait3A_130 : memref<1x128xi32, #tpu.memory_space<vmem>> -> memref<128xi32, #tpu.memory_space<vmem>>
        %dma_wait3A_132 = arith.constant 0 : i32
        %dma_wait3A_133 = arith.constant 0 : i32
        %dma_wait3A_134 = tpu.memref_slice %arg11[%dma_wait3A_132, %dma_wait3A_133] : memref<10112x80xf32, #tpu.memory_space<vmem_shared>> -> memref<10112x80xf32, #tpu.memory_space<vmem_shared>>
        tpu.wait_indirect_dma semaphore(%run_scoped3A_114 : memref<!tpu.dma_semaphore, #tpu.memory_space<semaphore_mem>>) src(%dma_wait3A_128 : memref<128x80xf32, #tpu.memory_space<vmem>>) dst(%dma_wait3A_134 : memref<10112x80xf32, #tpu.memory_space<vmem_shared>>)
        tpu.yield
      }) : () -> ()
      %lt3A_94 = arith.constant 78 : i32
      %lt3A_95 = arith.cmpi slt, %add3A_66, %lt3A_94 : i32
      %convert_element_type3A_96 = arith.extui %lt3A_95 : i1 to i32
      %cond3A_97 = arith.constant 0 : i32
      %cond3A_98 = arith.cmpi ne, %convert_element_type3A_96, %cond3A_97 : i32
      scf.if %cond3A_98 {
        %add3A_114 = arith.constant 2 : i32
        %add3A_115 = arith.addi %mul3A_68, %add3A_114 : i32
        %dma_start3A_116 = arith.constant 0 : i32
        %dma_start3A_117 = arith.constant 0 : i32
        %dma_start3A_118 = arith.constant 0 : i32
        %dma_start3A_119 = tpu.memref_slice %arg10[%dma_start3A_116, %dma_start3A_117, %dma_start3A_118] : memref<2x128x80xf32, #tpu.memory_space<vmem>> -> memref<1x128x80xf32, #tpu.memory_space<vmem>>
        %dma_start3A_120 = tpu.memref_squeeze %dma_start3A_119 : memref<1x128x80xf32, #tpu.memory_space<vmem>> -> memref<128x80xf32, #tpu.memory_space<vmem>>
        %dma_start3A_121 = arith.constant 0 : i32
        %dma_start3A_122 = tpu.memref_slice %arg8[%add3A_115, %dma_start3A_121] : memref<158x128xi32, #tpu.memory_space<vmem>> -> memref<1x128xi32, #tpu.memory_space<vmem>>
        %dma_start3A_123 = tpu.memref_squeeze %dma_start3A_122 : memref<1x128xi32, #tpu.memory_space<vmem>> -> memref<128xi32, #tpu.memory_space<vmem>>
        %dma_start3A_124 = arith.constant 0 : i32
        %dma_start3A_125 = arith.constant 0 : i32
        %dma_start3A_126 = tpu.memref_slice %arg2[%dma_start3A_124, %dma_start3A_125] : memref<80000x80xf32, #tpu.memory_space<hbm>> -> memref<80000x80xf32, #tpu.memory_space<hbm>>
        tpu.enqueue_indirect_dma source(%dma_start3A_126 : memref<80000x80xf32, #tpu.memory_space<hbm>>) target(%dma_start3A_120 : memref<128x80xf32, #tpu.memory_space<vmem>>) offsets(%dma_start3A_123 : memref<128xi32, #tpu.memory_space<vmem>>) semaphore(%arg12 : memref<!tpu.dma_semaphore, #tpu.memory_space<semaphore_mem>>)
      } else {
      }
      %dma_wait3A_99 = arith.constant 0 : i32
      %dma_wait3A_100 = arith.constant 1 : i32
      %dma_wait3A_101 = arith.constant 0 : i32
      %dma_wait3A_102 = arith.constant 0 : i32
      %dma_wait3A_103 = tpu.memref_slice %arg10[%dma_wait3A_100, %dma_wait3A_101, %dma_wait3A_102] : memref<2x128x80xf32, #tpu.memory_space<vmem>> -> memref<1x128x80xf32, #tpu.memory_space<vmem>>
      %dma_wait3A_104 = tpu.memref_squeeze %dma_wait3A_103 : memref<1x128x80xf32, #tpu.memory_space<vmem>> -> memref<128x80xf32, #tpu.memory_space<vmem>>
      %dma_wait3A_105 = arith.constant 0 : i32
      %dma_wait3A_106 = tpu.memref_slice %arg8[%dma_wait3A_99, %dma_wait3A_105] : memref<158x128xi32, #tpu.memory_space<vmem>> -> memref<1x128xi32, #tpu.memory_space<vmem>>
      %dma_wait3A_107 = tpu.memref_squeeze %dma_wait3A_106 : memref<1x128xi32, #tpu.memory_space<vmem>> -> memref<128xi32, #tpu.memory_space<vmem>>
      %dma_wait3A_108 = arith.constant 0 : i32
      %dma_wait3A_109 = arith.constant 0 : i32
      %dma_wait3A_110 = tpu.memref_slice %arg2[%dma_wait3A_108, %dma_wait3A_109] : memref<80000x80xf32, #tpu.memory_space<hbm>> -> memref<80000x80xf32, #tpu.memory_space<hbm>>
      tpu.wait_indirect_dma semaphore(%arg13 : memref<!tpu.dma_semaphore, #tpu.memory_space<semaphore_mem>>) src(%dma_wait3A_110 : memref<80000x80xf32, #tpu.memory_space<hbm>>) dst(%dma_wait3A_104 : memref<128x80xf32, #tpu.memory_space<vmem>>)
      %add3A_111 = arith.constant 1 : i32
      %add3A_112 = arith.addi %mul3A_68, %add3A_111 : i32
      %run_scoped3A_113 = arith.constant 1 : i32
      "tpu.region"() ({
        %run_scoped3A_114 = tpu.sem_alloc : memref<!tpu.dma_semaphore, #tpu.memory_space<semaphore_mem>>
        %dma_start3A_115 = arith.constant 0 : i32
        %dma_start3A_116 = arith.constant 0 : i32
        %dma_start3A_117 = tpu.memref_slice %arg10[%run_scoped3A_113, %dma_start3A_115, %dma_start3A_116] : memref<2x128x80xf32, #tpu.memory_space<vmem>> -> memref<1x128x80xf32, #tpu.memory_space<vmem>>
        %dma_start3A_118 = tpu.memref_squeeze %dma_start3A_117 : memref<1x128x80xf32, #tpu.memory_space<vmem>> -> memref<128x80xf32, #tpu.memory_space<vmem>>
        %dma_start3A_119 = arith.constant 0 : i32
        %dma_start3A_120 = tpu.memref_slice %arg9[%add3A_112, %dma_start3A_119] : memref<158x128xi32, #tpu.memory_space<vmem>> -> memref<1x128xi32, #tpu.memory_space<vmem>>
        %dma_start3A_121 = tpu.memref_squeeze %dma_start3A_120 : memref<1x128xi32, #tpu.memory_space<vmem>> -> memref<128xi32, #tpu.memory_space<vmem>>
        %dma_start3A_122 = arith.constant 0 : i32
        %dma_start3A_123 = arith.constant 0 : i32
        %dma_start3A_124 = tpu.memref_slice %arg11[%dma_start3A_122, %dma_start3A_123] : memref<10112x80xf32, #tpu.memory_space<vmem_shared>> -> memref<10112x80xf32, #tpu.memory_space<vmem_shared>>
        tpu.enqueue_indirect_dma source(%dma_start3A_118 : memref<128x80xf32, #tpu.memory_space<vmem>>) target(%dma_start3A_124 : memref<10112x80xf32, #tpu.memory_space<vmem_shared>>) offsets(%dma_start3A_121 : memref<128xi32, #tpu.memory_space<vmem>>) semaphore(%run_scoped3A_114 : memref<!tpu.dma_semaphore, #tpu.memory_space<semaphore_mem>>) {add = true}
        %dma_wait3A_125 = arith.constant 0 : i32
        %dma_wait3A_126 = arith.constant 0 : i32
        %dma_wait3A_127 = tpu.memref_slice %arg10[%run_scoped3A_113, %dma_wait3A_125, %dma_wait3A_126] : memref<2x128x80xf32, #tpu.memory_space<vmem>> -> memref<1x128x80xf32, #tpu.memory_space<vmem>>
        %dma_wait3A_128 = tpu.memref_squeeze %dma_wait3A_127 : memref<1x128x80xf32, #tpu.memory_space<vmem>> -> memref<128x80xf32, #tpu.memory_space<vmem>>
        %dma_wait3A_129 = arith.constant 0 : i32
        %dma_wait3A_130 = tpu.memref_slice %arg9[%add3A_112, %dma_wait3A_129] : memref<158x128xi32, #tpu.memory_space<vmem>> -> memref<1x128xi32, #tpu.memory_space<vmem>>
        %dma_wait3A_131 = tpu.memref_squeeze %dma_wait3A_130 : memref<1x128xi32, #tpu.memory_space<vmem>> -> memref<128xi32, #tpu.memory_space<vmem>>
        %dma_wait3A_132 = arith.constant 0 : i32
        %dma_wait3A_133 = arith.constant 0 : i32
        %dma_wait3A_134 = tpu.memref_slice %arg11[%dma_wait3A_132, %dma_wait3A_133] : memref<10112x80xf32, #tpu.memory_space<vmem_shared>> -> memref<10112x80xf32, #tpu.memory_space<vmem_shared>>
        tpu.wait_indirect_dma semaphore(%run_scoped3A_114 : memref<!tpu.dma_semaphore, #tpu.memory_space<semaphore_mem>>) src(%dma_wait3A_128 : memref<128x80xf32, #tpu.memory_space<vmem>>) dst(%dma_wait3A_134 : memref<10112x80xf32, #tpu.memory_space<vmem_shared>>)
        tpu.yield
      }) : () -> ()
    }
    %scan3A_19 = arith.constant 79 : i32
    %barrier3A_20 = arith.constant 0 : index
    tpu.barrier barrier_id(%barrier3A_20)
    %lt3A = arith.constant 15 : i32
    %lt3A_21 = arith.cmpi slt, %arg1, %lt3A : i32
    %convert_element_type3A = arith.extui %lt3A_21 : i1 to i32
    %cond3A = arith.constant 0 : i32
    %cond3A_22 = arith.cmpi ne, %convert_element_type3A, %cond3A : i32
    scf.if %cond3A_22 {
      %mul3A_62 = arith.constant 632 : i32
      %mul3A_63 = arith.muli %arg1, %mul3A_62 : i32
      %mul3A_64 = arith.constant 632 : i32
      %mul3A_65 = arith.muli %arg1, %mul3A_64 : i32
      "tpu.region"() ({
        %run_scoped3A_66 = tpu.sem_alloc : memref<!tpu.dma_semaphore, #tpu.memory_space<semaphore_mem>>
        %dma_start3A_67 = arith.constant 0 : i32
        %dma_start3A_68 = tpu.memref_slice %arg7[%arg0, %mul3A_65, %dma_start3A_67] : memref<2x10000x160xf32, #tpu.memory_space<hbm>> -> memref<1x632x80xf32, #tpu.memory_space<hbm>>
        %dma_start3A_69 = tpu.memref_squeeze %dma_start3A_68 : memref<1x632x80xf32, #tpu.memory_space<hbm>> -> memref<632x80xf32, #tpu.memory_space<hbm>>
        %dma_start3A_70 = arith.constant 0 : i32
        %dma_start3A_71 = tpu.memref_slice %arg11[%mul3A_63, %dma_start3A_70] : memref<10112x80xf32, #tpu.memory_space<vmem_shared>> -> memref<632x80xf32, #tpu.memory_space<vmem_shared>>
        tpu.enqueue_dma source(%dma_start3A_71 : memref<632x80xf32, #tpu.memory_space<vmem_shared>>) target(%dma_start3A_69 : memref<632x80xf32, #tpu.memory_space<hbm>>) target_semaphore(%run_scoped3A_66 : memref<!tpu.dma_semaphore, #tpu.memory_space<semaphore_mem>>)
        %dma_wait3A = arith.constant 0 : i32
        %dma_wait3A_72 = tpu.memref_slice %arg7[%arg0, %mul3A_65, %dma_wait3A] : memref<2x10000x160xf32, #tpu.memory_space<hbm>> -> memref<1x632x80xf32, #tpu.memory_space<hbm>>
        %dma_wait3A_73 = tpu.memref_squeeze %dma_wait3A_72 : memref<1x632x80xf32, #tpu.memory_space<hbm>> -> memref<632x80xf32, #tpu.memory_space<hbm>>
        %dma_wait3A_74 = arith.constant 0 : i32
        %dma_wait3A_75 = tpu.memref_slice %arg11[%mul3A_63, %dma_wait3A_74] : memref<10112x80xf32, #tpu.memory_space<vmem_shared>> -> memref<632x80xf32, #tpu.memory_space<vmem_shared>>
        tpu.wait_dma2 semaphore(%run_scoped3A_66 : memref<!tpu.dma_semaphore, #tpu.memory_space<semaphore_mem>>) src(%dma_wait3A_75 : memref<632x80xf32, #tpu.memory_space<vmem_shared>>) dst(%dma_wait3A_73 : memref<632x80xf32, #tpu.memory_space<hbm>>)
        tpu.yield
      }) : () -> ()
    } else {
    }
    %eq3A = arith.constant 15 : i32
    %eq3A_23 = arith.cmpi eq, %arg1, %eq3A : i32
    %convert_element_type3A_24 = arith.extui %eq3A_23 : i1 to i32
    %cond3A_25 = arith.constant 0 : i32
    %cond3A_26 = arith.cmpi ne, %convert_element_type3A_24, %cond3A_25 : i32
    scf.if %cond3A_26 {
      "tpu.region"() ({
        %run_scoped3A_62 = tpu.sem_alloc : memref<!tpu.dma_semaphore, #tpu.memory_space<semaphore_mem>>
        %dma_start3A_63 = arith.constant 9480 : i32
        %dma_start3A_64 = arith.constant 0 : i32
        %dma_start3A_65 = tpu.memref_slice %arg7[%arg0, %dma_start3A_63, %dma_start3A_64] : memref<2x10000x160xf32, #tpu.memory_space<hbm>> -> memref<1x520x80xf32, #tpu.memory_space<hbm>>
        %dma_start3A_66 = tpu.memref_squeeze %dma_start3A_65 : memref<1x520x80xf32, #tpu.memory_space<hbm>> -> memref<520x80xf32, #tpu.memory_space<hbm>>
        %dma_start3A_67 = arith.constant 9480 : i32
        %dma_start3A_68 = arith.constant 0 : i32
        %dma_start3A_69 = tpu.memref_slice %arg11[%dma_start3A_67, %dma_start3A_68] : memref<10112x80xf32, #tpu.memory_space<vmem_shared>> -> memref<520x80xf32, #tpu.memory_space<vmem_shared>>
        tpu.enqueue_dma source(%dma_start3A_69 : memref<520x80xf32, #tpu.memory_space<vmem_shared>>) target(%dma_start3A_66 : memref<520x80xf32, #tpu.memory_space<hbm>>) target_semaphore(%run_scoped3A_62 : memref<!tpu.dma_semaphore, #tpu.memory_space<semaphore_mem>>)
        %dma_wait3A = arith.constant 9480 : i32
        %dma_wait3A_70 = arith.constant 0 : i32
        %dma_wait3A_71 = tpu.memref_slice %arg7[%arg0, %dma_wait3A, %dma_wait3A_70] : memref<2x10000x160xf32, #tpu.memory_space<hbm>> -> memref<1x520x80xf32, #tpu.memory_space<hbm>>
        %dma_wait3A_72 = tpu.memref_squeeze %dma_wait3A_71 : memref<1x520x80xf32, #tpu.memory_space<hbm>> -> memref<520x80xf32, #tpu.memory_space<hbm>>
        %dma_wait3A_73 = arith.constant 9480 : i32
        %dma_wait3A_74 = arith.constant 0 : i32
        %dma_wait3A_75 = tpu.memref_slice %arg11[%dma_wait3A_73, %dma_wait3A_74] : memref<10112x80xf32, #tpu.memory_space<vmem_shared>> -> memref<520x80xf32, #tpu.memory_space<vmem_shared>>
        tpu.wait_dma2 semaphore(%run_scoped3A_62 : memref<!tpu.dma_semaphore, #tpu.memory_space<semaphore_mem>>) src(%dma_wait3A_75 : memref<520x80xf32, #tpu.memory_space<vmem_shared>>) dst(%dma_wait3A_72 : memref<520x80xf32, #tpu.memory_space<hbm>>)
        tpu.yield
      }) : () -> ()
    } else {
    }
    %barrier3A_27 = arith.constant 0 : index
    tpu.barrier barrier_id(%barrier3A_27)
    %mul3A_28 = arith.constant 632 : i32
    %mul3A_29 = arith.muli %arg1, %mul3A_28 : i32
    "tpu.region"() ({
      %run_scoped3A_62 = tpu.sem_alloc : memref<!tpu.dma_semaphore, #tpu.memory_space<semaphore_mem>>
      %dma_start3A_63 = arith.constant 0 : i32
      %dma_start3A_64 = tpu.memref_slice %arg11[%mul3A_29, %dma_start3A_63] : memref<10112x80xf32, #tpu.memory_space<vmem_shared>> -> memref<632x80xf32, #tpu.memory_space<vmem_shared>>
      tpu.enqueue_dma source(%arg6 : memref<632x80xf32, #tpu.memory_space<hbm>>) target(%dma_start3A_64 : memref<632x80xf32, #tpu.memory_space<vmem_shared>>) target_semaphore(%run_scoped3A_62 : memref<!tpu.dma_semaphore, #tpu.memory_space<semaphore_mem>>)
      %dma_wait3A = arith.constant 0 : i32
      %dma_wait3A_65 = tpu.memref_slice %arg11[%mul3A_29, %dma_wait3A] : memref<10112x80xf32, #tpu.memory_space<vmem_shared>> -> memref<632x80xf32, #tpu.memory_space<vmem_shared>>
      tpu.wait_dma2 semaphore(%run_scoped3A_62 : memref<!tpu.dma_semaphore, #tpu.memory_space<semaphore_mem>>) src(%arg6 : memref<632x80xf32, #tpu.memory_space<hbm>>) dst(%dma_wait3A_65 : memref<632x80xf32, #tpu.memory_space<vmem_shared>>)
      tpu.yield
    }) : () -> ()
    %run_scoped3A_30 = arith.constant 0 : i32
    "tpu.region"() ({
      %run_scoped3A_62 = tpu.sem_alloc : memref<!tpu.dma_semaphore, #tpu.memory_space<semaphore_mem>>
      %dma_start3A_63 = arith.constant 0 : i32
      %dma_start3A_64 = arith.constant 0 : i32
      %dma_start3A_65 = tpu.memref_slice %arg8[%dma_start3A_63, %dma_start3A_64] : memref<158x128xi32, #tpu.memory_space<vmem>> -> memref<79x128xi32, #tpu.memory_space<vmem>>
      %dma_start3A_66 = arith.constant 0 : i32
      %dma_start3A_67 = arith.constant 0 : i32
      %dma_start3A_68 = tpu.memref_slice %arg4[%add3A_0, %run_scoped3A_30, %arg1, %dma_start3A_66, %dma_start3A_67] : memref<4x2x16x79x128xi32, #tpu.memory_space<hbm>> -> memref<1x1x1x79x128xi32, #tpu.memory_space<hbm>>
      %dma_start3A_69 = tpu.memref_squeeze %dma_start3A_68 : memref<1x1x1x79x128xi32, #tpu.memory_space<hbm>> -> memref<79x128xi32, #tpu.memory_space<hbm>>
      %dma_start3A_70 = arith.constant 0 : i32
      %dma_start3A_71 = arith.constant 0 : i32
      %dma_start3A_72 = tpu.memref_slice %arg8[%dma_start3A_70, %dma_start3A_71] : memref<158x128xi32, #tpu.memory_space<vmem>> -> memref<79x128xi32, #tpu.memory_space<vmem>>
      %dma_start3A_73 = arith.constant 0 : i32
      %dma_start3A_74 = arith.constant 0 : i32
      %dma_start3A_75 = tpu.memref_slice %arg4[%add3A_0, %run_scoped3A_30, %arg1, %dma_start3A_73, %dma_start3A_74] : memref<4x2x16x79x128xi32, #tpu.memory_space<hbm>> -> memref<1x1x1x79x128xi32, #tpu.memory_space<hbm>>
      %dma_start3A_76 = tpu.memref_squeeze %dma_start3A_75 : memref<1x1x1x79x128xi32, #tpu.memory_space<hbm>> -> memref<79x128xi32, #tpu.memory_space<hbm>>
      tpu.enqueue_dma source(%dma_start3A_76 : memref<79x128xi32, #tpu.memory_space<hbm>>) target(%dma_start3A_72 : memref<79x128xi32, #tpu.memory_space<vmem>>) target_semaphore(%run_scoped3A_62 : memref<!tpu.dma_semaphore, #tpu.memory_space<semaphore_mem>>)
      %dma_wait3A = arith.constant 0 : i32
      %dma_wait3A_77 = arith.constant 0 : i32
      %dma_wait3A_78 = tpu.memref_slice %arg8[%dma_wait3A, %dma_wait3A_77] : memref<158x128xi32, #tpu.memory_space<vmem>> -> memref<79x128xi32, #tpu.memory_space<vmem>>
      %dma_wait3A_79 = arith.constant 0 : i32
      %dma_wait3A_80 = arith.constant 0 : i32
      %dma_wait3A_81 = tpu.memref_slice %arg4[%add3A_0, %run_scoped3A_30, %arg1, %dma_wait3A_79, %dma_wait3A_80] : memref<4x2x16x79x128xi32, #tpu.memory_space<hbm>> -> memref<1x1x1x79x128xi32, #tpu.memory_space<hbm>>
      %dma_wait3A_82 = tpu.memref_squeeze %dma_wait3A_81 : memref<1x1x1x79x128xi32, #tpu.memory_space<hbm>> -> memref<79x128xi32, #tpu.memory_space<hbm>>
      %dma_wait3A_83 = arith.constant 0 : i32
      %dma_wait3A_84 = arith.constant 0 : i32
      %dma_wait3A_85 = tpu.memref_slice %arg8[%dma_wait3A_83, %dma_wait3A_84] : memref<158x128xi32, #tpu.memory_space<vmem>> -> memref<79x128xi32, #tpu.memory_space<vmem>>
      %dma_wait3A_86 = arith.constant 0 : i32
      %dma_wait3A_87 = arith.constant 0 : i32
      %dma_wait3A_88 = tpu.memref_slice %arg4[%add3A_0, %run_scoped3A_30, %arg1, %dma_wait3A_86, %dma_wait3A_87] : memref<4x2x16x79x128xi32, #tpu.memory_space<hbm>> -> memref<1x1x1x79x128xi32, #tpu.memory_space<hbm>>
      %dma_wait3A_89 = tpu.memref_squeeze %dma_wait3A_88 : memref<1x1x1x79x128xi32, #tpu.memory_space<hbm>> -> memref<79x128xi32, #tpu.memory_space<hbm>>
      tpu.wait_dma2 semaphore(%run_scoped3A_62 : memref<!tpu.dma_semaphore, #tpu.memory_space<semaphore_mem>>) src(%dma_wait3A_89 : memref<79x128xi32, #tpu.memory_space<hbm>>) dst(%dma_wait3A_85 : memref<79x128xi32, #tpu.memory_space<vmem>>)
      tpu.yield
    }) : () -> ()
    %run_scoped3A_31 = arith.constant 1 : i32
    "tpu.region"() ({
      %run_scoped3A_62 = tpu.sem_alloc : memref<!tpu.dma_semaphore, #tpu.memory_space<semaphore_mem>>
      %dma_start3A_63 = arith.constant 79 : i32
      %dma_start3A_64 = arith.constant 0 : i32
      %dma_start3A_65 = tpu.memref_slice %arg8[%dma_start3A_63, %dma_start3A_64] : memref<158x128xi32, #tpu.memory_space<vmem>> -> memref<79x128xi32, #tpu.memory_space<vmem>>
      %dma_start3A_66 = arith.constant 0 : i32
      %dma_start3A_67 = arith.constant 0 : i32
      %dma_start3A_68 = tpu.memref_slice %arg4[%add3A_0, %run_scoped3A_31, %arg1, %dma_start3A_66, %dma_start3A_67] : memref<4x2x16x79x128xi32, #tpu.memory_space<hbm>> -> memref<1x1x1x79x128xi32, #tpu.memory_space<hbm>>
      %dma_start3A_69 = tpu.memref_squeeze %dma_start3A_68 : memref<1x1x1x79x128xi32, #tpu.memory_space<hbm>> -> memref<79x128xi32, #tpu.memory_space<hbm>>
      %dma_start3A_70 = arith.constant 79 : i32
      %dma_start3A_71 = arith.constant 0 : i32
      %dma_start3A_72 = tpu.memref_slice %arg8[%dma_start3A_70, %dma_start3A_71] : memref<158x128xi32, #tpu.memory_space<vmem>> -> memref<79x128xi32, #tpu.memory_space<vmem>>
      %dma_start3A_73 = arith.constant 0 : i32
      %dma_start3A_74 = arith.constant 0 : i32
      %dma_start3A_75 = tpu.memref_slice %arg4[%add3A_0, %run_scoped3A_31, %arg1, %dma_start3A_73, %dma_start3A_74] : memref<4x2x16x79x128xi32, #tpu.memory_space<hbm>> -> memref<1x1x1x79x128xi32, #tpu.memory_space<hbm>>
      %dma_start3A_76 = tpu.memref_squeeze %dma_start3A_75 : memref<1x1x1x79x128xi32, #tpu.memory_space<hbm>> -> memref<79x128xi32, #tpu.memory_space<hbm>>
      tpu.enqueue_dma source(%dma_start3A_76 : memref<79x128xi32, #tpu.memory_space<hbm>>) target(%dma_start3A_72 : memref<79x128xi32, #tpu.memory_space<vmem>>) target_semaphore(%run_scoped3A_62 : memref<!tpu.dma_semaphore, #tpu.memory_space<semaphore_mem>>)
      %dma_wait3A = arith.constant 79 : i32
      %dma_wait3A_77 = arith.constant 0 : i32
      %dma_wait3A_78 = tpu.memref_slice %arg8[%dma_wait3A, %dma_wait3A_77] : memref<158x128xi32, #tpu.memory_space<vmem>> -> memref<79x128xi32, #tpu.memory_space<vmem>>
      %dma_wait3A_79 = arith.constant 0 : i32
      %dma_wait3A_80 = arith.constant 0 : i32
      %dma_wait3A_81 = tpu.memref_slice %arg4[%add3A_0, %run_scoped3A_31, %arg1, %dma_wait3A_79, %dma_wait3A_80] : memref<4x2x16x79x128xi32, #tpu.memory_space<hbm>> -> memref<1x1x1x79x128xi32, #tpu.memory_space<hbm>>
      %dma_wait3A_82 = tpu.memref_squeeze %dma_wait3A_81 : memref<1x1x1x79x128xi32, #tpu.memory_space<hbm>> -> memref<79x128xi32, #tpu.memory_space<hbm>>
      %dma_wait3A_83 = arith.constant 79 : i32
      %dma_wait3A_84 = arith.constant 0 : i32
      %dma_wait3A_85 = tpu.memref_slice %arg8[%dma_wait3A_83, %dma_wait3A_84] : memref<158x128xi32, #tpu.memory_space<vmem>> -> memref<79x128xi32, #tpu.memory_space<vmem>>
      %dma_wait3A_86 = arith.constant 0 : i32
      %dma_wait3A_87 = arith.constant 0 : i32
      %dma_wait3A_88 = tpu.memref_slice %arg4[%add3A_0, %run_scoped3A_31, %arg1, %dma_wait3A_86, %dma_wait3A_87] : memref<4x2x16x79x128xi32, #tpu.memory_space<hbm>> -> memref<1x1x1x79x128xi32, #tpu.memory_space<hbm>>
      %dma_wait3A_89 = tpu.memref_squeeze %dma_wait3A_88 : memref<1x1x1x79x128xi32, #tpu.memory_space<hbm>> -> memref<79x128xi32, #tpu.memory_space<hbm>>
      tpu.wait_dma2 semaphore(%run_scoped3A_62 : memref<!tpu.dma_semaphore, #tpu.memory_space<semaphore_mem>>) src(%dma_wait3A_89 : memref<79x128xi32, #tpu.memory_space<hbm>>) dst(%dma_wait3A_85 : memref<79x128xi32, #tpu.memory_space<vmem>>)
      tpu.yield
    }) : () -> ()
    %barrier3A_32 = arith.constant 0 : index
    tpu.barrier barrier_id(%barrier3A_32)
    %dma_start3A_33 = arith.constant 0 : i32
    %dma_start3A_34 = arith.constant 0 : i32
    %dma_start3A_35 = arith.constant 0 : i32
    %dma_start3A_36 = arith.constant 0 : i32
    %dma_start3A_37 = tpu.memref_slice %arg10[%dma_start3A_34, %dma_start3A_35, %dma_start3A_36] : memref<2x128x80xf32, #tpu.memory_space<vmem>> -> memref<1x128x80xf32, #tpu.memory_space<vmem>>
    %dma_start3A_38 = tpu.memref_squeeze %dma_start3A_37 : memref<1x128x80xf32, #tpu.memory_space<vmem>> -> memref<128x80xf32, #tpu.memory_space<vmem>>
    %dma_start3A_39 = arith.constant 0 : i32
    %dma_start3A_40 = tpu.memref_slice %arg8[%dma_start3A_33, %dma_start3A_39] : memref<158x128xi32, #tpu.memory_space<vmem>> -> memref<1x128xi32, #tpu.memory_space<vmem>>
    %dma_start3A_41 = tpu.memref_squeeze %dma_start3A_40 : memref<1x128xi32, #tpu.memory_space<vmem>> -> memref<128xi32, #tpu.memory_space<vmem>>
    %dma_start3A_42 = arith.constant 0 : i32
    %dma_start3A_43 = arith.constant 0 : i32
    %dma_start3A_44 = tpu.memref_slice %arg2[%dma_start3A_42, %dma_start3A_43] : memref<80000x80xf32, #tpu.memory_space<hbm>> -> memref<80000x80xf32, #tpu.memory_space<hbm>>
    tpu.enqueue_indirect_dma source(%dma_start3A_44 : memref<80000x80xf32, #tpu.memory_space<hbm>>) target(%dma_start3A_38 : memref<128x80xf32, #tpu.memory_space<vmem>>) offsets(%dma_start3A_41 : memref<128xi32, #tpu.memory_space<vmem>>) semaphore(%arg12 : memref<!tpu.dma_semaphore, #tpu.memory_space<semaphore_mem>>)
    %scan3A_45 = arith.constant 0 : i32
    %scan3A_46 = arith.constant 79 : i32
    %scan3A_47 = arith.addi %scan3A_45, %scan3A_46 : i32
    %scan3A_48 = arith.constant 1 : i32
    scf.for %scan3A_62 = %scan3A_45 to %scan3A_47 step %scan3A_48  : i32 {
      %mul3A_63 = arith.constant 1 : i32
      %mul3A_64 = arith.muli %scan3A_62, %mul3A_63 : i32
      %add3A_65 = arith.constant 0 : i32
      %add3A_66 = arith.addi %add3A_65, %mul3A_64 : i32
      %mul3A_67 = arith.constant 2 : i32
      %mul3A_68 = arith.muli %mul3A_67, %add3A_66 : i32
      %add3A_69 = arith.constant 1 : i32
      %add3A_70 = arith.addi %mul3A_68, %add3A_69 : i32
      %dma_start3A_71 = arith.constant 1 : i32
      %dma_start3A_72 = arith.constant 0 : i32
      %dma_start3A_73 = arith.constant 0 : i32
      %dma_start3A_74 = tpu.memref_slice %arg10[%dma_start3A_71, %dma_start3A_72, %dma_start3A_73] : memref<2x128x80xf32, #tpu.memory_space<vmem>> -> memref<1x128x80xf32, #tpu.memory_space<vmem>>
      %dma_start3A_75 = tpu.memref_squeeze %dma_start3A_74 : memref<1x128x80xf32, #tpu.memory_space<vmem>> -> memref<128x80xf32, #tpu.memory_space<vmem>>
      %dma_start3A_76 = arith.constant 0 : i32
      %dma_start3A_77 = tpu.memref_slice %arg8[%add3A_70, %dma_start3A_76] : memref<158x128xi32, #tpu.memory_space<vmem>> -> memref<1x128xi32, #tpu.memory_space<vmem>>
      %dma_start3A_78 = tpu.memref_squeeze %dma_start3A_77 : memref<1x128xi32, #tpu.memory_space<vmem>> -> memref<128xi32, #tpu.memory_space<vmem>>
      %dma_start3A_79 = arith.constant 0 : i32
      %dma_start3A_80 = arith.constant 0 : i32
      %dma_start3A_81 = tpu.memref_slice %arg2[%dma_start3A_79, %dma_start3A_80] : memref<80000x80xf32, #tpu.memory_space<hbm>> -> memref<80000x80xf32, #tpu.memory_space<hbm>>
      tpu.enqueue_indirect_dma source(%dma_start3A_81 : memref<80000x80xf32, #tpu.memory_space<hbm>>) target(%dma_start3A_75 : memref<128x80xf32, #tpu.memory_space<vmem>>) offsets(%dma_start3A_78 : memref<128xi32, #tpu.memory_space<vmem>>) semaphore(%arg13 : memref<!tpu.dma_semaphore, #tpu.memory_space<semaphore_mem>>)
      %dma_wait3A = arith.constant 0 : i32
      %dma_wait3A_82 = arith.constant 0 : i32
      %dma_wait3A_83 = arith.constant 0 : i32
      %dma_wait3A_84 = arith.constant 0 : i32
      %dma_wait3A_85 = tpu.memref_slice %arg10[%dma_wait3A_82, %dma_wait3A_83, %dma_wait3A_84] : memref<2x128x80xf32, #tpu.memory_space<vmem>> -> memref<1x128x80xf32, #tpu.memory_space<vmem>>
      %dma_wait3A_86 = tpu.memref_squeeze %dma_wait3A_85 : memref<1x128x80xf32, #tpu.memory_space<vmem>> -> memref<128x80xf32, #tpu.memory_space<vmem>>
      %dma_wait3A_87 = arith.constant 0 : i32
      %dma_wait3A_88 = tpu.memref_slice %arg8[%dma_wait3A, %dma_wait3A_87] : memref<158x128xi32, #tpu.memory_space<vmem>> -> memref<1x128xi32, #tpu.memory_space<vmem>>
      %dma_wait3A_89 = tpu.memref_squeeze %dma_wait3A_88 : memref<1x128xi32, #tpu.memory_space<vmem>> -> memref<128xi32, #tpu.memory_space<vmem>>
      %dma_wait3A_90 = arith.constant 0 : i32
      %dma_wait3A_91 = arith.constant 0 : i32
      %dma_wait3A_92 = tpu.memref_slice %arg2[%dma_wait3A_90, %dma_wait3A_91] : memref<80000x80xf32, #tpu.memory_space<hbm>> -> memref<80000x80xf32, #tpu.memory_space<hbm>>
      tpu.wait_indirect_dma semaphore(%arg12 : memref<!tpu.dma_semaphore, #tpu.memory_space<semaphore_mem>>) src(%dma_wait3A_92 : memref<80000x80xf32, #tpu.memory_space<hbm>>) dst(%dma_wait3A_86 : memref<128x80xf32, #tpu.memory_space<vmem>>)
      %run_scoped3A_93 = arith.constant 0 : i32
      "tpu.region"() ({
        %run_scoped3A_114 = tpu.sem_alloc : memref<!tpu.dma_semaphore, #tpu.memory_space<semaphore_mem>>
        %dma_start3A_115 = arith.constant 0 : i32
        %dma_start3A_116 = arith.constant 0 : i32
        %dma_start3A_117 = tpu.memref_slice %arg10[%run_scoped3A_93, %dma_start3A_115, %dma_start3A_116] : memref<2x128x80xf32, #tpu.memory_space<vmem>> -> memref<1x128x80xf32, #tpu.memory_space<vmem>>
        %dma_start3A_118 = tpu.memref_squeeze %dma_start3A_117 : memref<1x128x80xf32, #tpu.memory_space<vmem>> -> memref<128x80xf32, #tpu.memory_space<vmem>>
        %dma_start3A_119 = arith.constant 0 : i32
        %dma_start3A_120 = tpu.memref_slice %arg9[%mul3A_68, %dma_start3A_119] : memref<158x128xi32, #tpu.memory_space<vmem>> -> memref<1x128xi32, #tpu.memory_space<vmem>>
        %dma_start3A_121 = tpu.memref_squeeze %dma_start3A_120 : memref<1x128xi32, #tpu.memory_space<vmem>> -> memref<128xi32, #tpu.memory_space<vmem>>
        %dma_start3A_122 = arith.constant 0 : i32
        %dma_start3A_123 = arith.constant 0 : i32
        %dma_start3A_124 = tpu.memref_slice %arg11[%dma_start3A_122, %dma_start3A_123] : memref<10112x80xf32, #tpu.memory_space<vmem_shared>> -> memref<10112x80xf32, #tpu.memory_space<vmem_shared>>
        tpu.enqueue_indirect_dma source(%dma_start3A_118 : memref<128x80xf32, #tpu.memory_space<vmem>>) target(%dma_start3A_124 : memref<10112x80xf32, #tpu.memory_space<vmem_shared>>) offsets(%dma_start3A_121 : memref<128xi32, #tpu.memory_space<vmem>>) semaphore(%run_scoped3A_114 : memref<!tpu.dma_semaphore, #tpu.memory_space<semaphore_mem>>) {add = true}
        %dma_wait3A_125 = arith.constant 0 : i32
        %dma_wait3A_126 = arith.constant 0 : i32
        %dma_wait3A_127 = tpu.memref_slice %arg10[%run_scoped3A_93, %dma_wait3A_125, %dma_wait3A_126] : memref<2x128x80xf32, #tpu.memory_space<vmem>> -> memref<1x128x80xf32, #tpu.memory_space<vmem>>
        %dma_wait3A_128 = tpu.memref_squeeze %dma_wait3A_127 : memref<1x128x80xf32, #tpu.memory_space<vmem>> -> memref<128x80xf32, #tpu.memory_space<vmem>>
        %dma_wait3A_129 = arith.constant 0 : i32
        %dma_wait3A_130 = tpu.memref_slice %arg9[%mul3A_68, %dma_wait3A_129] : memref<158x128xi32, #tpu.memory_space<vmem>> -> memref<1x128xi32, #tpu.memory_space<vmem>>
        %dma_wait3A_131 = tpu.memref_squeeze %dma_wait3A_130 : memref<1x128xi32, #tpu.memory_space<vmem>> -> memref<128xi32, #tpu.memory_space<vmem>>
        %dma_wait3A_132 = arith.constant 0 : i32
        %dma_wait3A_133 = arith.constant 0 : i32
        %dma_wait3A_134 = tpu.memref_slice %arg11[%dma_wait3A_132, %dma_wait3A_133] : memref<10112x80xf32, #tpu.memory_space<vmem_shared>> -> memref<10112x80xf32, #tpu.memory_space<vmem_shared>>
        tpu.wait_indirect_dma semaphore(%run_scoped3A_114 : memref<!tpu.dma_semaphore, #tpu.memory_space<semaphore_mem>>) src(%dma_wait3A_128 : memref<128x80xf32, #tpu.memory_space<vmem>>) dst(%dma_wait3A_134 : memref<10112x80xf32, #tpu.memory_space<vmem_shared>>)
        tpu.yield
      }) : () -> ()
      %lt3A_94 = arith.constant 78 : i32
      %lt3A_95 = arith.cmpi slt, %add3A_66, %lt3A_94 : i32
      %convert_element_type3A_96 = arith.extui %lt3A_95 : i1 to i32
      %cond3A_97 = arith.constant 0 : i32
      %cond3A_98 = arith.cmpi ne, %convert_element_type3A_96, %cond3A_97 : i32
      scf.if %cond3A_98 {
        %add3A_114 = arith.constant 2 : i32
        %add3A_115 = arith.addi %mul3A_68, %add3A_114 : i32
        %dma_start3A_116 = arith.constant 0 : i32
        %dma_start3A_117 = arith.constant 0 : i32
        %dma_start3A_118 = arith.constant 0 : i32
        %dma_start3A_119 = tpu.memref_slice %arg10[%dma_start3A_116, %dma_start3A_117, %dma_start3A_118] : memref<2x128x80xf32, #tpu.memory_space<vmem>> -> memref<1x128x80xf32, #tpu.memory_space<vmem>>
        %dma_start3A_120 = tpu.memref_squeeze %dma_start3A_119 : memref<1x128x80xf32, #tpu.memory_space<vmem>> -> memref<128x80xf32, #tpu.memory_space<vmem>>
        %dma_start3A_121 = arith.constant 0 : i32
        %dma_start3A_122 = tpu.memref_slice %arg8[%add3A_115, %dma_start3A_121] : memref<158x128xi32, #tpu.memory_space<vmem>> -> memref<1x128xi32, #tpu.memory_space<vmem>>
        %dma_start3A_123 = tpu.memref_squeeze %dma_start3A_122 : memref<1x128xi32, #tpu.memory_space<vmem>> -> memref<128xi32, #tpu.memory_space<vmem>>
        %dma_start3A_124 = arith.constant 0 : i32
        %dma_start3A_125 = arith.constant 0 : i32
        %dma_start3A_126 = tpu.memref_slice %arg2[%dma_start3A_124, %dma_start3A_125] : memref<80000x80xf32, #tpu.memory_space<hbm>> -> memref<80000x80xf32, #tpu.memory_space<hbm>>
        tpu.enqueue_indirect_dma source(%dma_start3A_126 : memref<80000x80xf32, #tpu.memory_space<hbm>>) target(%dma_start3A_120 : memref<128x80xf32, #tpu.memory_space<vmem>>) offsets(%dma_start3A_123 : memref<128xi32, #tpu.memory_space<vmem>>) semaphore(%arg12 : memref<!tpu.dma_semaphore, #tpu.memory_space<semaphore_mem>>)
      } else {
      }
      %dma_wait3A_99 = arith.constant 0 : i32
      %dma_wait3A_100 = arith.constant 1 : i32
      %dma_wait3A_101 = arith.constant 0 : i32
      %dma_wait3A_102 = arith.constant 0 : i32
      %dma_wait3A_103 = tpu.memref_slice %arg10[%dma_wait3A_100, %dma_wait3A_101, %dma_wait3A_102] : memref<2x128x80xf32, #tpu.memory_space<vmem>> -> memref<1x128x80xf32, #tpu.memory_space<vmem>>
      %dma_wait3A_104 = tpu.memref_squeeze %dma_wait3A_103 : memref<1x128x80xf32, #tpu.memory_space<vmem>> -> memref<128x80xf32, #tpu.memory_space<vmem>>
      %dma_wait3A_105 = arith.constant 0 : i32
      %dma_wait3A_106 = tpu.memref_slice %arg8[%dma_wait3A_99, %dma_wait3A_105] : memref<158x128xi32, #tpu.memory_space<vmem>> -> memref<1x128xi32, #tpu.memory_space<vmem>>
      %dma_wait3A_107 = tpu.memref_squeeze %dma_wait3A_106 : memref<1x128xi32, #tpu.memory_space<vmem>> -> memref<128xi32, #tpu.memory_space<vmem>>
      %dma_wait3A_108 = arith.constant 0 : i32
      %dma_wait3A_109 = arith.constant 0 : i32
      %dma_wait3A_110 = tpu.memref_slice %arg2[%dma_wait3A_108, %dma_wait3A_109] : memref<80000x80xf32, #tpu.memory_space<hbm>> -> memref<80000x80xf32, #tpu.memory_space<hbm>>
      tpu.wait_indirect_dma semaphore(%arg13 : memref<!tpu.dma_semaphore, #tpu.memory_space<semaphore_mem>>) src(%dma_wait3A_110 : memref<80000x80xf32, #tpu.memory_space<hbm>>) dst(%dma_wait3A_104 : memref<128x80xf32, #tpu.memory_space<vmem>>)
      %add3A_111 = arith.constant 1 : i32
      %add3A_112 = arith.addi %mul3A_68, %add3A_111 : i32
      %run_scoped3A_113 = arith.constant 1 : i32
      "tpu.region"() ({
        %run_scoped3A_114 = tpu.sem_alloc : memref<!tpu.dma_semaphore, #tpu.memory_space<semaphore_mem>>
        %dma_start3A_115 = arith.constant 0 : i32
        %dma_start3A_116 = arith.constant 0 : i32
        %dma_start3A_117 = tpu.memref_slice %arg10[%run_scoped3A_113, %dma_start3A_115, %dma_start3A_116] : memref<2x128x80xf32, #tpu.memory_space<vmem>> -> memref<1x128x80xf32, #tpu.memory_space<vmem>>
        %dma_start3A_118 = tpu.memref_squeeze %dma_start3A_117 : memref<1x128x80xf32, #tpu.memory_space<vmem>> -> memref<128x80xf32, #tpu.memory_space<vmem>>
        %dma_start3A_119 = arith.constant 0 : i32
        %dma_start3A_120 = tpu.memref_slice %arg9[%add3A_112, %dma_start3A_119] : memref<158x128xi32, #tpu.memory_space<vmem>> -> memref<1x128xi32, #tpu.memory_space<vmem>>
        %dma_start3A_121 = tpu.memref_squeeze %dma_start3A_120 : memref<1x128xi32, #tpu.memory_space<vmem>> -> memref<128xi32, #tpu.memory_space<vmem>>
        %dma_start3A_122 = arith.constant 0 : i32
        %dma_start3A_123 = arith.constant 0 : i32
        %dma_start3A_124 = tpu.memref_slice %arg11[%dma_start3A_122, %dma_start3A_123] : memref<10112x80xf32, #tpu.memory_space<vmem_shared>> -> memref<10112x80xf32, #tpu.memory_space<vmem_shared>>
        tpu.enqueue_indirect_dma source(%dma_start3A_118 : memref<128x80xf32, #tpu.memory_space<vmem>>) target(%dma_start3A_124 : memref<10112x80xf32, #tpu.memory_space<vmem_shared>>) offsets(%dma_start3A_121 : memref<128xi32, #tpu.memory_space<vmem>>) semaphore(%run_scoped3A_114 : memref<!tpu.dma_semaphore, #tpu.memory_space<semaphore_mem>>) {add = true}
        %dma_wait3A_125 = arith.constant 0 : i32
        %dma_wait3A_126 = arith.constant 0 : i32
        %dma_wait3A_127 = tpu.memref_slice %arg10[%run_scoped3A_113, %dma_wait3A_125, %dma_wait3A_126] : memref<2x128x80xf32, #tpu.memory_space<vmem>> -> memref<1x128x80xf32, #tpu.memory_space<vmem>>
        %dma_wait3A_128 = tpu.memref_squeeze %dma_wait3A_127 : memref<1x128x80xf32, #tpu.memory_space<vmem>> -> memref<128x80xf32, #tpu.memory_space<vmem>>
        %dma_wait3A_129 = arith.constant 0 : i32
        %dma_wait3A_130 = tpu.memref_slice %arg9[%add3A_112, %dma_wait3A_129] : memref<158x128xi32, #tpu.memory_space<vmem>> -> memref<1x128xi32, #tpu.memory_space<vmem>>
        %dma_wait3A_131 = tpu.memref_squeeze %dma_wait3A_130 : memref<1x128xi32, #tpu.memory_space<vmem>> -> memref<128xi32, #tpu.memory_space<vmem>>
        %dma_wait3A_132 = arith.constant 0 : i32
        %dma_wait3A_133 = arith.constant 0 : i32
        %dma_wait3A_134 = tpu.memref_slice %arg11[%dma_wait3A_132, %dma_wait3A_133] : memref<10112x80xf32, #tpu.memory_space<vmem_shared>> -> memref<10112x80xf32, #tpu.memory_space<vmem_shared>>
        tpu.wait_indirect_dma semaphore(%run_scoped3A_114 : memref<!tpu.dma_semaphore, #tpu.memory_space<semaphore_mem>>) src(%dma_wait3A_128 : memref<128x80xf32, #tpu.memory_space<vmem>>) dst(%dma_wait3A_134 : memref<10112x80xf32, #tpu.memory_space<vmem_shared>>)
        tpu.yield
      }) : () -> ()
    }
    %scan3A_49 = arith.constant 79 : i32
    %barrier3A_50 = arith.constant 0 : index
    tpu.barrier barrier_id(%barrier3A_50)
    %lt3A_51 = arith.constant 15 : i32
    %lt3A_52 = arith.cmpi slt, %arg1, %lt3A_51 : i32
    %convert_element_type3A_53 = arith.extui %lt3A_52 : i1 to i32
    %cond3A_54 = arith.constant 0 : i32
    %cond3A_55 = arith.cmpi ne, %convert_element_type3A_53, %cond3A_54 : i32
    scf.if %cond3A_55 {
      %mul3A_62 = arith.constant 632 : i32
      %mul3A_63 = arith.muli %arg1, %mul3A_62 : i32
      %mul3A_64 = arith.constant 632 : i32
      %mul3A_65 = arith.muli %arg1, %mul3A_64 : i32
      "tpu.region"() ({
        %run_scoped3A_66 = tpu.sem_alloc : memref<!tpu.dma_semaphore, #tpu.memory_space<semaphore_mem>>
        %dma_start3A_67 = arith.constant 80 : i32
        %dma_start3A_68 = tpu.memref_slice %arg7[%arg0, %mul3A_65, %dma_start3A_67] : memref<2x10000x160xf32, #tpu.memory_space<hbm>> -> memref<1x632x80xf32, #tpu.memory_space<hbm>>
        %dma_start3A_69 = tpu.memref_squeeze %dma_start3A_68 : memref<1x632x80xf32, #tpu.memory_space<hbm>> -> memref<632x80xf32, #tpu.memory_space<hbm>>
        %dma_start3A_70 = arith.constant 0 : i32
        %dma_start3A_71 = tpu.memref_slice %arg11[%mul3A_63, %dma_start3A_70] : memref<10112x80xf32, #tpu.memory_space<vmem_shared>> -> memref<632x80xf32, #tpu.memory_space<vmem_shared>>
        tpu.enqueue_dma source(%dma_start3A_71 : memref<632x80xf32, #tpu.memory_space<vmem_shared>>) target(%dma_start3A_69 : memref<632x80xf32, #tpu.memory_space<hbm>>) target_semaphore(%run_scoped3A_66 : memref<!tpu.dma_semaphore, #tpu.memory_space<semaphore_mem>>)
        %dma_wait3A = arith.constant 80 : i32
        %dma_wait3A_72 = tpu.memref_slice %arg7[%arg0, %mul3A_65, %dma_wait3A] : memref<2x10000x160xf32, #tpu.memory_space<hbm>> -> memref<1x632x80xf32, #tpu.memory_space<hbm>>
        %dma_wait3A_73 = tpu.memref_squeeze %dma_wait3A_72 : memref<1x632x80xf32, #tpu.memory_space<hbm>> -> memref<632x80xf32, #tpu.memory_space<hbm>>
        %dma_wait3A_74 = arith.constant 0 : i32
        %dma_wait3A_75 = tpu.memref_slice %arg11[%mul3A_63, %dma_wait3A_74] : memref<10112x80xf32, #tpu.memory_space<vmem_shared>> -> memref<632x80xf32, #tpu.memory_space<vmem_shared>>
        tpu.wait_dma2 semaphore(%run_scoped3A_66 : memref<!tpu.dma_semaphore, #tpu.memory_space<semaphore_mem>>) src(%dma_wait3A_75 : memref<632x80xf32, #tpu.memory_space<vmem_shared>>) dst(%dma_wait3A_73 : memref<632x80xf32, #tpu.memory_space<hbm>>)
        tpu.yield
      }) : () -> ()
    } else {
    }
    %eq3A_56 = arith.constant 15 : i32
    %eq3A_57 = arith.cmpi eq, %arg1, %eq3A_56 : i32
    %convert_element_type3A_58 = arith.extui %eq3A_57 : i1 to i32
    %cond3A_59 = arith.constant 0 : i32
    %cond3A_60 = arith.cmpi ne, %convert_element_type3A_58, %cond3A_59 : i32
    scf.if %cond3A_60 {
      "tpu.region"() ({
        %run_scoped3A_62 = tpu.sem_alloc : memref<!tpu.dma_semaphore, #tpu.memory_space<semaphore_mem>>
        %dma_start3A_63 = arith.constant 9480 : i32
        %dma_start3A_64 = arith.constant 80 : i32
        %dma_start3A_65 = tpu.memref_slice %arg7[%arg0, %dma_start3A_63, %dma_start3A_64] : memref<2x10000x160xf32, #tpu.memory_space<hbm>> -> memref<1x520x80xf32, #tpu.memory_space<hbm>>
        %dma_start3A_66 = tpu.memref_squeeze %dma_start3A_65 : memref<1x520x80xf32, #tpu.memory_space<hbm>> -> memref<520x80xf32, #tpu.memory_space<hbm>>
        %dma_start3A_67 = arith.constant 9480 : i32
        %dma_start3A_68 = arith.constant 0 : i32
        %dma_start3A_69 = tpu.memref_slice %arg11[%dma_start3A_67, %dma_start3A_68] : memref<10112x80xf32, #tpu.memory_space<vmem_shared>> -> memref<520x80xf32, #tpu.memory_space<vmem_shared>>
        tpu.enqueue_dma source(%dma_start3A_69 : memref<520x80xf32, #tpu.memory_space<vmem_shared>>) target(%dma_start3A_66 : memref<520x80xf32, #tpu.memory_space<hbm>>) target_semaphore(%run_scoped3A_62 : memref<!tpu.dma_semaphore, #tpu.memory_space<semaphore_mem>>)
        %dma_wait3A = arith.constant 9480 : i32
        %dma_wait3A_70 = arith.constant 80 : i32
        %dma_wait3A_71 = tpu.memref_slice %arg7[%arg0, %dma_wait3A, %dma_wait3A_70] : memref<2x10000x160xf32, #tpu.memory_space<hbm>> -> memref<1x520x80xf32, #tpu.memory_space<hbm>>
        %dma_wait3A_72 = tpu.memref_squeeze %dma_wait3A_71 : memref<1x520x80xf32, #tpu.memory_space<hbm>> -> memref<520x80xf32, #tpu.memory_space<hbm>>
        %dma_wait3A_73 = arith.constant 9480 : i32
        %dma_wait3A_74 = arith.constant 0 : i32
        %dma_wait3A_75 = tpu.memref_slice %arg11[%dma_wait3A_73, %dma_wait3A_74] : memref<10112x80xf32, #tpu.memory_space<vmem_shared>> -> memref<520x80xf32, #tpu.memory_space<vmem_shared>>
        tpu.wait_dma2 semaphore(%run_scoped3A_62 : memref<!tpu.dma_semaphore, #tpu.memory_space<semaphore_mem>>) src(%dma_wait3A_75 : memref<520x80xf32, #tpu.memory_space<vmem_shared>>) dst(%dma_wait3A_72 : memref<520x80xf32, #tpu.memory_space<hbm>>)
        tpu.yield
      }) : () -> ()
    } else {
    }
    %barrier3A_61 = arith.constant 0 : index
    tpu.barrier barrier_id(%barrier3A_61)
    return
  }
}

#map = affine_map<(d0, d1) -> (0, 0)>
#map1 = affine_map<(d0, d1) -> (0, 0, 0, 0, 0)>
#map2 = affine_map<(d0, d1) -> (0, 0, 0)>
module attributes {stable_mosaic.version = 14 : i64} {
  func.func @_sc_body(%arg0: i32, %arg1: i32, %arg2: memref<80000x80xf32, #tpu.memory_space<hbm>>, %arg3: memref<4x2x16x79x128xi32, #tpu.memory_space<hbm>>, %arg4: memref<4x2x16x79x128xi32, #tpu.memory_space<hbm>>, %arg5: memref<4x2x16x79x128xi32, #tpu.memory_space<hbm>>, %arg6: memref<632x80xf32, #tpu.memory_space<hbm>>, %arg7: memref<2x10000x160xf32, #tpu.memory_space<hbm>>, %arg8: memref<158x128xi32, #tpu.memory_space<vmem>>, %arg9: memref<158x128xi32, #tpu.memory_space<vmem>>, %arg10: memref<2x128x80xf32, #tpu.memory_space<vmem>>, %arg11: memref<10112x80xf32, #tpu.memory_space<vmem_shared>>, %arg12: memref<!tpu.dma_semaphore, #tpu.memory_space<semaphore_mem>>, %arg13: memref<!tpu.dma_semaphore, #tpu.memory_space<semaphore_mem>>) attributes {dimension_semantics = [#tpu.dimension_semantics<core_parallel>, #tpu.dimension_semantics<subcore_parallel>], iteration_bounds = array<i64: 2, 16>, scalar_prefetch = 0 : i64, scratch_operands = 6 : i64, tpu.core_type = #tpu.core_type<sc_vector_subcore>, window_params = [{transform_indices = #map}, {transform_indices = #map1}, {transform_indices = #map1}, {transform_indices = #map1}, {transform_indices = #map}, {transform_indices = #map2}]} {
    %add3A = arith.constant 0 : i32
    %add3A_0 = arith.addi %add3A, %arg0 : i32
    %run_scoped3A = arith.constant 0 : i32
    "tpu.region"() ({
      %run_scoped3A_62 = tpu.sem_alloc : memref<!tpu.dma_semaphore, #tpu.memory_space<semaphore_mem>>
      %dma_start3A_63 = arith.constant 0 : i32
      %dma_start3A_64 = arith.constant 0 : i32
      %dma_start3A_65 = tpu.memref_slice %arg9[%dma_start3A_63, %dma_start3A_64] : memref<158x128xi32, #tpu.memory_space<vmem>> -> memref<79x128xi32, #tpu.memory_space<vmem>>
      %dma_start3A_66 = arith.constant 0 : i32
      %dma_start3A_67 = arith.constant 0 : i32
      %dma_start3A_68 = tpu.memref_slice %arg5[%add3A_0, %run_scoped3A, %arg1, %dma_start3A_66, %dma_start3A_67] : memref<4x2x16x79x128xi32, #tpu.memory_space<hbm>> -> memref<1x1x1x79x128xi32, #tpu.memory_space<hbm>>
      %dma_start3A_69 = tpu.memref_squeeze %dma_start3A_68 : memref<1x1x1x79x128xi32, #tpu.memory_space<hbm>> -> memref<79x128xi32, #tpu.memory_space<hbm>>
      %dma_start3A_70 = arith.constant 0 : i32
      %dma_start3A_71 = arith.constant 0 : i32
      %dma_start3A_72 = tpu.memref_slice %arg9[%dma_start3A_70, %dma_start3A_71] : memref<158x128xi32, #tpu.memory_space<vmem>> -> memref<79x128xi32, #tpu.memory_space<vmem>>
      %dma_start3A_73 = arith.constant 0 : i32
      %dma_start3A_74 = arith.constant 0 : i32
      %dma_start3A_75 = tpu.memref_slice %arg5[%add3A_0, %run_scoped3A, %arg1, %dma_start3A_73, %dma_start3A_74] : memref<4x2x16x79x128xi32, #tpu.memory_space<hbm>> -> memref<1x1x1x79x128xi32, #tpu.memory_space<hbm>>
      %dma_start3A_76 = tpu.memref_squeeze %dma_start3A_75 : memref<1x1x1x79x128xi32, #tpu.memory_space<hbm>> -> memref<79x128xi32, #tpu.memory_space<hbm>>
      tpu.enqueue_dma source(%dma_start3A_76 : memref<79x128xi32, #tpu.memory_space<hbm>>) target(%dma_start3A_72 : memref<79x128xi32, #tpu.memory_space<vmem>>) target_semaphore(%run_scoped3A_62 : memref<!tpu.dma_semaphore, #tpu.memory_space<semaphore_mem>>)
      %dma_wait3A = arith.constant 0 : i32
      %dma_wait3A_77 = arith.constant 0 : i32
      %dma_wait3A_78 = tpu.memref_slice %arg9[%dma_wait3A, %dma_wait3A_77] : memref<158x128xi32, #tpu.memory_space<vmem>> -> memref<79x128xi32, #tpu.memory_space<vmem>>
      %dma_wait3A_79 = arith.constant 0 : i32
      %dma_wait3A_80 = arith.constant 0 : i32
      %dma_wait3A_81 = tpu.memref_slice %arg5[%add3A_0, %run_scoped3A, %arg1, %dma_wait3A_79, %dma_wait3A_80] : memref<4x2x16x79x128xi32, #tpu.memory_space<hbm>> -> memref<1x1x1x79x128xi32, #tpu.memory_space<hbm>>
      %dma_wait3A_82 = tpu.memref_squeeze %dma_wait3A_81 : memref<1x1x1x79x128xi32, #tpu.memory_space<hbm>> -> memref<79x128xi32, #tpu.memory_space<hbm>>
      %dma_wait3A_83 = arith.constant 0 : i32
      %dma_wait3A_84 = arith.constant 0 : i32
      %dma_wait3A_85 = tpu.memref_slice %arg9[%dma_wait3A_83, %dma_wait3A_84] : memref<158x128xi32, #tpu.memory_space<vmem>> -> memref<79x128xi32, #tpu.memory_space<vmem>>
      %dma_wait3A_86 = arith.constant 0 : i32
      %dma_wait3A_87 = arith.constant 0 : i32
      %dma_wait3A_88 = tpu.memref_slice %arg5[%add3A_0, %run_scoped3A, %arg1, %dma_wait3A_86, %dma_wait3A_87] : memref<4x2x16x79x128xi32, #tpu.memory_space<hbm>> -> memref<1x1x1x79x128xi32, #tpu.memory_space<hbm>>
      %dma_wait3A_89 = tpu.memref_squeeze %dma_wait3A_88 : memref<1x1x1x79x128xi32, #tpu.memory_space<hbm>> -> memref<79x128xi32, #tpu.memory_space<hbm>>
      tpu.wait_dma2 semaphore(%run_scoped3A_62 : memref<!tpu.dma_semaphore, #tpu.memory_space<semaphore_mem>>) src(%dma_wait3A_89 : memref<79x128xi32, #tpu.memory_space<hbm>>) dst(%dma_wait3A_85 : memref<79x128xi32, #tpu.memory_space<vmem>>)
      tpu.yield
    }) : () -> ()
    %run_scoped3A_1 = arith.constant 1 : i32
    "tpu.region"() ({
      %run_scoped3A_62 = tpu.sem_alloc : memref<!tpu.dma_semaphore, #tpu.memory_space<semaphore_mem>>
      %dma_start3A_63 = arith.constant 79 : i32
      %dma_start3A_64 = arith.constant 0 : i32
      %dma_start3A_65 = tpu.memref_slice %arg9[%dma_start3A_63, %dma_start3A_64] : memref<158x128xi32, #tpu.memory_space<vmem>> -> memref<79x128xi32, #tpu.memory_space<vmem>>
      %dma_start3A_66 = arith.constant 0 : i32
      %dma_start3A_67 = arith.constant 0 : i32
      %dma_start3A_68 = tpu.memref_slice %arg5[%add3A_0, %run_scoped3A_1, %arg1, %dma_start3A_66, %dma_start3A_67] : memref<4x2x16x79x128xi32, #tpu.memory_space<hbm>> -> memref<1x1x1x79x128xi32, #tpu.memory_space<hbm>>
      %dma_start3A_69 = tpu.memref_squeeze %dma_start3A_68 : memref<1x1x1x79x128xi32, #tpu.memory_space<hbm>> -> memref<79x128xi32, #tpu.memory_space<hbm>>
      %dma_start3A_70 = arith.constant 79 : i32
      %dma_start3A_71 = arith.constant 0 : i32
      %dma_start3A_72 = tpu.memref_slice %arg9[%dma_start3A_70, %dma_start3A_71] : memref<158x128xi32, #tpu.memory_space<vmem>> -> memref<79x128xi32, #tpu.memory_space<vmem>>
      %dma_start3A_73 = arith.constant 0 : i32
      %dma_start3A_74 = arith.constant 0 : i32
      %dma_start3A_75 = tpu.memref_slice %arg5[%add3A_0, %run_scoped3A_1, %arg1, %dma_start3A_73, %dma_start3A_74] : memref<4x2x16x79x128xi32, #tpu.memory_space<hbm>> -> memref<1x1x1x79x128xi32, #tpu.memory_space<hbm>>
      %dma_start3A_76 = tpu.memref_squeeze %dma_start3A_75 : memref<1x1x1x79x128xi32, #tpu.memory_space<hbm>> -> memref<79x128xi32, #tpu.memory_space<hbm>>
      tpu.enqueue_dma source(%dma_start3A_76 : memref<79x128xi32, #tpu.memory_space<hbm>>) target(%dma_start3A_72 : memref<79x128xi32, #tpu.memory_space<vmem>>) target_semaphore(%run_scoped3A_62 : memref<!tpu.dma_semaphore, #tpu.memory_space<semaphore_mem>>)
      %dma_wait3A = arith.constant 79 : i32
      %dma_wait3A_77 = arith.constant 0 : i32
      %dma_wait3A_78 = tpu.memref_slice %arg9[%dma_wait3A, %dma_wait3A_77] : memref<158x128xi32, #tpu.memory_space<vmem>> -> memref<79x128xi32, #tpu.memory_space<vmem>>
      %dma_wait3A_79 = arith.constant 0 : i32
      %dma_wait3A_80 = arith.constant 0 : i32
      %dma_wait3A_81 = tpu.memref_slice %arg5[%add3A_0, %run_scoped3A_1, %arg1, %dma_wait3A_79, %dma_wait3A_80] : memref<4x2x16x79x128xi32, #tpu.memory_space<hbm>> -> memref<1x1x1x79x128xi32, #tpu.memory_space<hbm>>
      %dma_wait3A_82 = tpu.memref_squeeze %dma_wait3A_81 : memref<1x1x1x79x128xi32, #tpu.memory_space<hbm>> -> memref<79x128xi32, #tpu.memory_space<hbm>>
      %dma_wait3A_83 = arith.constant 79 : i32
      %dma_wait3A_84 = arith.constant 0 : i32
      %dma_wait3A_85 = tpu.memref_slice %arg9[%dma_wait3A_83, %dma_wait3A_84] : memref<158x128xi32, #tpu.memory_space<vmem>> -> memref<79x128xi32, #tpu.memory_space<vmem>>
      %dma_wait3A_86 = arith.constant 0 : i32
      %dma_wait3A_87 = arith.constant 0 : i32
      %dma_wait3A_88 = tpu.memref_slice %arg5[%add3A_0, %run_scoped3A_1, %arg1, %dma_wait3A_86, %dma_wait3A_87] : memref<4x2x16x79x128xi32, #tpu.memory_space<hbm>> -> memref<1x1x1x79x128xi32, #tpu.memory_space<hbm>>
      %dma_wait3A_89 = tpu.memref_squeeze %dma_wait3A_88 : memref<1x1x1x79x128xi32, #tpu.memory_space<hbm>> -> memref<79x128xi32, #tpu.memory_space<hbm>>
      tpu.wait_dma2 semaphore(%run_scoped3A_62 : memref<!tpu.dma_semaphore, #tpu.memory_space<semaphore_mem>>) src(%dma_wait3A_89 : memref<79x128xi32, #tpu.memory_space<hbm>>) dst(%dma_wait3A_85 : memref<79x128xi32, #tpu.memory_space<vmem>>)
      tpu.yield
    }) : () -> ()
    %mul3A = arith.constant 632 : i32
    %mul3A_2 = arith.muli %arg1, %mul3A : i32
    "tpu.region"() ({
      %run_scoped3A_62 = tpu.sem_alloc : memref<!tpu.dma_semaphore, #tpu.memory_space<semaphore_mem>>
      %dma_start3A_63 = arith.constant 0 : i32
      %dma_start3A_64 = tpu.memref_slice %arg11[%mul3A_2, %dma_start3A_63] : memref<10112x80xf32, #tpu.memory_space<vmem_shared>> -> memref<632x80xf32, #tpu.memory_space<vmem_shared>>
      tpu.enqueue_dma source(%arg6 : memref<632x80xf32, #tpu.memory_space<hbm>>) target(%dma_start3A_64 : memref<632x80xf32, #tpu.memory_space<vmem_shared>>) target_semaphore(%run_scoped3A_62 : memref<!tpu.dma_semaphore, #tpu.memory_space<semaphore_mem>>)
      %dma_wait3A = arith.constant 0 : i32
      %dma_wait3A_65 = tpu.memref_slice %arg11[%mul3A_2, %dma_wait3A] : memref<10112x80xf32, #tpu.memory_space<vmem_shared>> -> memref<632x80xf32, #tpu.memory_space<vmem_shared>>
      tpu.wait_dma2 semaphore(%run_scoped3A_62 : memref<!tpu.dma_semaphore, #tpu.memory_space<semaphore_mem>>) src(%arg6 : memref<632x80xf32, #tpu.memory_space<hbm>>) dst(%dma_wait3A_65 : memref<632x80xf32, #tpu.memory_space<vmem_shared>>)
      tpu.yield
    }) : () -> ()
    %run_scoped3A_3 = arith.constant 0 : i32
    "tpu.region"() ({
      %run_scoped3A_62 = tpu.sem_alloc : memref<!tpu.dma_semaphore, #tpu.memory_space<semaphore_mem>>
      %dma_start3A_63 = arith.constant 0 : i32
      %dma_start3A_64 = arith.constant 0 : i32
      %dma_start3A_65 = tpu.memref_slice %arg8[%dma_start3A_63, %dma_start3A_64] : memref<158x128xi32, #tpu.memory_space<vmem>> -> memref<79x128xi32, #tpu.memory_space<vmem>>
      %dma_start3A_66 = arith.constant 0 : i32
      %dma_start3A_67 = arith.constant 0 : i32
      %dma_start3A_68 = tpu.memref_slice %arg3[%add3A_0, %run_scoped3A_3, %arg1, %dma_start3A_66, %dma_start3A_67] : memref<4x2x16x79x128xi32, #tpu.memory_space<hbm>> -> memref<1x1x1x79x128xi32, #tpu.memory_space<hbm>>
      %dma_start3A_69 = tpu.memref_squeeze %dma_start3A_68 : memref<1x1x1x79x128xi32, #tpu.memory_space<hbm>> -> memref<79x128xi32, #tpu.memory_space<hbm>>
      %dma_start3A_70 = arith.constant 0 : i32
      %dma_start3A_71 = arith.constant 0 : i32
      %dma_start3A_72 = tpu.memref_slice %arg8[%dma_start3A_70, %dma_start3A_71] : memref<158x128xi32, #tpu.memory_space<vmem>> -> memref<79x128xi32, #tpu.memory_space<vmem>>
      %dma_start3A_73 = arith.constant 0 : i32
      %dma_start3A_74 = arith.constant 0 : i32
      %dma_start3A_75 = tpu.memref_slice %arg3[%add3A_0, %run_scoped3A_3, %arg1, %dma_start3A_73, %dma_start3A_74] : memref<4x2x16x79x128xi32, #tpu.memory_space<hbm>> -> memref<1x1x1x79x128xi32, #tpu.memory_space<hbm>>
      %dma_start3A_76 = tpu.memref_squeeze %dma_start3A_75 : memref<1x1x1x79x128xi32, #tpu.memory_space<hbm>> -> memref<79x128xi32, #tpu.memory_space<hbm>>
      tpu.enqueue_dma source(%dma_start3A_76 : memref<79x128xi32, #tpu.memory_space<hbm>>) target(%dma_start3A_72 : memref<79x128xi32, #tpu.memory_space<vmem>>) target_semaphore(%run_scoped3A_62 : memref<!tpu.dma_semaphore, #tpu.memory_space<semaphore_mem>>)
      %dma_wait3A = arith.constant 0 : i32
      %dma_wait3A_77 = arith.constant 0 : i32
      %dma_wait3A_78 = tpu.memref_slice %arg8[%dma_wait3A, %dma_wait3A_77] : memref<158x128xi32, #tpu.memory_space<vmem>> -> memref<79x128xi32, #tpu.memory_space<vmem>>
      %dma_wait3A_79 = arith.constant 0 : i32
      %dma_wait3A_80 = arith.constant 0 : i32
      %dma_wait3A_81 = tpu.memref_slice %arg3[%add3A_0, %run_scoped3A_3, %arg1, %dma_wait3A_79, %dma_wait3A_80] : memref<4x2x16x79x128xi32, #tpu.memory_space<hbm>> -> memref<1x1x1x79x128xi32, #tpu.memory_space<hbm>>
      %dma_wait3A_82 = tpu.memref_squeeze %dma_wait3A_81 : memref<1x1x1x79x128xi32, #tpu.memory_space<hbm>> -> memref<79x128xi32, #tpu.memory_space<hbm>>
      %dma_wait3A_83 = arith.constant 0 : i32
      %dma_wait3A_84 = arith.constant 0 : i32
      %dma_wait3A_85 = tpu.memref_slice %arg8[%dma_wait3A_83, %dma_wait3A_84] : memref<158x128xi32, #tpu.memory_space<vmem>> -> memref<79x128xi32, #tpu.memory_space<vmem>>
      %dma_wait3A_86 = arith.constant 0 : i32
      %dma_wait3A_87 = arith.constant 0 : i32
      %dma_wait3A_88 = tpu.memref_slice %arg3[%add3A_0, %run_scoped3A_3, %arg1, %dma_wait3A_86, %dma_wait3A_87] : memref<4x2x16x79x128xi32, #tpu.memory_space<hbm>> -> memref<1x1x1x79x128xi32, #tpu.memory_space<hbm>>
      %dma_wait3A_89 = tpu.memref_squeeze %dma_wait3A_88 : memref<1x1x1x79x128xi32, #tpu.memory_space<hbm>> -> memref<79x128xi32, #tpu.memory_space<hbm>>
      tpu.wait_dma2 semaphore(%run_scoped3A_62 : memref<!tpu.dma_semaphore, #tpu.memory_space<semaphore_mem>>) src(%dma_wait3A_89 : memref<79x128xi32, #tpu.memory_space<hbm>>) dst(%dma_wait3A_85 : memref<79x128xi32, #tpu.memory_space<vmem>>)
      tpu.yield
    }) : () -> ()
    %run_scoped3A_4 = arith.constant 1 : i32
    "tpu.region"() ({
      %run_scoped3A_62 = tpu.sem_alloc : memref<!tpu.dma_semaphore, #tpu.memory_space<semaphore_mem>>
      %dma_start3A_63 = arith.constant 79 : i32
      %dma_start3A_64 = arith.constant 0 : i32
      %dma_start3A_65 = tpu.memref_slice %arg8[%dma_start3A_63, %dma_start3A_64] : memref<158x128xi32, #tpu.memory_space<vmem>> -> memref<79x128xi32, #tpu.memory_space<vmem>>
      %dma_start3A_66 = arith.constant 0 : i32
      %dma_start3A_67 = arith.constant 0 : i32
      %dma_start3A_68 = tpu.memref_slice %arg3[%add3A_0, %run_scoped3A_4, %arg1, %dma_start3A_66, %dma_start3A_67] : memref<4x2x16x79x128xi32, #tpu.memory_space<hbm>> -> memref<1x1x1x79x128xi32, #tpu.memory_space<hbm>>
      %dma_start3A_69 = tpu.memref_squeeze %dma_start3A_68 : memref<1x1x1x79x128xi32, #tpu.memory_space<hbm>> -> memref<79x128xi32, #tpu.memory_space<hbm>>
      %dma_start3A_70 = arith.constant 79 : i32
      %dma_start3A_71 = arith.constant 0 : i32
      %dma_start3A_72 = tpu.memref_slice %arg8[%dma_start3A_70, %dma_start3A_71] : memref<158x128xi32, #tpu.memory_space<vmem>> -> memref<79x128xi32, #tpu.memory_space<vmem>>
      %dma_start3A_73 = arith.constant 0 : i32
      %dma_start3A_74 = arith.constant 0 : i32
      %dma_start3A_75 = tpu.memref_slice %arg3[%add3A_0, %run_scoped3A_4, %arg1, %dma_start3A_73, %dma_start3A_74] : memref<4x2x16x79x128xi32, #tpu.memory_space<hbm>> -> memref<1x1x1x79x128xi32, #tpu.memory_space<hbm>>
      %dma_start3A_76 = tpu.memref_squeeze %dma_start3A_75 : memref<1x1x1x79x128xi32, #tpu.memory_space<hbm>> -> memref<79x128xi32, #tpu.memory_space<hbm>>
      tpu.enqueue_dma source(%dma_start3A_76 : memref<79x128xi32, #tpu.memory_space<hbm>>) target(%dma_start3A_72 : memref<79x128xi32, #tpu.memory_space<vmem>>) target_semaphore(%run_scoped3A_62 : memref<!tpu.dma_semaphore, #tpu.memory_space<semaphore_mem>>)
      %dma_wait3A = arith.constant 79 : i32
      %dma_wait3A_77 = arith.constant 0 : i32
      %dma_wait3A_78 = tpu.memref_slice %arg8[%dma_wait3A, %dma_wait3A_77] : memref<158x128xi32, #tpu.memory_space<vmem>> -> memref<79x128xi32, #tpu.memory_space<vmem>>
      %dma_wait3A_79 = arith.constant 0 : i32
      %dma_wait3A_80 = arith.constant 0 : i32
      %dma_wait3A_81 = tpu.memref_slice %arg3[%add3A_0, %run_scoped3A_4, %arg1, %dma_wait3A_79, %dma_wait3A_80] : memref<4x2x16x79x128xi32, #tpu.memory_space<hbm>> -> memref<1x1x1x79x128xi32, #tpu.memory_space<hbm>>
      %dma_wait3A_82 = tpu.memref_squeeze %dma_wait3A_81 : memref<1x1x1x79x128xi32, #tpu.memory_space<hbm>> -> memref<79x128xi32, #tpu.memory_space<hbm>>
      %dma_wait3A_83 = arith.constant 79 : i32
      %dma_wait3A_84 = arith.constant 0 : i32
      %dma_wait3A_85 = tpu.memref_slice %arg8[%dma_wait3A_83, %dma_wait3A_84] : memref<158x128xi32, #tpu.memory_space<vmem>> -> memref<79x128xi32, #tpu.memory_space<vmem>>
      %dma_wait3A_86 = arith.constant 0 : i32
      %dma_wait3A_87 = arith.constant 0 : i32
      %dma_wait3A_88 = tpu.memref_slice %arg3[%add3A_0, %run_scoped3A_4, %arg1, %dma_wait3A_86, %dma_wait3A_87] : memref<4x2x16x79x128xi32, #tpu.memory_space<hbm>> -> memref<1x1x1x79x128xi32, #tpu.memory_space<hbm>>
      %dma_wait3A_89 = tpu.memref_squeeze %dma_wait3A_88 : memref<1x1x1x79x128xi32, #tpu.memory_space<hbm>> -> memref<79x128xi32, #tpu.memory_space<hbm>>
      tpu.wait_dma2 semaphore(%run_scoped3A_62 : memref<!tpu.dma_semaphore, #tpu.memory_space<semaphore_mem>>) src(%dma_wait3A_89 : memref<79x128xi32, #tpu.memory_space<hbm>>) dst(%dma_wait3A_85 : memref<79x128xi32, #tpu.memory_space<vmem>>)
      tpu.yield
    }) : () -> ()
    %barrier3A = arith.constant 0 : index
    tpu.barrier barrier_id(%barrier3A)
    %dma_start3A = arith.constant 0 : i32
    %dma_start3A_5 = arith.constant 0 : i32
    %dma_start3A_6 = arith.constant 0 : i32
    %dma_start3A_7 = arith.constant 0 : i32
    %dma_start3A_8 = tpu.memref_slice %arg10[%dma_start3A_5, %dma_start3A_6, %dma_start3A_7] : memref<2x128x80xf32, #tpu.memory_space<vmem>> -> memref<1x128x80xf32, #tpu.memory_space<vmem>>
    %dma_start3A_9 = tpu.memref_squeeze %dma_start3A_8 : memref<1x128x80xf32, #tpu.memory_space<vmem>> -> memref<128x80xf32, #tpu.memory_space<vmem>>
    %dma_start3A_10 = arith.constant 0 : i32
    %dma_start3A_11 = tpu.memref_slice %arg8[%dma_start3A, %dma_start3A_10] : memref<158x128xi32, #tpu.memory_space<vmem>> -> memref<1x128xi32, #tpu.memory_space<vmem>>
    %dma_start3A_12 = tpu.memref_squeeze %dma_start3A_11 : memref<1x128xi32, #tpu.memory_space<vmem>> -> memref<128xi32, #tpu.memory_space<vmem>>
    %dma_start3A_13 = arith.constant 0 : i32
    %dma_start3A_14 = arith.constant 0 : i32
    %dma_start3A_15 = tpu.memref_slice %arg2[%dma_start3A_13, %dma_start3A_14] : memref<80000x80xf32, #tpu.memory_space<hbm>> -> memref<80000x80xf32, #tpu.memory_space<hbm>>
    tpu.enqueue_indirect_dma source(%dma_start3A_15 : memref<80000x80xf32, #tpu.memory_space<hbm>>) target(%dma_start3A_9 : memref<128x80xf32, #tpu.memory_space<vmem>>) offsets(%dma_start3A_12 : memref<128xi32, #tpu.memory_space<vmem>>) semaphore(%arg12 : memref<!tpu.dma_semaphore, #tpu.memory_space<semaphore_mem>>)
    %scan3A = arith.constant 0 : i32
    %scan3A_16 = arith.constant 79 : i32
    %scan3A_17 = arith.addi %scan3A, %scan3A_16 : i32
    %scan3A_18 = arith.constant 1 : i32
    scf.for %scan3A_62 = %scan3A to %scan3A_17 step %scan3A_18  : i32 {
      %mul3A_63 = arith.constant 1 : i32
      %mul3A_64 = arith.muli %scan3A_62, %mul3A_63 : i32
      %add3A_65 = arith.constant 0 : i32
      %add3A_66 = arith.addi %add3A_65, %mul3A_64 : i32
      %mul3A_67 = arith.constant 2 : i32
      %mul3A_68 = arith.muli %mul3A_67, %add3A_66 : i32
      %add3A_69 = arith.constant 1 : i32
      %add3A_70 = arith.addi %mul3A_68, %add3A_69 : i32
      %dma_start3A_71 = arith.constant 1 : i32
      %dma_start3A_72 = arith.constant 0 : i32
      %dma_start3A_73 = arith.constant 0 : i32
      %dma_start3A_74 = tpu.memref_slice %arg10[%dma_start3A_71, %dma_start3A_72, %dma_start3A_73] : memref<2x128x80xf32, #tpu.memory_space<vmem>> -> memref<1x128x80xf32, #tpu.memory_space<vmem>>
      %dma_start3A_75 = tpu.memref_squeeze %dma_start3A_74 : memref<1x128x80xf32, #tpu.memory_space<vmem>> -> memref<128x80xf32, #tpu.memory_space<vmem>>
      %dma_start3A_76 = arith.constant 0 : i32
      %dma_start3A_77 = tpu.memref_slice %arg8[%add3A_70, %dma_start3A_76] : memref<158x128xi32, #tpu.memory_space<vmem>> -> memref<1x128xi32, #tpu.memory_space<vmem>>
      %dma_start3A_78 = tpu.memref_squeeze %dma_start3A_77 : memref<1x128xi32, #tpu.memory_space<vmem>> -> memref<128xi32, #tpu.memory_space<vmem>>
      %dma_start3A_79 = arith.constant 0 : i32
      %dma_start3A_80 = arith.constant 0 : i32
      %dma_start3A_81 = tpu.memref_slice %arg2[%dma_start3A_79, %dma_start3A_80] : memref<80000x80xf32, #tpu.memory_space<hbm>> -> memref<80000x80xf32, #tpu.memory_space<hbm>>
      tpu.enqueue_indirect_dma source(%dma_start3A_81 : memref<80000x80xf32, #tpu.memory_space<hbm>>) target(%dma_start3A_75 : memref<128x80xf32, #tpu.memory_space<vmem>>) offsets(%dma_start3A_78 : memref<128xi32, #tpu.memory_space<vmem>>) semaphore(%arg13 : memref<!tpu.dma_semaphore, #tpu.memory_space<semaphore_mem>>)
      %dma_wait3A = arith.constant 0 : i32
      %dma_wait3A_82 = arith.constant 0 : i32
      %dma_wait3A_83 = arith.constant 0 : i32
      %dma_wait3A_84 = arith.constant 0 : i32
      %dma_wait3A_85 = tpu.memref_slice %arg10[%dma_wait3A_82, %dma_wait3A_83, %dma_wait3A_84] : memref<2x128x80xf32, #tpu.memory_space<vmem>> -> memref<1x128x80xf32, #tpu.memory_space<vmem>>
      %dma_wait3A_86 = tpu.memref_squeeze %dma_wait3A_85 : memref<1x128x80xf32, #tpu.memory_space<vmem>> -> memref<128x80xf32, #tpu.memory_space<vmem>>
      %dma_wait3A_87 = arith.constant 0 : i32
      %dma_wait3A_88 = tpu.memref_slice %arg8[%dma_wait3A, %dma_wait3A_87] : memref<158x128xi32, #tpu.memory_space<vmem>> -> memref<1x128xi32, #tpu.memory_space<vmem>>
      %dma_wait3A_89 = tpu.memref_squeeze %dma_wait3A_88 : memref<1x128xi32, #tpu.memory_space<vmem>> -> memref<128xi32, #tpu.memory_space<vmem>>
      %dma_wait3A_90 = arith.constant 0 : i32
      %dma_wait3A_91 = arith.constant 0 : i32
      %dma_wait3A_92 = tpu.memref_slice %arg2[%dma_wait3A_90, %dma_wait3A_91] : memref<80000x80xf32, #tpu.memory_space<hbm>> -> memref<80000x80xf32, #tpu.memory_space<hbm>>
      tpu.wait_indirect_dma semaphore(%arg12 : memref<!tpu.dma_semaphore, #tpu.memory_space<semaphore_mem>>) src(%dma_wait3A_92 : memref<80000x80xf32, #tpu.memory_space<hbm>>) dst(%dma_wait3A_86 : memref<128x80xf32, #tpu.memory_space<vmem>>)
      %run_scoped3A_93 = arith.constant 0 : i32
      "tpu.region"() ({
        %run_scoped3A_114 = tpu.sem_alloc : memref<!tpu.dma_semaphore, #tpu.memory_space<semaphore_mem>>
        %dma_start3A_115 = arith.constant 0 : i32
        %dma_start3A_116 = arith.constant 0 : i32
        %dma_start3A_117 = tpu.memref_slice %arg10[%run_scoped3A_93, %dma_start3A_115, %dma_start3A_116] : memref<2x128x80xf32, #tpu.memory_space<vmem>> -> memref<1x128x80xf32, #tpu.memory_space<vmem>>
        %dma_start3A_118 = tpu.memref_squeeze %dma_start3A_117 : memref<1x128x80xf32, #tpu.memory_space<vmem>> -> memref<128x80xf32, #tpu.memory_space<vmem>>
        %dma_start3A_119 = arith.constant 0 : i32
        %dma_start3A_120 = tpu.memref_slice %arg9[%mul3A_68, %dma_start3A_119] : memref<158x128xi32, #tpu.memory_space<vmem>> -> memref<1x128xi32, #tpu.memory_space<vmem>>
        %dma_start3A_121 = tpu.memref_squeeze %dma_start3A_120 : memref<1x128xi32, #tpu.memory_space<vmem>> -> memref<128xi32, #tpu.memory_space<vmem>>
        %dma_start3A_122 = arith.constant 0 : i32
        %dma_start3A_123 = arith.constant 0 : i32
        %dma_start3A_124 = tpu.memref_slice %arg11[%dma_start3A_122, %dma_start3A_123] : memref<10112x80xf32, #tpu.memory_space<vmem_shared>> -> memref<10112x80xf32, #tpu.memory_space<vmem_shared>>
        tpu.enqueue_indirect_dma source(%dma_start3A_118 : memref<128x80xf32, #tpu.memory_space<vmem>>) target(%dma_start3A_124 : memref<10112x80xf32, #tpu.memory_space<vmem_shared>>) offsets(%dma_start3A_121 : memref<128xi32, #tpu.memory_space<vmem>>) semaphore(%run_scoped3A_114 : memref<!tpu.dma_semaphore, #tpu.memory_space<semaphore_mem>>) {add = true}
        %dma_wait3A_125 = arith.constant 0 : i32
        %dma_wait3A_126 = arith.constant 0 : i32
        %dma_wait3A_127 = tpu.memref_slice %arg10[%run_scoped3A_93, %dma_wait3A_125, %dma_wait3A_126] : memref<2x128x80xf32, #tpu.memory_space<vmem>> -> memref<1x128x80xf32, #tpu.memory_space<vmem>>
        %dma_wait3A_128 = tpu.memref_squeeze %dma_wait3A_127 : memref<1x128x80xf32, #tpu.memory_space<vmem>> -> memref<128x80xf32, #tpu.memory_space<vmem>>
        %dma_wait3A_129 = arith.constant 0 : i32
        %dma_wait3A_130 = tpu.memref_slice %arg9[%mul3A_68, %dma_wait3A_129] : memref<158x128xi32, #tpu.memory_space<vmem>> -> memref<1x128xi32, #tpu.memory_space<vmem>>
        %dma_wait3A_131 = tpu.memref_squeeze %dma_wait3A_130 : memref<1x128xi32, #tpu.memory_space<vmem>> -> memref<128xi32, #tpu.memory_space<vmem>>
        %dma_wait3A_132 = arith.constant 0 : i32
        %dma_wait3A_133 = arith.constant 0 : i32
        %dma_wait3A_134 = tpu.memref_slice %arg11[%dma_wait3A_132, %dma_wait3A_133] : memref<10112x80xf32, #tpu.memory_space<vmem_shared>> -> memref<10112x80xf32, #tpu.memory_space<vmem_shared>>
        tpu.wait_indirect_dma semaphore(%run_scoped3A_114 : memref<!tpu.dma_semaphore, #tpu.memory_space<semaphore_mem>>) src(%dma_wait3A_128 : memref<128x80xf32, #tpu.memory_space<vmem>>) dst(%dma_wait3A_134 : memref<10112x80xf32, #tpu.memory_space<vmem_shared>>)
        tpu.yield
      }) : () -> ()
      %lt3A_94 = arith.constant 78 : i32
      %lt3A_95 = arith.cmpi slt, %add3A_66, %lt3A_94 : i32
      %convert_element_type3A_96 = arith.extui %lt3A_95 : i1 to i32
      %cond3A_97 = arith.constant 0 : i32
      %cond3A_98 = arith.cmpi ne, %convert_element_type3A_96, %cond3A_97 : i32
      scf.if %cond3A_98 {
        %add3A_114 = arith.constant 2 : i32
        %add3A_115 = arith.addi %mul3A_68, %add3A_114 : i32
        %dma_start3A_116 = arith.constant 0 : i32
        %dma_start3A_117 = arith.constant 0 : i32
        %dma_start3A_118 = arith.constant 0 : i32
        %dma_start3A_119 = tpu.memref_slice %arg10[%dma_start3A_116, %dma_start3A_117, %dma_start3A_118] : memref<2x128x80xf32, #tpu.memory_space<vmem>> -> memref<1x128x80xf32, #tpu.memory_space<vmem>>
        %dma_start3A_120 = tpu.memref_squeeze %dma_start3A_119 : memref<1x128x80xf32, #tpu.memory_space<vmem>> -> memref<128x80xf32, #tpu.memory_space<vmem>>
        %dma_start3A_121 = arith.constant 0 : i32
        %dma_start3A_122 = tpu.memref_slice %arg8[%add3A_115, %dma_start3A_121] : memref<158x128xi32, #tpu.memory_space<vmem>> -> memref<1x128xi32, #tpu.memory_space<vmem>>
        %dma_start3A_123 = tpu.memref_squeeze %dma_start3A_122 : memref<1x128xi32, #tpu.memory_space<vmem>> -> memref<128xi32, #tpu.memory_space<vmem>>
        %dma_start3A_124 = arith.constant 0 : i32
        %dma_start3A_125 = arith.constant 0 : i32
        %dma_start3A_126 = tpu.memref_slice %arg2[%dma_start3A_124, %dma_start3A_125] : memref<80000x80xf32, #tpu.memory_space<hbm>> -> memref<80000x80xf32, #tpu.memory_space<hbm>>
        tpu.enqueue_indirect_dma source(%dma_start3A_126 : memref<80000x80xf32, #tpu.memory_space<hbm>>) target(%dma_start3A_120 : memref<128x80xf32, #tpu.memory_space<vmem>>) offsets(%dma_start3A_123 : memref<128xi32, #tpu.memory_space<vmem>>) semaphore(%arg12 : memref<!tpu.dma_semaphore, #tpu.memory_space<semaphore_mem>>)
      } else {
      }
      %dma_wait3A_99 = arith.constant 0 : i32
      %dma_wait3A_100 = arith.constant 1 : i32
      %dma_wait3A_101 = arith.constant 0 : i32
      %dma_wait3A_102 = arith.constant 0 : i32
      %dma_wait3A_103 = tpu.memref_slice %arg10[%dma_wait3A_100, %dma_wait3A_101, %dma_wait3A_102] : memref<2x128x80xf32, #tpu.memory_space<vmem>> -> memref<1x128x80xf32, #tpu.memory_space<vmem>>
      %dma_wait3A_104 = tpu.memref_squeeze %dma_wait3A_103 : memref<1x128x80xf32, #tpu.memory_space<vmem>> -> memref<128x80xf32, #tpu.memory_space<vmem>>
      %dma_wait3A_105 = arith.constant 0 : i32
      %dma_wait3A_106 = tpu.memref_slice %arg8[%dma_wait3A_99, %dma_wait3A_105] : memref<158x128xi32, #tpu.memory_space<vmem>> -> memref<1x128xi32, #tpu.memory_space<vmem>>
      %dma_wait3A_107 = tpu.memref_squeeze %dma_wait3A_106 : memref<1x128xi32, #tpu.memory_space<vmem>> -> memref<128xi32, #tpu.memory_space<vmem>>
      %dma_wait3A_108 = arith.constant 0 : i32
      %dma_wait3A_109 = arith.constant 0 : i32
      %dma_wait3A_110 = tpu.memref_slice %arg2[%dma_wait3A_108, %dma_wait3A_109] : memref<80000x80xf32, #tpu.memory_space<hbm>> -> memref<80000x80xf32, #tpu.memory_space<hbm>>
      tpu.wait_indirect_dma semaphore(%arg13 : memref<!tpu.dma_semaphore, #tpu.memory_space<semaphore_mem>>) src(%dma_wait3A_110 : memref<80000x80xf32, #tpu.memory_space<hbm>>) dst(%dma_wait3A_104 : memref<128x80xf32, #tpu.memory_space<vmem>>)
      %add3A_111 = arith.constant 1 : i32
      %add3A_112 = arith.addi %mul3A_68, %add3A_111 : i32
      %run_scoped3A_113 = arith.constant 1 : i32
      "tpu.region"() ({
        %run_scoped3A_114 = tpu.sem_alloc : memref<!tpu.dma_semaphore, #tpu.memory_space<semaphore_mem>>
        %dma_start3A_115 = arith.constant 0 : i32
        %dma_start3A_116 = arith.constant 0 : i32
        %dma_start3A_117 = tpu.memref_slice %arg10[%run_scoped3A_113, %dma_start3A_115, %dma_start3A_116] : memref<2x128x80xf32, #tpu.memory_space<vmem>> -> memref<1x128x80xf32, #tpu.memory_space<vmem>>
        %dma_start3A_118 = tpu.memref_squeeze %dma_start3A_117 : memref<1x128x80xf32, #tpu.memory_space<vmem>> -> memref<128x80xf32, #tpu.memory_space<vmem>>
        %dma_start3A_119 = arith.constant 0 : i32
        %dma_start3A_120 = tpu.memref_slice %arg9[%add3A_112, %dma_start3A_119] : memref<158x128xi32, #tpu.memory_space<vmem>> -> memref<1x128xi32, #tpu.memory_space<vmem>>
        %dma_start3A_121 = tpu.memref_squeeze %dma_start3A_120 : memref<1x128xi32, #tpu.memory_space<vmem>> -> memref<128xi32, #tpu.memory_space<vmem>>
        %dma_start3A_122 = arith.constant 0 : i32
        %dma_start3A_123 = arith.constant 0 : i32
        %dma_start3A_124 = tpu.memref_slice %arg11[%dma_start3A_122, %dma_start3A_123] : memref<10112x80xf32, #tpu.memory_space<vmem_shared>> -> memref<10112x80xf32, #tpu.memory_space<vmem_shared>>
        tpu.enqueue_indirect_dma source(%dma_start3A_118 : memref<128x80xf32, #tpu.memory_space<vmem>>) target(%dma_start3A_124 : memref<10112x80xf32, #tpu.memory_space<vmem_shared>>) offsets(%dma_start3A_121 : memref<128xi32, #tpu.memory_space<vmem>>) semaphore(%run_scoped3A_114 : memref<!tpu.dma_semaphore, #tpu.memory_space<semaphore_mem>>) {add = true}
        %dma_wait3A_125 = arith.constant 0 : i32
        %dma_wait3A_126 = arith.constant 0 : i32
        %dma_wait3A_127 = tpu.memref_slice %arg10[%run_scoped3A_113, %dma_wait3A_125, %dma_wait3A_126] : memref<2x128x80xf32, #tpu.memory_space<vmem>> -> memref<1x128x80xf32, #tpu.memory_space<vmem>>
        %dma_wait3A_128 = tpu.memref_squeeze %dma_wait3A_127 : memref<1x128x80xf32, #tpu.memory_space<vmem>> -> memref<128x80xf32, #tpu.memory_space<vmem>>
        %dma_wait3A_129 = arith.constant 0 : i32
        %dma_wait3A_130 = tpu.memref_slice %arg9[%add3A_112, %dma_wait3A_129] : memref<158x128xi32, #tpu.memory_space<vmem>> -> memref<1x128xi32, #tpu.memory_space<vmem>>
        %dma_wait3A_131 = tpu.memref_squeeze %dma_wait3A_130 : memref<1x128xi32, #tpu.memory_space<vmem>> -> memref<128xi32, #tpu.memory_space<vmem>>
        %dma_wait3A_132 = arith.constant 0 : i32
        %dma_wait3A_133 = arith.constant 0 : i32
        %dma_wait3A_134 = tpu.memref_slice %arg11[%dma_wait3A_132, %dma_wait3A_133] : memref<10112x80xf32, #tpu.memory_space<vmem_shared>> -> memref<10112x80xf32, #tpu.memory_space<vmem_shared>>
        tpu.wait_indirect_dma semaphore(%run_scoped3A_114 : memref<!tpu.dma_semaphore, #tpu.memory_space<semaphore_mem>>) src(%dma_wait3A_128 : memref<128x80xf32, #tpu.memory_space<vmem>>) dst(%dma_wait3A_134 : memref<10112x80xf32, #tpu.memory_space<vmem_shared>>)
        tpu.yield
      }) : () -> ()
    }
    %scan3A_19 = arith.constant 79 : i32
    %barrier3A_20 = arith.constant 0 : index
    tpu.barrier barrier_id(%barrier3A_20)
    %lt3A = arith.constant 15 : i32
    %lt3A_21 = arith.cmpi slt, %arg1, %lt3A : i32
    %convert_element_type3A = arith.extui %lt3A_21 : i1 to i32
    %cond3A = arith.constant 0 : i32
    %cond3A_22 = arith.cmpi ne, %convert_element_type3A, %cond3A : i32
    scf.if %cond3A_22 {
      %mul3A_62 = arith.constant 632 : i32
      %mul3A_63 = arith.muli %arg1, %mul3A_62 : i32
      %mul3A_64 = arith.constant 632 : i32
      %mul3A_65 = arith.muli %arg1, %mul3A_64 : i32
      "tpu.region"() ({
        %run_scoped3A_66 = tpu.sem_alloc : memref<!tpu.dma_semaphore, #tpu.memory_space<semaphore_mem>>
        %dma_start3A_67 = arith.constant 0 : i32
        %dma_start3A_68 = tpu.memref_slice %arg7[%arg0, %mul3A_65, %dma_start3A_67] : memref<2x10000x160xf32, #tpu.memory_space<hbm>> -> memref<1x632x80xf32, #tpu.memory_space<hbm>>
        %dma_start3A_69 = tpu.memref_squeeze %dma_start3A_68 : memref<1x632x80xf32, #tpu.memory_space<hbm>> -> memref<632x80xf32, #tpu.memory_space<hbm>>
        %dma_start3A_70 = arith.constant 0 : i32
        %dma_start3A_71 = tpu.memref_slice %arg11[%mul3A_63, %dma_start3A_70] : memref<10112x80xf32, #tpu.memory_space<vmem_shared>> -> memref<632x80xf32, #tpu.memory_space<vmem_shared>>
        tpu.enqueue_dma source(%dma_start3A_71 : memref<632x80xf32, #tpu.memory_space<vmem_shared>>) target(%dma_start3A_69 : memref<632x80xf32, #tpu.memory_space<hbm>>) target_semaphore(%run_scoped3A_66 : memref<!tpu.dma_semaphore, #tpu.memory_space<semaphore_mem>>)
        %dma_wait3A = arith.constant 0 : i32
        %dma_wait3A_72 = tpu.memref_slice %arg7[%arg0, %mul3A_65, %dma_wait3A] : memref<2x10000x160xf32, #tpu.memory_space<hbm>> -> memref<1x632x80xf32, #tpu.memory_space<hbm>>
        %dma_wait3A_73 = tpu.memref_squeeze %dma_wait3A_72 : memref<1x632x80xf32, #tpu.memory_space<hbm>> -> memref<632x80xf32, #tpu.memory_space<hbm>>
        %dma_wait3A_74 = arith.constant 0 : i32
        %dma_wait3A_75 = tpu.memref_slice %arg11[%mul3A_63, %dma_wait3A_74] : memref<10112x80xf32, #tpu.memory_space<vmem_shared>> -> memref<632x80xf32, #tpu.memory_space<vmem_shared>>
        tpu.wait_dma2 semaphore(%run_scoped3A_66 : memref<!tpu.dma_semaphore, #tpu.memory_space<semaphore_mem>>) src(%dma_wait3A_75 : memref<632x80xf32, #tpu.memory_space<vmem_shared>>) dst(%dma_wait3A_73 : memref<632x80xf32, #tpu.memory_space<hbm>>)
        tpu.yield
      }) : () -> ()
    } else {
    }
    %eq3A = arith.constant 15 : i32
    %eq3A_23 = arith.cmpi eq, %arg1, %eq3A : i32
    %convert_element_type3A_24 = arith.extui %eq3A_23 : i1 to i32
    %cond3A_25 = arith.constant 0 : i32
    %cond3A_26 = arith.cmpi ne, %convert_element_type3A_24, %cond3A_25 : i32
    scf.if %cond3A_26 {
      "tpu.region"() ({
        %run_scoped3A_62 = tpu.sem_alloc : memref<!tpu.dma_semaphore, #tpu.memory_space<semaphore_mem>>
        %dma_start3A_63 = arith.constant 9480 : i32
        %dma_start3A_64 = arith.constant 0 : i32
        %dma_start3A_65 = tpu.memref_slice %arg7[%arg0, %dma_start3A_63, %dma_start3A_64] : memref<2x10000x160xf32, #tpu.memory_space<hbm>> -> memref<1x520x80xf32, #tpu.memory_space<hbm>>
        %dma_start3A_66 = tpu.memref_squeeze %dma_start3A_65 : memref<1x520x80xf32, #tpu.memory_space<hbm>> -> memref<520x80xf32, #tpu.memory_space<hbm>>
        %dma_start3A_67 = arith.constant 9480 : i32
        %dma_start3A_68 = arith.constant 0 : i32
        %dma_start3A_69 = tpu.memref_slice %arg11[%dma_start3A_67, %dma_start3A_68] : memref<10112x80xf32, #tpu.memory_space<vmem_shared>> -> memref<520x80xf32, #tpu.memory_space<vmem_shared>>
        tpu.enqueue_dma source(%dma_start3A_69 : memref<520x80xf32, #tpu.memory_space<vmem_shared>>) target(%dma_start3A_66 : memref<520x80xf32, #tpu.memory_space<hbm>>) target_semaphore(%run_scoped3A_62 : memref<!tpu.dma_semaphore, #tpu.memory_space<semaphore_mem>>)
        %dma_wait3A = arith.constant 9480 : i32
        %dma_wait3A_70 = arith.constant 0 : i32
        %dma_wait3A_71 = tpu.memref_slice %arg7[%arg0, %dma_wait3A, %dma_wait3A_70] : memref<2x10000x160xf32, #tpu.memory_space<hbm>> -> memref<1x520x80xf32, #tpu.memory_space<hbm>>
        %dma_wait3A_72 = tpu.memref_squeeze %dma_wait3A_71 : memref<1x520x80xf32, #tpu.memory_space<hbm>> -> memref<520x80xf32, #tpu.memory_space<hbm>>
        %dma_wait3A_73 = arith.constant 9480 : i32
        %dma_wait3A_74 = arith.constant 0 : i32
        %dma_wait3A_75 = tpu.memref_slice %arg11[%dma_wait3A_73, %dma_wait3A_74] : memref<10112x80xf32, #tpu.memory_space<vmem_shared>> -> memref<520x80xf32, #tpu.memory_space<vmem_shared>>
        tpu.wait_dma2 semaphore(%run_scoped3A_62 : memref<!tpu.dma_semaphore, #tpu.memory_space<semaphore_mem>>) src(%dma_wait3A_75 : memref<520x80xf32, #tpu.memory_space<vmem_shared>>) dst(%dma_wait3A_72 : memref<520x80xf32, #tpu.memory_space<hbm>>)
        tpu.yield
      }) : () -> ()
    } else {
    }
    %barrier3A_27 = arith.constant 0 : index
    tpu.barrier barrier_id(%barrier3A_27)
    %mul3A_28 = arith.constant 632 : i32
    %mul3A_29 = arith.muli %arg1, %mul3A_28 : i32
    "tpu.region"() ({
      %run_scoped3A_62 = tpu.sem_alloc : memref<!tpu.dma_semaphore, #tpu.memory_space<semaphore_mem>>
      %dma_start3A_63 = arith.constant 0 : i32
      %dma_start3A_64 = tpu.memref_slice %arg11[%mul3A_29, %dma_start3A_63] : memref<10112x80xf32, #tpu.memory_space<vmem_shared>> -> memref<632x80xf32, #tpu.memory_space<vmem_shared>>
      tpu.enqueue_dma source(%arg6 : memref<632x80xf32, #tpu.memory_space<hbm>>) target(%dma_start3A_64 : memref<632x80xf32, #tpu.memory_space<vmem_shared>>) target_semaphore(%run_scoped3A_62 : memref<!tpu.dma_semaphore, #tpu.memory_space<semaphore_mem>>)
      %dma_wait3A = arith.constant 0 : i32
      %dma_wait3A_65 = tpu.memref_slice %arg11[%mul3A_29, %dma_wait3A] : memref<10112x80xf32, #tpu.memory_space<vmem_shared>> -> memref<632x80xf32, #tpu.memory_space<vmem_shared>>
      tpu.wait_dma2 semaphore(%run_scoped3A_62 : memref<!tpu.dma_semaphore, #tpu.memory_space<semaphore_mem>>) src(%arg6 : memref<632x80xf32, #tpu.memory_space<hbm>>) dst(%dma_wait3A_65 : memref<632x80xf32, #tpu.memory_space<vmem_shared>>)
      tpu.yield
    }) : () -> ()
    %run_scoped3A_30 = arith.constant 0 : i32
    "tpu.region"() ({
      %run_scoped3A_62 = tpu.sem_alloc : memref<!tpu.dma_semaphore, #tpu.memory_space<semaphore_mem>>
      %dma_start3A_63 = arith.constant 0 : i32
      %dma_start3A_64 = arith.constant 0 : i32
      %dma_start3A_65 = tpu.memref_slice %arg8[%dma_start3A_63, %dma_start3A_64] : memref<158x128xi32, #tpu.memory_space<vmem>> -> memref<79x128xi32, #tpu.memory_space<vmem>>
      %dma_start3A_66 = arith.constant 0 : i32
      %dma_start3A_67 = arith.constant 0 : i32
      %dma_start3A_68 = tpu.memref_slice %arg4[%add3A_0, %run_scoped3A_30, %arg1, %dma_start3A_66, %dma_start3A_67] : memref<4x2x16x79x128xi32, #tpu.memory_space<hbm>> -> memref<1x1x1x79x128xi32, #tpu.memory_space<hbm>>
      %dma_start3A_69 = tpu.memref_squeeze %dma_start3A_68 : memref<1x1x1x79x128xi32, #tpu.memory_space<hbm>> -> memref<79x128xi32, #tpu.memory_space<hbm>>
      %dma_start3A_70 = arith.constant 0 : i32
      %dma_start3A_71 = arith.constant 0 : i32
      %dma_start3A_72 = tpu.memref_slice %arg8[%dma_start3A_70, %dma_start3A_71] : memref<158x128xi32, #tpu.memory_space<vmem>> -> memref<79x128xi32, #tpu.memory_space<vmem>>
      %dma_start3A_73 = arith.constant 0 : i32
      %dma_start3A_74 = arith.constant 0 : i32
      %dma_start3A_75 = tpu.memref_slice %arg4[%add3A_0, %run_scoped3A_30, %arg1, %dma_start3A_73, %dma_start3A_74] : memref<4x2x16x79x128xi32, #tpu.memory_space<hbm>> -> memref<1x1x1x79x128xi32, #tpu.memory_space<hbm>>
      %dma_start3A_76 = tpu.memref_squeeze %dma_start3A_75 : memref<1x1x1x79x128xi32, #tpu.memory_space<hbm>> -> memref<79x128xi32, #tpu.memory_space<hbm>>
      tpu.enqueue_dma source(%dma_start3A_76 : memref<79x128xi32, #tpu.memory_space<hbm>>) target(%dma_start3A_72 : memref<79x128xi32, #tpu.memory_space<vmem>>) target_semaphore(%run_scoped3A_62 : memref<!tpu.dma_semaphore, #tpu.memory_space<semaphore_mem>>)
      %dma_wait3A = arith.constant 0 : i32
      %dma_wait3A_77 = arith.constant 0 : i32
      %dma_wait3A_78 = tpu.memref_slice %arg8[%dma_wait3A, %dma_wait3A_77] : memref<158x128xi32, #tpu.memory_space<vmem>> -> memref<79x128xi32, #tpu.memory_space<vmem>>
      %dma_wait3A_79 = arith.constant 0 : i32
      %dma_wait3A_80 = arith.constant 0 : i32
      %dma_wait3A_81 = tpu.memref_slice %arg4[%add3A_0, %run_scoped3A_30, %arg1, %dma_wait3A_79, %dma_wait3A_80] : memref<4x2x16x79x128xi32, #tpu.memory_space<hbm>> -> memref<1x1x1x79x128xi32, #tpu.memory_space<hbm>>
      %dma_wait3A_82 = tpu.memref_squeeze %dma_wait3A_81 : memref<1x1x1x79x128xi32, #tpu.memory_space<hbm>> -> memref<79x128xi32, #tpu.memory_space<hbm>>
      %dma_wait3A_83 = arith.constant 0 : i32
      %dma_wait3A_84 = arith.constant 0 : i32
      %dma_wait3A_85 = tpu.memref_slice %arg8[%dma_wait3A_83, %dma_wait3A_84] : memref<158x128xi32, #tpu.memory_space<vmem>> -> memref<79x128xi32, #tpu.memory_space<vmem>>
      %dma_wait3A_86 = arith.constant 0 : i32
      %dma_wait3A_87 = arith.constant 0 : i32
      %dma_wait3A_88 = tpu.memref_slice %arg4[%add3A_0, %run_scoped3A_30, %arg1, %dma_wait3A_86, %dma_wait3A_87] : memref<4x2x16x79x128xi32, #tpu.memory_space<hbm>> -> memref<1x1x1x79x128xi32, #tpu.memory_space<hbm>>
      %dma_wait3A_89 = tpu.memref_squeeze %dma_wait3A_88 : memref<1x1x1x79x128xi32, #tpu.memory_space<hbm>> -> memref<79x128xi32, #tpu.memory_space<hbm>>
      tpu.wait_dma2 semaphore(%run_scoped3A_62 : memref<!tpu.dma_semaphore, #tpu.memory_space<semaphore_mem>>) src(%dma_wait3A_89 : memref<79x128xi32, #tpu.memory_space<hbm>>) dst(%dma_wait3A_85 : memref<79x128xi32, #tpu.memory_space<vmem>>)
      tpu.yield
    }) : () -> ()
    %run_scoped3A_31 = arith.constant 1 : i32
    "tpu.region"() ({
      %run_scoped3A_62 = tpu.sem_alloc : memref<!tpu.dma_semaphore, #tpu.memory_space<semaphore_mem>>
      %dma_start3A_63 = arith.constant 79 : i32
      %dma_start3A_64 = arith.constant 0 : i32
      %dma_start3A_65 = tpu.memref_slice %arg8[%dma_start3A_63, %dma_start3A_64] : memref<158x128xi32, #tpu.memory_space<vmem>> -> memref<79x128xi32, #tpu.memory_space<vmem>>
      %dma_start3A_66 = arith.constant 0 : i32
      %dma_start3A_67 = arith.constant 0 : i32
      %dma_start3A_68 = tpu.memref_slice %arg4[%add3A_0, %run_scoped3A_31, %arg1, %dma_start3A_66, %dma_start3A_67] : memref<4x2x16x79x128xi32, #tpu.memory_space<hbm>> -> memref<1x1x1x79x128xi32, #tpu.memory_space<hbm>>
      %dma_start3A_69 = tpu.memref_squeeze %dma_start3A_68 : memref<1x1x1x79x128xi32, #tpu.memory_space<hbm>> -> memref<79x128xi32, #tpu.memory_space<hbm>>
      %dma_start3A_70 = arith.constant 79 : i32
      %dma_start3A_71 = arith.constant 0 : i32
      %dma_start3A_72 = tpu.memref_slice %arg8[%dma_start3A_70, %dma_start3A_71] : memref<158x128xi32, #tpu.memory_space<vmem>> -> memref<79x128xi32, #tpu.memory_space<vmem>>
      %dma_start3A_73 = arith.constant 0 : i32
      %dma_start3A_74 = arith.constant 0 : i32
      %dma_start3A_75 = tpu.memref_slice %arg4[%add3A_0, %run_scoped3A_31, %arg1, %dma_start3A_73, %dma_start3A_74] : memref<4x2x16x79x128xi32, #tpu.memory_space<hbm>> -> memref<1x1x1x79x128xi32, #tpu.memory_space<hbm>>
      %dma_start3A_76 = tpu.memref_squeeze %dma_start3A_75 : memref<1x1x1x79x128xi32, #tpu.memory_space<hbm>> -> memref<79x128xi32, #tpu.memory_space<hbm>>
      tpu.enqueue_dma source(%dma_start3A_76 : memref<79x128xi32, #tpu.memory_space<hbm>>) target(%dma_start3A_72 : memref<79x128xi32, #tpu.memory_space<vmem>>) target_semaphore(%run_scoped3A_62 : memref<!tpu.dma_semaphore, #tpu.memory_space<semaphore_mem>>)
      %dma_wait3A = arith.constant 79 : i32
      %dma_wait3A_77 = arith.constant 0 : i32
      %dma_wait3A_78 = tpu.memref_slice %arg8[%dma_wait3A, %dma_wait3A_77] : memref<158x128xi32, #tpu.memory_space<vmem>> -> memref<79x128xi32, #tpu.memory_space<vmem>>
      %dma_wait3A_79 = arith.constant 0 : i32
      %dma_wait3A_80 = arith.constant 0 : i32
      %dma_wait3A_81 = tpu.memref_slice %arg4[%add3A_0, %run_scoped3A_31, %arg1, %dma_wait3A_79, %dma_wait3A_80] : memref<4x2x16x79x128xi32, #tpu.memory_space<hbm>> -> memref<1x1x1x79x128xi32, #tpu.memory_space<hbm>>
      %dma_wait3A_82 = tpu.memref_squeeze %dma_wait3A_81 : memref<1x1x1x79x128xi32, #tpu.memory_space<hbm>> -> memref<79x128xi32, #tpu.memory_space<hbm>>
      %dma_wait3A_83 = arith.constant 79 : i32
      %dma_wait3A_84 = arith.constant 0 : i32
      %dma_wait3A_85 = tpu.memref_slice %arg8[%dma_wait3A_83, %dma_wait3A_84] : memref<158x128xi32, #tpu.memory_space<vmem>> -> memref<79x128xi32, #tpu.memory_space<vmem>>
      %dma_wait3A_86 = arith.constant 0 : i32
      %dma_wait3A_87 = arith.constant 0 : i32
      %dma_wait3A_88 = tpu.memref_slice %arg4[%add3A_0, %run_scoped3A_31, %arg1, %dma_wait3A_86, %dma_wait3A_87] : memref<4x2x16x79x128xi32, #tpu.memory_space<hbm>> -> memref<1x1x1x79x128xi32, #tpu.memory_space<hbm>>
      %dma_wait3A_89 = tpu.memref_squeeze %dma_wait3A_88 : memref<1x1x1x79x128xi32, #tpu.memory_space<hbm>> -> memref<79x128xi32, #tpu.memory_space<hbm>>
      tpu.wait_dma2 semaphore(%run_scoped3A_62 : memref<!tpu.dma_semaphore, #tpu.memory_space<semaphore_mem>>) src(%dma_wait3A_89 : memref<79x128xi32, #tpu.memory_space<hbm>>) dst(%dma_wait3A_85 : memref<79x128xi32, #tpu.memory_space<vmem>>)
      tpu.yield
    }) : () -> ()
    %barrier3A_32 = arith.constant 0 : index
    tpu.barrier barrier_id(%barrier3A_32)
    %dma_start3A_33 = arith.constant 0 : i32
    %dma_start3A_34 = arith.constant 0 : i32
    %dma_start3A_35 = arith.constant 0 : i32
    %dma_start3A_36 = arith.constant 0 : i32
    %dma_start3A_37 = tpu.memref_slice %arg10[%dma_start3A_34, %dma_start3A_35, %dma_start3A_36] : memref<2x128x80xf32, #tpu.memory_space<vmem>> -> memref<1x128x80xf32, #tpu.memory_space<vmem>>
    %dma_start3A_38 = tpu.memref_squeeze %dma_start3A_37 : memref<1x128x80xf32, #tpu.memory_space<vmem>> -> memref<128x80xf32, #tpu.memory_space<vmem>>
    %dma_start3A_39 = arith.constant 0 : i32
    %dma_start3A_40 = tpu.memref_slice %arg8[%dma_start3A_33, %dma_start3A_39] : memref<158x128xi32, #tpu.memory_space<vmem>> -> memref<1x128xi32, #tpu.memory_space<vmem>>
    %dma_start3A_41 = tpu.memref_squeeze %dma_start3A_40 : memref<1x128xi32, #tpu.memory_space<vmem>> -> memref<128xi32, #tpu.memory_space<vmem>>
    %dma_start3A_42 = arith.constant 0 : i32
    %dma_start3A_43 = arith.constant 0 : i32
    %dma_start3A_44 = tpu.memref_slice %arg2[%dma_start3A_42, %dma_start3A_43] : memref<80000x80xf32, #tpu.memory_space<hbm>> -> memref<80000x80xf32, #tpu.memory_space<hbm>>
    tpu.enqueue_indirect_dma source(%dma_start3A_44 : memref<80000x80xf32, #tpu.memory_space<hbm>>) target(%dma_start3A_38 : memref<128x80xf32, #tpu.memory_space<vmem>>) offsets(%dma_start3A_41 : memref<128xi32, #tpu.memory_space<vmem>>) semaphore(%arg12 : memref<!tpu.dma_semaphore, #tpu.memory_space<semaphore_mem>>)
    %scan3A_45 = arith.constant 0 : i32
    %scan3A_46 = arith.constant 79 : i32
    %scan3A_47 = arith.addi %scan3A_45, %scan3A_46 : i32
    %scan3A_48 = arith.constant 1 : i32
    scf.for %scan3A_62 = %scan3A_45 to %scan3A_47 step %scan3A_48  : i32 {
      %mul3A_63 = arith.constant 1 : i32
      %mul3A_64 = arith.muli %scan3A_62, %mul3A_63 : i32
      %add3A_65 = arith.constant 0 : i32
      %add3A_66 = arith.addi %add3A_65, %mul3A_64 : i32
      %mul3A_67 = arith.constant 2 : i32
      %mul3A_68 = arith.muli %mul3A_67, %add3A_66 : i32
      %add3A_69 = arith.constant 1 : i32
      %add3A_70 = arith.addi %mul3A_68, %add3A_69 : i32
      %dma_start3A_71 = arith.constant 1 : i32
      %dma_start3A_72 = arith.constant 0 : i32
      %dma_start3A_73 = arith.constant 0 : i32
      %dma_start3A_74 = tpu.memref_slice %arg10[%dma_start3A_71, %dma_start3A_72, %dma_start3A_73] : memref<2x128x80xf32, #tpu.memory_space<vmem>> -> memref<1x128x80xf32, #tpu.memory_space<vmem>>
      %dma_start3A_75 = tpu.memref_squeeze %dma_start3A_74 : memref<1x128x80xf32, #tpu.memory_space<vmem>> -> memref<128x80xf32, #tpu.memory_space<vmem>>
      %dma_start3A_76 = arith.constant 0 : i32
      %dma_start3A_77 = tpu.memref_slice %arg8[%add3A_70, %dma_start3A_76] : memref<158x128xi32, #tpu.memory_space<vmem>> -> memref<1x128xi32, #tpu.memory_space<vmem>>
      %dma_start3A_78 = tpu.memref_squeeze %dma_start3A_77 : memref<1x128xi32, #tpu.memory_space<vmem>> -> memref<128xi32, #tpu.memory_space<vmem>>
      %dma_start3A_79 = arith.constant 0 : i32
      %dma_start3A_80 = arith.constant 0 : i32
      %dma_start3A_81 = tpu.memref_slice %arg2[%dma_start3A_79, %dma_start3A_80] : memref<80000x80xf32, #tpu.memory_space<hbm>> -> memref<80000x80xf32, #tpu.memory_space<hbm>>
      tpu.enqueue_indirect_dma source(%dma_start3A_81 : memref<80000x80xf32, #tpu.memory_space<hbm>>) target(%dma_start3A_75 : memref<128x80xf32, #tpu.memory_space<vmem>>) offsets(%dma_start3A_78 : memref<128xi32, #tpu.memory_space<vmem>>) semaphore(%arg13 : memref<!tpu.dma_semaphore, #tpu.memory_space<semaphore_mem>>)
      %dma_wait3A = arith.constant 0 : i32
      %dma_wait3A_82 = arith.constant 0 : i32
      %dma_wait3A_83 = arith.constant 0 : i32
      %dma_wait3A_84 = arith.constant 0 : i32
      %dma_wait3A_85 = tpu.memref_slice %arg10[%dma_wait3A_82, %dma_wait3A_83, %dma_wait3A_84] : memref<2x128x80xf32, #tpu.memory_space<vmem>> -> memref<1x128x80xf32, #tpu.memory_space<vmem>>
      %dma_wait3A_86 = tpu.memref_squeeze %dma_wait3A_85 : memref<1x128x80xf32, #tpu.memory_space<vmem>> -> memref<128x80xf32, #tpu.memory_space<vmem>>
      %dma_wait3A_87 = arith.constant 0 : i32
      %dma_wait3A_88 = tpu.memref_slice %arg8[%dma_wait3A, %dma_wait3A_87] : memref<158x128xi32, #tpu.memory_space<vmem>> -> memref<1x128xi32, #tpu.memory_space<vmem>>
      %dma_wait3A_89 = tpu.memref_squeeze %dma_wait3A_88 : memref<1x128xi32, #tpu.memory_space<vmem>> -> memref<128xi32, #tpu.memory_space<vmem>>
      %dma_wait3A_90 = arith.constant 0 : i32
      %dma_wait3A_91 = arith.constant 0 : i32
      %dma_wait3A_92 = tpu.memref_slice %arg2[%dma_wait3A_90, %dma_wait3A_91] : memref<80000x80xf32, #tpu.memory_space<hbm>> -> memref<80000x80xf32, #tpu.memory_space<hbm>>
      tpu.wait_indirect_dma semaphore(%arg12 : memref<!tpu.dma_semaphore, #tpu.memory_space<semaphore_mem>>) src(%dma_wait3A_92 : memref<80000x80xf32, #tpu.memory_space<hbm>>) dst(%dma_wait3A_86 : memref<128x80xf32, #tpu.memory_space<vmem>>)
      %run_scoped3A_93 = arith.constant 0 : i32
      "tpu.region"() ({
        %run_scoped3A_114 = tpu.sem_alloc : memref<!tpu.dma_semaphore, #tpu.memory_space<semaphore_mem>>
        %dma_start3A_115 = arith.constant 0 : i32
        %dma_start3A_116 = arith.constant 0 : i32
        %dma_start3A_117 = tpu.memref_slice %arg10[%run_scoped3A_93, %dma_start3A_115, %dma_start3A_116] : memref<2x128x80xf32, #tpu.memory_space<vmem>> -> memref<1x128x80xf32, #tpu.memory_space<vmem>>
        %dma_start3A_118 = tpu.memref_squeeze %dma_start3A_117 : memref<1x128x80xf32, #tpu.memory_space<vmem>> -> memref<128x80xf32, #tpu.memory_space<vmem>>
        %dma_start3A_119 = arith.constant 0 : i32
        %dma_start3A_120 = tpu.memref_slice %arg9[%mul3A_68, %dma_start3A_119] : memref<158x128xi32, #tpu.memory_space<vmem>> -> memref<1x128xi32, #tpu.memory_space<vmem>>
        %dma_start3A_121 = tpu.memref_squeeze %dma_start3A_120 : memref<1x128xi32, #tpu.memory_space<vmem>> -> memref<128xi32, #tpu.memory_space<vmem>>
        %dma_start3A_122 = arith.constant 0 : i32
        %dma_start3A_123 = arith.constant 0 : i32
        %dma_start3A_124 = tpu.memref_slice %arg11[%dma_start3A_122, %dma_start3A_123] : memref<10112x80xf32, #tpu.memory_space<vmem_shared>> -> memref<10112x80xf32, #tpu.memory_space<vmem_shared>>
        tpu.enqueue_indirect_dma source(%dma_start3A_118 : memref<128x80xf32, #tpu.memory_space<vmem>>) target(%dma_start3A_124 : memref<10112x80xf32, #tpu.memory_space<vmem_shared>>) offsets(%dma_start3A_121 : memref<128xi32, #tpu.memory_space<vmem>>) semaphore(%run_scoped3A_114 : memref<!tpu.dma_semaphore, #tpu.memory_space<semaphore_mem>>) {add = true}
        %dma_wait3A_125 = arith.constant 0 : i32
        %dma_wait3A_126 = arith.constant 0 : i32
        %dma_wait3A_127 = tpu.memref_slice %arg10[%run_scoped3A_93, %dma_wait3A_125, %dma_wait3A_126] : memref<2x128x80xf32, #tpu.memory_space<vmem>> -> memref<1x128x80xf32, #tpu.memory_space<vmem>>
        %dma_wait3A_128 = tpu.memref_squeeze %dma_wait3A_127 : memref<1x128x80xf32, #tpu.memory_space<vmem>> -> memref<128x80xf32, #tpu.memory_space<vmem>>
        %dma_wait3A_129 = arith.constant 0 : i32
        %dma_wait3A_130 = tpu.memref_slice %arg9[%mul3A_68, %dma_wait3A_129] : memref<158x128xi32, #tpu.memory_space<vmem>> -> memref<1x128xi32, #tpu.memory_space<vmem>>
        %dma_wait3A_131 = tpu.memref_squeeze %dma_wait3A_130 : memref<1x128xi32, #tpu.memory_space<vmem>> -> memref<128xi32, #tpu.memory_space<vmem>>
        %dma_wait3A_132 = arith.constant 0 : i32
        %dma_wait3A_133 = arith.constant 0 : i32
        %dma_wait3A_134 = tpu.memref_slice %arg11[%dma_wait3A_132, %dma_wait3A_133] : memref<10112x80xf32, #tpu.memory_space<vmem_shared>> -> memref<10112x80xf32, #tpu.memory_space<vmem_shared>>
        tpu.wait_indirect_dma semaphore(%run_scoped3A_114 : memref<!tpu.dma_semaphore, #tpu.memory_space<semaphore_mem>>) src(%dma_wait3A_128 : memref<128x80xf32, #tpu.memory_space<vmem>>) dst(%dma_wait3A_134 : memref<10112x80xf32, #tpu.memory_space<vmem_shared>>)
        tpu.yield
      }) : () -> ()
      %lt3A_94 = arith.constant 78 : i32
      %lt3A_95 = arith.cmpi slt, %add3A_66, %lt3A_94 : i32
      %convert_element_type3A_96 = arith.extui %lt3A_95 : i1 to i32
      %cond3A_97 = arith.constant 0 : i32
      %cond3A_98 = arith.cmpi ne, %convert_element_type3A_96, %cond3A_97 : i32
      scf.if %cond3A_98 {
        %add3A_114 = arith.constant 2 : i32
        %add3A_115 = arith.addi %mul3A_68, %add3A_114 : i32
        %dma_start3A_116 = arith.constant 0 : i32
        %dma_start3A_117 = arith.constant 0 : i32
        %dma_start3A_118 = arith.constant 0 : i32
        %dma_start3A_119 = tpu.memref_slice %arg10[%dma_start3A_116, %dma_start3A_117, %dma_start3A_118] : memref<2x128x80xf32, #tpu.memory_space<vmem>> -> memref<1x128x80xf32, #tpu.memory_space<vmem>>
        %dma_start3A_120 = tpu.memref_squeeze %dma_start3A_119 : memref<1x128x80xf32, #tpu.memory_space<vmem>> -> memref<128x80xf32, #tpu.memory_space<vmem>>
        %dma_start3A_121 = arith.constant 0 : i32
        %dma_start3A_122 = tpu.memref_slice %arg8[%add3A_115, %dma_start3A_121] : memref<158x128xi32, #tpu.memory_space<vmem>> -> memref<1x128xi32, #tpu.memory_space<vmem>>
        %dma_start3A_123 = tpu.memref_squeeze %dma_start3A_122 : memref<1x128xi32, #tpu.memory_space<vmem>> -> memref<128xi32, #tpu.memory_space<vmem>>
        %dma_start3A_124 = arith.constant 0 : i32
        %dma_start3A_125 = arith.constant 0 : i32
        %dma_start3A_126 = tpu.memref_slice %arg2[%dma_start3A_124, %dma_start3A_125] : memref<80000x80xf32, #tpu.memory_space<hbm>> -> memref<80000x80xf32, #tpu.memory_space<hbm>>
        tpu.enqueue_indirect_dma source(%dma_start3A_126 : memref<80000x80xf32, #tpu.memory_space<hbm>>) target(%dma_start3A_120 : memref<128x80xf32, #tpu.memory_space<vmem>>) offsets(%dma_start3A_123 : memref<128xi32, #tpu.memory_space<vmem>>) semaphore(%arg12 : memref<!tpu.dma_semaphore, #tpu.memory_space<semaphore_mem>>)
      } else {
      }
      %dma_wait3A_99 = arith.constant 0 : i32
      %dma_wait3A_100 = arith.constant 1 : i32
      %dma_wait3A_101 = arith.constant 0 : i32
      %dma_wait3A_102 = arith.constant 0 : i32
      %dma_wait3A_103 = tpu.memref_slice %arg10[%dma_wait3A_100, %dma_wait3A_101, %dma_wait3A_102] : memref<2x128x80xf32, #tpu.memory_space<vmem>> -> memref<1x128x80xf32, #tpu.memory_space<vmem>>
      %dma_wait3A_104 = tpu.memref_squeeze %dma_wait3A_103 : memref<1x128x80xf32, #tpu.memory_space<vmem>> -> memref<128x80xf32, #tpu.memory_space<vmem>>
      %dma_wait3A_105 = arith.constant 0 : i32
      %dma_wait3A_106 = tpu.memref_slice %arg8[%dma_wait3A_99, %dma_wait3A_105] : memref<158x128xi32, #tpu.memory_space<vmem>> -> memref<1x128xi32, #tpu.memory_space<vmem>>
      %dma_wait3A_107 = tpu.memref_squeeze %dma_wait3A_106 : memref<1x128xi32, #tpu.memory_space<vmem>> -> memref<128xi32, #tpu.memory_space<vmem>>
      %dma_wait3A_108 = arith.constant 0 : i32
      %dma_wait3A_109 = arith.constant 0 : i32
      %dma_wait3A_110 = tpu.memref_slice %arg2[%dma_wait3A_108, %dma_wait3A_109] : memref<80000x80xf32, #tpu.memory_space<hbm>> -> memref<80000x80xf32, #tpu.memory_space<hbm>>
      tpu.wait_indirect_dma semaphore(%arg13 : memref<!tpu.dma_semaphore, #tpu.memory_space<semaphore_mem>>) src(%dma_wait3A_110 : memref<80000x80xf32, #tpu.memory_space<hbm>>) dst(%dma_wait3A_104 : memref<128x80xf32, #tpu.memory_space<vmem>>)
      %add3A_111 = arith.constant 1 : i32
      %add3A_112 = arith.addi %mul3A_68, %add3A_111 : i32
      %run_scoped3A_113 = arith.constant 1 : i32
      "tpu.region"() ({
        %run_scoped3A_114 = tpu.sem_alloc : memref<!tpu.dma_semaphore, #tpu.memory_space<semaphore_mem>>
        %dma_start3A_115 = arith.constant 0 : i32
        %dma_start3A_116 = arith.constant 0 : i32
        %dma_start3A_117 = tpu.memref_slice %arg10[%run_scoped3A_113, %dma_start3A_115, %dma_start3A_116] : memref<2x128x80xf32, #tpu.memory_space<vmem>> -> memref<1x128x80xf32, #tpu.memory_space<vmem>>
        %dma_start3A_118 = tpu.memref_squeeze %dma_start3A_117 : memref<1x128x80xf32, #tpu.memory_space<vmem>> -> memref<128x80xf32, #tpu.memory_space<vmem>>
        %dma_start3A_119 = arith.constant 0 : i32
        %dma_start3A_120 = tpu.memref_slice %arg9[%add3A_112, %dma_start3A_119] : memref<158x128xi32, #tpu.memory_space<vmem>> -> memref<1x128xi32, #tpu.memory_space<vmem>>
        %dma_start3A_121 = tpu.memref_squeeze %dma_start3A_120 : memref<1x128xi32, #tpu.memory_space<vmem>> -> memref<128xi32, #tpu.memory_space<vmem>>
        %dma_start3A_122 = arith.constant 0 : i32
        %dma_start3A_123 = arith.constant 0 : i32
        %dma_start3A_124 = tpu.memref_slice %arg11[%dma_start3A_122, %dma_start3A_123] : memref<10112x80xf32, #tpu.memory_space<vmem_shared>> -> memref<10112x80xf32, #tpu.memory_space<vmem_shared>>
        tpu.enqueue_indirect_dma source(%dma_start3A_118 : memref<128x80xf32, #tpu.memory_space<vmem>>) target(%dma_start3A_124 : memref<10112x80xf32, #tpu.memory_space<vmem_shared>>) offsets(%dma_start3A_121 : memref<128xi32, #tpu.memory_space<vmem>>) semaphore(%run_scoped3A_114 : memref<!tpu.dma_semaphore, #tpu.memory_space<semaphore_mem>>) {add = true}
        %dma_wait3A_125 = arith.constant 0 : i32
        %dma_wait3A_126 = arith.constant 0 : i32
        %dma_wait3A_127 = tpu.memref_slice %arg10[%run_scoped3A_113, %dma_wait3A_125, %dma_wait3A_126] : memref<2x128x80xf32, #tpu.memory_space<vmem>> -> memref<1x128x80xf32, #tpu.memory_space<vmem>>
        %dma_wait3A_128 = tpu.memref_squeeze %dma_wait3A_127 : memref<1x128x80xf32, #tpu.memory_space<vmem>> -> memref<128x80xf32, #tpu.memory_space<vmem>>
        %dma_wait3A_129 = arith.constant 0 : i32
        %dma_wait3A_130 = tpu.memref_slice %arg9[%add3A_112, %dma_wait3A_129] : memref<158x128xi32, #tpu.memory_space<vmem>> -> memref<1x128xi32, #tpu.memory_space<vmem>>
        %dma_wait3A_131 = tpu.memref_squeeze %dma_wait3A_130 : memref<1x128xi32, #tpu.memory_space<vmem>> -> memref<128xi32, #tpu.memory_space<vmem>>
        %dma_wait3A_132 = arith.constant 0 : i32
        %dma_wait3A_133 = arith.constant 0 : i32
        %dma_wait3A_134 = tpu.memref_slice %arg11[%dma_wait3A_132, %dma_wait3A_133] : memref<10112x80xf32, #tpu.memory_space<vmem_shared>> -> memref<10112x80xf32, #tpu.memory_space<vmem_shared>>
        tpu.wait_indirect_dma semaphore(%run_scoped3A_114 : memref<!tpu.dma_semaphore, #tpu.memory_space<semaphore_mem>>) src(%dma_wait3A_128 : memref<128x80xf32, #tpu.memory_space<vmem>>) dst(%dma_wait3A_134 : memref<10112x80xf32, #tpu.memory_space<vmem_shared>>)
        tpu.yield
      }) : () -> ()
    }
    %scan3A_49 = arith.constant 79 : i32
    %barrier3A_50 = arith.constant 0 : index
    tpu.barrier barrier_id(%barrier3A_50)
    %lt3A_51 = arith.constant 15 : i32
    %lt3A_52 = arith.cmpi slt, %arg1, %lt3A_51 : i32
    %convert_element_type3A_53 = arith.extui %lt3A_52 : i1 to i32
    %cond3A_54 = arith.constant 0 : i32
    %cond3A_55 = arith.cmpi ne, %convert_element_type3A_53, %cond3A_54 : i32
    scf.if %cond3A_55 {
      %mul3A_62 = arith.constant 632 : i32
      %mul3A_63 = arith.muli %arg1, %mul3A_62 : i32
      %mul3A_64 = arith.constant 632 : i32
      %mul3A_65 = arith.muli %arg1, %mul3A_64 : i32
      "tpu.region"() ({
        %run_scoped3A_66 = tpu.sem_alloc : memref<!tpu.dma_semaphore, #tpu.memory_space<semaphore_mem>>
        %dma_start3A_67 = arith.constant 80 : i32
        %dma_start3A_68 = tpu.memref_slice %arg7[%arg0, %mul3A_65, %dma_start3A_67] : memref<2x10000x160xf32, #tpu.memory_space<hbm>> -> memref<1x632x80xf32, #tpu.memory_space<hbm>>
        %dma_start3A_69 = tpu.memref_squeeze %dma_start3A_68 : memref<1x632x80xf32, #tpu.memory_space<hbm>> -> memref<632x80xf32, #tpu.memory_space<hbm>>
        %dma_start3A_70 = arith.constant 0 : i32
        %dma_start3A_71 = tpu.memref_slice %arg11[%mul3A_63, %dma_start3A_70] : memref<10112x80xf32, #tpu.memory_space<vmem_shared>> -> memref<632x80xf32, #tpu.memory_space<vmem_shared>>
        tpu.enqueue_dma source(%dma_start3A_71 : memref<632x80xf32, #tpu.memory_space<vmem_shared>>) target(%dma_start3A_69 : memref<632x80xf32, #tpu.memory_space<hbm>>) target_semaphore(%run_scoped3A_66 : memref<!tpu.dma_semaphore, #tpu.memory_space<semaphore_mem>>)
        %dma_wait3A = arith.constant 80 : i32
        %dma_wait3A_72 = tpu.memref_slice %arg7[%arg0, %mul3A_65, %dma_wait3A] : memref<2x10000x160xf32, #tpu.memory_space<hbm>> -> memref<1x632x80xf32, #tpu.memory_space<hbm>>
        %dma_wait3A_73 = tpu.memref_squeeze %dma_wait3A_72 : memref<1x632x80xf32, #tpu.memory_space<hbm>> -> memref<632x80xf32, #tpu.memory_space<hbm>>
        %dma_wait3A_74 = arith.constant 0 : i32
        %dma_wait3A_75 = tpu.memref_slice %arg11[%mul3A_63, %dma_wait3A_74] : memref<10112x80xf32, #tpu.memory_space<vmem_shared>> -> memref<632x80xf32, #tpu.memory_space<vmem_shared>>
        tpu.wait_dma2 semaphore(%run_scoped3A_66 : memref<!tpu.dma_semaphore, #tpu.memory_space<semaphore_mem>>) src(%dma_wait3A_75 : memref<632x80xf32, #tpu.memory_space<vmem_shared>>) dst(%dma_wait3A_73 : memref<632x80xf32, #tpu.memory_space<hbm>>)
        tpu.yield
      }) : () -> ()
    } else {
    }
    %eq3A_56 = arith.constant 15 : i32
    %eq3A_57 = arith.cmpi eq, %arg1, %eq3A_56 : i32
    %convert_element_type3A_58 = arith.extui %eq3A_57 : i1 to i32
    %cond3A_59 = arith.constant 0 : i32
    %cond3A_60 = arith.cmpi ne, %convert_element_type3A_58, %cond3A_59 : i32
    scf.if %cond3A_60 {
      "tpu.region"() ({
        %run_scoped3A_62 = tpu.sem_alloc : memref<!tpu.dma_semaphore, #tpu.memory_space<semaphore_mem>>
        %dma_start3A_63 = arith.constant 9480 : i32
        %dma_start3A_64 = arith.constant 80 : i32
        %dma_start3A_65 = tpu.memref_slice %arg7[%arg0, %dma_start3A_63, %dma_start3A_64] : memref<2x10000x160xf32, #tpu.memory_space<hbm>> -> memref<1x520x80xf32, #tpu.memory_space<hbm>>
        %dma_start3A_66 = tpu.memref_squeeze %dma_start3A_65 : memref<1x520x80xf32, #tpu.memory_space<hbm>> -> memref<520x80xf32, #tpu.memory_space<hbm>>
        %dma_start3A_67 = arith.constant 9480 : i32
        %dma_start3A_68 = arith.constant 0 : i32
        %dma_start3A_69 = tpu.memref_slice %arg11[%dma_start3A_67, %dma_start3A_68] : memref<10112x80xf32, #tpu.memory_space<vmem_shared>> -> memref<520x80xf32, #tpu.memory_space<vmem_shared>>
        tpu.enqueue_dma source(%dma_start3A_69 : memref<520x80xf32, #tpu.memory_space<vmem_shared>>) target(%dma_start3A_66 : memref<520x80xf32, #tpu.memory_space<hbm>>) target_semaphore(%run_scoped3A_62 : memref<!tpu.dma_semaphore, #tpu.memory_space<semaphore_mem>>)
        %dma_wait3A = arith.constant 9480 : i32
        %dma_wait3A_70 = arith.constant 80 : i32
        %dma_wait3A_71 = tpu.memref_slice %arg7[%arg0, %dma_wait3A, %dma_wait3A_70] : memref<2x10000x160xf32, #tpu.memory_space<hbm>> -> memref<1x520x80xf32, #tpu.memory_space<hbm>>
        %dma_wait3A_72 = tpu.memref_squeeze %dma_wait3A_71 : memref<1x520x80xf32, #tpu.memory_space<hbm>> -> memref<520x80xf32, #tpu.memory_space<hbm>>
        %dma_wait3A_73 = arith.constant 9480 : i32
        %dma_wait3A_74 = arith.constant 0 : i32
        %dma_wait3A_75 = tpu.memref_slice %arg11[%dma_wait3A_73, %dma_wait3A_74] : memref<10112x80xf32, #tpu.memory_space<vmem_shared>> -> memref<520x80xf32, #tpu.memory_space<vmem_shared>>
        tpu.wait_dma2 semaphore(%run_scoped3A_62 : memref<!tpu.dma_semaphore, #tpu.memory_space<semaphore_mem>>) src(%dma_wait3A_75 : memref<520x80xf32, #tpu.memory_space<vmem_shared>>) dst(%dma_wait3A_72 : memref<520x80xf32, #tpu.memory_space<hbm>>)
        tpu.yield
      }) : () -> ()
    } else {
    }
    %barrier3A_61 = arith.constant 0 : index
    tpu.barrier barrier_id(%barrier3A_61)
    return
  }
}

#map = affine_map<(d0, d1) -> (0, 0)>
#map1 = affine_map<(d0, d1) -> (0, 0, 0, 0, 0)>
#map2 = affine_map<(d0, d1) -> (0, 0, 0)>
module attributes {stable_mosaic.version = 14 : i64} {
  func.func @_sc_body(%arg0: i32, %arg1: i32, %arg2: memref<80000x80xf32, #tpu.memory_space<hbm>>, %arg3: memref<4x2x16x79x128xi32, #tpu.memory_space<hbm>>, %arg4: memref<4x2x16x79x128xi32, #tpu.memory_space<hbm>>, %arg5: memref<4x2x16x79x128xi32, #tpu.memory_space<hbm>>, %arg6: memref<632x80xf32, #tpu.memory_space<hbm>>, %arg7: memref<2x10000x160xf32, #tpu.memory_space<hbm>>, %arg8: memref<158x128xi32, #tpu.memory_space<vmem>>, %arg9: memref<158x128xi32, #tpu.memory_space<vmem>>, %arg10: memref<2x128x80xf32, #tpu.memory_space<vmem>>, %arg11: memref<10112x80xf32, #tpu.memory_space<vmem_shared>>, %arg12: memref<!tpu.dma_semaphore, #tpu.memory_space<semaphore_mem>>, %arg13: memref<!tpu.dma_semaphore, #tpu.memory_space<semaphore_mem>>) attributes {dimension_semantics = [#tpu.dimension_semantics<core_parallel>, #tpu.dimension_semantics<subcore_parallel>], iteration_bounds = array<i64: 2, 16>, scalar_prefetch = 0 : i64, scratch_operands = 6 : i64, tpu.core_type = #tpu.core_type<sc_vector_subcore>, window_params = [{transform_indices = #map}, {transform_indices = #map1}, {transform_indices = #map1}, {transform_indices = #map1}, {transform_indices = #map}, {transform_indices = #map2}]} {
    %add3A = arith.constant 2 : i32
    %add3A_0 = arith.addi %add3A, %arg0 : i32
    %run_scoped3A = arith.constant 0 : i32
    "tpu.region"() ({
      %run_scoped3A_62 = tpu.sem_alloc : memref<!tpu.dma_semaphore, #tpu.memory_space<semaphore_mem>>
      %dma_start3A_63 = arith.constant 0 : i32
      %dma_start3A_64 = arith.constant 0 : i32
      %dma_start3A_65 = tpu.memref_slice %arg9[%dma_start3A_63, %dma_start3A_64] : memref<158x128xi32, #tpu.memory_space<vmem>> -> memref<79x128xi32, #tpu.memory_space<vmem>>
      %dma_start3A_66 = arith.constant 0 : i32
      %dma_start3A_67 = arith.constant 0 : i32
      %dma_start3A_68 = tpu.memref_slice %arg5[%add3A_0, %run_scoped3A, %arg1, %dma_start3A_66, %dma_start3A_67] : memref<4x2x16x79x128xi32, #tpu.memory_space<hbm>> -> memref<1x1x1x79x128xi32, #tpu.memory_space<hbm>>
      %dma_start3A_69 = tpu.memref_squeeze %dma_start3A_68 : memref<1x1x1x79x128xi32, #tpu.memory_space<hbm>> -> memref<79x128xi32, #tpu.memory_space<hbm>>
      %dma_start3A_70 = arith.constant 0 : i32
      %dma_start3A_71 = arith.constant 0 : i32
      %dma_start3A_72 = tpu.memref_slice %arg9[%dma_start3A_70, %dma_start3A_71] : memref<158x128xi32, #tpu.memory_space<vmem>> -> memref<79x128xi32, #tpu.memory_space<vmem>>
      %dma_start3A_73 = arith.constant 0 : i32
      %dma_start3A_74 = arith.constant 0 : i32
      %dma_start3A_75 = tpu.memref_slice %arg5[%add3A_0, %run_scoped3A, %arg1, %dma_start3A_73, %dma_start3A_74] : memref<4x2x16x79x128xi32, #tpu.memory_space<hbm>> -> memref<1x1x1x79x128xi32, #tpu.memory_space<hbm>>
      %dma_start3A_76 = tpu.memref_squeeze %dma_start3A_75 : memref<1x1x1x79x128xi32, #tpu.memory_space<hbm>> -> memref<79x128xi32, #tpu.memory_space<hbm>>
      tpu.enqueue_dma source(%dma_start3A_76 : memref<79x128xi32, #tpu.memory_space<hbm>>) target(%dma_start3A_72 : memref<79x128xi32, #tpu.memory_space<vmem>>) target_semaphore(%run_scoped3A_62 : memref<!tpu.dma_semaphore, #tpu.memory_space<semaphore_mem>>)
      %dma_wait3A = arith.constant 0 : i32
      %dma_wait3A_77 = arith.constant 0 : i32
      %dma_wait3A_78 = tpu.memref_slice %arg9[%dma_wait3A, %dma_wait3A_77] : memref<158x128xi32, #tpu.memory_space<vmem>> -> memref<79x128xi32, #tpu.memory_space<vmem>>
      %dma_wait3A_79 = arith.constant 0 : i32
      %dma_wait3A_80 = arith.constant 0 : i32
      %dma_wait3A_81 = tpu.memref_slice %arg5[%add3A_0, %run_scoped3A, %arg1, %dma_wait3A_79, %dma_wait3A_80] : memref<4x2x16x79x128xi32, #tpu.memory_space<hbm>> -> memref<1x1x1x79x128xi32, #tpu.memory_space<hbm>>
      %dma_wait3A_82 = tpu.memref_squeeze %dma_wait3A_81 : memref<1x1x1x79x128xi32, #tpu.memory_space<hbm>> -> memref<79x128xi32, #tpu.memory_space<hbm>>
      %dma_wait3A_83 = arith.constant 0 : i32
      %dma_wait3A_84 = arith.constant 0 : i32
      %dma_wait3A_85 = tpu.memref_slice %arg9[%dma_wait3A_83, %dma_wait3A_84] : memref<158x128xi32, #tpu.memory_space<vmem>> -> memref<79x128xi32, #tpu.memory_space<vmem>>
      %dma_wait3A_86 = arith.constant 0 : i32
      %dma_wait3A_87 = arith.constant 0 : i32
      %dma_wait3A_88 = tpu.memref_slice %arg5[%add3A_0, %run_scoped3A, %arg1, %dma_wait3A_86, %dma_wait3A_87] : memref<4x2x16x79x128xi32, #tpu.memory_space<hbm>> -> memref<1x1x1x79x128xi32, #tpu.memory_space<hbm>>
      %dma_wait3A_89 = tpu.memref_squeeze %dma_wait3A_88 : memref<1x1x1x79x128xi32, #tpu.memory_space<hbm>> -> memref<79x128xi32, #tpu.memory_space<hbm>>
      tpu.wait_dma2 semaphore(%run_scoped3A_62 : memref<!tpu.dma_semaphore, #tpu.memory_space<semaphore_mem>>) src(%dma_wait3A_89 : memref<79x128xi32, #tpu.memory_space<hbm>>) dst(%dma_wait3A_85 : memref<79x128xi32, #tpu.memory_space<vmem>>)
      tpu.yield
    }) : () -> ()
    %run_scoped3A_1 = arith.constant 1 : i32
    "tpu.region"() ({
      %run_scoped3A_62 = tpu.sem_alloc : memref<!tpu.dma_semaphore, #tpu.memory_space<semaphore_mem>>
      %dma_start3A_63 = arith.constant 79 : i32
      %dma_start3A_64 = arith.constant 0 : i32
      %dma_start3A_65 = tpu.memref_slice %arg9[%dma_start3A_63, %dma_start3A_64] : memref<158x128xi32, #tpu.memory_space<vmem>> -> memref<79x128xi32, #tpu.memory_space<vmem>>
      %dma_start3A_66 = arith.constant 0 : i32
      %dma_start3A_67 = arith.constant 0 : i32
      %dma_start3A_68 = tpu.memref_slice %arg5[%add3A_0, %run_scoped3A_1, %arg1, %dma_start3A_66, %dma_start3A_67] : memref<4x2x16x79x128xi32, #tpu.memory_space<hbm>> -> memref<1x1x1x79x128xi32, #tpu.memory_space<hbm>>
      %dma_start3A_69 = tpu.memref_squeeze %dma_start3A_68 : memref<1x1x1x79x128xi32, #tpu.memory_space<hbm>> -> memref<79x128xi32, #tpu.memory_space<hbm>>
      %dma_start3A_70 = arith.constant 79 : i32
      %dma_start3A_71 = arith.constant 0 : i32
      %dma_start3A_72 = tpu.memref_slice %arg9[%dma_start3A_70, %dma_start3A_71] : memref<158x128xi32, #tpu.memory_space<vmem>> -> memref<79x128xi32, #tpu.memory_space<vmem>>
      %dma_start3A_73 = arith.constant 0 : i32
      %dma_start3A_74 = arith.constant 0 : i32
      %dma_start3A_75 = tpu.memref_slice %arg5[%add3A_0, %run_scoped3A_1, %arg1, %dma_start3A_73, %dma_start3A_74] : memref<4x2x16x79x128xi32, #tpu.memory_space<hbm>> -> memref<1x1x1x79x128xi32, #tpu.memory_space<hbm>>
      %dma_start3A_76 = tpu.memref_squeeze %dma_start3A_75 : memref<1x1x1x79x128xi32, #tpu.memory_space<hbm>> -> memref<79x128xi32, #tpu.memory_space<hbm>>
      tpu.enqueue_dma source(%dma_start3A_76 : memref<79x128xi32, #tpu.memory_space<hbm>>) target(%dma_start3A_72 : memref<79x128xi32, #tpu.memory_space<vmem>>) target_semaphore(%run_scoped3A_62 : memref<!tpu.dma_semaphore, #tpu.memory_space<semaphore_mem>>)
      %dma_wait3A = arith.constant 79 : i32
      %dma_wait3A_77 = arith.constant 0 : i32
      %dma_wait3A_78 = tpu.memref_slice %arg9[%dma_wait3A, %dma_wait3A_77] : memref<158x128xi32, #tpu.memory_space<vmem>> -> memref<79x128xi32, #tpu.memory_space<vmem>>
      %dma_wait3A_79 = arith.constant 0 : i32
      %dma_wait3A_80 = arith.constant 0 : i32
      %dma_wait3A_81 = tpu.memref_slice %arg5[%add3A_0, %run_scoped3A_1, %arg1, %dma_wait3A_79, %dma_wait3A_80] : memref<4x2x16x79x128xi32, #tpu.memory_space<hbm>> -> memref<1x1x1x79x128xi32, #tpu.memory_space<hbm>>
      %dma_wait3A_82 = tpu.memref_squeeze %dma_wait3A_81 : memref<1x1x1x79x128xi32, #tpu.memory_space<hbm>> -> memref<79x128xi32, #tpu.memory_space<hbm>>
      %dma_wait3A_83 = arith.constant 79 : i32
      %dma_wait3A_84 = arith.constant 0 : i32
      %dma_wait3A_85 = tpu.memref_slice %arg9[%dma_wait3A_83, %dma_wait3A_84] : memref<158x128xi32, #tpu.memory_space<vmem>> -> memref<79x128xi32, #tpu.memory_space<vmem>>
      %dma_wait3A_86 = arith.constant 0 : i32
      %dma_wait3A_87 = arith.constant 0 : i32
      %dma_wait3A_88 = tpu.memref_slice %arg5[%add3A_0, %run_scoped3A_1, %arg1, %dma_wait3A_86, %dma_wait3A_87] : memref<4x2x16x79x128xi32, #tpu.memory_space<hbm>> -> memref<1x1x1x79x128xi32, #tpu.memory_space<hbm>>
      %dma_wait3A_89 = tpu.memref_squeeze %dma_wait3A_88 : memref<1x1x1x79x128xi32, #tpu.memory_space<hbm>> -> memref<79x128xi32, #tpu.memory_space<hbm>>
      tpu.wait_dma2 semaphore(%run_scoped3A_62 : memref<!tpu.dma_semaphore, #tpu.memory_space<semaphore_mem>>) src(%dma_wait3A_89 : memref<79x128xi32, #tpu.memory_space<hbm>>) dst(%dma_wait3A_85 : memref<79x128xi32, #tpu.memory_space<vmem>>)
      tpu.yield
    }) : () -> ()
    %mul3A = arith.constant 632 : i32
    %mul3A_2 = arith.muli %arg1, %mul3A : i32
    "tpu.region"() ({
      %run_scoped3A_62 = tpu.sem_alloc : memref<!tpu.dma_semaphore, #tpu.memory_space<semaphore_mem>>
      %dma_start3A_63 = arith.constant 0 : i32
      %dma_start3A_64 = tpu.memref_slice %arg11[%mul3A_2, %dma_start3A_63] : memref<10112x80xf32, #tpu.memory_space<vmem_shared>> -> memref<632x80xf32, #tpu.memory_space<vmem_shared>>
      tpu.enqueue_dma source(%arg6 : memref<632x80xf32, #tpu.memory_space<hbm>>) target(%dma_start3A_64 : memref<632x80xf32, #tpu.memory_space<vmem_shared>>) target_semaphore(%run_scoped3A_62 : memref<!tpu.dma_semaphore, #tpu.memory_space<semaphore_mem>>)
      %dma_wait3A = arith.constant 0 : i32
      %dma_wait3A_65 = tpu.memref_slice %arg11[%mul3A_2, %dma_wait3A] : memref<10112x80xf32, #tpu.memory_space<vmem_shared>> -> memref<632x80xf32, #tpu.memory_space<vmem_shared>>
      tpu.wait_dma2 semaphore(%run_scoped3A_62 : memref<!tpu.dma_semaphore, #tpu.memory_space<semaphore_mem>>) src(%arg6 : memref<632x80xf32, #tpu.memory_space<hbm>>) dst(%dma_wait3A_65 : memref<632x80xf32, #tpu.memory_space<vmem_shared>>)
      tpu.yield
    }) : () -> ()
    %run_scoped3A_3 = arith.constant 0 : i32
    "tpu.region"() ({
      %run_scoped3A_62 = tpu.sem_alloc : memref<!tpu.dma_semaphore, #tpu.memory_space<semaphore_mem>>
      %dma_start3A_63 = arith.constant 0 : i32
      %dma_start3A_64 = arith.constant 0 : i32
      %dma_start3A_65 = tpu.memref_slice %arg8[%dma_start3A_63, %dma_start3A_64] : memref<158x128xi32, #tpu.memory_space<vmem>> -> memref<79x128xi32, #tpu.memory_space<vmem>>
      %dma_start3A_66 = arith.constant 0 : i32
      %dma_start3A_67 = arith.constant 0 : i32
      %dma_start3A_68 = tpu.memref_slice %arg3[%add3A_0, %run_scoped3A_3, %arg1, %dma_start3A_66, %dma_start3A_67] : memref<4x2x16x79x128xi32, #tpu.memory_space<hbm>> -> memref<1x1x1x79x128xi32, #tpu.memory_space<hbm>>
      %dma_start3A_69 = tpu.memref_squeeze %dma_start3A_68 : memref<1x1x1x79x128xi32, #tpu.memory_space<hbm>> -> memref<79x128xi32, #tpu.memory_space<hbm>>
      %dma_start3A_70 = arith.constant 0 : i32
      %dma_start3A_71 = arith.constant 0 : i32
      %dma_start3A_72 = tpu.memref_slice %arg8[%dma_start3A_70, %dma_start3A_71] : memref<158x128xi32, #tpu.memory_space<vmem>> -> memref<79x128xi32, #tpu.memory_space<vmem>>
      %dma_start3A_73 = arith.constant 0 : i32
      %dma_start3A_74 = arith.constant 0 : i32
      %dma_start3A_75 = tpu.memref_slice %arg3[%add3A_0, %run_scoped3A_3, %arg1, %dma_start3A_73, %dma_start3A_74] : memref<4x2x16x79x128xi32, #tpu.memory_space<hbm>> -> memref<1x1x1x79x128xi32, #tpu.memory_space<hbm>>
      %dma_start3A_76 = tpu.memref_squeeze %dma_start3A_75 : memref<1x1x1x79x128xi32, #tpu.memory_space<hbm>> -> memref<79x128xi32, #tpu.memory_space<hbm>>
      tpu.enqueue_dma source(%dma_start3A_76 : memref<79x128xi32, #tpu.memory_space<hbm>>) target(%dma_start3A_72 : memref<79x128xi32, #tpu.memory_space<vmem>>) target_semaphore(%run_scoped3A_62 : memref<!tpu.dma_semaphore, #tpu.memory_space<semaphore_mem>>)
      %dma_wait3A = arith.constant 0 : i32
      %dma_wait3A_77 = arith.constant 0 : i32
      %dma_wait3A_78 = tpu.memref_slice %arg8[%dma_wait3A, %dma_wait3A_77] : memref<158x128xi32, #tpu.memory_space<vmem>> -> memref<79x128xi32, #tpu.memory_space<vmem>>
      %dma_wait3A_79 = arith.constant 0 : i32
      %dma_wait3A_80 = arith.constant 0 : i32
      %dma_wait3A_81 = tpu.memref_slice %arg3[%add3A_0, %run_scoped3A_3, %arg1, %dma_wait3A_79, %dma_wait3A_80] : memref<4x2x16x79x128xi32, #tpu.memory_space<hbm>> -> memref<1x1x1x79x128xi32, #tpu.memory_space<hbm>>
      %dma_wait3A_82 = tpu.memref_squeeze %dma_wait3A_81 : memref<1x1x1x79x128xi32, #tpu.memory_space<hbm>> -> memref<79x128xi32, #tpu.memory_space<hbm>>
      %dma_wait3A_83 = arith.constant 0 : i32
      %dma_wait3A_84 = arith.constant 0 : i32
      %dma_wait3A_85 = tpu.memref_slice %arg8[%dma_wait3A_83, %dma_wait3A_84] : memref<158x128xi32, #tpu.memory_space<vmem>> -> memref<79x128xi32, #tpu.memory_space<vmem>>
      %dma_wait3A_86 = arith.constant 0 : i32
      %dma_wait3A_87 = arith.constant 0 : i32
      %dma_wait3A_88 = tpu.memref_slice %arg3[%add3A_0, %run_scoped3A_3, %arg1, %dma_wait3A_86, %dma_wait3A_87] : memref<4x2x16x79x128xi32, #tpu.memory_space<hbm>> -> memref<1x1x1x79x128xi32, #tpu.memory_space<hbm>>
      %dma_wait3A_89 = tpu.memref_squeeze %dma_wait3A_88 : memref<1x1x1x79x128xi32, #tpu.memory_space<hbm>> -> memref<79x128xi32, #tpu.memory_space<hbm>>
      tpu.wait_dma2 semaphore(%run_scoped3A_62 : memref<!tpu.dma_semaphore, #tpu.memory_space<semaphore_mem>>) src(%dma_wait3A_89 : memref<79x128xi32, #tpu.memory_space<hbm>>) dst(%dma_wait3A_85 : memref<79x128xi32, #tpu.memory_space<vmem>>)
      tpu.yield
    }) : () -> ()
    %run_scoped3A_4 = arith.constant 1 : i32
    "tpu.region"() ({
      %run_scoped3A_62 = tpu.sem_alloc : memref<!tpu.dma_semaphore, #tpu.memory_space<semaphore_mem>>
      %dma_start3A_63 = arith.constant 79 : i32
      %dma_start3A_64 = arith.constant 0 : i32
      %dma_start3A_65 = tpu.memref_slice %arg8[%dma_start3A_63, %dma_start3A_64] : memref<158x128xi32, #tpu.memory_space<vmem>> -> memref<79x128xi32, #tpu.memory_space<vmem>>
      %dma_start3A_66 = arith.constant 0 : i32
      %dma_start3A_67 = arith.constant 0 : i32
      %dma_start3A_68 = tpu.memref_slice %arg3[%add3A_0, %run_scoped3A_4, %arg1, %dma_start3A_66, %dma_start3A_67] : memref<4x2x16x79x128xi32, #tpu.memory_space<hbm>> -> memref<1x1x1x79x128xi32, #tpu.memory_space<hbm>>
      %dma_start3A_69 = tpu.memref_squeeze %dma_start3A_68 : memref<1x1x1x79x128xi32, #tpu.memory_space<hbm>> -> memref<79x128xi32, #tpu.memory_space<hbm>>
      %dma_start3A_70 = arith.constant 79 : i32
      %dma_start3A_71 = arith.constant 0 : i32
      %dma_start3A_72 = tpu.memref_slice %arg8[%dma_start3A_70, %dma_start3A_71] : memref<158x128xi32, #tpu.memory_space<vmem>> -> memref<79x128xi32, #tpu.memory_space<vmem>>
      %dma_start3A_73 = arith.constant 0 : i32
      %dma_start3A_74 = arith.constant 0 : i32
      %dma_start3A_75 = tpu.memref_slice %arg3[%add3A_0, %run_scoped3A_4, %arg1, %dma_start3A_73, %dma_start3A_74] : memref<4x2x16x79x128xi32, #tpu.memory_space<hbm>> -> memref<1x1x1x79x128xi32, #tpu.memory_space<hbm>>
      %dma_start3A_76 = tpu.memref_squeeze %dma_start3A_75 : memref<1x1x1x79x128xi32, #tpu.memory_space<hbm>> -> memref<79x128xi32, #tpu.memory_space<hbm>>
      tpu.enqueue_dma source(%dma_start3A_76 : memref<79x128xi32, #tpu.memory_space<hbm>>) target(%dma_start3A_72 : memref<79x128xi32, #tpu.memory_space<vmem>>) target_semaphore(%run_scoped3A_62 : memref<!tpu.dma_semaphore, #tpu.memory_space<semaphore_mem>>)
      %dma_wait3A = arith.constant 79 : i32
      %dma_wait3A_77 = arith.constant 0 : i32
      %dma_wait3A_78 = tpu.memref_slice %arg8[%dma_wait3A, %dma_wait3A_77] : memref<158x128xi32, #tpu.memory_space<vmem>> -> memref<79x128xi32, #tpu.memory_space<vmem>>
      %dma_wait3A_79 = arith.constant 0 : i32
      %dma_wait3A_80 = arith.constant 0 : i32
      %dma_wait3A_81 = tpu.memref_slice %arg3[%add3A_0, %run_scoped3A_4, %arg1, %dma_wait3A_79, %dma_wait3A_80] : memref<4x2x16x79x128xi32, #tpu.memory_space<hbm>> -> memref<1x1x1x79x128xi32, #tpu.memory_space<hbm>>
      %dma_wait3A_82 = tpu.memref_squeeze %dma_wait3A_81 : memref<1x1x1x79x128xi32, #tpu.memory_space<hbm>> -> memref<79x128xi32, #tpu.memory_space<hbm>>
      %dma_wait3A_83 = arith.constant 79 : i32
      %dma_wait3A_84 = arith.constant 0 : i32
      %dma_wait3A_85 = tpu.memref_slice %arg8[%dma_wait3A_83, %dma_wait3A_84] : memref<158x128xi32, #tpu.memory_space<vmem>> -> memref<79x128xi32, #tpu.memory_space<vmem>>
      %dma_wait3A_86 = arith.constant 0 : i32
      %dma_wait3A_87 = arith.constant 0 : i32
      %dma_wait3A_88 = tpu.memref_slice %arg3[%add3A_0, %run_scoped3A_4, %arg1, %dma_wait3A_86, %dma_wait3A_87] : memref<4x2x16x79x128xi32, #tpu.memory_space<hbm>> -> memref<1x1x1x79x128xi32, #tpu.memory_space<hbm>>
      %dma_wait3A_89 = tpu.memref_squeeze %dma_wait3A_88 : memref<1x1x1x79x128xi32, #tpu.memory_space<hbm>> -> memref<79x128xi32, #tpu.memory_space<hbm>>
      tpu.wait_dma2 semaphore(%run_scoped3A_62 : memref<!tpu.dma_semaphore, #tpu.memory_space<semaphore_mem>>) src(%dma_wait3A_89 : memref<79x128xi32, #tpu.memory_space<hbm>>) dst(%dma_wait3A_85 : memref<79x128xi32, #tpu.memory_space<vmem>>)
      tpu.yield
    }) : () -> ()
    %barrier3A = arith.constant 0 : index
    tpu.barrier barrier_id(%barrier3A)
    %dma_start3A = arith.constant 0 : i32
    %dma_start3A_5 = arith.constant 0 : i32
    %dma_start3A_6 = arith.constant 0 : i32
    %dma_start3A_7 = arith.constant 0 : i32
    %dma_start3A_8 = tpu.memref_slice %arg10[%dma_start3A_5, %dma_start3A_6, %dma_start3A_7] : memref<2x128x80xf32, #tpu.memory_space<vmem>> -> memref<1x128x80xf32, #tpu.memory_space<vmem>>
    %dma_start3A_9 = tpu.memref_squeeze %dma_start3A_8 : memref<1x128x80xf32, #tpu.memory_space<vmem>> -> memref<128x80xf32, #tpu.memory_space<vmem>>
    %dma_start3A_10 = arith.constant 0 : i32
    %dma_start3A_11 = tpu.memref_slice %arg8[%dma_start3A, %dma_start3A_10] : memref<158x128xi32, #tpu.memory_space<vmem>> -> memref<1x128xi32, #tpu.memory_space<vmem>>
    %dma_start3A_12 = tpu.memref_squeeze %dma_start3A_11 : memref<1x128xi32, #tpu.memory_space<vmem>> -> memref<128xi32, #tpu.memory_space<vmem>>
    %dma_start3A_13 = arith.constant 0 : i32
    %dma_start3A_14 = arith.constant 0 : i32
    %dma_start3A_15 = tpu.memref_slice %arg2[%dma_start3A_13, %dma_start3A_14] : memref<80000x80xf32, #tpu.memory_space<hbm>> -> memref<80000x80xf32, #tpu.memory_space<hbm>>
    tpu.enqueue_indirect_dma source(%dma_start3A_15 : memref<80000x80xf32, #tpu.memory_space<hbm>>) target(%dma_start3A_9 : memref<128x80xf32, #tpu.memory_space<vmem>>) offsets(%dma_start3A_12 : memref<128xi32, #tpu.memory_space<vmem>>) semaphore(%arg12 : memref<!tpu.dma_semaphore, #tpu.memory_space<semaphore_mem>>)
    %scan3A = arith.constant 0 : i32
    %scan3A_16 = arith.constant 79 : i32
    %scan3A_17 = arith.addi %scan3A, %scan3A_16 : i32
    %scan3A_18 = arith.constant 1 : i32
    scf.for %scan3A_62 = %scan3A to %scan3A_17 step %scan3A_18  : i32 {
      %mul3A_63 = arith.constant 1 : i32
      %mul3A_64 = arith.muli %scan3A_62, %mul3A_63 : i32
      %add3A_65 = arith.constant 0 : i32
      %add3A_66 = arith.addi %add3A_65, %mul3A_64 : i32
      %mul3A_67 = arith.constant 2 : i32
      %mul3A_68 = arith.muli %mul3A_67, %add3A_66 : i32
      %add3A_69 = arith.constant 1 : i32
      %add3A_70 = arith.addi %mul3A_68, %add3A_69 : i32
      %dma_start3A_71 = arith.constant 1 : i32
      %dma_start3A_72 = arith.constant 0 : i32
      %dma_start3A_73 = arith.constant 0 : i32
      %dma_start3A_74 = tpu.memref_slice %arg10[%dma_start3A_71, %dma_start3A_72, %dma_start3A_73] : memref<2x128x80xf32, #tpu.memory_space<vmem>> -> memref<1x128x80xf32, #tpu.memory_space<vmem>>
      %dma_start3A_75 = tpu.memref_squeeze %dma_start3A_74 : memref<1x128x80xf32, #tpu.memory_space<vmem>> -> memref<128x80xf32, #tpu.memory_space<vmem>>
      %dma_start3A_76 = arith.constant 0 : i32
      %dma_start3A_77 = tpu.memref_slice %arg8[%add3A_70, %dma_start3A_76] : memref<158x128xi32, #tpu.memory_space<vmem>> -> memref<1x128xi32, #tpu.memory_space<vmem>>
      %dma_start3A_78 = tpu.memref_squeeze %dma_start3A_77 : memref<1x128xi32, #tpu.memory_space<vmem>> -> memref<128xi32, #tpu.memory_space<vmem>>
      %dma_start3A_79 = arith.constant 0 : i32
      %dma_start3A_80 = arith.constant 0 : i32
      %dma_start3A_81 = tpu.memref_slice %arg2[%dma_start3A_79, %dma_start3A_80] : memref<80000x80xf32, #tpu.memory_space<hbm>> -> memref<80000x80xf32, #tpu.memory_space<hbm>>
      tpu.enqueue_indirect_dma source(%dma_start3A_81 : memref<80000x80xf32, #tpu.memory_space<hbm>>) target(%dma_start3A_75 : memref<128x80xf32, #tpu.memory_space<vmem>>) offsets(%dma_start3A_78 : memref<128xi32, #tpu.memory_space<vmem>>) semaphore(%arg13 : memref<!tpu.dma_semaphore, #tpu.memory_space<semaphore_mem>>)
      %dma_wait3A = arith.constant 0 : i32
      %dma_wait3A_82 = arith.constant 0 : i32
      %dma_wait3A_83 = arith.constant 0 : i32
      %dma_wait3A_84 = arith.constant 0 : i32
      %dma_wait3A_85 = tpu.memref_slice %arg10[%dma_wait3A_82, %dma_wait3A_83, %dma_wait3A_84] : memref<2x128x80xf32, #tpu.memory_space<vmem>> -> memref<1x128x80xf32, #tpu.memory_space<vmem>>
      %dma_wait3A_86 = tpu.memref_squeeze %dma_wait3A_85 : memref<1x128x80xf32, #tpu.memory_space<vmem>> -> memref<128x80xf32, #tpu.memory_space<vmem>>
      %dma_wait3A_87 = arith.constant 0 : i32
      %dma_wait3A_88 = tpu.memref_slice %arg8[%dma_wait3A, %dma_wait3A_87] : memref<158x128xi32, #tpu.memory_space<vmem>> -> memref<1x128xi32, #tpu.memory_space<vmem>>
      %dma_wait3A_89 = tpu.memref_squeeze %dma_wait3A_88 : memref<1x128xi32, #tpu.memory_space<vmem>> -> memref<128xi32, #tpu.memory_space<vmem>>
      %dma_wait3A_90 = arith.constant 0 : i32
      %dma_wait3A_91 = arith.constant 0 : i32
      %dma_wait3A_92 = tpu.memref_slice %arg2[%dma_wait3A_90, %dma_wait3A_91] : memref<80000x80xf32, #tpu.memory_space<hbm>> -> memref<80000x80xf32, #tpu.memory_space<hbm>>
      tpu.wait_indirect_dma semaphore(%arg12 : memref<!tpu.dma_semaphore, #tpu.memory_space<semaphore_mem>>) src(%dma_wait3A_92 : memref<80000x80xf32, #tpu.memory_space<hbm>>) dst(%dma_wait3A_86 : memref<128x80xf32, #tpu.memory_space<vmem>>)
      %run_scoped3A_93 = arith.constant 0 : i32
      "tpu.region"() ({
        %run_scoped3A_114 = tpu.sem_alloc : memref<!tpu.dma_semaphore, #tpu.memory_space<semaphore_mem>>
        %dma_start3A_115 = arith.constant 0 : i32
        %dma_start3A_116 = arith.constant 0 : i32
        %dma_start3A_117 = tpu.memref_slice %arg10[%run_scoped3A_93, %dma_start3A_115, %dma_start3A_116] : memref<2x128x80xf32, #tpu.memory_space<vmem>> -> memref<1x128x80xf32, #tpu.memory_space<vmem>>
        %dma_start3A_118 = tpu.memref_squeeze %dma_start3A_117 : memref<1x128x80xf32, #tpu.memory_space<vmem>> -> memref<128x80xf32, #tpu.memory_space<vmem>>
        %dma_start3A_119 = arith.constant 0 : i32
        %dma_start3A_120 = tpu.memref_slice %arg9[%mul3A_68, %dma_start3A_119] : memref<158x128xi32, #tpu.memory_space<vmem>> -> memref<1x128xi32, #tpu.memory_space<vmem>>
        %dma_start3A_121 = tpu.memref_squeeze %dma_start3A_120 : memref<1x128xi32, #tpu.memory_space<vmem>> -> memref<128xi32, #tpu.memory_space<vmem>>
        %dma_start3A_122 = arith.constant 0 : i32
        %dma_start3A_123 = arith.constant 0 : i32
        %dma_start3A_124 = tpu.memref_slice %arg11[%dma_start3A_122, %dma_start3A_123] : memref<10112x80xf32, #tpu.memory_space<vmem_shared>> -> memref<10112x80xf32, #tpu.memory_space<vmem_shared>>
        tpu.enqueue_indirect_dma source(%dma_start3A_118 : memref<128x80xf32, #tpu.memory_space<vmem>>) target(%dma_start3A_124 : memref<10112x80xf32, #tpu.memory_space<vmem_shared>>) offsets(%dma_start3A_121 : memref<128xi32, #tpu.memory_space<vmem>>) semaphore(%run_scoped3A_114 : memref<!tpu.dma_semaphore, #tpu.memory_space<semaphore_mem>>) {add = true}
        %dma_wait3A_125 = arith.constant 0 : i32
        %dma_wait3A_126 = arith.constant 0 : i32
        %dma_wait3A_127 = tpu.memref_slice %arg10[%run_scoped3A_93, %dma_wait3A_125, %dma_wait3A_126] : memref<2x128x80xf32, #tpu.memory_space<vmem>> -> memref<1x128x80xf32, #tpu.memory_space<vmem>>
        %dma_wait3A_128 = tpu.memref_squeeze %dma_wait3A_127 : memref<1x128x80xf32, #tpu.memory_space<vmem>> -> memref<128x80xf32, #tpu.memory_space<vmem>>
        %dma_wait3A_129 = arith.constant 0 : i32
        %dma_wait3A_130 = tpu.memref_slice %arg9[%mul3A_68, %dma_wait3A_129] : memref<158x128xi32, #tpu.memory_space<vmem>> -> memref<1x128xi32, #tpu.memory_space<vmem>>
        %dma_wait3A_131 = tpu.memref_squeeze %dma_wait3A_130 : memref<1x128xi32, #tpu.memory_space<vmem>> -> memref<128xi32, #tpu.memory_space<vmem>>
        %dma_wait3A_132 = arith.constant 0 : i32
        %dma_wait3A_133 = arith.constant 0 : i32
        %dma_wait3A_134 = tpu.memref_slice %arg11[%dma_wait3A_132, %dma_wait3A_133] : memref<10112x80xf32, #tpu.memory_space<vmem_shared>> -> memref<10112x80xf32, #tpu.memory_space<vmem_shared>>
        tpu.wait_indirect_dma semaphore(%run_scoped3A_114 : memref<!tpu.dma_semaphore, #tpu.memory_space<semaphore_mem>>) src(%dma_wait3A_128 : memref<128x80xf32, #tpu.memory_space<vmem>>) dst(%dma_wait3A_134 : memref<10112x80xf32, #tpu.memory_space<vmem_shared>>)
        tpu.yield
      }) : () -> ()
      %lt3A_94 = arith.constant 78 : i32
      %lt3A_95 = arith.cmpi slt, %add3A_66, %lt3A_94 : i32
      %convert_element_type3A_96 = arith.extui %lt3A_95 : i1 to i32
      %cond3A_97 = arith.constant 0 : i32
      %cond3A_98 = arith.cmpi ne, %convert_element_type3A_96, %cond3A_97 : i32
      scf.if %cond3A_98 {
        %add3A_114 = arith.constant 2 : i32
        %add3A_115 = arith.addi %mul3A_68, %add3A_114 : i32
        %dma_start3A_116 = arith.constant 0 : i32
        %dma_start3A_117 = arith.constant 0 : i32
        %dma_start3A_118 = arith.constant 0 : i32
        %dma_start3A_119 = tpu.memref_slice %arg10[%dma_start3A_116, %dma_start3A_117, %dma_start3A_118] : memref<2x128x80xf32, #tpu.memory_space<vmem>> -> memref<1x128x80xf32, #tpu.memory_space<vmem>>
        %dma_start3A_120 = tpu.memref_squeeze %dma_start3A_119 : memref<1x128x80xf32, #tpu.memory_space<vmem>> -> memref<128x80xf32, #tpu.memory_space<vmem>>
        %dma_start3A_121 = arith.constant 0 : i32
        %dma_start3A_122 = tpu.memref_slice %arg8[%add3A_115, %dma_start3A_121] : memref<158x128xi32, #tpu.memory_space<vmem>> -> memref<1x128xi32, #tpu.memory_space<vmem>>
        %dma_start3A_123 = tpu.memref_squeeze %dma_start3A_122 : memref<1x128xi32, #tpu.memory_space<vmem>> -> memref<128xi32, #tpu.memory_space<vmem>>
        %dma_start3A_124 = arith.constant 0 : i32
        %dma_start3A_125 = arith.constant 0 : i32
        %dma_start3A_126 = tpu.memref_slice %arg2[%dma_start3A_124, %dma_start3A_125] : memref<80000x80xf32, #tpu.memory_space<hbm>> -> memref<80000x80xf32, #tpu.memory_space<hbm>>
        tpu.enqueue_indirect_dma source(%dma_start3A_126 : memref<80000x80xf32, #tpu.memory_space<hbm>>) target(%dma_start3A_120 : memref<128x80xf32, #tpu.memory_space<vmem>>) offsets(%dma_start3A_123 : memref<128xi32, #tpu.memory_space<vmem>>) semaphore(%arg12 : memref<!tpu.dma_semaphore, #tpu.memory_space<semaphore_mem>>)
      } else {
      }
      %dma_wait3A_99 = arith.constant 0 : i32
      %dma_wait3A_100 = arith.constant 1 : i32
      %dma_wait3A_101 = arith.constant 0 : i32
      %dma_wait3A_102 = arith.constant 0 : i32
      %dma_wait3A_103 = tpu.memref_slice %arg10[%dma_wait3A_100, %dma_wait3A_101, %dma_wait3A_102] : memref<2x128x80xf32, #tpu.memory_space<vmem>> -> memref<1x128x80xf32, #tpu.memory_space<vmem>>
      %dma_wait3A_104 = tpu.memref_squeeze %dma_wait3A_103 : memref<1x128x80xf32, #tpu.memory_space<vmem>> -> memref<128x80xf32, #tpu.memory_space<vmem>>
      %dma_wait3A_105 = arith.constant 0 : i32
      %dma_wait3A_106 = tpu.memref_slice %arg8[%dma_wait3A_99, %dma_wait3A_105] : memref<158x128xi32, #tpu.memory_space<vmem>> -> memref<1x128xi32, #tpu.memory_space<vmem>>
      %dma_wait3A_107 = tpu.memref_squeeze %dma_wait3A_106 : memref<1x128xi32, #tpu.memory_space<vmem>> -> memref<128xi32, #tpu.memory_space<vmem>>
      %dma_wait3A_108 = arith.constant 0 : i32
      %dma_wait3A_109 = arith.constant 0 : i32
      %dma_wait3A_110 = tpu.memref_slice %arg2[%dma_wait3A_108, %dma_wait3A_109] : memref<80000x80xf32, #tpu.memory_space<hbm>> -> memref<80000x80xf32, #tpu.memory_space<hbm>>
      tpu.wait_indirect_dma semaphore(%arg13 : memref<!tpu.dma_semaphore, #tpu.memory_space<semaphore_mem>>) src(%dma_wait3A_110 : memref<80000x80xf32, #tpu.memory_space<hbm>>) dst(%dma_wait3A_104 : memref<128x80xf32, #tpu.memory_space<vmem>>)
      %add3A_111 = arith.constant 1 : i32
      %add3A_112 = arith.addi %mul3A_68, %add3A_111 : i32
      %run_scoped3A_113 = arith.constant 1 : i32
      "tpu.region"() ({
        %run_scoped3A_114 = tpu.sem_alloc : memref<!tpu.dma_semaphore, #tpu.memory_space<semaphore_mem>>
        %dma_start3A_115 = arith.constant 0 : i32
        %dma_start3A_116 = arith.constant 0 : i32
        %dma_start3A_117 = tpu.memref_slice %arg10[%run_scoped3A_113, %dma_start3A_115, %dma_start3A_116] : memref<2x128x80xf32, #tpu.memory_space<vmem>> -> memref<1x128x80xf32, #tpu.memory_space<vmem>>
        %dma_start3A_118 = tpu.memref_squeeze %dma_start3A_117 : memref<1x128x80xf32, #tpu.memory_space<vmem>> -> memref<128x80xf32, #tpu.memory_space<vmem>>
        %dma_start3A_119 = arith.constant 0 : i32
        %dma_start3A_120 = tpu.memref_slice %arg9[%add3A_112, %dma_start3A_119] : memref<158x128xi32, #tpu.memory_space<vmem>> -> memref<1x128xi32, #tpu.memory_space<vmem>>
        %dma_start3A_121 = tpu.memref_squeeze %dma_start3A_120 : memref<1x128xi32, #tpu.memory_space<vmem>> -> memref<128xi32, #tpu.memory_space<vmem>>
        %dma_start3A_122 = arith.constant 0 : i32
        %dma_start3A_123 = arith.constant 0 : i32
        %dma_start3A_124 = tpu.memref_slice %arg11[%dma_start3A_122, %dma_start3A_123] : memref<10112x80xf32, #tpu.memory_space<vmem_shared>> -> memref<10112x80xf32, #tpu.memory_space<vmem_shared>>
        tpu.enqueue_indirect_dma source(%dma_start3A_118 : memref<128x80xf32, #tpu.memory_space<vmem>>) target(%dma_start3A_124 : memref<10112x80xf32, #tpu.memory_space<vmem_shared>>) offsets(%dma_start3A_121 : memref<128xi32, #tpu.memory_space<vmem>>) semaphore(%run_scoped3A_114 : memref<!tpu.dma_semaphore, #tpu.memory_space<semaphore_mem>>) {add = true}
        %dma_wait3A_125 = arith.constant 0 : i32
        %dma_wait3A_126 = arith.constant 0 : i32
        %dma_wait3A_127 = tpu.memref_slice %arg10[%run_scoped3A_113, %dma_wait3A_125, %dma_wait3A_126] : memref<2x128x80xf32, #tpu.memory_space<vmem>> -> memref<1x128x80xf32, #tpu.memory_space<vmem>>
        %dma_wait3A_128 = tpu.memref_squeeze %dma_wait3A_127 : memref<1x128x80xf32, #tpu.memory_space<vmem>> -> memref<128x80xf32, #tpu.memory_space<vmem>>
        %dma_wait3A_129 = arith.constant 0 : i32
        %dma_wait3A_130 = tpu.memref_slice %arg9[%add3A_112, %dma_wait3A_129] : memref<158x128xi32, #tpu.memory_space<vmem>> -> memref<1x128xi32, #tpu.memory_space<vmem>>
        %dma_wait3A_131 = tpu.memref_squeeze %dma_wait3A_130 : memref<1x128xi32, #tpu.memory_space<vmem>> -> memref<128xi32, #tpu.memory_space<vmem>>
        %dma_wait3A_132 = arith.constant 0 : i32
        %dma_wait3A_133 = arith.constant 0 : i32
        %dma_wait3A_134 = tpu.memref_slice %arg11[%dma_wait3A_132, %dma_wait3A_133] : memref<10112x80xf32, #tpu.memory_space<vmem_shared>> -> memref<10112x80xf32, #tpu.memory_space<vmem_shared>>
        tpu.wait_indirect_dma semaphore(%run_scoped3A_114 : memref<!tpu.dma_semaphore, #tpu.memory_space<semaphore_mem>>) src(%dma_wait3A_128 : memref<128x80xf32, #tpu.memory_space<vmem>>) dst(%dma_wait3A_134 : memref<10112x80xf32, #tpu.memory_space<vmem_shared>>)
        tpu.yield
      }) : () -> ()
    }
    %scan3A_19 = arith.constant 79 : i32
    %barrier3A_20 = arith.constant 0 : index
    tpu.barrier barrier_id(%barrier3A_20)
    %lt3A = arith.constant 15 : i32
    %lt3A_21 = arith.cmpi slt, %arg1, %lt3A : i32
    %convert_element_type3A = arith.extui %lt3A_21 : i1 to i32
    %cond3A = arith.constant 0 : i32
    %cond3A_22 = arith.cmpi ne, %convert_element_type3A, %cond3A : i32
    scf.if %cond3A_22 {
      %mul3A_62 = arith.constant 632 : i32
      %mul3A_63 = arith.muli %arg1, %mul3A_62 : i32
      %mul3A_64 = arith.constant 632 : i32
      %mul3A_65 = arith.muli %arg1, %mul3A_64 : i32
      "tpu.region"() ({
        %run_scoped3A_66 = tpu.sem_alloc : memref<!tpu.dma_semaphore, #tpu.memory_space<semaphore_mem>>
        %dma_start3A_67 = arith.constant 0 : i32
        %dma_start3A_68 = tpu.memref_slice %arg7[%arg0, %mul3A_65, %dma_start3A_67] : memref<2x10000x160xf32, #tpu.memory_space<hbm>> -> memref<1x632x80xf32, #tpu.memory_space<hbm>>
        %dma_start3A_69 = tpu.memref_squeeze %dma_start3A_68 : memref<1x632x80xf32, #tpu.memory_space<hbm>> -> memref<632x80xf32, #tpu.memory_space<hbm>>
        %dma_start3A_70 = arith.constant 0 : i32
        %dma_start3A_71 = tpu.memref_slice %arg11[%mul3A_63, %dma_start3A_70] : memref<10112x80xf32, #tpu.memory_space<vmem_shared>> -> memref<632x80xf32, #tpu.memory_space<vmem_shared>>
        tpu.enqueue_dma source(%dma_start3A_71 : memref<632x80xf32, #tpu.memory_space<vmem_shared>>) target(%dma_start3A_69 : memref<632x80xf32, #tpu.memory_space<hbm>>) target_semaphore(%run_scoped3A_66 : memref<!tpu.dma_semaphore, #tpu.memory_space<semaphore_mem>>)
        %dma_wait3A = arith.constant 0 : i32
        %dma_wait3A_72 = tpu.memref_slice %arg7[%arg0, %mul3A_65, %dma_wait3A] : memref<2x10000x160xf32, #tpu.memory_space<hbm>> -> memref<1x632x80xf32, #tpu.memory_space<hbm>>
        %dma_wait3A_73 = tpu.memref_squeeze %dma_wait3A_72 : memref<1x632x80xf32, #tpu.memory_space<hbm>> -> memref<632x80xf32, #tpu.memory_space<hbm>>
        %dma_wait3A_74 = arith.constant 0 : i32
        %dma_wait3A_75 = tpu.memref_slice %arg11[%mul3A_63, %dma_wait3A_74] : memref<10112x80xf32, #tpu.memory_space<vmem_shared>> -> memref<632x80xf32, #tpu.memory_space<vmem_shared>>
        tpu.wait_dma2 semaphore(%run_scoped3A_66 : memref<!tpu.dma_semaphore, #tpu.memory_space<semaphore_mem>>) src(%dma_wait3A_75 : memref<632x80xf32, #tpu.memory_space<vmem_shared>>) dst(%dma_wait3A_73 : memref<632x80xf32, #tpu.memory_space<hbm>>)
        tpu.yield
      }) : () -> ()
    } else {
    }
    %eq3A = arith.constant 15 : i32
    %eq3A_23 = arith.cmpi eq, %arg1, %eq3A : i32
    %convert_element_type3A_24 = arith.extui %eq3A_23 : i1 to i32
    %cond3A_25 = arith.constant 0 : i32
    %cond3A_26 = arith.cmpi ne, %convert_element_type3A_24, %cond3A_25 : i32
    scf.if %cond3A_26 {
      "tpu.region"() ({
        %run_scoped3A_62 = tpu.sem_alloc : memref<!tpu.dma_semaphore, #tpu.memory_space<semaphore_mem>>
        %dma_start3A_63 = arith.constant 9480 : i32
        %dma_start3A_64 = arith.constant 0 : i32
        %dma_start3A_65 = tpu.memref_slice %arg7[%arg0, %dma_start3A_63, %dma_start3A_64] : memref<2x10000x160xf32, #tpu.memory_space<hbm>> -> memref<1x520x80xf32, #tpu.memory_space<hbm>>
        %dma_start3A_66 = tpu.memref_squeeze %dma_start3A_65 : memref<1x520x80xf32, #tpu.memory_space<hbm>> -> memref<520x80xf32, #tpu.memory_space<hbm>>
        %dma_start3A_67 = arith.constant 9480 : i32
        %dma_start3A_68 = arith.constant 0 : i32
        %dma_start3A_69 = tpu.memref_slice %arg11[%dma_start3A_67, %dma_start3A_68] : memref<10112x80xf32, #tpu.memory_space<vmem_shared>> -> memref<520x80xf32, #tpu.memory_space<vmem_shared>>
        tpu.enqueue_dma source(%dma_start3A_69 : memref<520x80xf32, #tpu.memory_space<vmem_shared>>) target(%dma_start3A_66 : memref<520x80xf32, #tpu.memory_space<hbm>>) target_semaphore(%run_scoped3A_62 : memref<!tpu.dma_semaphore, #tpu.memory_space<semaphore_mem>>)
        %dma_wait3A = arith.constant 9480 : i32
        %dma_wait3A_70 = arith.constant 0 : i32
        %dma_wait3A_71 = tpu.memref_slice %arg7[%arg0, %dma_wait3A, %dma_wait3A_70] : memref<2x10000x160xf32, #tpu.memory_space<hbm>> -> memref<1x520x80xf32, #tpu.memory_space<hbm>>
        %dma_wait3A_72 = tpu.memref_squeeze %dma_wait3A_71 : memref<1x520x80xf32, #tpu.memory_space<hbm>> -> memref<520x80xf32, #tpu.memory_space<hbm>>
        %dma_wait3A_73 = arith.constant 9480 : i32
        %dma_wait3A_74 = arith.constant 0 : i32
        %dma_wait3A_75 = tpu.memref_slice %arg11[%dma_wait3A_73, %dma_wait3A_74] : memref<10112x80xf32, #tpu.memory_space<vmem_shared>> -> memref<520x80xf32, #tpu.memory_space<vmem_shared>>
        tpu.wait_dma2 semaphore(%run_scoped3A_62 : memref<!tpu.dma_semaphore, #tpu.memory_space<semaphore_mem>>) src(%dma_wait3A_75 : memref<520x80xf32, #tpu.memory_space<vmem_shared>>) dst(%dma_wait3A_72 : memref<520x80xf32, #tpu.memory_space<hbm>>)
        tpu.yield
      }) : () -> ()
    } else {
    }
    %barrier3A_27 = arith.constant 0 : index
    tpu.barrier barrier_id(%barrier3A_27)
    %mul3A_28 = arith.constant 632 : i32
    %mul3A_29 = arith.muli %arg1, %mul3A_28 : i32
    "tpu.region"() ({
      %run_scoped3A_62 = tpu.sem_alloc : memref<!tpu.dma_semaphore, #tpu.memory_space<semaphore_mem>>
      %dma_start3A_63 = arith.constant 0 : i32
      %dma_start3A_64 = tpu.memref_slice %arg11[%mul3A_29, %dma_start3A_63] : memref<10112x80xf32, #tpu.memory_space<vmem_shared>> -> memref<632x80xf32, #tpu.memory_space<vmem_shared>>
      tpu.enqueue_dma source(%arg6 : memref<632x80xf32, #tpu.memory_space<hbm>>) target(%dma_start3A_64 : memref<632x80xf32, #tpu.memory_space<vmem_shared>>) target_semaphore(%run_scoped3A_62 : memref<!tpu.dma_semaphore, #tpu.memory_space<semaphore_mem>>)
      %dma_wait3A = arith.constant 0 : i32
      %dma_wait3A_65 = tpu.memref_slice %arg11[%mul3A_29, %dma_wait3A] : memref<10112x80xf32, #tpu.memory_space<vmem_shared>> -> memref<632x80xf32, #tpu.memory_space<vmem_shared>>
      tpu.wait_dma2 semaphore(%run_scoped3A_62 : memref<!tpu.dma_semaphore, #tpu.memory_space<semaphore_mem>>) src(%arg6 : memref<632x80xf32, #tpu.memory_space<hbm>>) dst(%dma_wait3A_65 : memref<632x80xf32, #tpu.memory_space<vmem_shared>>)
      tpu.yield
    }) : () -> ()
    %run_scoped3A_30 = arith.constant 0 : i32
    "tpu.region"() ({
      %run_scoped3A_62 = tpu.sem_alloc : memref<!tpu.dma_semaphore, #tpu.memory_space<semaphore_mem>>
      %dma_start3A_63 = arith.constant 0 : i32
      %dma_start3A_64 = arith.constant 0 : i32
      %dma_start3A_65 = tpu.memref_slice %arg8[%dma_start3A_63, %dma_start3A_64] : memref<158x128xi32, #tpu.memory_space<vmem>> -> memref<79x128xi32, #tpu.memory_space<vmem>>
      %dma_start3A_66 = arith.constant 0 : i32
      %dma_start3A_67 = arith.constant 0 : i32
      %dma_start3A_68 = tpu.memref_slice %arg4[%add3A_0, %run_scoped3A_30, %arg1, %dma_start3A_66, %dma_start3A_67] : memref<4x2x16x79x128xi32, #tpu.memory_space<hbm>> -> memref<1x1x1x79x128xi32, #tpu.memory_space<hbm>>
      %dma_start3A_69 = tpu.memref_squeeze %dma_start3A_68 : memref<1x1x1x79x128xi32, #tpu.memory_space<hbm>> -> memref<79x128xi32, #tpu.memory_space<hbm>>
      %dma_start3A_70 = arith.constant 0 : i32
      %dma_start3A_71 = arith.constant 0 : i32
      %dma_start3A_72 = tpu.memref_slice %arg8[%dma_start3A_70, %dma_start3A_71] : memref<158x128xi32, #tpu.memory_space<vmem>> -> memref<79x128xi32, #tpu.memory_space<vmem>>
      %dma_start3A_73 = arith.constant 0 : i32
      %dma_start3A_74 = arith.constant 0 : i32
      %dma_start3A_75 = tpu.memref_slice %arg4[%add3A_0, %run_scoped3A_30, %arg1, %dma_start3A_73, %dma_start3A_74] : memref<4x2x16x79x128xi32, #tpu.memory_space<hbm>> -> memref<1x1x1x79x128xi32, #tpu.memory_space<hbm>>
      %dma_start3A_76 = tpu.memref_squeeze %dma_start3A_75 : memref<1x1x1x79x128xi32, #tpu.memory_space<hbm>> -> memref<79x128xi32, #tpu.memory_space<hbm>>
      tpu.enqueue_dma source(%dma_start3A_76 : memref<79x128xi32, #tpu.memory_space<hbm>>) target(%dma_start3A_72 : memref<79x128xi32, #tpu.memory_space<vmem>>) target_semaphore(%run_scoped3A_62 : memref<!tpu.dma_semaphore, #tpu.memory_space<semaphore_mem>>)
      %dma_wait3A = arith.constant 0 : i32
      %dma_wait3A_77 = arith.constant 0 : i32
      %dma_wait3A_78 = tpu.memref_slice %arg8[%dma_wait3A, %dma_wait3A_77] : memref<158x128xi32, #tpu.memory_space<vmem>> -> memref<79x128xi32, #tpu.memory_space<vmem>>
      %dma_wait3A_79 = arith.constant 0 : i32
      %dma_wait3A_80 = arith.constant 0 : i32
      %dma_wait3A_81 = tpu.memref_slice %arg4[%add3A_0, %run_scoped3A_30, %arg1, %dma_wait3A_79, %dma_wait3A_80] : memref<4x2x16x79x128xi32, #tpu.memory_space<hbm>> -> memref<1x1x1x79x128xi32, #tpu.memory_space<hbm>>
      %dma_wait3A_82 = tpu.memref_squeeze %dma_wait3A_81 : memref<1x1x1x79x128xi32, #tpu.memory_space<hbm>> -> memref<79x128xi32, #tpu.memory_space<hbm>>
      %dma_wait3A_83 = arith.constant 0 : i32
      %dma_wait3A_84 = arith.constant 0 : i32
      %dma_wait3A_85 = tpu.memref_slice %arg8[%dma_wait3A_83, %dma_wait3A_84] : memref<158x128xi32, #tpu.memory_space<vmem>> -> memref<79x128xi32, #tpu.memory_space<vmem>>
      %dma_wait3A_86 = arith.constant 0 : i32
      %dma_wait3A_87 = arith.constant 0 : i32
      %dma_wait3A_88 = tpu.memref_slice %arg4[%add3A_0, %run_scoped3A_30, %arg1, %dma_wait3A_86, %dma_wait3A_87] : memref<4x2x16x79x128xi32, #tpu.memory_space<hbm>> -> memref<1x1x1x79x128xi32, #tpu.memory_space<hbm>>
      %dma_wait3A_89 = tpu.memref_squeeze %dma_wait3A_88 : memref<1x1x1x79x128xi32, #tpu.memory_space<hbm>> -> memref<79x128xi32, #tpu.memory_space<hbm>>
      tpu.wait_dma2 semaphore(%run_scoped3A_62 : memref<!tpu.dma_semaphore, #tpu.memory_space<semaphore_mem>>) src(%dma_wait3A_89 : memref<79x128xi32, #tpu.memory_space<hbm>>) dst(%dma_wait3A_85 : memref<79x128xi32, #tpu.memory_space<vmem>>)
      tpu.yield
    }) : () -> ()
    %run_scoped3A_31 = arith.constant 1 : i32
    "tpu.region"() ({
      %run_scoped3A_62 = tpu.sem_alloc : memref<!tpu.dma_semaphore, #tpu.memory_space<semaphore_mem>>
      %dma_start3A_63 = arith.constant 79 : i32
      %dma_start3A_64 = arith.constant 0 : i32
      %dma_start3A_65 = tpu.memref_slice %arg8[%dma_start3A_63, %dma_start3A_64] : memref<158x128xi32, #tpu.memory_space<vmem>> -> memref<79x128xi32, #tpu.memory_space<vmem>>
      %dma_start3A_66 = arith.constant 0 : i32
      %dma_start3A_67 = arith.constant 0 : i32
      %dma_start3A_68 = tpu.memref_slice %arg4[%add3A_0, %run_scoped3A_31, %arg1, %dma_start3A_66, %dma_start3A_67] : memref<4x2x16x79x128xi32, #tpu.memory_space<hbm>> -> memref<1x1x1x79x128xi32, #tpu.memory_space<hbm>>
      %dma_start3A_69 = tpu.memref_squeeze %dma_start3A_68 : memref<1x1x1x79x128xi32, #tpu.memory_space<hbm>> -> memref<79x128xi32, #tpu.memory_space<hbm>>
      %dma_start3A_70 = arith.constant 79 : i32
      %dma_start3A_71 = arith.constant 0 : i32
      %dma_start3A_72 = tpu.memref_slice %arg8[%dma_start3A_70, %dma_start3A_71] : memref<158x128xi32, #tpu.memory_space<vmem>> -> memref<79x128xi32, #tpu.memory_space<vmem>>
      %dma_start3A_73 = arith.constant 0 : i32
      %dma_start3A_74 = arith.constant 0 : i32
      %dma_start3A_75 = tpu.memref_slice %arg4[%add3A_0, %run_scoped3A_31, %arg1, %dma_start3A_73, %dma_start3A_74] : memref<4x2x16x79x128xi32, #tpu.memory_space<hbm>> -> memref<1x1x1x79x128xi32, #tpu.memory_space<hbm>>
      %dma_start3A_76 = tpu.memref_squeeze %dma_start3A_75 : memref<1x1x1x79x128xi32, #tpu.memory_space<hbm>> -> memref<79x128xi32, #tpu.memory_space<hbm>>
      tpu.enqueue_dma source(%dma_start3A_76 : memref<79x128xi32, #tpu.memory_space<hbm>>) target(%dma_start3A_72 : memref<79x128xi32, #tpu.memory_space<vmem>>) target_semaphore(%run_scoped3A_62 : memref<!tpu.dma_semaphore, #tpu.memory_space<semaphore_mem>>)
      %dma_wait3A = arith.constant 79 : i32
      %dma_wait3A_77 = arith.constant 0 : i32
      %dma_wait3A_78 = tpu.memref_slice %arg8[%dma_wait3A, %dma_wait3A_77] : memref<158x128xi32, #tpu.memory_space<vmem>> -> memref<79x128xi32, #tpu.memory_space<vmem>>
      %dma_wait3A_79 = arith.constant 0 : i32
      %dma_wait3A_80 = arith.constant 0 : i32
      %dma_wait3A_81 = tpu.memref_slice %arg4[%add3A_0, %run_scoped3A_31, %arg1, %dma_wait3A_79, %dma_wait3A_80] : memref<4x2x16x79x128xi32, #tpu.memory_space<hbm>> -> memref<1x1x1x79x128xi32, #tpu.memory_space<hbm>>
      %dma_wait3A_82 = tpu.memref_squeeze %dma_wait3A_81 : memref<1x1x1x79x128xi32, #tpu.memory_space<hbm>> -> memref<79x128xi32, #tpu.memory_space<hbm>>
      %dma_wait3A_83 = arith.constant 79 : i32
      %dma_wait3A_84 = arith.constant 0 : i32
      %dma_wait3A_85 = tpu.memref_slice %arg8[%dma_wait3A_83, %dma_wait3A_84] : memref<158x128xi32, #tpu.memory_space<vmem>> -> memref<79x128xi32, #tpu.memory_space<vmem>>
      %dma_wait3A_86 = arith.constant 0 : i32
      %dma_wait3A_87 = arith.constant 0 : i32
      %dma_wait3A_88 = tpu.memref_slice %arg4[%add3A_0, %run_scoped3A_31, %arg1, %dma_wait3A_86, %dma_wait3A_87] : memref<4x2x16x79x128xi32, #tpu.memory_space<hbm>> -> memref<1x1x1x79x128xi32, #tpu.memory_space<hbm>>
      %dma_wait3A_89 = tpu.memref_squeeze %dma_wait3A_88 : memref<1x1x1x79x128xi32, #tpu.memory_space<hbm>> -> memref<79x128xi32, #tpu.memory_space<hbm>>
      tpu.wait_dma2 semaphore(%run_scoped3A_62 : memref<!tpu.dma_semaphore, #tpu.memory_space<semaphore_mem>>) src(%dma_wait3A_89 : memref<79x128xi32, #tpu.memory_space<hbm>>) dst(%dma_wait3A_85 : memref<79x128xi32, #tpu.memory_space<vmem>>)
      tpu.yield
    }) : () -> ()
    %barrier3A_32 = arith.constant 0 : index
    tpu.barrier barrier_id(%barrier3A_32)
    %dma_start3A_33 = arith.constant 0 : i32
    %dma_start3A_34 = arith.constant 0 : i32
    %dma_start3A_35 = arith.constant 0 : i32
    %dma_start3A_36 = arith.constant 0 : i32
    %dma_start3A_37 = tpu.memref_slice %arg10[%dma_start3A_34, %dma_start3A_35, %dma_start3A_36] : memref<2x128x80xf32, #tpu.memory_space<vmem>> -> memref<1x128x80xf32, #tpu.memory_space<vmem>>
    %dma_start3A_38 = tpu.memref_squeeze %dma_start3A_37 : memref<1x128x80xf32, #tpu.memory_space<vmem>> -> memref<128x80xf32, #tpu.memory_space<vmem>>
    %dma_start3A_39 = arith.constant 0 : i32
    %dma_start3A_40 = tpu.memref_slice %arg8[%dma_start3A_33, %dma_start3A_39] : memref<158x128xi32, #tpu.memory_space<vmem>> -> memref<1x128xi32, #tpu.memory_space<vmem>>
    %dma_start3A_41 = tpu.memref_squeeze %dma_start3A_40 : memref<1x128xi32, #tpu.memory_space<vmem>> -> memref<128xi32, #tpu.memory_space<vmem>>
    %dma_start3A_42 = arith.constant 0 : i32
    %dma_start3A_43 = arith.constant 0 : i32
    %dma_start3A_44 = tpu.memref_slice %arg2[%dma_start3A_42, %dma_start3A_43] : memref<80000x80xf32, #tpu.memory_space<hbm>> -> memref<80000x80xf32, #tpu.memory_space<hbm>>
    tpu.enqueue_indirect_dma source(%dma_start3A_44 : memref<80000x80xf32, #tpu.memory_space<hbm>>) target(%dma_start3A_38 : memref<128x80xf32, #tpu.memory_space<vmem>>) offsets(%dma_start3A_41 : memref<128xi32, #tpu.memory_space<vmem>>) semaphore(%arg12 : memref<!tpu.dma_semaphore, #tpu.memory_space<semaphore_mem>>)
    %scan3A_45 = arith.constant 0 : i32
    %scan3A_46 = arith.constant 79 : i32
    %scan3A_47 = arith.addi %scan3A_45, %scan3A_46 : i32
    %scan3A_48 = arith.constant 1 : i32
    scf.for %scan3A_62 = %scan3A_45 to %scan3A_47 step %scan3A_48  : i32 {
      %mul3A_63 = arith.constant 1 : i32
      %mul3A_64 = arith.muli %scan3A_62, %mul3A_63 : i32
      %add3A_65 = arith.constant 0 : i32
      %add3A_66 = arith.addi %add3A_65, %mul3A_64 : i32
      %mul3A_67 = arith.constant 2 : i32
      %mul3A_68 = arith.muli %mul3A_67, %add3A_66 : i32
      %add3A_69 = arith.constant 1 : i32
      %add3A_70 = arith.addi %mul3A_68, %add3A_69 : i32
      %dma_start3A_71 = arith.constant 1 : i32
      %dma_start3A_72 = arith.constant 0 : i32
      %dma_start3A_73 = arith.constant 0 : i32
      %dma_start3A_74 = tpu.memref_slice %arg10[%dma_start3A_71, %dma_start3A_72, %dma_start3A_73] : memref<2x128x80xf32, #tpu.memory_space<vmem>> -> memref<1x128x80xf32, #tpu.memory_space<vmem>>
      %dma_start3A_75 = tpu.memref_squeeze %dma_start3A_74 : memref<1x128x80xf32, #tpu.memory_space<vmem>> -> memref<128x80xf32, #tpu.memory_space<vmem>>
      %dma_start3A_76 = arith.constant 0 : i32
      %dma_start3A_77 = tpu.memref_slice %arg8[%add3A_70, %dma_start3A_76] : memref<158x128xi32, #tpu.memory_space<vmem>> -> memref<1x128xi32, #tpu.memory_space<vmem>>
      %dma_start3A_78 = tpu.memref_squeeze %dma_start3A_77 : memref<1x128xi32, #tpu.memory_space<vmem>> -> memref<128xi32, #tpu.memory_space<vmem>>
      %dma_start3A_79 = arith.constant 0 : i32
      %dma_start3A_80 = arith.constant 0 : i32
      %dma_start3A_81 = tpu.memref_slice %arg2[%dma_start3A_79, %dma_start3A_80] : memref<80000x80xf32, #tpu.memory_space<hbm>> -> memref<80000x80xf32, #tpu.memory_space<hbm>>
      tpu.enqueue_indirect_dma source(%dma_start3A_81 : memref<80000x80xf32, #tpu.memory_space<hbm>>) target(%dma_start3A_75 : memref<128x80xf32, #tpu.memory_space<vmem>>) offsets(%dma_start3A_78 : memref<128xi32, #tpu.memory_space<vmem>>) semaphore(%arg13 : memref<!tpu.dma_semaphore, #tpu.memory_space<semaphore_mem>>)
      %dma_wait3A = arith.constant 0 : i32
      %dma_wait3A_82 = arith.constant 0 : i32
      %dma_wait3A_83 = arith.constant 0 : i32
      %dma_wait3A_84 = arith.constant 0 : i32
      %dma_wait3A_85 = tpu.memref_slice %arg10[%dma_wait3A_82, %dma_wait3A_83, %dma_wait3A_84] : memref<2x128x80xf32, #tpu.memory_space<vmem>> -> memref<1x128x80xf32, #tpu.memory_space<vmem>>
      %dma_wait3A_86 = tpu.memref_squeeze %dma_wait3A_85 : memref<1x128x80xf32, #tpu.memory_space<vmem>> -> memref<128x80xf32, #tpu.memory_space<vmem>>
      %dma_wait3A_87 = arith.constant 0 : i32
      %dma_wait3A_88 = tpu.memref_slice %arg8[%dma_wait3A, %dma_wait3A_87] : memref<158x128xi32, #tpu.memory_space<vmem>> -> memref<1x128xi32, #tpu.memory_space<vmem>>
      %dma_wait3A_89 = tpu.memref_squeeze %dma_wait3A_88 : memref<1x128xi32, #tpu.memory_space<vmem>> -> memref<128xi32, #tpu.memory_space<vmem>>
      %dma_wait3A_90 = arith.constant 0 : i32
      %dma_wait3A_91 = arith.constant 0 : i32
      %dma_wait3A_92 = tpu.memref_slice %arg2[%dma_wait3A_90, %dma_wait3A_91] : memref<80000x80xf32, #tpu.memory_space<hbm>> -> memref<80000x80xf32, #tpu.memory_space<hbm>>
      tpu.wait_indirect_dma semaphore(%arg12 : memref<!tpu.dma_semaphore, #tpu.memory_space<semaphore_mem>>) src(%dma_wait3A_92 : memref<80000x80xf32, #tpu.memory_space<hbm>>) dst(%dma_wait3A_86 : memref<128x80xf32, #tpu.memory_space<vmem>>)
      %run_scoped3A_93 = arith.constant 0 : i32
      "tpu.region"() ({
        %run_scoped3A_114 = tpu.sem_alloc : memref<!tpu.dma_semaphore, #tpu.memory_space<semaphore_mem>>
        %dma_start3A_115 = arith.constant 0 : i32
        %dma_start3A_116 = arith.constant 0 : i32
        %dma_start3A_117 = tpu.memref_slice %arg10[%run_scoped3A_93, %dma_start3A_115, %dma_start3A_116] : memref<2x128x80xf32, #tpu.memory_space<vmem>> -> memref<1x128x80xf32, #tpu.memory_space<vmem>>
        %dma_start3A_118 = tpu.memref_squeeze %dma_start3A_117 : memref<1x128x80xf32, #tpu.memory_space<vmem>> -> memref<128x80xf32, #tpu.memory_space<vmem>>
        %dma_start3A_119 = arith.constant 0 : i32
        %dma_start3A_120 = tpu.memref_slice %arg9[%mul3A_68, %dma_start3A_119] : memref<158x128xi32, #tpu.memory_space<vmem>> -> memref<1x128xi32, #tpu.memory_space<vmem>>
        %dma_start3A_121 = tpu.memref_squeeze %dma_start3A_120 : memref<1x128xi32, #tpu.memory_space<vmem>> -> memref<128xi32, #tpu.memory_space<vmem>>
        %dma_start3A_122 = arith.constant 0 : i32
        %dma_start3A_123 = arith.constant 0 : i32
        %dma_start3A_124 = tpu.memref_slice %arg11[%dma_start3A_122, %dma_start3A_123] : memref<10112x80xf32, #tpu.memory_space<vmem_shared>> -> memref<10112x80xf32, #tpu.memory_space<vmem_shared>>
        tpu.enqueue_indirect_dma source(%dma_start3A_118 : memref<128x80xf32, #tpu.memory_space<vmem>>) target(%dma_start3A_124 : memref<10112x80xf32, #tpu.memory_space<vmem_shared>>) offsets(%dma_start3A_121 : memref<128xi32, #tpu.memory_space<vmem>>) semaphore(%run_scoped3A_114 : memref<!tpu.dma_semaphore, #tpu.memory_space<semaphore_mem>>) {add = true}
        %dma_wait3A_125 = arith.constant 0 : i32
        %dma_wait3A_126 = arith.constant 0 : i32
        %dma_wait3A_127 = tpu.memref_slice %arg10[%run_scoped3A_93, %dma_wait3A_125, %dma_wait3A_126] : memref<2x128x80xf32, #tpu.memory_space<vmem>> -> memref<1x128x80xf32, #tpu.memory_space<vmem>>
        %dma_wait3A_128 = tpu.memref_squeeze %dma_wait3A_127 : memref<1x128x80xf32, #tpu.memory_space<vmem>> -> memref<128x80xf32, #tpu.memory_space<vmem>>
        %dma_wait3A_129 = arith.constant 0 : i32
        %dma_wait3A_130 = tpu.memref_slice %arg9[%mul3A_68, %dma_wait3A_129] : memref<158x128xi32, #tpu.memory_space<vmem>> -> memref<1x128xi32, #tpu.memory_space<vmem>>
        %dma_wait3A_131 = tpu.memref_squeeze %dma_wait3A_130 : memref<1x128xi32, #tpu.memory_space<vmem>> -> memref<128xi32, #tpu.memory_space<vmem>>
        %dma_wait3A_132 = arith.constant 0 : i32
        %dma_wait3A_133 = arith.constant 0 : i32
        %dma_wait3A_134 = tpu.memref_slice %arg11[%dma_wait3A_132, %dma_wait3A_133] : memref<10112x80xf32, #tpu.memory_space<vmem_shared>> -> memref<10112x80xf32, #tpu.memory_space<vmem_shared>>
        tpu.wait_indirect_dma semaphore(%run_scoped3A_114 : memref<!tpu.dma_semaphore, #tpu.memory_space<semaphore_mem>>) src(%dma_wait3A_128 : memref<128x80xf32, #tpu.memory_space<vmem>>) dst(%dma_wait3A_134 : memref<10112x80xf32, #tpu.memory_space<vmem_shared>>)
        tpu.yield
      }) : () -> ()
      %lt3A_94 = arith.constant 78 : i32
      %lt3A_95 = arith.cmpi slt, %add3A_66, %lt3A_94 : i32
      %convert_element_type3A_96 = arith.extui %lt3A_95 : i1 to i32
      %cond3A_97 = arith.constant 0 : i32
      %cond3A_98 = arith.cmpi ne, %convert_element_type3A_96, %cond3A_97 : i32
      scf.if %cond3A_98 {
        %add3A_114 = arith.constant 2 : i32
        %add3A_115 = arith.addi %mul3A_68, %add3A_114 : i32
        %dma_start3A_116 = arith.constant 0 : i32
        %dma_start3A_117 = arith.constant 0 : i32
        %dma_start3A_118 = arith.constant 0 : i32
        %dma_start3A_119 = tpu.memref_slice %arg10[%dma_start3A_116, %dma_start3A_117, %dma_start3A_118] : memref<2x128x80xf32, #tpu.memory_space<vmem>> -> memref<1x128x80xf32, #tpu.memory_space<vmem>>
        %dma_start3A_120 = tpu.memref_squeeze %dma_start3A_119 : memref<1x128x80xf32, #tpu.memory_space<vmem>> -> memref<128x80xf32, #tpu.memory_space<vmem>>
        %dma_start3A_121 = arith.constant 0 : i32
        %dma_start3A_122 = tpu.memref_slice %arg8[%add3A_115, %dma_start3A_121] : memref<158x128xi32, #tpu.memory_space<vmem>> -> memref<1x128xi32, #tpu.memory_space<vmem>>
        %dma_start3A_123 = tpu.memref_squeeze %dma_start3A_122 : memref<1x128xi32, #tpu.memory_space<vmem>> -> memref<128xi32, #tpu.memory_space<vmem>>
        %dma_start3A_124 = arith.constant 0 : i32
        %dma_start3A_125 = arith.constant 0 : i32
        %dma_start3A_126 = tpu.memref_slice %arg2[%dma_start3A_124, %dma_start3A_125] : memref<80000x80xf32, #tpu.memory_space<hbm>> -> memref<80000x80xf32, #tpu.memory_space<hbm>>
        tpu.enqueue_indirect_dma source(%dma_start3A_126 : memref<80000x80xf32, #tpu.memory_space<hbm>>) target(%dma_start3A_120 : memref<128x80xf32, #tpu.memory_space<vmem>>) offsets(%dma_start3A_123 : memref<128xi32, #tpu.memory_space<vmem>>) semaphore(%arg12 : memref<!tpu.dma_semaphore, #tpu.memory_space<semaphore_mem>>)
      } else {
      }
      %dma_wait3A_99 = arith.constant 0 : i32
      %dma_wait3A_100 = arith.constant 1 : i32
      %dma_wait3A_101 = arith.constant 0 : i32
      %dma_wait3A_102 = arith.constant 0 : i32
      %dma_wait3A_103 = tpu.memref_slice %arg10[%dma_wait3A_100, %dma_wait3A_101, %dma_wait3A_102] : memref<2x128x80xf32, #tpu.memory_space<vmem>> -> memref<1x128x80xf32, #tpu.memory_space<vmem>>
      %dma_wait3A_104 = tpu.memref_squeeze %dma_wait3A_103 : memref<1x128x80xf32, #tpu.memory_space<vmem>> -> memref<128x80xf32, #tpu.memory_space<vmem>>
      %dma_wait3A_105 = arith.constant 0 : i32
      %dma_wait3A_106 = tpu.memref_slice %arg8[%dma_wait3A_99, %dma_wait3A_105] : memref<158x128xi32, #tpu.memory_space<vmem>> -> memref<1x128xi32, #tpu.memory_space<vmem>>
      %dma_wait3A_107 = tpu.memref_squeeze %dma_wait3A_106 : memref<1x128xi32, #tpu.memory_space<vmem>> -> memref<128xi32, #tpu.memory_space<vmem>>
      %dma_wait3A_108 = arith.constant 0 : i32
      %dma_wait3A_109 = arith.constant 0 : i32
      %dma_wait3A_110 = tpu.memref_slice %arg2[%dma_wait3A_108, %dma_wait3A_109] : memref<80000x80xf32, #tpu.memory_space<hbm>> -> memref<80000x80xf32, #tpu.memory_space<hbm>>
      tpu.wait_indirect_dma semaphore(%arg13 : memref<!tpu.dma_semaphore, #tpu.memory_space<semaphore_mem>>) src(%dma_wait3A_110 : memref<80000x80xf32, #tpu.memory_space<hbm>>) dst(%dma_wait3A_104 : memref<128x80xf32, #tpu.memory_space<vmem>>)
      %add3A_111 = arith.constant 1 : i32
      %add3A_112 = arith.addi %mul3A_68, %add3A_111 : i32
      %run_scoped3A_113 = arith.constant 1 : i32
      "tpu.region"() ({
        %run_scoped3A_114 = tpu.sem_alloc : memref<!tpu.dma_semaphore, #tpu.memory_space<semaphore_mem>>
        %dma_start3A_115 = arith.constant 0 : i32
        %dma_start3A_116 = arith.constant 0 : i32
        %dma_start3A_117 = tpu.memref_slice %arg10[%run_scoped3A_113, %dma_start3A_115, %dma_start3A_116] : memref<2x128x80xf32, #tpu.memory_space<vmem>> -> memref<1x128x80xf32, #tpu.memory_space<vmem>>
        %dma_start3A_118 = tpu.memref_squeeze %dma_start3A_117 : memref<1x128x80xf32, #tpu.memory_space<vmem>> -> memref<128x80xf32, #tpu.memory_space<vmem>>
        %dma_start3A_119 = arith.constant 0 : i32
        %dma_start3A_120 = tpu.memref_slice %arg9[%add3A_112, %dma_start3A_119] : memref<158x128xi32, #tpu.memory_space<vmem>> -> memref<1x128xi32, #tpu.memory_space<vmem>>
        %dma_start3A_121 = tpu.memref_squeeze %dma_start3A_120 : memref<1x128xi32, #tpu.memory_space<vmem>> -> memref<128xi32, #tpu.memory_space<vmem>>
        %dma_start3A_122 = arith.constant 0 : i32
        %dma_start3A_123 = arith.constant 0 : i32
        %dma_start3A_124 = tpu.memref_slice %arg11[%dma_start3A_122, %dma_start3A_123] : memref<10112x80xf32, #tpu.memory_space<vmem_shared>> -> memref<10112x80xf32, #tpu.memory_space<vmem_shared>>
        tpu.enqueue_indirect_dma source(%dma_start3A_118 : memref<128x80xf32, #tpu.memory_space<vmem>>) target(%dma_start3A_124 : memref<10112x80xf32, #tpu.memory_space<vmem_shared>>) offsets(%dma_start3A_121 : memref<128xi32, #tpu.memory_space<vmem>>) semaphore(%run_scoped3A_114 : memref<!tpu.dma_semaphore, #tpu.memory_space<semaphore_mem>>) {add = true}
        %dma_wait3A_125 = arith.constant 0 : i32
        %dma_wait3A_126 = arith.constant 0 : i32
        %dma_wait3A_127 = tpu.memref_slice %arg10[%run_scoped3A_113, %dma_wait3A_125, %dma_wait3A_126] : memref<2x128x80xf32, #tpu.memory_space<vmem>> -> memref<1x128x80xf32, #tpu.memory_space<vmem>>
        %dma_wait3A_128 = tpu.memref_squeeze %dma_wait3A_127 : memref<1x128x80xf32, #tpu.memory_space<vmem>> -> memref<128x80xf32, #tpu.memory_space<vmem>>
        %dma_wait3A_129 = arith.constant 0 : i32
        %dma_wait3A_130 = tpu.memref_slice %arg9[%add3A_112, %dma_wait3A_129] : memref<158x128xi32, #tpu.memory_space<vmem>> -> memref<1x128xi32, #tpu.memory_space<vmem>>
        %dma_wait3A_131 = tpu.memref_squeeze %dma_wait3A_130 : memref<1x128xi32, #tpu.memory_space<vmem>> -> memref<128xi32, #tpu.memory_space<vmem>>
        %dma_wait3A_132 = arith.constant 0 : i32
        %dma_wait3A_133 = arith.constant 0 : i32
        %dma_wait3A_134 = tpu.memref_slice %arg11[%dma_wait3A_132, %dma_wait3A_133] : memref<10112x80xf32, #tpu.memory_space<vmem_shared>> -> memref<10112x80xf32, #tpu.memory_space<vmem_shared>>
        tpu.wait_indirect_dma semaphore(%run_scoped3A_114 : memref<!tpu.dma_semaphore, #tpu.memory_space<semaphore_mem>>) src(%dma_wait3A_128 : memref<128x80xf32, #tpu.memory_space<vmem>>) dst(%dma_wait3A_134 : memref<10112x80xf32, #tpu.memory_space<vmem_shared>>)
        tpu.yield
      }) : () -> ()
    }
    %scan3A_49 = arith.constant 79 : i32
    %barrier3A_50 = arith.constant 0 : index
    tpu.barrier barrier_id(%barrier3A_50)
    %lt3A_51 = arith.constant 15 : i32
    %lt3A_52 = arith.cmpi slt, %arg1, %lt3A_51 : i32
    %convert_element_type3A_53 = arith.extui %lt3A_52 : i1 to i32
    %cond3A_54 = arith.constant 0 : i32
    %cond3A_55 = arith.cmpi ne, %convert_element_type3A_53, %cond3A_54 : i32
    scf.if %cond3A_55 {
      %mul3A_62 = arith.constant 632 : i32
      %mul3A_63 = arith.muli %arg1, %mul3A_62 : i32
      %mul3A_64 = arith.constant 632 : i32
      %mul3A_65 = arith.muli %arg1, %mul3A_64 : i32
      "tpu.region"() ({
        %run_scoped3A_66 = tpu.sem_alloc : memref<!tpu.dma_semaphore, #tpu.memory_space<semaphore_mem>>
        %dma_start3A_67 = arith.constant 80 : i32
        %dma_start3A_68 = tpu.memref_slice %arg7[%arg0, %mul3A_65, %dma_start3A_67] : memref<2x10000x160xf32, #tpu.memory_space<hbm>> -> memref<1x632x80xf32, #tpu.memory_space<hbm>>
        %dma_start3A_69 = tpu.memref_squeeze %dma_start3A_68 : memref<1x632x80xf32, #tpu.memory_space<hbm>> -> memref<632x80xf32, #tpu.memory_space<hbm>>
        %dma_start3A_70 = arith.constant 0 : i32
        %dma_start3A_71 = tpu.memref_slice %arg11[%mul3A_63, %dma_start3A_70] : memref<10112x80xf32, #tpu.memory_space<vmem_shared>> -> memref<632x80xf32, #tpu.memory_space<vmem_shared>>
        tpu.enqueue_dma source(%dma_start3A_71 : memref<632x80xf32, #tpu.memory_space<vmem_shared>>) target(%dma_start3A_69 : memref<632x80xf32, #tpu.memory_space<hbm>>) target_semaphore(%run_scoped3A_66 : memref<!tpu.dma_semaphore, #tpu.memory_space<semaphore_mem>>)
        %dma_wait3A = arith.constant 80 : i32
        %dma_wait3A_72 = tpu.memref_slice %arg7[%arg0, %mul3A_65, %dma_wait3A] : memref<2x10000x160xf32, #tpu.memory_space<hbm>> -> memref<1x632x80xf32, #tpu.memory_space<hbm>>
        %dma_wait3A_73 = tpu.memref_squeeze %dma_wait3A_72 : memref<1x632x80xf32, #tpu.memory_space<hbm>> -> memref<632x80xf32, #tpu.memory_space<hbm>>
        %dma_wait3A_74 = arith.constant 0 : i32
        %dma_wait3A_75 = tpu.memref_slice %arg11[%mul3A_63, %dma_wait3A_74] : memref<10112x80xf32, #tpu.memory_space<vmem_shared>> -> memref<632x80xf32, #tpu.memory_space<vmem_shared>>
        tpu.wait_dma2 semaphore(%run_scoped3A_66 : memref<!tpu.dma_semaphore, #tpu.memory_space<semaphore_mem>>) src(%dma_wait3A_75 : memref<632x80xf32, #tpu.memory_space<vmem_shared>>) dst(%dma_wait3A_73 : memref<632x80xf32, #tpu.memory_space<hbm>>)
        tpu.yield
      }) : () -> ()
    } else {
    }
    %eq3A_56 = arith.constant 15 : i32
    %eq3A_57 = arith.cmpi eq, %arg1, %eq3A_56 : i32
    %convert_element_type3A_58 = arith.extui %eq3A_57 : i1 to i32
    %cond3A_59 = arith.constant 0 : i32
    %cond3A_60 = arith.cmpi ne, %convert_element_type3A_58, %cond3A_59 : i32
    scf.if %cond3A_60 {
      "tpu.region"() ({
        %run_scoped3A_62 = tpu.sem_alloc : memref<!tpu.dma_semaphore, #tpu.memory_space<semaphore_mem>>
        %dma_start3A_63 = arith.constant 9480 : i32
        %dma_start3A_64 = arith.constant 80 : i32
        %dma_start3A_65 = tpu.memref_slice %arg7[%arg0, %dma_start3A_63, %dma_start3A_64] : memref<2x10000x160xf32, #tpu.memory_space<hbm>> -> memref<1x520x80xf32, #tpu.memory_space<hbm>>
        %dma_start3A_66 = tpu.memref_squeeze %dma_start3A_65 : memref<1x520x80xf32, #tpu.memory_space<hbm>> -> memref<520x80xf32, #tpu.memory_space<hbm>>
        %dma_start3A_67 = arith.constant 9480 : i32
        %dma_start3A_68 = arith.constant 0 : i32
        %dma_start3A_69 = tpu.memref_slice %arg11[%dma_start3A_67, %dma_start3A_68] : memref<10112x80xf32, #tpu.memory_space<vmem_shared>> -> memref<520x80xf32, #tpu.memory_space<vmem_shared>>
        tpu.enqueue_dma source(%dma_start3A_69 : memref<520x80xf32, #tpu.memory_space<vmem_shared>>) target(%dma_start3A_66 : memref<520x80xf32, #tpu.memory_space<hbm>>) target_semaphore(%run_scoped3A_62 : memref<!tpu.dma_semaphore, #tpu.memory_space<semaphore_mem>>)
        %dma_wait3A = arith.constant 9480 : i32
        %dma_wait3A_70 = arith.constant 80 : i32
        %dma_wait3A_71 = tpu.memref_slice %arg7[%arg0, %dma_wait3A, %dma_wait3A_70] : memref<2x10000x160xf32, #tpu.memory_space<hbm>> -> memref<1x520x80xf32, #tpu.memory_space<hbm>>
        %dma_wait3A_72 = tpu.memref_squeeze %dma_wait3A_71 : memref<1x520x80xf32, #tpu.memory_space<hbm>> -> memref<520x80xf32, #tpu.memory_space<hbm>>
        %dma_wait3A_73 = arith.constant 9480 : i32
        %dma_wait3A_74 = arith.constant 0 : i32
        %dma_wait3A_75 = tpu.memref_slice %arg11[%dma_wait3A_73, %dma_wait3A_74] : memref<10112x80xf32, #tpu.memory_space<vmem_shared>> -> memref<520x80xf32, #tpu.memory_space<vmem_shared>>
        tpu.wait_dma2 semaphore(%run_scoped3A_62 : memref<!tpu.dma_semaphore, #tpu.memory_space<semaphore_mem>>) src(%dma_wait3A_75 : memref<520x80xf32, #tpu.memory_space<vmem_shared>>) dst(%dma_wait3A_72 : memref<520x80xf32, #tpu.memory_space<hbm>>)
        tpu.yield
      }) : () -> ()
    } else {
    }
    %barrier3A_61 = arith.constant 0 : index
    tpu.barrier barrier_id(%barrier3A_61)
    return
  }
}

module attributes {stable_mosaic.version = 14 : i64} {
  func.func @_msg_body(%arg0: i32, %arg1: i32, %arg2: memref<1x10000x150xf32, #tpu.memory_space<vmem>>, %arg3: memref<1x150x160xf32, #tpu.memory_space<vmem>>, %arg4: memref<1x1x160xf32, #tpu.memory_space<vmem>>, %arg5: memref<1x1x10000x160xf32, #tpu.memory_space<vmem>>) attributes {dimension_semantics = [#tpu.dimension_semantics<arbitrary>, #tpu.dimension_semantics<arbitrary>], iteration_bounds = array<i64: 2, 2>, scalar_prefetch = 0 : i64, scratch_operands = 0 : i64, tpu.core_type = #tpu.core_type<tc>, window_params = [{transform_indices = @transform_0, window_bounds = array<i64: 1, 10000, 150>}, {transform_indices = @transform_1, window_bounds = array<i64: 1, 150, 160>}, {transform_indices = @transform_2, window_bounds = array<i64: 1, 1, 160>}, {transform_indices = @transform_3, window_bounds = array<i64: 1, 1, 10000, 160>}]} {
    %get3A = arith.constant 0 : index
    %get3A_0 = arith.constant 0 : index
    %get3A_1 = arith.constant 0 : index
    %get3A_2 = vector.load %arg2[%get3A, %get3A_0, %get3A_1] : memref<1x10000x150xf32, #tpu.memory_space<vmem>>, vector<1x10000x150xf32>
    %get3A_3 = vector.shape_cast %get3A_2 : vector<1x10000x150xf32> to vector<10000x150xf32>
    %get3A_4 = arith.constant 0 : index
    %get3A_5 = arith.constant 0 : index
    %get3A_6 = arith.constant 0 : index
    %get3A_7 = vector.load %arg3[%get3A_4, %get3A_5, %get3A_6] : memref<1x150x160xf32, #tpu.memory_space<vmem>>, vector<1x150x160xf32>
    %get3A_8 = vector.shape_cast %get3A_7 : vector<1x150x160xf32> to vector<150x160xf32>
    %dot_general3A = arith.constant dense<0.000000e+00> : vector<10000x160xf32>
    %dot_general3A_9 = tpu.matmul %get3A_3, %get3A_8, %dot_general3A {dimension_numbers = #tpu.dot_dimension_numbers<[1], [0], [0], [1], [0, 0, 1, 1], [], []>, transpose_lhs_hint = false} : vector<10000x150xf32>, vector<150x160xf32>, vector<10000x160xf32> -> vector<10000x160xf32>
    %get3A_10 = arith.constant 0 : index
    %get3A_11 = arith.constant 0 : index
    %get3A_12 = arith.constant 0 : index
    %get3A_13 = vector.load %arg4[%get3A_10, %get3A_11, %get3A_12] : memref<1x1x160xf32, #tpu.memory_space<vmem>>, vector<1x1x160xf32>
    %get3A_14 = vector.shape_cast %get3A_13 : vector<1x1x160xf32> to vector<1x160xf32>
    %add3A = vector.broadcast %get3A_14 : vector<1x160xf32> to vector<10000x160xf32>
    %add3A_15 = arith.addf %dot_general3A_9, %add3A : vector<10000x160xf32>
    %swap3A = arith.constant 0 : index
    %swap3A_16 = arith.constant 0 : index
    %swap3A_17 = arith.constant 0 : index
    %swap3A_18 = arith.constant 0 : index
    %swap3A_19 = vector.load %arg5[%swap3A, %swap3A_16, %swap3A_17, %swap3A_18] : memref<1x1x10000x160xf32, #tpu.memory_space<vmem>>, vector<1x1x10000x160xf32>
    %swap3A_20 = vector.shape_cast %swap3A_19 : vector<1x1x10000x160xf32> to vector<10000x160xf32>
    %swap3A_21 = vector.shape_cast %add3A_15 : vector<10000x160xf32> to vector<1x1x10000x160xf32>
    tpu.vector_store %arg5[%swap3A, %swap3A_16, %swap3A_17, %swap3A_18], %swap3A_21 {strides = array<i32>} : memref<1x1x10000x160xf32, #tpu.memory_space<vmem>>, vector<1x1x10000x160xf32>,
    return
  }
  func.func @transform_0(%arg0: i32, %arg1: i32) -> (i32, i32, i32) {
    %c0_i32 = arith.constant 0 : i32
    %c0_i32_0 = arith.constant 0 : i32
    %c0_i32_1 = arith.constant 0 : i32
    return %arg0, %c0_i32, %c0_i32_0 : i32, i32, i32
  }
  func.func @transform_1(%arg0: i32, %arg1: i32) -> (i32, i32, i32) {
    %c0_i32 = arith.constant 0 : i32
    %c0_i32_0 = arith.constant 0 : i32
    %c0_i32_1 = arith.constant 0 : i32
    return %arg1, %c0_i32, %c0_i32_0 : i32, i32, i32
  }
  func.func @transform_2(%arg0: i32, %arg1: i32) -> (i32, i32, i32) {
    %c0_i32 = arith.constant 0 : i32
    %c0_i32_0 = arith.constant 0 : i32
    %c0_i32_1 = arith.constant 0 : i32
    return %arg1, %c0_i32, %c0_i32_0 : i32, i32, i32
  }
  func.func @transform_3(%arg0: i32, %arg1: i32) -> (i32, i32, i32, i32) {
    %c0_i32 = arith.constant 0 : i32
    %c0_i32_0 = arith.constant 0 : i32
    %c0_i32_1 = arith.constant 0 : i32
    return %arg0, %arg1, %c0_i32, %c0_i32_0 : i32, i32, i32, i32
  }
}

module attributes {stable_mosaic.version = 14 : i64} {
  func.func @_gru_body(%arg0: i32, %arg1: memref<1x2000x160xf32, #tpu.memory_space<vmem>>, %arg2: memref<1x2000x150xf32, #tpu.memory_space<vmem>>, %arg3: memref<3x150x150xf32, #tpu.memory_space<vmem>>, %arg4: memref<3x150x150xf32, #tpu.memory_space<vmem>>, %arg5: memref<3x1x150xf32, #tpu.memory_space<vmem>>, %arg6: memref<3x1x150xf32, #tpu.memory_space<vmem>>, %arg7: memref<1x2000x150xf32, #tpu.memory_space<vmem>>) attributes {dimension_semantics = [#tpu.dimension_semantics<arbitrary>], iteration_bounds = array<i64: 10>, scalar_prefetch = 0 : i64, scratch_operands = 0 : i64, tpu.core_type = #tpu.core_type<tc>, window_params = [{transform_indices = @transform_0, window_bounds = array<i64: 1, 2000, 160>}, {transform_indices = @transform_1, window_bounds = array<i64: 1, 2000, 150>}, {pipeline_mode = #tpu.pipeline_mode<synchronous>, transform_indices = @transform_2, window_bounds = array<i64: 3, 150, 150>}, {pipeline_mode = #tpu.pipeline_mode<synchronous>, transform_indices = @transform_3, window_bounds = array<i64: 3, 150, 150>}, {pipeline_mode = #tpu.pipeline_mode<synchronous>, transform_indices = @transform_4, window_bounds = array<i64: 3, 1, 150>}, {pipeline_mode = #tpu.pipeline_mode<synchronous>, transform_indices = @transform_5, window_bounds = array<i64: 3, 1, 150>}, {transform_indices = @transform_6, window_bounds = array<i64: 1, 2000, 150>}]} {
    %get3A = arith.constant 0 : index
    %get3A_0 = arith.constant 0 : index
    %get3A_1 = arith.constant 0 : index
    %get3A_2 = vector.load %arg1[%get3A, %get3A_0, %get3A_1] : memref<1x2000x160xf32, #tpu.memory_space<vmem>>, vector<1x2000x160xf32>
    %get3A_3 = vector.shape_cast %get3A_2 : vector<1x2000x160xf32> to vector<2000x160xf32>
    %slice3A = vector.extract_strided_slice %get3A_3 {offsets = [0, 0], sizes = [2000, 150], strides = [1, 1]} : vector<2000x160xf32> to vector<2000x150xf32>
    %get3A_4 = arith.constant 0 : index
    %get3A_5 = arith.constant 0 : index
    %get3A_6 = arith.constant 0 : index
    %get3A_7 = vector.load %arg2[%get3A_4, %get3A_5, %get3A_6] : memref<1x2000x150xf32, #tpu.memory_space<vmem>>, vector<1x2000x150xf32>
    %get3A_8 = vector.shape_cast %get3A_7 : vector<1x2000x150xf32> to vector<2000x150xf32>
    %get3A_9 = arith.constant 0 : index
    %get3A_10 = arith.constant 0 : index
    %get3A_11 = arith.constant 0 : index
    %get3A_12 = vector.load %arg3[%get3A_9, %get3A_10, %get3A_11] : memref<3x150x150xf32, #tpu.memory_space<vmem>>, vector<1x150x150xf32>
    %get3A_13 = vector.shape_cast %get3A_12 : vector<1x150x150xf32> to vector<150x150xf32>
    %dot_general3A = arith.constant dense<0.000000e+00> : vector<2000x150xf32>
    %dot_general3A_14 = tpu.matmul %slice3A, %get3A_13, %dot_general3A {dimension_numbers = #tpu.dot_dimension_numbers<[1], [0], [0], [1], [0, 0, 1, 1], [], []>, transpose_lhs_hint = false} : vector<2000x150xf32>, vector<150x150xf32>, vector<2000x150xf32> -> vector<2000x150xf32>
    %get3A_15 = arith.constant 0 : index
    %get3A_16 = arith.constant 0 : index
    %get3A_17 = arith.constant 0 : index
    %get3A_18 = vector.load %arg5[%get3A_15, %get3A_16, %get3A_17] : memref<3x1x150xf32, #tpu.memory_space<vmem>>, vector<1x1x150xf32>
    %get3A_19 = vector.shape_cast %get3A_18 : vector<1x1x150xf32> to vector<1x150xf32>
    %add3A = vector.broadcast %get3A_19 : vector<1x150xf32> to vector<2000x150xf32>
    %add3A_20 = arith.addf %dot_general3A_14, %add3A : vector<2000x150xf32>
    %get3A_21 = arith.constant 1 : index
    %get3A_22 = arith.constant 0 : index
    %get3A_23 = arith.constant 0 : index
    %get3A_24 = vector.load %arg3[%get3A_21, %get3A_22, %get3A_23] : memref<3x150x150xf32, #tpu.memory_space<vmem>>, vector<1x150x150xf32>
    %get3A_25 = vector.shape_cast %get3A_24 : vector<1x150x150xf32> to vector<150x150xf32>
    %dot_general3A_26 = arith.constant dense<0.000000e+00> : vector<2000x150xf32>
    %dot_general3A_27 = tpu.matmul %slice3A, %get3A_25, %dot_general3A_26 {dimension_numbers = #tpu.dot_dimension_numbers<[1], [0], [0], [1], [0, 0, 1, 1], [], []>, transpose_lhs_hint = false} : vector<2000x150xf32>, vector<150x150xf32>, vector<2000x150xf32> -> vector<2000x150xf32>
    %get3A_28 = arith.constant 1 : index
    %get3A_29 = arith.constant 0 : index
    %get3A_30 = arith.constant 0 : index
    %get3A_31 = vector.load %arg5[%get3A_28, %get3A_29, %get3A_30] : memref<3x1x150xf32, #tpu.memory_space<vmem>>, vector<1x1x150xf32>
    %get3A_32 = vector.shape_cast %get3A_31 : vector<1x1x150xf32> to vector<1x150xf32>
    %add3A_33 = vector.broadcast %get3A_32 : vector<1x150xf32> to vector<2000x150xf32>
    %add3A_34 = arith.addf %dot_general3A_27, %add3A_33 : vector<2000x150xf32>
    %get3A_35 = arith.constant 2 : index
    %get3A_36 = arith.constant 0 : index
    %get3A_37 = arith.constant 0 : index
    %get3A_38 = vector.load %arg3[%get3A_35, %get3A_36, %get3A_37] : memref<3x150x150xf32, #tpu.memory_space<vmem>>, vector<1x150x150xf32>
    %get3A_39 = vector.shape_cast %get3A_38 : vector<1x150x150xf32> to vector<150x150xf32>
    %dot_general3A_40 = arith.constant dense<0.000000e+00> : vector<2000x150xf32>
    %dot_general3A_41 = tpu.matmul %slice3A, %get3A_39, %dot_general3A_40 {dimension_numbers = #tpu.dot_dimension_numbers<[1], [0], [0], [1], [0, 0, 1, 1], [], []>, transpose_lhs_hint = false} : vector<2000x150xf32>, vector<150x150xf32>, vector<2000x150xf32> -> vector<2000x150xf32>
    %get3A_42 = arith.constant 2 : index
    %get3A_43 = arith.constant 0 : index
    %get3A_44 = arith.constant 0 : index
    %get3A_45 = vector.load %arg5[%get3A_42, %get3A_43, %get3A_44] : memref<3x1x150xf32, #tpu.memory_space<vmem>>, vector<1x1x150xf32>
    %get3A_46 = vector.shape_cast %get3A_45 : vector<1x1x150xf32> to vector<1x150xf32>
    %add3A_47 = vector.broadcast %get3A_46 : vector<1x150xf32> to vector<2000x150xf32>
    %add3A_48 = arith.addf %dot_general3A_41, %add3A_47 : vector<2000x150xf32>
    %get3A_49 = arith.constant 0 : index
    %get3A_50 = arith.constant 0 : index
    %get3A_51 = arith.constant 0 : index
    %get3A_52 = vector.load %arg4[%get3A_49, %get3A_50, %get3A_51] : memref<3x150x150xf32, #tpu.memory_space<vmem>>, vector<1x150x150xf32>
    %get3A_53 = vector.shape_cast %get3A_52 : vector<1x150x150xf32> to vector<150x150xf32>
    %dot_general3A_54 = arith.constant dense<0.000000e+00> : vector<2000x150xf32>
    %dot_general3A_55 = tpu.matmul %get3A_8, %get3A_53, %dot_general3A_54 {dimension_numbers = #tpu.dot_dimension_numbers<[1], [0], [0], [1], [0, 0, 1, 1], [], []>, transpose_lhs_hint = false} : vector<2000x150xf32>, vector<150x150xf32>, vector<2000x150xf32> -> vector<2000x150xf32>
    %get3A_56 = arith.constant 0 : index
    %get3A_57 = arith.constant 0 : index
    %get3A_58 = arith.constant 0 : index
    %get3A_59 = vector.load %arg6[%get3A_56, %get3A_57, %get3A_58] : memref<3x1x150xf32, #tpu.memory_space<vmem>>, vector<1x1x150xf32>
    %get3A_60 = vector.shape_cast %get3A_59 : vector<1x1x150xf32> to vector<1x150xf32>
    %add3A_61 = vector.broadcast %get3A_60 : vector<1x150xf32> to vector<2000x150xf32>
    %add3A_62 = arith.addf %dot_general3A_55, %add3A_61 : vector<2000x150xf32>
    %get3A_63 = arith.constant 1 : index
    %get3A_64 = arith.constant 0 : index
    %get3A_65 = arith.constant 0 : index
    %get3A_66 = vector.load %arg4[%get3A_63, %get3A_64, %get3A_65] : memref<3x150x150xf32, #tpu.memory_space<vmem>>, vector<1x150x150xf32>
    %get3A_67 = vector.shape_cast %get3A_66 : vector<1x150x150xf32> to vector<150x150xf32>
    %dot_general3A_68 = arith.constant dense<0.000000e+00> : vector<2000x150xf32>
    %dot_general3A_69 = tpu.matmul %get3A_8, %get3A_67, %dot_general3A_68 {dimension_numbers = #tpu.dot_dimension_numbers<[1], [0], [0], [1], [0, 0, 1, 1], [], []>, transpose_lhs_hint = false} : vector<2000x150xf32>, vector<150x150xf32>, vector<2000x150xf32> -> vector<2000x150xf32>
    %get3A_70 = arith.constant 1 : index
    %get3A_71 = arith.constant 0 : index
    %get3A_72 = arith.constant 0 : index
    %get3A_73 = vector.load %arg6[%get3A_70, %get3A_71, %get3A_72] : memref<3x1x150xf32, #tpu.memory_space<vmem>>, vector<1x1x150xf32>
    %get3A_74 = vector.shape_cast %get3A_73 : vector<1x1x150xf32> to vector<1x150xf32>
    %add3A_75 = vector.broadcast %get3A_74 : vector<1x150xf32> to vector<2000x150xf32>
    %add3A_76 = arith.addf %dot_general3A_69, %add3A_75 : vector<2000x150xf32>
    %get3A_77 = arith.constant 2 : index
    %get3A_78 = arith.constant 0 : index
    %get3A_79 = arith.constant 0 : index
    %get3A_80 = vector.load %arg4[%get3A_77, %get3A_78, %get3A_79] : memref<3x150x150xf32, #tpu.memory_space<vmem>>, vector<1x150x150xf32>
    %get3A_81 = vector.shape_cast %get3A_80 : vector<1x150x150xf32> to vector<150x150xf32>
    %dot_general3A_82 = arith.constant dense<0.000000e+00> : vector<2000x150xf32>
    %dot_general3A_83 = tpu.matmul %get3A_8, %get3A_81, %dot_general3A_82 {dimension_numbers = #tpu.dot_dimension_numbers<[1], [0], [0], [1], [0, 0, 1, 1], [], []>, transpose_lhs_hint = false} : vector<2000x150xf32>, vector<150x150xf32>, vector<2000x150xf32> -> vector<2000x150xf32>
    %get3A_84 = arith.constant 2 : index
    %get3A_85 = arith.constant 0 : index
    %get3A_86 = arith.constant 0 : index
    %get3A_87 = vector.load %arg6[%get3A_84, %get3A_85, %get3A_86] : memref<3x1x150xf32, #tpu.memory_space<vmem>>, vector<1x1x150xf32>
    %get3A_88 = vector.shape_cast %get3A_87 : vector<1x1x150xf32> to vector<1x150xf32>
    %add3A_89 = vector.broadcast %get3A_88 : vector<1x150xf32> to vector<2000x150xf32>
    %add3A_90 = arith.addf %dot_general3A_83, %add3A_89 : vector<2000x150xf32>
    %add3A_91 = arith.addf %add3A_20, %add3A_62 : vector<2000x150xf32>
    %neg3A = arith.constant 0.000000e+00 : f32
    %neg3A_92 = vector.broadcast %neg3A : f32 to vector<2000x150xf32>
    %neg3A_93 = arith.subf %neg3A_92, %add3A_91 : vector<2000x150xf32>
    %exp3A = math.exp %neg3A_93 : vector<2000x150xf32>
    %add3A_94 = arith.constant 1.000000e+00 : f32
    %add3A_95 = vector.broadcast %add3A_94 : f32 to vector<2000x150xf32>
    %add3A_96 = arith.addf %add3A_95, %exp3A : vector<2000x150xf32>
    %div3A = arith.constant 1.000000e+00 : f32
    %div3A_97 = vector.broadcast %div3A : f32 to vector<2000x150xf32>
    %div3A_98 = arith.divf %div3A_97, %add3A_96 : vector<2000x150xf32>
    %add3A_99 = arith.addf %add3A_34, %add3A_76 : vector<2000x150xf32>
    %neg3A_100 = arith.constant 0.000000e+00 : f32
    %neg3A_101 = vector.broadcast %neg3A_100 : f32 to vector<2000x150xf32>
    %neg3A_102 = arith.subf %neg3A_101, %add3A_99 : vector<2000x150xf32>
    %exp3A_103 = math.exp %neg3A_102 : vector<2000x150xf32>
    %add3A_104 = arith.constant 1.000000e+00 : f32
    %add3A_105 = vector.broadcast %add3A_104 : f32 to vector<2000x150xf32>
    %add3A_106 = arith.addf %add3A_105, %exp3A_103 : vector<2000x150xf32>
    %div3A_107 = arith.constant 1.000000e+00 : f32
    %div3A_108 = vector.broadcast %div3A_107 : f32 to vector<2000x150xf32>
    %div3A_109 = arith.divf %div3A_108, %add3A_106 : vector<2000x150xf32>
    %mul3A = arith.mulf %div3A_98, %add3A_90 : vector<2000x150xf32>
    %add3A_110 = arith.addf %add3A_48, %mul3A : vector<2000x150xf32>
    %tanh3A = math.tanh %add3A_110 : vector<2000x150xf32>
    %sub3A = arith.constant 1.000000e+00 : f32
    %sub3A_111 = vector.broadcast %sub3A : f32 to vector<2000x150xf32>
    %sub3A_112 = arith.subf %sub3A_111, %div3A_109 : vector<2000x150xf32>
    %mul3A_113 = arith.mulf %sub3A_112, %tanh3A : vector<2000x150xf32>
    %mul3A_114 = arith.mulf %div3A_109, %get3A_8 : vector<2000x150xf32>
    %add3A_115 = arith.addf %mul3A_113, %mul3A_114 : vector<2000x150xf32>
    %swap3A = arith.constant 0 : index
    %swap3A_116 = arith.constant 0 : index
    %swap3A_117 = arith.constant 0 : index
    %swap3A_118 = vector.load %arg7[%swap3A, %swap3A_116, %swap3A_117] : memref<1x2000x150xf32, #tpu.memory_space<vmem>>, vector<1x2000x150xf32>
    %swap3A_119 = vector.shape_cast %swap3A_118 : vector<1x2000x150xf32> to vector<2000x150xf32>
    %swap3A_120 = vector.shape_cast %add3A_115 : vector<2000x150xf32> to vector<1x2000x150xf32>
    tpu.vector_store %arg7[%swap3A, %swap3A_116, %swap3A_117], %swap3A_120 {strides = array<i32>} : memref<1x2000x150xf32, #tpu.memory_space<vmem>>, vector<1x2000x150xf32>,
    return
  }
  func.func @transform_0(%arg0: i32) -> (i32, i32, i32) {
    %c0_i32 = arith.constant 0 : i32
    %c0_i32_0 = arith.constant 0 : i32
    %c0_i32_1 = arith.constant 0 : i32
    return %arg0, %c0_i32, %c0_i32_0 : i32, i32, i32
  }
  func.func @transform_1(%arg0: i32) -> (i32, i32, i32) {
    %c0_i32 = arith.constant 0 : i32
    %c0_i32_0 = arith.constant 0 : i32
    %c0_i32_1 = arith.constant 0 : i32
    return %arg0, %c0_i32, %c0_i32_0 : i32, i32, i32
  }
  func.func @transform_2(%arg0: i32) -> (i32, i32, i32) {
    %c0_i32 = arith.constant 0 : i32
    %c0_i32_0 = arith.constant 0 : i32
    %c0_i32_1 = arith.constant 0 : i32
    %c0_i32_2 = arith.constant 0 : i32
    return %c0_i32, %c0_i32_0, %c0_i32_1 : i32, i32, i32
  }
  func.func @transform_3(%arg0: i32) -> (i32, i32, i32) {
    %c0_i32 = arith.constant 0 : i32
    %c0_i32_0 = arith.constant 0 : i32
    %c0_i32_1 = arith.constant 0 : i32
    %c0_i32_2 = arith.constant 0 : i32
    return %c0_i32, %c0_i32_0, %c0_i32_1 : i32, i32, i32
  }
  func.func @transform_4(%arg0: i32) -> (i32, i32, i32) {
    %c0_i32 = arith.constant 0 : i32
    %c0_i32_0 = arith.constant 0 : i32
    %c0_i32_1 = arith.constant 0 : i32
    %c0_i32_2 = arith.constant 0 : i32
    return %c0_i32, %c0_i32_0, %c0_i32_1 : i32, i32, i32
  }
  func.func @transform_5(%arg0: i32) -> (i32, i32, i32) {
    %c0_i32 = arith.constant 0 : i32
    %c0_i32_0 = arith.constant 0 : i32
    %c0_i32_1 = arith.constant 0 : i32
    %c0_i32_2 = arith.constant 0 : i32
    return %c0_i32, %c0_i32_0, %c0_i32_1 : i32, i32, i32
  }
  func.func @transform_6(%arg0: i32) -> (i32, i32, i32) {
    %c0_i32 = arith.constant 0 : i32
    %c0_i32_0 = arith.constant 0 : i32
    %c0_i32_1 = arith.constant 0 : i32
    return %arg0, %c0_i32, %c0_i32_0 : i32, i32, i32
  }
}

module attributes {stable_mosaic.version = 14 : i64} {
  func.func @_readout_body(%arg0: i32, %arg1: memref<1x10000x150xf32, #tpu.memory_space<vmem>>, %arg2: memref<1x1x1xf32, #tpu.memory_space<vmem>>, %arg3: memref<150x256xf32, #tpu.memory_space<vmem>>, %arg4: memref<1x256xf32, #tpu.memory_space<vmem>>, %arg5: memref<1x256xf32, #tpu.memory_space<vmem>>, %arg6: memref<256x10xf32, #tpu.memory_space<vmem>>, %arg7: memref<1x10xf32, #tpu.memory_space<vmem>>, %arg8: memref<1x1x10xf32, #tpu.memory_space<vmem>>) attributes {dimension_semantics = [#tpu.dimension_semantics<arbitrary>], iteration_bounds = array<i64: 2>, scalar_prefetch = 0 : i64, scratch_operands = 0 : i64, tpu.core_type = #tpu.core_type<tc>, window_params = [{transform_indices = @transform_0, window_bounds = array<i64: 1, 10000, 150>}, {transform_indices = @transform_1, window_bounds = array<i64: 1, 1, 1>}, {pipeline_mode = #tpu.pipeline_mode<synchronous>, transform_indices = @transform_2, window_bounds = array<i64: 150, 256>}, {pipeline_mode = #tpu.pipeline_mode<synchronous>, transform_indices = @transform_3, window_bounds = array<i64: 1, 256>}, {pipeline_mode = #tpu.pipeline_mode<synchronous>, transform_indices = @transform_4, window_bounds = array<i64: 1, 256>}, {pipeline_mode = #tpu.pipeline_mode<synchronous>, transform_indices = @transform_5, window_bounds = array<i64: 256, 10>}, {pipeline_mode = #tpu.pipeline_mode<synchronous>, transform_indices = @transform_6, window_bounds = array<i64: 1, 10>}, {transform_indices = @transform_7, window_bounds = array<i64: 1, 1, 10>}]} {
    %get3A = arith.constant 0 : index
    %get3A_0 = arith.constant 0 : index
    %get3A_1 = arith.constant 0 : index
    %get3A_2 = vector.load %arg1[%get3A, %get3A_0, %get3A_1] : memref<1x10000x150xf32, #tpu.memory_space<vmem>>, vector<1x10000x150xf32>
    %get3A_3 = vector.shape_cast %get3A_2 : vector<1x10000x150xf32> to vector<10000x150xf32>
    %reduce_sum3A = arith.constant dense<0.000000e+00> : vector<150xf32>
    %reduce_sum3A_4 = vector.multi_reduction <add>, %get3A_3, %reduce_sum3A [0] : vector<10000x150xf32> to vector<150xf32>
    %broadcast_in_dim3A = vector.shape_cast %reduce_sum3A_4 : vector<150xf32> to vector<1x150xf32>
    %log3A = math.log %broadcast_in_dim3A : vector<1x150xf32>
    %ne3A = arith.cmpf one, %log3A, %log3A : vector<1x150xf32>
    %jit3A = arith.constant 0.000000e+00 : f32
    %broadcast_in_dim3A_5 = vector.broadcast %jit3A : f32 to vector<1x150xf32>
    %select_n3A = arith.select %ne3A, %broadcast_in_dim3A_5, %log3A : vector<1x150xi1>, vector<1x150xf32>
    %max3A = arith.constant 0.000000e+00 : f32
    %max3A_6 = vector.broadcast %max3A : f32 to vector<1x150xf32>
    %max3A_7 = arith.maximumf %select_n3A, %max3A_6 : vector<1x150xf32>
    %get3A_8 = arith.constant 0 : index
    %get3A_9 = arith.constant 0 : index
    %get3A_10 = vector.load %arg3[%get3A_8, %get3A_9] : memref<150x256xf32, #tpu.memory_space<vmem>>, vector<150x256xf32>
    %dot_general3A = arith.constant dense<0.000000e+00> : vector<1x256xf32>
    %dot_general3A_11 = tpu.matmul %max3A_7, %get3A_10, %dot_general3A {dimension_numbers = #tpu.dot_dimension_numbers<[1], [0], [0], [1], [0, 0, 1, 1], [], []>, transpose_lhs_hint = false} : vector<1x150xf32>, vector<150x256xf32>, vector<1x256xf32> -> vector<1x256xf32>
    %get3A_12 = arith.constant 0 : index
    %get3A_13 = arith.constant 0 : index
    %get3A_14 = arith.constant 0 : index
    %get3A_15 = vector.load %arg2[%get3A_12, %get3A_13, %get3A_14] : memref<1x1x1xf32, #tpu.memory_space<vmem>>, vector<1x1x1xf32>
    %get3A_16 = vector.shape_cast %get3A_15 : vector<1x1x1xf32> to vector<1x1xf32>
    %get3A_17 = arith.constant 0 : index
    %get3A_18 = arith.constant 0 : index
    %get3A_19 = vector.load %arg4[%get3A_17, %get3A_18] : memref<1x256xf32, #tpu.memory_space<vmem>>, vector<1x256xf32>
    %mul3A = vector.broadcast %get3A_16 : vector<1x1xf32> to vector<1x256xf32>
    %mul3A_20 = arith.mulf %mul3A, %get3A_19 : vector<1x256xf32>
    %add3A = arith.addf %dot_general3A_11, %mul3A_20 : vector<1x256xf32>
    %get3A_21 = arith.constant 0 : index
    %get3A_22 = arith.constant 0 : index
    %get3A_23 = vector.load %arg5[%get3A_21, %get3A_22] : memref<1x256xf32, #tpu.memory_space<vmem>>, vector<1x256xf32>
    %add3A_24 = arith.addf %add3A, %get3A_23 : vector<1x256xf32>
    %ge3A = arith.constant 0.000000e+00 : f32
    %ge3A_25 = vector.broadcast %ge3A : f32 to vector<1x256xf32>
    %ge3A_26 = arith.cmpf oge, %add3A_24, %ge3A_25 : vector<1x256xf32>
    %mul3A_27 = arith.constant 0.00999999977 : f32
    %mul3A_28 = vector.broadcast %mul3A_27 : f32 to vector<1x256xf32>
    %mul3A_29 = arith.mulf %mul3A_28, %add3A_24 : vector<1x256xf32>
    %select_n3A_30 = arith.select %ge3A_26, %add3A_24, %mul3A_29 : vector<1x256xi1>, vector<1x256xf32>
    %get3A_31 = arith.constant 0 : index
    %get3A_32 = arith.constant 0 : index
    %get3A_33 = vector.load %arg6[%get3A_31, %get3A_32] : memref<256x10xf32, #tpu.memory_space<vmem>>, vector<256x10xf32>
    %dot_general3A_34 = arith.constant dense<0.000000e+00> : vector<1x10xf32>
    %dot_general3A_35 = tpu.matmul %select_n3A_30, %get3A_33, %dot_general3A_34 {dimension_numbers = #tpu.dot_dimension_numbers<[1], [0], [0], [1], [0, 0, 1, 1], [], []>, transpose_lhs_hint = false} : vector<1x256xf32>, vector<256x10xf32>, vector<1x10xf32> -> vector<1x10xf32>
    %get3A_36 = arith.constant 0 : index
    %get3A_37 = arith.constant 0 : index
    %get3A_38 = vector.load %arg7[%get3A_36, %get3A_37] : memref<1x10xf32, #tpu.memory_space<vmem>>, vector<1x10xf32>
    %add3A_39 = arith.addf %dot_general3A_35, %get3A_38 : vector<1x10xf32>
    %swap3A = arith.constant 0 : index
    %swap3A_40 = arith.constant 0 : index
    %swap3A_41 = arith.constant 0 : index
    %swap3A_42 = vector.load %arg8[%swap3A, %swap3A_40, %swap3A_41] : memref<1x1x10xf32, #tpu.memory_space<vmem>>, vector<1x1x10xf32>
    %swap3A_43 = vector.shape_cast %swap3A_42 : vector<1x1x10xf32> to vector<1x10xf32>
    %swap3A_44 = vector.shape_cast %add3A_39 : vector<1x10xf32> to vector<1x1x10xf32>
    tpu.vector_store %arg8[%swap3A, %swap3A_40, %swap3A_41], %swap3A_44 {strides = array<i32>} : memref<1x1x10xf32, #tpu.memory_space<vmem>>, vector<1x1x10xf32>,
    return
  }
  func.func @transform_0(%arg0: i32) -> (i32, i32, i32) {
    %c0_i32 = arith.constant 0 : i32
    %c0_i32_0 = arith.constant 0 : i32
    %c0_i32_1 = arith.constant 0 : i32
    return %arg0, %c0_i32, %c0_i32_0 : i32, i32, i32
  }
  func.func @transform_1(%arg0: i32) -> (i32, i32, i32) {
    %c0_i32 = arith.constant 0 : i32
    %c0_i32_0 = arith.constant 0 : i32
    %c0_i32_1 = arith.constant 0 : i32
    return %arg0, %c0_i32, %c0_i32_0 : i32, i32, i32
  }
  func.func @transform_2(%arg0: i32) -> (i32, i32) {
    %c0_i32 = arith.constant 0 : i32
    %c0_i32_0 = arith.constant 0 : i32
    %c0_i32_1 = arith.constant 0 : i32
    return %c0_i32, %c0_i32_0 : i32, i32
  }
  func.func @transform_3(%arg0: i32) -> (i32, i32) {
    %c0_i32 = arith.constant 0 : i32
    %c0_i32_0 = arith.constant 0 : i32
    %c0_i32_1 = arith.constant 0 : i32
    return %c0_i32, %c0_i32_0 : i32, i32
  }
  func.func @transform_4(%arg0: i32) -> (i32, i32) {
    %c0_i32 = arith.constant 0 : i32
    %c0_i32_0 = arith.constant 0 : i32
    %c0_i32_1 = arith.constant 0 : i32
    return %c0_i32, %c0_i32_0 : i32, i32
  }
  func.func @transform_5(%arg0: i32) -> (i32, i32) {
    %c0_i32 = arith.constant 0 : i32
    %c0_i32_0 = arith.constant 0 : i32
    %c0_i32_1 = arith.constant 0 : i32
    return %c0_i32, %c0_i32_0 : i32, i32
  }
  func.func @transform_6(%arg0: i32) -> (i32, i32) {
    %c0_i32 = arith.constant 0 : i32
    %c0_i32_0 = arith.constant 0 : i32
    %c0_i32_1 = arith.constant 0 : i32
    return %c0_i32, %c0_i32_0 : i32, i32
  }
  func.func @transform_7(%arg0: i32) -> (i32, i32, i32) {
    %c0_i32 = arith.constant 0 : i32
    %c0_i32_0 = arith.constant 0 : i32
    %c0_i32_1 = arith.constant 0 : i32
    return %arg0, %c0_i32, %c0_i32_0 : i32, i32, i32
  }
}

</mosaic_0001>

<sc_bundles>
// kernel: kernel.16.cloned.1.call-start
scs
__scs_entry_jumppad:
0x0: {  	(pc) =	sbr.rel $0x88, $3  }
0x1: {  	(tag) =	ssettag $0x0;
	lr =	simm.s32 $0x1  }
0x2: {  	[smem:$0x3F94] =	sst lr;
	_ =	strace $0xD0000000  }
0x3: {  	_ = 	snop  }
0x4: {  	_ = 	snop  }
0x5: {  	_ = 	snop  }
0x6: {  	_ = 	snop  }
0x7: {  	_ = 	snop  }
__scs_overlays_trampoline_lowered:
0x8: {  	[smem:$0x3FA3] =	sst s0  }
0x9: {  	[smem:$0x3FA4] =	sst s1  }
0xa: {  	[smem:$0x3FA5] =	sst s2  }
0xb: {  	[smem:$0x3FA6] =	sst s3  }
0xc: {  	[smem:$0x3FA7] =	sst s4  }
0xd: {  	[smem:$0x3FA8] =	sst s5  }
0xe: {  	[smem:$0x3FA9] =	sst s6  }
0xf: {  	[smem:$0x3FAA] =	sst s7  }
0x10: {  	[smem:$0x3FAB] =	sst s8  }
0x11: {  	[smem:$0x3FAC] =	sst s9;
	s0 =	simm.s32 @!p0 $0x0  }
0x12: {  	s1 =	sld [smem:$0x3F92];
	s0 =	simm.s32 @p0 $0x1  }
0x13: {  	[smem:$0x3FAD] =	sst s0;
	s0 =	simm.s32 @!p1 $0x0  }
0x14: {  	s2 =	sld [smem:$0x3F91];
	s0 =	simm.s32 @p1 $0x1  }
0x15: {  	[smem:$0x3FAE] =	sst s0;
	s0 =	simm.s32 @!p2 $0x0  }
0x16: {  	s3 =	sld [smem:$0x3FDB];
	s0 =	simm.s32 @p2 $0x1  }
0x17: {  	s4 =	simm.s32 $0x1BF5;
	[smem:$0x3FB0] =	sst s0  }
0x18: {  	s0 =	sld [smem:$0x3F93];
	_ =	swait.ge [sflag:s4], $0x0  }
0x19: {  	s7 =	sld [smem:$0x3F94]  }
0x1a: {  	s8 =	sadd.s32 $0xFFFFE003, lr  }
0x1b: {  	s9 =	sadd.s32 $0xFFFFFEF7, lr;
	s5 =	simm.s32 $0xFFFFFFFF;
	p2 =	slt.u32 s8, $0xFFFFF086  }
0x1c: {  	p1 =	slt.u32 s9, $0xF7A;
	s5 =	simm.s32 @!p2 $0x0  }
0x1d: {  	s5 =	simm.s32 @p1 $0x1;
	p0 =	seq.s32 s7, s2  }
0x1e: {  	s7 =	smul.u32 @!p0 $0xF7A, s2;
	p2 =	seq.s32 @!p0 s5, $0x0  }
0x1f: {  	s9 =	smul.u32 $0xF7A, s1;
	s8 =	simm.s32 @!p0 $0x1BF5;
	p2 =	por !p2, p0  }
0x20: {  	[sflag:s8] =	ssyncset.s32 @!p0 $0xFFFFF086;
	s6 =	sadd.s32 @!p0 s3, s7;
	s7 =	simm.s32 @!p0 $0x108  }
0x21: {  	s3 =	sadd.s32 s3, s9;
	s6 =	sadd.s32 @!p0 $0x88, s6;
	s7 =	simm.s32 @p2 $0x1082  }
0x22: {  	[simem:s7], [sflag:s8] =	dma.local @!p0 [hbm:s6], $0xF7A  }
0x23: {  	s9 =	sor.u32 $0xD0000000, s2;
	s6 =	simm.s32 $0x108;
	_ =	swait.ge @!p0 [sflag:s8], $0x0  }
0x24: {  	s3 =	sadd.s32 $0x88, s3;
	s6 =	simm.s32 @!p1 $0x1082;
	[sflag:s4] =	ssyncset.s32 $0xFFFFF086  }
0x25: {  	[simem:s6], [sflag:s4] =	dma.local [hbm:s3], $0xF7A  }
0x26: {  	[smem:$0x3F94] =	sst s1;
	(tag) =	ssettag s2;
	_ =	strace s9  }
0x27: {  	s1 =	sld [smem:$0x3FA4]  }
0x28: {  	s2 =	sld [smem:$0x3FA5]  }
0x29: {  	s4 =	sld [smem:$0x3FA7]  }
0x2a: {  	p0 =	seq.s32 s5, $0x0;
	s5 =	sld [smem:$0x3FA8]  }
0x2b: {  	s6 =	sld [smem:$0x3FA9]  }
0x2c: {  	s7 =	sld [smem:$0x3FAA]  }
0x2d: {  	s3 =	simm.s32 $0x108;
	s8 =	sld [smem:$0x3FAB]  }
0x2e: {  	s3 =	simm.s32 @!p0 $0x1082;
	s9 =	sld [smem:$0x3FAC]  }
0x2f: {  	lr =	sadd.s32 s0, s3;
	s0 =	sld [smem:$0x3FA3]  }
0x30: {  	s3 =	sld [smem:$0x3FA6]  }
0x31: {  	[smem:$0x3FAF] =	sst s10  }
0x32: {  	s10 =	sld [smem:$0x3FAD];
	_ =	sdelay $0x3  }
0x33: {  	p0 =	seq.s32 s10, $0x1;
	s10 =	sld [smem:$0x3FAF];
	_ =	sdelay $0x3  }
0x34: {  	[smem:$0x3FAF] =	sst s10  }
0x35: {  	s10 =	sld [smem:$0x3FAE];
	_ =	sdelay $0x3  }
0x36: {  	p1 =	seq.s32 s10, $0x1;
	s10 =	sld [smem:$0x3FAF];
	_ =	sdelay $0x3  }
0x37: {  	[smem:$0x3FAF] =	sst s10  }
0x38: {  	s10 =	sld [smem:$0x3FB0]  }
0x39: {  	_ = 	snop;
	(pc) =	sbr.ind lr, $3  }
0x3a: {  	_ = 	snop  }
0x3b: {  	_ = 	snop  }
0x3c: {  	p2 =	seq.s32 s10, $0x1;
	s10 =	sld [smem:$0x3FAF]  }
0x3d: {  	_ =	shalt  }
0x3e: {  	_ =	shalt  }
0x3f: {  	_ =	shalt  }
0x40: {  	_ =	shalt  }
0x41: {  	_ =	shalt  }
0x42: {  	_ =	shalt  }
0x43: {  	_ =	shalt  }
0x44: {  	_ =	shalt  }
0x45: {  	_ =	shalt  }
0x46: {  	_ =	shalt  }
0x47: {  	_ =	shalt  }
0x48: {  	_ =	shalt  }
0x49: {  	_ =	shalt  }
0x4a: {  	_ =	shalt  }
0x4b: {  	_ =	shalt  }
0x4c: {  	_ =	shalt  }
0x4d: {  	_ =	shalt  }
0x4e: {  	_ =	shalt  }
0x4f: {  	_ =	shalt  }
0x50: {  	_ =	shalt  }
0x51: {  	_ =	shalt  }
0x52: {  	_ =	shalt  }
0x53: {  	_ =	shalt  }
0x54: {  	_ =	shalt  }
0x55: {  	_ =	shalt  }
0x56: {  	_ =	shalt  }
0x57: {  	_ =	shalt  }
0x58: {  	_ =	shalt  }
0x59: {  	_ =	shalt  }
0x5a: {  	_ =	shalt  }
0x5b: {  	_ =	shalt  }
0x5c: {  	_ =	shalt  }
0x5d: {  	_ =	shalt  }
0x5e: {  	_ =	shalt  }
0x5f: {  	_ =	shalt  }
0x60: {  	_ =	shalt  }
0x61: {  	_ =	shalt  }
0x62: {  	_ =	shalt  }
0x63: {  	_ =	shalt  }
0x64: {  	_ =	shalt  }
0x65: {  	_ =	shalt  }
0x66: {  	_ =	shalt  }
0x67: {  	_ =	shalt  }
0x68: {  	_ =	shalt  }
0x69: {  	_ =	shalt  }
0x6a: {  	_ =	shalt  }
0x6b: {  	_ =	shalt  }
0x6c: {  	_ =	shalt  }
0x6d: {  	_ =	shalt  }
0x6e: {  	_ =	shalt  }
0x6f: {  	_ =	shalt  }
0x70: {  	_ =	shalt  }
0x71: {  	_ =	shalt  }
0x72: {  	_ =	shalt  }
0x73: {  	_ =	shalt  }
0x74: {  	_ =	shalt  }
0x75: {  	_ =	shalt  }
0x76: {  	_ =	shalt  }
0x77: {  	_ =	shalt  }
0x78: {  	_ =	shalt  }
0x79: {  	_ =	shalt  }
0x7a: {  	_ =	shalt  }
0x7b: {  	_ =	shalt  }
0x7c: {  	_ =	shalt  }
0x7d: {  	_ =	shalt  }
0x7e: {  	_ =	shalt  }
0x7f: {  	_ =	shalt  }
0x80: {  	_ =	shalt  }
0x81: {  	_ =	shalt  }
0x82: {  	_ =	shalt  }
0x83: {  	_ =	shalt  }
0x84: {  	_ =	shalt  }
0x85: {  	_ =	shalt  }
0x86: {  	_ =	shalt  }
0x87: {  	_ =	shalt  }
.Lfunc_end0:
.L_simem_size_0:
called_computation_lowered:
.L_overlay_start_0:
0x88: {  	s2 =	sld [smem:$0x3FD9]  }
0x89: {  	s3 =	sld [smem:$0x3FFE];
	_ =	sdelay $0x1  }
0x8a: {  	s1 =	srdreg.scid  }
0x8b: {  	s0 =	sand.u32 $0x1, s1  }
0x8c: {  	s16 =	sshll.u32 s0, $0xA;
	s2 =	sadd.s32 s3, s2  }
0x8d: {  	s2 =	sadd.s32 s2, s16  }
0x8e: {  	[smem:$0x3FBB] =	sst s2  }
0x8f: {  	_ = 	snop  }
0x90: {  	(tm) =	ssettm $0x1  }
0x91: {  	s17 =	sld [smem:$0x3FFB];
	_ =	sdelay $0x3  }
0x92: {  	_ =	strace s17  }
0x93: {  	s2 =	sld [smem:$0x3FFC];
	_ =	sdelay $0x3  }
0x94: {  	_ =	strace s2  }
0x95: {  	s2 =	sld [smem:$0x3FFD];
	_ =	sdelay $0x3  }
0x96: {  	_ =	strace s2  }
0x97: {  	_ =	strace $0x8FFFFFFF  }
0x98: {  	s18 =	sld [smem:$0x3FDB];
	_ =	sdelay $0x1  }
0x99: {  	s19 =	simm.s32 $_scs_section_size  }
0x9a: {  	s4 =	simm.s32 $_size__tile_overlayer_lowered;
	s5 =	simm.s32 $_tile_overlayer_lowered  }
0x9b: {  	s22 =	simm.s32 $0x1BFF;
	s21 =	sshll.u32 s5, $0x1;
	s2 =	sadd.s32 s19, s18  }
0x9c: {  	s6 =	simm.s32 $0x0;
	s20 =	sshll.u32 s4, $0x1;
	s4 =	sadd.s32 s21, s2  }
0x9d: {  	[timem:s6], [sflag:s22] =	dma.local [hbm:s4], s20  }
0x9e: {  	_ =	swait.ge [sflag:s22], s20  }
0x9f: {  	s3 =	ssub.s32 $0x0, s20;
	[sflag:s22] =	ssyncset.done $0x0  }
0xa0: {  	[sflag:s22] =	ssyncadd.s32 s3;
	_ =	sdelay $0x1  }
0xa1: {  	s23 =	simm.s32 $0x1B8B  }
0xa2: {  	_ =	swait.ge [sflag:s23], $0x1  }
0xa3: {  	[sflag:s23] =	ssyncset.done $0x0  }
0xa4: {  	s25 =	simm.s32 $0x1B8E;
	s24 =	sld [smem:$0x3FFE];
	[sflag:s23] =	ssyncadd.s32 $0xFFFFFFFF  }
0xa5: {  	s26 =	simm.s32 $execute0_lowered;
	[smem:$0x3FD2] =	sst s25  }
0xa6: {  	s4 =	sshll.u32 s26, $0x1;
	_ =	strace $0x80000046;
	[dreg:$0x1] =	wrdreg $0xFFFFFFFF  }
0xa7: {  	s28 =	simm.s32 $_size_execute0_lowered;
	s2 =	sadd.s32 s2, s4;
	[dreg:$0x0] =	wrdreg $0x0  }
0xa8: {  	s4 =	sshll.u32 s28, $0x1;
	[dreg:$0x2] =	wrdreg s2  }
0xa9: {  	[dreg:$0x3] =	wrdreg s4  }
0xaa: {  	[dreg:$0x4] =	wrdreg $0xC0  }
0xab: {  	_ =	task [dreg:s6], $0x5FFFF  }
0xac: {  	[dreg:$0x1] =	wrdreg $0xFFFFFFFF  }
0xad: {  	[dreg:$0x0] =	wrdreg $0x60  }
0xae: {  	[dreg:$0x2] =	wrdreg s24  }
0xaf: {  	[dreg:$0x3] =	wrdreg $0xEE000  }
0xb0: {  	[dreg:$0x4] =	wrdreg $0xA  }
0xb1: {  	_ =	task.clear_ibuf [dreg:s6], $0x5FFFF;
	_ =	strace $0x90000046  }
0xb2: {  	s29 =	simm.s32 $0xA;
	_ =	strace $0x80000048  }
0xb3: {  	_ =	swait.ge [sflag:s29], $0x1  }
0xb4: {  	[sflag:s29] =	ssyncadd.s32 $0xFFFFFFFF  }
0xb5: {  	_ =	strace $0x90000048  }
0xb6: {  	_ =	sfence  }
0xb7: {  	s30 =	sld [smem:$0x0];
	_ =	sdelay $0x2  }
0xb8: {  	s31 =	sshll.u32 s1, $0xD;
	s1 =	sshrl.u32 s1, $0x2  }
0xb9: {  	s3 =	sand.u32 $0x4000, s31;
	s1 =	sadd.s32 s1, s30  }
0xba: {  	s0 =	sor.u32 s3, s0;
	s1 =	sshll.u32 s1, $0x11  }
0xbb: {  	s0 =	sor.u32 s1, s0  }
0xbc: {  	s0 =	sadd.s32 $0x8F2B, s0  }
0xbd: {  	[sflag:s0] =	ssyncadd.remote.s32 $0x1  }
0xbe: {  	_ =	sfence.sel $0xFFFF  }
0xbf: {  	[dreg:$0x0] =	wrdreg $0xFFFFFFFF;
	(pc) =	sbr.abs _section_cstart, $3  }
0xc0: {  	[dreg:$0x1] =	wrdreg $0xFFFFFFFF  }
0xc1: {  	_ =	task.clear_ibuf [dreg:s6], $0x2FFFF;
	_ =	strace $0x9FFFFFFF  }
0xc2: {  	(tm) =	ssettm $0x7FFFFFFF  }
0xc3: {  	_ =	shalt  }
tec
execute0_lowered:
.L_overlay_start_1:
0x0: {  	(tag) =	ssettag $0x1  }
0x1: {  	s0 =	rddreg [dreg:$0x0]  }
0x2: {  	s1 =	rddreg [dreg:$0x1];
	s2 =	simm.s32 $0x0  }
0x3: {  	s3 =	srdreg.scid;
	s19 =	stileid.u32;
	s20 =	simm.s32 $0x3  }
0x4: {  	s22 =	simm.s32 $0x2780;
	s28 =	simm.s32 $0x2;
	s29 =	simm.s32 $0x4E80  }
0x5: {  	s30 =	simm.s32 $0x9D00;
	s31 =	simm.s32 $0x9D80;
	s4 =	sadd.s32 $0x226E00, s0  }
0x6: {  	[smem:$0x7FF] =	sst s2;
	s6 =	sadd.s32 $0x115E00, s0;
	s10 =	smul.u32 $0x2780, s19  }
0x7: {  	s3 =	sand.u32 $0x1, s3;
	s7 =	sadd.s32 $0xEE600, s0;
	s12 =	smul.u32 $0x31600, s19  }
0x8: {  	s9 =	sadd.s32 $0x3E00, s0;
	s5 =	sadd.s32 $0x2B600, s0;
	s23 =	smul.u32 $0x18B00, s19  }
0x9: {  	s0 =	sadd.s32 $0x13D600, s0;
	p0 =	seq.s32 s19, $0xF;
	s8 =	smul.u32 $0x4F000, s3  }
0xa: {  	_ =	strace $0x80000047;
	s11 =	ssub.s32 $0x2, s3;
	s3 =	smul.u32 $0x186A00, s3  }
0xb: {  	s13 =	sshrl.u32 s11, $0x1;
	s24 =	sshrl.u32 s12, $0x2;
	s8 =	sadd.s32 s10, s8  }
0xc: {  	s18 =	ssub.s32 s11, s13;
	s10 =	sadd.s32 s23, s3;
	s3 =	sshrl.u32 s3, $0x3  }
0xd: {  	s13 =	sadd.s32 $0xB9280, s1;
	s23 =	simm.s32 $0x80;
	s14 =	sshrl.u32 s8, $0x3  }
0xe: {  	s26 =	sshrl.u32 s10, $0x3;
	s18 =	smax.u32 s18, $0x1;
	s8 =	sadd.s32 s9, s14  }
0xf: {  	s15 =	sadd.s32 $0x4F00, s14;
	s25 =	sadd.s32 s6, s14;
	s11 =	sadd.s32 s0, s26  }
0x10: {  	s0 =	sadd.s32 s0, s3;
	s14 =	sadd.s32 s7, s14;
	s26 =	simm.s32 $0x1  }
0x11: {  	[dreg:$0x3] =	wrdreg s8;
	s9 =	sadd.s32 s9, s15;
	s8 =	sadd.s32 s24, s1  }
0x12: {  	[dreg:$0x5] =	wrdreg s25;
	s6 =	sadd.s32 s6, s15;
	s3 =	sadd.s32 $0x2E4A0, s0  }
0x13: {  	s15 =	sadd.s32 s7, s15;
	s16 =	sadd.s32 $0xA, s11;
	[dreg:$0x4] =	wrdreg s9  }
0x14: {  	s17 =	sadd.s32 $0x2E4AA, s0;
	s24 =	simm.s32 $0x9E00;
	[dreg:$0x6] =	wrdreg s6  }
0x15: {  	s25 =	simm.s32 $0xC600;
	s0 =	simm.s32 $0x0;
	[dreg:$0x7] =	wrdreg s3  }
.LBB2_1:
0x16: {  	s3 =	rddreg [dreg:$0x3];
	s6 =	simm.s32 $0x4F00  }
0x17: {  	[tilespmem:s6], [sflag:$0x3] =	stream.linear.gather [hbm4b:s3+s2], $0x2780, $0x38;
	[tilespmem:$0x1B380] =	vst v63  }
0x18: {  	_ =	swait.ge [sflag:s20], $0x2780  }
0x19: {  	[sflag:s20] =	ssyncset.done $0x0  }
0x1a: {  	s12 =	simm.s32 $0x7680;
	s10 =	rddreg [dreg:$0x4];
	[sflag:s20] =	ssyncadd.s32 $0xFFFFD880  }
0x1b: {  	[tilespmem:s12], [sflag:$0x3] =	stream.linear.gather [hbm4b:s10+s2], $0x2780, $0x38;
	[tilespmem:$0x1B380] =	vst v63  }
0x1c: {  	s19 =	stileid.u32;
	_ =	swait.ge [sflag:s20], $0x2780  }
0x1d: {  	s3 =	sshll.u32 s19, $0x6;
	[sflag:s20] =	ssyncset.done $0x0  }
0x1e: {  	s6 =	sshrl.u32 s8, $0x3;
	s19 =	sor.u32 $0x1C03, s3;
	[sflag:s20] =	ssyncadd.s32 $0xFFFFD880  }
0x1f: {  	[spmem:s6], [sflag:s19] =	dma.local [hbm:s5], $0x18B0  }
0x20: {  	_ =	swait.ge [sflag:s20], $0x18B0  }
0x21: {  	[sflag:s20] =	ssyncset.done $0x0  }
0x22: {  	s21 =	rddreg [dreg:$0x5];
	[sflag:s20] =	ssyncadd.s32 $0xFFFFE750  }
0x23: {  	[tilespmem:s2], [sflag:$0x3] =	stream.linear.gather [hbm4b:s21+s2], $0x2780, $0x38;
	[tilespmem:$0x1B380] =	vst v63  }
0x24: {  	_ =	swait.ge [sflag:s20], $0x2780  }
0x25: {  	[sflag:s20] =	ssyncset.done $0x0  }
0x26: {  	s7 =	rddreg [dreg:$0x6];
	[sflag:s20] =	ssyncadd.s32 $0xFFFFD880  }
0x27: {  	[tilespmem:s22], [sflag:$0x3] =	stream.linear.gather [hbm4b:s7+s2], $0x2780, $0x38;
	[tilespmem:$0x1B380] =	vst v63  }
0x28: {  	_ =	swait.ge [sflag:s20], $0x2780  }
0x29: {  	[sflag:s20] =	ssyncset.done $0x0  }
0x2a: {  	[sflag:s20] =	ssyncadd.s32 $0xFFFFD880  }
0x2b: {  	[bflag:$0x0] =	sbarrier.arrive $0xFFFF  }
0x2c: {  	[tilespmem:s24], [sflag:$0x1] =	stream.indirect.gather [hbm4b:s4+s23], $0x50, s2, s23, $0xb8;
	[tilespmem:$0x1B380] =	vst v63  }
0x2d: {  	s9 =	simm.s32 $0x80  }
0x2e: {  	[tilespmem:s25], [sflag:$0x2] =	stream.indirect.gather [hbm4b:s4+s23], $0x50, s9, s23, $0xb8;
	[tilespmem:$0x1B380] =	vst v63  }
0x2f: {  	_ =	swait.ge [sflag:s26], $0x2800  }
0x30: {  	[sflag:s26] =	ssyncset.done $0x0  }
0x31: {  	s10 =	simm.s32 $0x4F00;
	[sflag:s26] =	ssyncadd.s32 $0xFFFFD800  }
0x32: {  	[spmem:s1] =	stream.indirect.scatter.add.f32 [tilespmem:s24], [sflag:$0x3], $0x50, s10, s23, $0xb8;
	[tilespmem:$0x1B380] =	vst v63  }
0x33: {  	_ =	swait.ge [sflag:s20], $0x2800  }
0x34: {  	[sflag:s20] =	ssyncset.done $0x0  }
0x35: {  	s12 =	simm.s32 $0x100;
	[sflag:s20] =	ssyncadd.s32 $0xFFFFD800  }
0x36: {  	[tilespmem:s24], [sflag:$0x1] =	stream.indirect.gather [hbm4b:s4+s23], $0x50, s12, s23, $0xb8;
	[tilespmem:$0x1B380] =	vst v63  }
0x37: {  	_ =	swait.ge [sflag:s28], $0x2800  }
0x38: {  	[sflag:s28] =	ssyncset.done $0x0  }
0x39: {  	s21 =	simm.s32 $0x4F80;
	[sflag:s28] =	ssyncadd.s32 $0xFFFFD800  }
0x3a: {  	[spmem:s1] =	stream.indirect.scatter.add.f32 [tilespmem:s25], [sflag:$0x3], $0x50, s21, s23, $0xb8;
	[tilespmem:$0x1B380] =	vst v63  }
0x3b: {  	_ =	swait.ge [sflag:s20], $0x2800  }
0x3c: {  	s3 =	simm.s32 $0x100;
	s21 =	simm.s32 $0x800;
	[sflag:s20] =	ssyncset.done $0x0  }
.LBB2_2:
0x3d: {  	s7 =	sadd.s32 $0x80, s3  }
0x3e: {  	[sflag:s20] =	ssyncadd.s32 $0xFFFFD800;
	s9 =	smov.u32 s21;
	s10 =	sadd.s32 $0x400, s21  }
0x3f: {  	[tilespmem:s25], [sflag:$0x2] =	stream.indirect.gather [hbm4b:s4+s23], $0x50, s7, s23, $0xb8;
	[tilespmem:$0x1B380] =	vst v63  }
0x40: {  	p1 =	sne.s32 s21, $0x13400;
	_ =	swait.ge [sflag:s26], $0x2800  }
0x41: {  	[sflag:s26] =	ssyncset.done $0x0  }
0x42: {  	s7 =	sadd.s32 $0x4F00, s3;
	[sflag:s26] =	ssyncadd.s32 $0xFFFFD800  }
0x43: {  	[spmem:s1] =	stream.indirect.scatter.add.f32 [tilespmem:s24], [sflag:$0x3], $0x50, s7, s23, $0xb8;
	[tilespmem:$0x1B380] =	vst v63  }
0x44: {  	_ =	swait.ge [sflag:s20], $0x2800  }
0x45: {  	[sflag:s20] =	ssyncset.done $0x0  }
0x46: {  	s7 =	sadd.s32 $0x100, s3;
	[sflag:s20] =	ssyncadd.s32 $0xFFFFD800  }
0x47: {  	[tilespmem:s24], [sflag:$0x1] =	stream.indirect.gather [hbm4b:s4+s23], $0x50, s7, s23, $0xb8;
	[tilespmem:$0x1B380] =	vst v63  }
0x48: {  	_ =	swait.ge [sflag:s28], $0x2800  }
.Ltmp0:
0x49: {  	[sflag:s28] =	ssyncset.done $0x0;
	(pc) =	sbr.rel @p1 .LBB2_2-.Ltmp0, $4  }
0x4a: {  	s3 =	sadd.s32 $0x4F80, s3;
	[sflag:s28] =	ssyncadd.s32 $0xFFFFD800  }
0x4b: {  	[spmem:s1] =	stream.indirect.scatter.add.f32 [tilespmem:s25], [sflag:$0x3], $0x50, s3, s23, $0xb8;
	[tilespmem:$0x1B380] =	vst v63  }
0x4c: {  	_ =	swait.ge [sflag:s20], $0x2800  }
0x4d: {  	s21 =	smov.u32 s10;
	s3 =	sshra.s32 s9, $0x2;
	[sflag:s20] =	ssyncset.done $0x0  }
0x4e: {  	s7 =	sadd.s32 $0x80, s3;
	[sflag:s20] =	ssyncadd.s32 $0xFFFFD800  }
0x4f: {  	[tilespmem:s25], [sflag:$0x2] =	stream.indirect.gather [hbm4b:s4+s23], $0x50, s7, s23, $0xb8;
	[tilespmem:$0x1B380] =	vst v63  }
0x50: {  	_ =	swait.ge [sflag:s26], $0x2800  }
0x51: {  	[sflag:s26] =	ssyncset.done $0x0  }
0x52: {  	s21 =	sadd.s32 $0x4F00, s3;
	[sflag:s26] =	ssyncadd.s32 $0xFFFFD800  }
0x53: {  	[spmem:s1] =	stream.indirect.scatter.add.f32 [tilespmem:s24], [sflag:$0x3], $0x50, s21, s23, $0xb8;
	[tilespmem:$0x1B380] =	vst v63  }
0x54: {  	_ =	swait.ge [sflag:s20], $0x2800  }
0x55: {  	[sflag:s20] =	ssyncset.done $0x0  }
0x56: {  	s9 =	sadd.s32 $0x100, s3;
	[sflag:s20] =	ssyncadd.s32 $0xFFFFD800  }
0x57: {  	[tilespmem:s24], [sflag:$0x1] =	stream.indirect.gather [hbm4b:s4+s23], $0x50, s9, s23, $0xb8;
	[tilespmem:$0x1B380] =	vst v63  }
0x58: {  	_ =	swait.ge [sflag:s28], $0x2800  }
0x59: {  	[sflag:s28] =	ssyncset.done $0x0  }
0x5a: {  	s10 =	sadd.s32 $0x4F80, s3;
	[sflag:s28] =	ssyncadd.s32 $0xFFFFD800  }
0x5b: {  	[spmem:s1] =	stream.indirect.scatter.add.f32 [tilespmem:s25], [sflag:$0x3], $0x50, s10, s23, $0xb8;
	[tilespmem:$0x1B380] =	vst v63  }
0x5c: {  	_ =	swait.ge [sflag:s20], $0x2800  }
0x5d: {  	[sflag:s20] =	ssyncset.done $0x0  }
0x5e: {  	[sflag:s20] =	ssyncadd.s32 $0xFFFFD800  }
0x5f: {  	[tilespmem:s25], [sflag:$0x2] =	stream.indirect.gather [hbm4b:s4+s23], $0x50, s29, s23, $0xb8;
	[tilespmem:$0x1B380] =	vst v63  }
0x60: {  	_ =	swait.ge [sflag:s26], $0x2800  }
0x61: {  	[sflag:s26] =	ssyncset.done $0x0  }
0x62: {  	[sflag:s26] =	ssyncadd.s32 $0xFFFFD800  }
0x63: {  	[spmem:s1] =	stream.indirect.scatter.add.f32 [tilespmem:s24], [sflag:$0x3], $0x50, s30, s23, $0xb8;
	[tilespmem:$0x1B380] =	vst v63  }
0x64: {  	_ =	swait.ge [sflag:s20], $0x2800  }
0x65: {  	[sflag:s20] =	ssyncset.done $0x0  }
0x66: {  	[sflag:s20] =	ssyncadd.s32 $0xFFFFD800  }
0x67: {  	_ =	swait.ge [sflag:s28], $0x2800  }
0x68: {  	[sflag:s28] =	ssyncset.done $0x0  }
0x69: {  	[sflag:s28] =	ssyncadd.s32 $0xFFFFD800  }
0x6a: {  	[spmem:s1] =	stream.indirect.scatter.add.f32 [tilespmem:s25], [sflag:$0x3], $0x50, s31, s23, $0xb8;
	[tilespmem:$0x1B380] =	vst v63  }
0x6b: {  	_ =	swait.ge [sflag:s20], $0x2800  }
0x6c: {  	[sflag:s20] =	ssyncset.done $0x0  }
0x6d: {  	[sflag:s20] =	ssyncadd.s32 $0xFFFFD800  }
0x6e: {  	s3 =	simm.s32 @p0 $0x1;
	s7 =	simm.s32 @p0 $0x14;
	[bflag:$0x0] =	sbarrier.arrive $0xFFFF  }
0x6f: {  	s21 =	sshrl.u32 @p0 s13, $0x3;
	s9 =	simm.s32 @p0 $0xA;
	s10 =	rddreg [dreg:$0x7]  }
0x70: {  	[hbm:s10@s7], [sflag:s19] =	dma.strided @p0 [spmem:s21@s9], $0x1450, s3, $0xa   }
0x71: {  	s3 =	simm.s32 @p0 $0x3  }
0x72: {  	_ =	swait.ge @p0 [sflag:s3], $0x1450  }
0x73: {  	s7 =	simm.s32 @!p0 $0x1;
	s9 =	simm.s32 @!p0 $0x14;
	[sflag:s3] =	ssyncset.done @p0 $0x0  }
0x74: {  	s10 =	simm.s32 @!p0 $0xA;
	[sflag:s3] =	ssyncadd.s32 @p0 $0xFFFFEBB0;
	s3 =	sshrl.u32 @!p0 s8, $0x3  }
0x75: {  	[hbm:s11@s9], [sflag:s19] =	dma.strided @!p0 [spmem:s3@s10], $0x18B0, s7, $0xa   }
0x76: {  	s7 =	simm.s32 @!p0 $0x3  }
0x77: {  	_ =	swait.ge @!p0 [sflag:s7], $0x18B0  }
0x78: {  	[sflag:s7] =	ssyncset.done @!p0 $0x0  }
0x79: {  	[sflag:s7] =	ssyncadd.s32 @!p0 $0xFFFFE750  }
0x7a: {  	[bflag:$0x0] =	sbarrier.arrive $0xFFFF  }
0x7b: {  	[spmem:s6], [sflag:s19] =	dma.local [hbm:s5], $0x18B0  }
0x7c: {  	_ =	swait.ge [sflag:s20], $0x18B0  }
0x7d: {  	[sflag:s20] =	ssyncset.done $0x0  }
0x7e: {  	s12 =	simm.s32 $0x0;
	[sflag:s20] =	ssyncadd.s32 $0xFFFFE750  }
0x7f: {  	[tilespmem:s12], [sflag:$0x3] =	stream.linear.gather [hbm4b:s14+s12], $0x2780, $0x38;
	[tilespmem:$0x1B380] =	vst v63  }
0x80: {  	_ =	swait.ge [sflag:s20], $0x2780  }
0x81: {  	[sflag:s20] =	ssyncset.done $0x0  }
0x82: {  	[sflag:s20] =	ssyncadd.s32 $0xFFFFD880  }
0x83: {  	[tilespmem:s22], [sflag:$0x3] =	stream.linear.gather [hbm4b:s15+s12], $0x2780, $0x38;
	[tilespmem:$0x1B380] =	vst v63  }
0x84: {  	_ =	swait.ge [sflag:s20], $0x2780  }
0x85: {  	[sflag:s20] =	ssyncset.done $0x0  }
0x86: {  	[sflag:s20] =	ssyncadd.s32 $0xFFFFD880  }
0x87: {  	[bflag:$0x0] =	sbarrier.arrive $0xFFFF  }
0x88: {  	[tilespmem:s24], [sflag:$0x1] =	stream.indirect.gather [hbm4b:s4+s23], $0x50, s12, s23, $0xb8;
	[tilespmem:$0x1B380] =	vst v63  }
0x89: {  	s7 =	simm.s32 $0x80  }
0x8a: {  	[tilespmem:s25], [sflag:$0x2] =	stream.indirect.gather [hbm4b:s4+s23], $0x50, s7, s23, $0xb8;
	[tilespmem:$0x1B380] =	vst v63  }
0x8b: {  	_ =	swait.ge [sflag:s26], $0x2800  }
0x8c: {  	[sflag:s26] =	ssyncset.done $0x0  }
0x8d: {  	s9 =	simm.s32 $0x4F00;
	[sflag:s26] =	ssyncadd.s32 $0xFFFFD800  }
0x8e: {  	[spmem:s1] =	stream.indirect.scatter.add.f32 [tilespmem:s24], [sflag:$0x3], $0x50, s9, s23, $0xb8;
	[tilespmem:$0x1B380] =	vst v63  }
0x8f: {  	_ =	swait.ge [sflag:s20], $0x2800  }
0x90: {  	[sflag:s20] =	ssyncset.done $0x0  }
0x91: {  	s10 =	simm.s32 $0x100;
	[sflag:s20] =	ssyncadd.s32 $0xFFFFD800  }
0x92: {  	[tilespmem:s24], [sflag:$0x1] =	stream.indirect.gather [hbm4b:s4+s23], $0x50, s10, s23, $0xb8;
	[tilespmem:$0x1B380] =	vst v63  }
0x93: {  	_ =	swait.ge [sflag:s28], $0x2800  }
0x94: {  	[sflag:s28] =	ssyncset.done $0x0  }
0x95: {  	s12 =	simm.s32 $0x4F80;
	[sflag:s28] =	ssyncadd.s32 $0xFFFFD800  }
0x96: {  	[spmem:s1] =	stream.indirect.scatter.add.f32 [tilespmem:s25], [sflag:$0x3], $0x50, s12, s23, $0xb8;
	[tilespmem:$0x1B380] =	vst v63  }
0x97: {  	_ =	swait.ge [sflag:s20], $0x2800  }
0x98: {  	s6 =	simm.s32 $0x100;
	s7 =	simm.s32 $0x800;
	[sflag:s20] =	ssyncset.done $0x0  }
.LBB2_4:
0x99: {  	s9 =	sadd.s32 $0x80, s6  }
0x9a: {  	[sflag:s20] =	ssyncadd.s32 $0xFFFFD800;
	s10 =	smov.u32 s7;
	s12 =	sadd.s32 $0x400, s7  }
0x9b: {  	[tilespmem:s25], [sflag:$0x2] =	stream.indirect.gather [hbm4b:s4+s23], $0x50, s9, s23, $0xb8;
	[tilespmem:$0x1B380] =	vst v63  }
0x9c: {  	p1 =	sne.s32 s7, $0x13400;
	_ =	swait.ge [sflag:s26], $0x2800  }
0x9d: {  	[sflag:s26] =	ssyncset.done $0x0  }
0x9e: {  	s7 =	sadd.s32 $0x4F00, s6;
	[sflag:s26] =	ssyncadd.s32 $0xFFFFD800  }
0x9f: {  	[spmem:s1] =	stream.indirect.scatter.add.f32 [tilespmem:s24], [sflag:$0x3], $0x50, s7, s23, $0xb8;
	[tilespmem:$0x1B380] =	vst v63  }
0xa0: {  	_ =	swait.ge [sflag:s20], $0x2800  }
0xa1: {  	[sflag:s20] =	ssyncset.done $0x0  }
0xa2: {  	s7 =	sadd.s32 $0x100, s6;
	[sflag:s20] =	ssyncadd.s32 $0xFFFFD800  }
0xa3: {  	[tilespmem:s24], [sflag:$0x1] =	stream.indirect.gather [hbm4b:s4+s23], $0x50, s7, s23, $0xb8;
	[tilespmem:$0x1B380] =	vst v63  }
0xa4: {  	_ =	swait.ge [sflag:s28], $0x2800  }
.Ltmp1:
0xa5: {  	[sflag:s28] =	ssyncset.done $0x0;
	(pc) =	sbr.rel @p1 .LBB2_4-.Ltmp1, $4  }
0xa6: {  	s6 =	sadd.s32 $0x4F80, s6;
	[sflag:s28] =	ssyncadd.s32 $0xFFFFD800  }
0xa7: {  	[spmem:s1] =	stream.indirect.scatter.add.f32 [tilespmem:s25], [sflag:$0x3], $0x50, s6, s23, $0xb8;
	[tilespmem:$0x1B380] =	vst v63  }
0xa8: {  	_ =	swait.ge [sflag:s20], $0x2800  }
0xa9: {  	s7 =	smov.u32 s12;
	s6 =	sshra.s32 s10, $0x2;
	[sflag:s20] =	ssyncset.done $0x0  }
0xaa: {  	s7 =	sadd.s32 $0x80, s6;
	[sflag:s20] =	ssyncadd.s32 $0xFFFFD800  }
0xab: {  	[tilespmem:s25], [sflag:$0x2] =	stream.indirect.gather [hbm4b:s4+s23], $0x50, s7, s23, $0xb8;
	[tilespmem:$0x1B380] =	vst v63  }
0xac: {  	_ =	swait.ge [sflag:s26], $0x2800  }
0xad: {  	[sflag:s26] =	ssyncset.done $0x0  }
0xae: {  	s9 =	sadd.s32 $0x4F00, s6;
	[sflag:s26] =	ssyncadd.s32 $0xFFFFD800  }
0xaf: {  	[spmem:s1] =	stream.indirect.scatter.add.f32 [tilespmem:s24], [sflag:$0x3], $0x50, s9, s23, $0xb8;
	[tilespmem:$0x1B380] =	vst v63  }
0xb0: {  	_ =	swait.ge [sflag:s20], $0x2800  }
0xb1: {  	[sflag:s20] =	ssyncset.done $0x0  }
0xb2: {  	s10 =	sadd.s32 $0x100, s6;
	[sflag:s20] =	ssyncadd.s32 $0xFFFFD800  }
0xb3: {  	[tilespmem:s24], [sflag:$0x1] =	stream.indirect.gather [hbm4b:s4+s23], $0x50, s10, s23, $0xb8;
	[tilespmem:$0x1B380] =	vst v63  }
0xb4: {  	_ =	swait.ge [sflag:s28], $0x2800  }
0xb5: {  	[sflag:s28] =	ssyncset.done $0x0  }
0xb6: {  	s12 =	sadd.s32 $0x4F80, s6;
	[sflag:s28] =	ssyncadd.s32 $0xFFFFD800  }
0xb7: {  	[spmem:s1] =	stream.indirect.scatter.add.f32 [tilespmem:s25], [sflag:$0x3], $0x50, s12, s23, $0xb8;
	[tilespmem:$0x1B380] =	vst v63  }
0xb8: {  	_ =	swait.ge [sflag:s20], $0x2800  }
0xb9: {  	[sflag:s20] =	ssyncset.done $0x0  }
0xba: {  	[sflag:s20] =	ssyncadd.s32 $0xFFFFD800  }
0xbb: {  	[tilespmem:s25], [sflag:$0x2] =	stream.indirect.gather [hbm4b:s4+s23], $0x50, s29, s23, $0xb8;
	[tilespmem:$0x1B380] =	vst v63  }
0xbc: {  	_ =	swait.ge [sflag:s26], $0x2800  }
0xbd: {  	[sflag:s26] =	ssyncset.done $0x0  }
0xbe: {  	[sflag:s26] =	ssyncadd.s32 $0xFFFFD800  }
0xbf: {  	[spmem:s1] =	stream.indirect.scatter.add.f32 [tilespmem:s24], [sflag:$0x3], $0x50, s30, s23, $0xb8;
	[tilespmem:$0x1B380] =	vst v63  }
0xc0: {  	_ =	swait.ge [sflag:s20], $0x2800  }
0xc1: {  	[sflag:s20] =	ssyncset.done $0x0  }
0xc2: {  	[sflag:s20] =	ssyncadd.s32 $0xFFFFD800  }
0xc3: {  	_ =	swait.ge [sflag:s28], $0x2800  }
0xc4: {  	[sflag:s28] =	ssyncset.done $0x0  }
0xc5: {  	[sflag:s28] =	ssyncadd.s32 $0xFFFFD800  }
0xc6: {  	[spmem:s1] =	stream.indirect.scatter.add.f32 [tilespmem:s25], [sflag:$0x3], $0x50, s31, s23, $0xb8;
	[tilespmem:$0x1B380] =	vst v63  }
0xc7: {  	_ =	swait.ge [sflag:s20], $0x2800  }
0xc8: {  	[sflag:s20] =	ssyncset.done $0x0  }
0xc9: {  	s6 =	simm.s32 @p0 $0x1;
	[sflag:s20] =	ssyncadd.s32 $0xFFFFD800  }
0xca: {  	s7 =	simm.s32 @p0 $0x14;
	s9 =	simm.s32 @p0 $0xA;
	[bflag:$0x0] =	sbarrier.arrive $0xFFFF  }
0xcb: {  	[hbm:s17@s7], [sflag:s19] =	dma.strided @p0 [spmem:s21@s9], $0x1450, s6, $0xa   }
0xcc: {  	s6 =	simm.s32 @p0 $0x3  }
0xcd: {  	_ =	swait.ge @p0 [sflag:s6], $0x1450  }
0xce: {  	s0 =	sadd.s32 $0x1, s0;
	s7 =	simm.s32 @!p0 $0x14;
	[sflag:s6] =	ssyncset.done @p0 $0x0  }
0xcf: {  	s9 =	simm.s32 @!p0 $0xA;
	[sflag:s6] =	ssyncadd.s32 @p0 $0xFFFFEBB0;
	s6 =	simm.s32 @!p0 $0x1  }
0xd0: {  	[hbm:s16@s7], [sflag:s19] =	dma.strided @!p0 [spmem:s3@s9], $0x18B0, s6, $0xa   }
0xd1: {  	p1 =	sne.s32 s0, s18;
	s3 =	simm.s32 @!p0 $0x3  }
.Ltmp2:
0xd2: {  	_ =	swait.ge @!p0 [sflag:s3], $0x18B0;
	(pc) =	sbr.rel @p1 .LBB2_1-.Ltmp2, $3  }
0xd3: {  	[sflag:s3] =	ssyncset.done @!p0 $0x0  }
0xd4: {  	[sflag:s3] =	ssyncadd.s32 @!p0 $0xFFFFE750  }
0xd5: {  	[bflag:$0x0] =	sbarrier.arrive $0xFFFF;
	_ =	sdelay $0x1  }
0xd6: {  	_ =	sfence.sel $0x180000  }
0xd7: {  	[bflag:$0x0] =	sbarrier.arrive $0xFFFF  }
0xd8: {  	_ =	strace $0x90000047  }
0xd9: {  	s0 =	stileid.u32;
	[bflag:$0x2] =	sbarrier.arrive $0xFFFF  }
0xda: {  	p0 =	sne.s32 s0, $0x0;
	s0 =	rddreg [dreg:$0x2]  }
0xdb: {  	s0 =	sadd.s32 @!p0 $0x100000, s0  }
0xdc: {  	[sflag:s0] =	ssyncadd.tile.s32 @!p0 $0x1;
	_ =	shalt  }
.Lfunc_end2:
_tile_overlayer_lowered:
.L_overlay_start_2:
0xdd: {  	(tag) =	ssettag $0x2  }
0xde: {  	s0 =	rddreg [dreg:$0x0];
	s2 =	stileid.u32  }
0xdf: {  	s1 =	rddreg [dreg:$0x1];
	p0 =	sne.s32 s2, $0x0  }
0xe0: {  	s3 =	rddreg [dreg:$0x2];
	[bflag:$0x3] =	sbarrier.arrive $0xFFFF;
	s2 =	simm.s32 @!p0 $0x1C03  }
0xe1: {  	[timem:s3], [sflag:s2] =	dma.local @!p0 [hbm:s0], s1  }
0xe2: {  	s0 =	simm.s32 @!p0 $0x3  }
0xe3: {  	_ =	swait.ge @!p0 [sflag:s0], s1  }
0xe4: {  	s1 =	ssub.s32 @!p0 $0x0, s1;
	[sflag:s0] =	ssyncset.done @!p0 $0x0  }
0xe5: {  	[sflag:s0] =	ssyncadd.s32 @!p0 s1  }
0xe6: {  	[bflag:$0x3] =	sbarrier.arrive $0xFFFF  }
0xe7: {  	_ =	shalt  }

// kernel: kernel.19.cloned.1.call-start
scs
__scs_entry_jumppad:
0x0: {  	(pc) =	sbr.rel $0x88, $3  }
0x1: {  	(tag) =	ssettag $0x0;
	lr =	simm.s32 $0x1  }
0x2: {  	[smem:$0x3F94] =	sst lr;
	_ =	strace $0xD0000000  }
0x3: {  	_ = 	snop  }
0x4: {  	_ = 	snop  }
0x5: {  	_ = 	snop  }
0x6: {  	_ = 	snop  }
0x7: {  	_ = 	snop  }
__scs_overlays_trampoline_lowered:
0x8: {  	[smem:$0x3FA3] =	sst s0  }
0x9: {  	[smem:$0x3FA4] =	sst s1  }
0xa: {  	[smem:$0x3FA5] =	sst s2  }
0xb: {  	[smem:$0x3FA6] =	sst s3  }
0xc: {  	[smem:$0x3FA7] =	sst s4  }
0xd: {  	[smem:$0x3FA8] =	sst s5  }
0xe: {  	[smem:$0x3FA9] =	sst s6  }
0xf: {  	[smem:$0x3FAA] =	sst s7  }
0x10: {  	[smem:$0x3FAB] =	sst s8  }
0x11: {  	[smem:$0x3FAC] =	sst s9;
	s0 =	simm.s32 @!p0 $0x0  }
0x12: {  	s1 =	sld [smem:$0x3F92];
	s0 =	simm.s32 @p0 $0x1  }
0x13: {  	[smem:$0x3FAD] =	sst s0;
	s0 =	simm.s32 @!p1 $0x0  }
0x14: {  	s2 =	sld [smem:$0x3F91];
	s0 =	simm.s32 @p1 $0x1  }
0x15: {  	[smem:$0x3FAE] =	sst s0;
	s0 =	simm.s32 @!p2 $0x0  }
0x16: {  	s3 =	sld [smem:$0x3FDB];
	s0 =	simm.s32 @p2 $0x1  }
0x17: {  	s4 =	simm.s32 $0x1BF5;
	[smem:$0x3FB0] =	sst s0  }
0x18: {  	s0 =	sld [smem:$0x3F93];
	_ =	swait.ge [sflag:s4], $0x0  }
0x19: {  	s7 =	sld [smem:$0x3F94]  }
0x1a: {  	s8 =	sadd.s32 $0xFFFFE003, lr  }
0x1b: {  	s9 =	sadd.s32 $0xFFFFFEF7, lr;
	s5 =	simm.s32 $0xFFFFFFFF;
	p2 =	slt.u32 s8, $0xFFFFF086  }
0x1c: {  	p1 =	slt.u32 s9, $0xF7A;
	s5 =	simm.s32 @!p2 $0x0  }
0x1d: {  	s5 =	simm.s32 @p1 $0x1;
	p0 =	seq.s32 s7, s2  }
0x1e: {  	s7 =	smul.u32 @!p0 $0xF7A, s2;
	p2 =	seq.s32 @!p0 s5, $0x0  }
0x1f: {  	s9 =	smul.u32 $0xF7A, s1;
	s8 =	simm.s32 @!p0 $0x1BF5;
	p2 =	por !p2, p0  }
0x20: {  	[sflag:s8] =	ssyncset.s32 @!p0 $0xFFFFF086;
	s6 =	sadd.s32 @!p0 s3, s7;
	s7 =	simm.s32 @!p0 $0x108  }
0x21: {  	s3 =	sadd.s32 s3, s9;
	s6 =	sadd.s32 @!p0 $0x88, s6;
	s7 =	simm.s32 @p2 $0x1082  }
0x22: {  	[simem:s7], [sflag:s8] =	dma.local @!p0 [hbm:s6], $0xF7A  }
0x23: {  	s9 =	sor.u32 $0xD0000000, s2;
	s6 =	simm.s32 $0x108;
	_ =	swait.ge @!p0 [sflag:s8], $0x0  }
0x24: {  	s3 =	sadd.s32 $0x88, s3;
	s6 =	simm.s32 @!p1 $0x1082;
	[sflag:s4] =	ssyncset.s32 $0xFFFFF086  }
0x25: {  	[simem:s6], [sflag:s4] =	dma.local [hbm:s3], $0xF7A  }
0x26: {  	[smem:$0x3F94] =	sst s1;
	(tag) =	ssettag s2;
	_ =	strace s9  }
0x27: {  	s1 =	sld [smem:$0x3FA4]  }
0x28: {  	s2 =	sld [smem:$0x3FA5]  }
0x29: {  	s4 =	sld [smem:$0x3FA7]  }
0x2a: {  	p0 =	seq.s32 s5, $0x0;
	s5 =	sld [smem:$0x3FA8]  }
0x2b: {  	s6 =	sld [smem:$0x3FA9]  }
0x2c: {  	s7 =	sld [smem:$0x3FAA]  }
0x2d: {  	s3 =	simm.s32 $0x108;
	s8 =	sld [smem:$0x3FAB]  }
0x2e: {  	s3 =	simm.s32 @!p0 $0x1082;
	s9 =	sld [smem:$0x3FAC]  }
0x2f: {  	lr =	sadd.s32 s0, s3;
	s0 =	sld [smem:$0x3FA3]  }
0x30: {  	s3 =	sld [smem:$0x3FA6]  }
0x31: {  	[smem:$0x3FAF] =	sst s10  }
0x32: {  	s10 =	sld [smem:$0x3FAD];
	_ =	sdelay $0x3  }
0x33: {  	p0 =	seq.s32 s10, $0x1;
	s10 =	sld [smem:$0x3FAF];
	_ =	sdelay $0x3  }
0x34: {  	[smem:$0x3FAF] =	sst s10  }
0x35: {  	s10 =	sld [smem:$0x3FAE];
	_ =	sdelay $0x3  }
0x36: {  	p1 =	seq.s32 s10, $0x1;
	s10 =	sld [smem:$0x3FAF];
	_ =	sdelay $0x3  }
0x37: {  	[smem:$0x3FAF] =	sst s10  }
0x38: {  	s10 =	sld [smem:$0x3FB0]  }
0x39: {  	_ = 	snop;
	(pc) =	sbr.ind lr, $3  }
0x3a: {  	_ = 	snop  }
0x3b: {  	_ = 	snop  }
0x3c: {  	p2 =	seq.s32 s10, $0x1;
	s10 =	sld [smem:$0x3FAF]  }
0x3d: {  	_ =	shalt  }
0x3e: {  	_ =	shalt  }
0x3f: {  	_ =	shalt  }
0x40: {  	_ =	shalt  }
0x41: {  	_ =	shalt  }
0x42: {  	_ =	shalt  }
0x43: {  	_ =	shalt  }
0x44: {  	_ =	shalt  }
0x45: {  	_ =	shalt  }
0x46: {  	_ =	shalt  }
0x47: {  	_ =	shalt  }
0x48: {  	_ =	shalt  }
0x49: {  	_ =	shalt  }
0x4a: {  	_ =	shalt  }
0x4b: {  	_ =	shalt  }
0x4c: {  	_ =	shalt  }
0x4d: {  	_ =	shalt  }
0x4e: {  	_ =	shalt  }
0x4f: {  	_ =	shalt  }
0x50: {  	_ =	shalt  }
0x51: {  	_ =	shalt  }
0x52: {  	_ =	shalt  }
0x53: {  	_ =	shalt  }
0x54: {  	_ =	shalt  }
0x55: {  	_ =	shalt  }
0x56: {  	_ =	shalt  }
0x57: {  	_ =	shalt  }
0x58: {  	_ =	shalt  }
0x59: {  	_ =	shalt  }
0x5a: {  	_ =	shalt  }
0x5b: {  	_ =	shalt  }
0x5c: {  	_ =	shalt  }
0x5d: {  	_ =	shalt  }
0x5e: {  	_ =	shalt  }
0x5f: {  	_ =	shalt  }
0x60: {  	_ =	shalt  }
0x61: {  	_ =	shalt  }
0x62: {  	_ =	shalt  }
0x63: {  	_ =	shalt  }
0x64: {  	_ =	shalt  }
0x65: {  	_ =	shalt  }
0x66: {  	_ =	shalt  }
0x67: {  	_ =	shalt  }
0x68: {  	_ =	shalt  }
0x69: {  	_ =	shalt  }
0x6a: {  	_ =	shalt  }
0x6b: {  	_ =	shalt  }
0x6c: {  	_ =	shalt  }
0x6d: {  	_ =	shalt  }
0x6e: {  	_ =	shalt  }
0x6f: {  	_ =	shalt  }
0x70: {  	_ =	shalt  }
0x71: {  	_ =	shalt  }
0x72: {  	_ =	shalt  }
0x73: {  	_ =	shalt  }
0x74: {  	_ =	shalt  }
0x75: {  	_ =	shalt  }
0x76: {  	_ =	shalt  }
0x77: {  	_ =	shalt  }
0x78: {  	_ =	shalt  }
0x79: {  	_ =	shalt  }
0x7a: {  	_ =	shalt  }
0x7b: {  	_ =	shalt  }
0x7c: {  	_ =	shalt  }
0x7d: {  	_ =	shalt  }
0x7e: {  	_ =	shalt  }
0x7f: {  	_ =	shalt  }
0x80: {  	_ =	shalt  }
0x81: {  	_ =	shalt  }
0x82: {  	_ =	shalt  }
0x83: {  	_ =	shalt  }
0x84: {  	_ =	shalt  }
0x85: {  	_ =	shalt  }
0x86: {  	_ =	shalt  }
0x87: {  	_ =	shalt  }
.Lfunc_end0:
.L_simem_size_0:
called_computation.1_lowered:
.L_overlay_start_0:
0x88: {  	s2 =	sld [smem:$0x3FD9]  }
0x89: {  	s3 =	sld [smem:$0x3FFE];
	_ =	sdelay $0x1  }
0x8a: {  	s1 =	srdreg.scid  }
0x8b: {  	s0 =	sand.u32 $0x1, s1  }
0x8c: {  	s17 =	sshll.u32 s0, $0xA;
	s2 =	sadd.s32 s3, s2  }
0x8d: {  	s2 =	sadd.s32 s2, s17  }
0x8e: {  	[smem:$0x3FBB] =	sst s2  }
0x8f: {  	_ = 	snop  }
0x90: {  	(tm) =	ssettm $0x1  }
0x91: {  	s18 =	sld [smem:$0x3FFB];
	_ =	sdelay $0x3  }
0x92: {  	_ =	strace s18  }
0x93: {  	s2 =	sld [smem:$0x3FFC];
	_ =	sdelay $0x3  }
0x94: {  	_ =	strace s2  }
0x95: {  	s2 =	sld [smem:$0x3FFD];
	_ =	sdelay $0x3  }
0x96: {  	_ =	strace s2  }
0x97: {  	_ =	strace $0x8FFFFFFF  }
0x98: {  	s19 =	sld [smem:$0x3FDB];
	_ =	sdelay $0x1  }
0x99: {  	s20 =	simm.s32 $_scs_section_size  }
0x9a: {  	s4 =	simm.s32 $_size__tile_overlayer_lowered;
	s5 =	simm.s32 $_tile_overlayer_lowered  }
0x9b: {  	s6 =	simm.s32 $0x1BFF;
	s21 =	sshll.u32 s5, $0x1;
	s3 =	sadd.s32 s20, s19  }
0x9c: {  	s22 =	simm.s32 $0x0;
	s4 =	sshll.u32 s4, $0x1;
	s5 =	sadd.s32 s21, s3  }
0x9d: {  	[timem:s22], [sflag:s6] =	dma.local [hbm:s5], s4  }
0x9e: {  	_ =	swait.ge [sflag:s6], s4  }
0x9f: {  	s4 =	ssub.s32 $0x0, s4;
	[sflag:s6] =	ssyncset.done $0x0  }
0xa0: {  	[sflag:s6] =	ssyncadd.s32 s4;
	_ =	sdelay $0x1  }
0xa1: {  	s23 =	simm.s32 $0x1B8B  }
0xa2: {  	_ =	swait.ge [sflag:s23], $0x1  }
0xa3: {  	[sflag:s23] =	ssyncset.done $0x0  }
0xa4: {  	[sflag:s23] =	ssyncadd.s32 $0xFFFFFFFF  }
0xa5: {  	s4 =	sld [smem:$0x0]  }
0xa6: {  	s5 =	sand.u32 $0xFFFFFFFE, s1  }
0xa7: {  	p0 =	sne.s32 s1, s5  }
0xa8: {  	s5 =	sshll.u32 @p0 s5, $0xE  }
0xa9: {  	s5 =	sadd.s32 @p0 $0x11B8D, s5;
	s6 =	sshll.u32 @p0 s4, $0x11  }
0xaa: {  	s5 =	sor.u32 @p0 s6, s5  }
0xab: {  	[sflag:s5] =	ssyncadd.remote.s32 @p0 $0x1;
	_ =	sdelay $0x1  }
0xac: {  	s5 =	simm.s32 @p0 $0x1B8D  }
0xad: {  	_ =	swait.eq @p0 [sflag:s5], $0x1  }
0xae: {  	[sflag:s5] =	ssyncadd.s32 @p0 $0xFFFFFFFF  }
0xaf: {  	s6 =	sshll.u32 @!p0 s1, $0xE  }
0xb0: {  	s6 =	sor.u32 @!p0 $0x4000, s6;
	s5 =	simm.s32 @!p0 $0x1B8D  }
0xb1: {  	s4 =	sshll.u32 @!p0 s4, $0x11;
	s6 =	sadd.s32 @!p0 $0x11B8D, s6;
	_ =	swait.eq @!p0 [sflag:s5], $0x1  }
0xb2: {  	s4 =	sor.u32 @!p0 s4, s6;
	[sflag:s5] =	ssyncadd.s32 @!p0 $0xFFFFFFFF  }
0xb3: {  	s25 =	simm.s32 $0x1B8E;
	s24 =	sld [smem:$0x3FFE];
	[sflag:s4] =	ssyncadd.remote.s32 @!p0 $0x1  }
0xb4: {  	s26 =	simm.s32 $execute0_lowered;
	[smem:$0x3FD2] =	sst s25  }
0xb5: {  	s5 =	sshll.u32 s26, $0x1;
	_ =	strace $0x80000049;
	[dreg:$0x1] =	wrdreg $0xFFFFFFFF  }
0xb6: {  	s28 =	simm.s32 $_size_execute0_lowered;
	s3 =	sadd.s32 s3, s5;
	[dreg:$0x0] =	wrdreg $0x0  }
0xb7: {  	s5 =	sshll.u32 s28, $0x1;
	[dreg:$0x2] =	wrdreg s3  }
0xb8: {  	[dreg:$0x3] =	wrdreg s5  }
0xb9: {  	[dreg:$0x4] =	wrdreg $0xC0  }
0xba: {  	_ =	task [dreg:s22], $0x5FFFF  }
0xbb: {  	[dreg:$0x1] =	wrdreg $0xFFFFFFFF  }
0xbc: {  	[dreg:$0x0] =	wrdreg $0x60  }
0xbd: {  	[dreg:$0x2] =	wrdreg s24  }
0xbe: {  	[dreg:$0x3] =	wrdreg $0xEE000  }
0xbf: {  	[dreg:$0x4] =	wrdreg $0x9  }
0xc0: {  	_ =	task.clear_ibuf [dreg:s22], $0x5FFFF;
	_ =	strace $0x90000049  }
0xc1: {  	s29 =	simm.s32 $0x9;
	_ =	strace $0x8000004B  }
0xc2: {  	_ =	swait.ge [sflag:s29], $0x1  }
0xc3: {  	[sflag:s29] =	ssyncadd.s32 $0xFFFFFFFF  }
0xc4: {  	_ =	strace $0x9000004B  }
0xc5: {  	_ =	sfence  }
0xc6: {  	s30 =	sld [smem:$0x0];
	_ =	sdelay $0x2  }
0xc7: {  	s31 =	sshll.u32 s1, $0xD;
	s1 =	sshrl.u32 s1, $0x2  }
0xc8: {  	s4 =	sand.u32 $0x4000, s31;
	s1 =	sadd.s32 s1, s30  }
0xc9: {  	s0 =	sor.u32 s4, s0;
	s1 =	sshll.u32 s1, $0x11  }
0xca: {  	s0 =	sor.u32 s1, s0  }
0xcb: {  	s0 =	sadd.s32 $0x8F2B, s0  }
0xcc: {  	[sflag:s0] =	ssyncadd.remote.s32 $0x1  }
0xcd: {  	_ =	sfence.sel $0xFFFF  }
0xce: {  	[dreg:$0x0] =	wrdreg $0xFFFFFFFF;
	(pc) =	sbr.abs _section_cstart, $3  }
0xcf: {  	[dreg:$0x1] =	wrdreg $0xFFFFFFFF  }
0xd0: {  	_ =	task.clear_ibuf [dreg:s22], $0x2FFFF;
	_ =	strace $0x9FFFFFFF  }
0xd1: {  	(tm) =	ssettm $0x7FFFFFFF  }
tec
execute0_lowered:
.L_overlay_start_1:
0x0: {  	(tag) =	ssettag $0x1  }
0x1: {  	s0 =	rddreg [dreg:$0x0]  }
0x2: {  	s1 =	rddreg [dreg:$0x1];
	s2 =	simm.s32 $0x0;
	s3 =	srdreg.scid  }
0x3: {  	s12 =	stileid.u32;
	s20 =	simm.s32 $0x3;
	s28 =	simm.s32 $0x2  }
0x4: {  	s29 =	simm.s32 $0x4E80;
	s30 =	simm.s32 $0x9D00;
	s31 =	simm.s32 $0x9D80  }
0x5: {  	[smem:$0x7FF] =	sst s2;
	s3 =	sand.u32 $0x1, s3;
	s4 =	sadd.s32 $0x4BF000, s0  }
0x6: {  	s7 =	sadd.s32 $0x115E00, s0;
	s15 =	sadd.s32 $0xEE600, s0;
	s8 =	smul.u32 $0x2780, s12  }
0x7: {  	s9 =	sadd.s32 $0x3E00, s0;
	s5 =	sadd.s32 $0x2B600, s0;
	s22 =	smul.u32 $0x31600, s12  }
0x8: {  	s0 =	sadd.s32 $0x19F200, s0;
	s23 =	smul.u32 $0x18B00, s12;
	s13 =	sadd.s32 $0xB9280, s1  }
0x9: {  	p0 =	seq.s32 s12, $0xF;
	s6 =	smul.u32 $0x4F000, s3;
	s10 =	ssub.s32 $0x2, s3  }
0xa: {  	_ =	strace $0x8000004A;
	s3 =	smul.u32 $0x186A00, s3;
	s11 =	sshrl.u32 s10, $0x1  }
0xb: {  	s6 =	sadd.s32 s8, s6;
	s18 =	ssub.s32 s10, s11;
	s8 =	sshrl.u32 s22, $0x2  }
0xc: {  	s10 =	sadd.s32 s23, s3;
	s3 =	sshrl.u32 s3, $0x3;
	s22 =	simm.s32 $0x2780  }
0xd: {  	s23 =	simm.s32 $0x80;
	s6 =	sshrl.u32 s6, $0x3;
	s8 =	sadd.s32 s8, s1  }
0xe: {  	s26 =	sshrl.u32 s10, $0x3;
	s18 =	smax.u32 s18, $0x1;
	s14 =	sadd.s32 $0x13C00, s6  }
0xf: {  	s6 =	sadd.s32 $0x18B00, s6;
	s11 =	sadd.s32 s0, s26;
	s0 =	sadd.s32 s0, s3  }
0x10: {  	s26 =	simm.s32 $0x1;
	s24 =	sadd.s32 s9, s14;
	s9 =	sadd.s32 s9, s6  }
0x11: {  	s25 =	sadd.s32 s7, s14;
	s7 =	sadd.s32 s7, s6;
	[dreg:$0x3] =	wrdreg s24  }
0x12: {  	s3 =	sadd.s32 $0x2E4A0, s0;
	s14 =	sadd.s32 s15, s14;
	[dreg:$0x4] =	wrdreg s9  }
0x13: {  	s15 =	sadd.s32 s15, s6;
	s16 =	sadd.s32 $0xA, s11;
	[dreg:$0x5] =	wrdreg s25  }
0x14: {  	s17 =	sadd.s32 $0x2E4AA, s0;
	s0 =	simm.s32 $0x0;
	[dreg:$0x6] =	wrdreg s7  }
0x15: {  	[dreg:$0x7] =	wrdreg s3;
	s24 =	simm.s32 $0x9E00;
	s25 =	simm.s32 $0xC600  }
.LBB2_1:
0x16: {  	s3 =	rddreg [dreg:$0x3];
	s6 =	simm.s32 $0x4F00  }
0x17: {  	[tilespmem:s6], [sflag:$0x3] =	stream.linear.gather [hbm4b:s3+s2], $0x2780, $0x38;
	[tilespmem:$0x1B380] =	vst v63  }
0x18: {  	_ =	swait.ge [sflag:s20], $0x2780  }
0x19: {  	[sflag:s20] =	ssyncset.done $0x0  }
0x1a: {  	s12 =	simm.s32 $0x7680;
	s10 =	rddreg [dreg:$0x4];
	[sflag:s20] =	ssyncadd.s32 $0xFFFFD880  }
0x1b: {  	[tilespmem:s12], [sflag:$0x3] =	stream.linear.gather [hbm4b:s10+s2], $0x2780, $0x38;
	[tilespmem:$0x1B380] =	vst v63  }
0x1c: {  	s19 =	stileid.u32;
	_ =	swait.ge [sflag:s20], $0x2780  }
0x1d: {  	s3 =	sshll.u32 s19, $0x6;
	[sflag:s20] =	ssyncset.done $0x0  }
0x1e: {  	s6 =	sshrl.u32 s8, $0x3;
	s19 =	sor.u32 $0x1C03, s3;
	[sflag:s20] =	ssyncadd.s32 $0xFFFFD880  }
0x1f: {  	[spmem:s6], [sflag:s19] =	dma.local [hbm:s5], $0x18B0  }
0x20: {  	_ =	swait.ge [sflag:s20], $0x18B0  }
0x21: {  	[sflag:s20] =	ssyncset.done $0x0  }
0x22: {  	s21 =	rddreg [dreg:$0x5];
	[sflag:s20] =	ssyncadd.s32 $0xFFFFE750  }
0x23: {  	[tilespmem:s2], [sflag:$0x3] =	stream.linear.gather [hbm4b:s21+s2], $0x2780, $0x38;
	[tilespmem:$0x1B380] =	vst v63  }
0x24: {  	_ =	swait.ge [sflag:s20], $0x2780  }
0x25: {  	[sflag:s20] =	ssyncset.done $0x0  }
0x26: {  	s7 =	rddreg [dreg:$0x6];
	[sflag:s20] =	ssyncadd.s32 $0xFFFFD880  }
0x27: {  	[tilespmem:s22], [sflag:$0x3] =	stream.linear.gather [hbm4b:s7+s2], $0x2780, $0x38;
	[tilespmem:$0x1B380] =	vst v63  }
0x28: {  	_ =	swait.ge [sflag:s20], $0x2780  }
0x29: {  	[sflag:s20] =	ssyncset.done $0x0  }
0x2a: {  	[sflag:s20] =	ssyncadd.s32 $0xFFFFD880  }
0x2b: {  	[bflag:$0x0] =	sbarrier.arrive $0xFFFF  }
0x2c: {  	[tilespmem:s24], [sflag:$0x1] =	stream.indirect.gather [hbm4b:s4+s23], $0x50, s2, s23, $0xb8;
	[tilespmem:$0x1B380] =	vst v63  }
0x2d: {  	s9 =	simm.s32 $0x80  }
0x2e: {  	[tilespmem:s25], [sflag:$0x2] =	stream.indirect.gather [hbm4b:s4+s23], $0x50, s9, s23, $0xb8;
	[tilespmem:$0x1B380] =	vst v63  }
0x2f: {  	_ =	swait.ge [sflag:s26], $0x2800  }
0x30: {  	[sflag:s26] =	ssyncset.done $0x0  }
0x31: {  	s10 =	simm.s32 $0x4F00;
	[sflag:s26] =	ssyncadd.s32 $0xFFFFD800  }
0x32: {  	[spmem:s1] =	stream.indirect.scatter.add.f32 [tilespmem:s24], [sflag:$0x3], $0x50, s10, s23, $0xb8;
	[tilespmem:$0x1B380] =	vst v63  }
0x33: {  	_ =	swait.ge [sflag:s20], $0x2800  }
0x34: {  	[sflag:s20] =	ssyncset.done $0x0  }
0x35: {  	s12 =	simm.s32 $0x100;
	[sflag:s20] =	ssyncadd.s32 $0xFFFFD800  }
0x36: {  	[tilespmem:s24], [sflag:$0x1] =	stream.indirect.gather [hbm4b:s4+s23], $0x50, s12, s23, $0xb8;
	[tilespmem:$0x1B380] =	vst v63  }
0x37: {  	_ =	swait.ge [sflag:s28], $0x2800  }
0x38: {  	[sflag:s28] =	ssyncset.done $0x0  }
0x39: {  	s21 =	simm.s32 $0x4F80;
	[sflag:s28] =	ssyncadd.s32 $0xFFFFD800  }
0x3a: {  	[spmem:s1] =	stream.indirect.scatter.add.f32 [tilespmem:s25], [sflag:$0x3], $0x50, s21, s23, $0xb8;
	[tilespmem:$0x1B380] =	vst v63  }
0x3b: {  	_ =	swait.ge [sflag:s20], $0x2800  }
0x3c: {  	s3 =	simm.s32 $0x100;
	s21 =	simm.s32 $0x800;
	[sflag:s20] =	ssyncset.done $0x0  }
.LBB2_2:
0x3d: {  	s7 =	sadd.s32 $0x80, s3  }
0x3e: {  	[sflag:s20] =	ssyncadd.s32 $0xFFFFD800;
	s9 =	smov.u32 s21;
	s10 =	sadd.s32 $0x400, s21  }
0x3f: {  	[tilespmem:s25], [sflag:$0x2] =	stream.indirect.gather [hbm4b:s4+s23], $0x50, s7, s23, $0xb8;
	[tilespmem:$0x1B380] =	vst v63  }
0x40: {  	p1 =	sne.s32 s21, $0x13400;
	_ =	swait.ge [sflag:s26], $0x2800  }
0x41: {  	[sflag:s26] =	ssyncset.done $0x0  }
0x42: {  	s7 =	sadd.s32 $0x4F00, s3;
	[sflag:s26] =	ssyncadd.s32 $0xFFFFD800  }
0x43: {  	[spmem:s1] =	stream.indirect.scatter.add.f32 [tilespmem:s24], [sflag:$0x3], $0x50, s7, s23, $0xb8;
	[tilespmem:$0x1B380] =	vst v63  }
0x44: {  	_ =	swait.ge [sflag:s20], $0x2800  }
0x45: {  	[sflag:s20] =	ssyncset.done $0x0  }
0x46: {  	s7 =	sadd.s32 $0x100, s3;
	[sflag:s20] =	ssyncadd.s32 $0xFFFFD800  }
0x47: {  	[tilespmem:s24], [sflag:$0x1] =	stream.indirect.gather [hbm4b:s4+s23], $0x50, s7, s23, $0xb8;
	[tilespmem:$0x1B380] =	vst v63  }
0x48: {  	_ =	swait.ge [sflag:s28], $0x2800  }
.Ltmp0:
0x49: {  	[sflag:s28] =	ssyncset.done $0x0;
	(pc) =	sbr.rel @p1 .LBB2_2-.Ltmp0, $4  }
0x4a: {  	s3 =	sadd.s32 $0x4F80, s3;
	[sflag:s28] =	ssyncadd.s32 $0xFFFFD800  }
0x4b: {  	[spmem:s1] =	stream.indirect.scatter.add.f32 [tilespmem:s25], [sflag:$0x3], $0x50, s3, s23, $0xb8;
	[tilespmem:$0x1B380] =	vst v63  }
0x4c: {  	_ =	swait.ge [sflag:s20], $0x2800  }
0x4d: {  	s21 =	smov.u32 s10;
	s3 =	sshra.s32 s9, $0x2;
	[sflag:s20] =	ssyncset.done $0x0  }
0x4e: {  	s7 =	sadd.s32 $0x80, s3;
	[sflag:s20] =	ssyncadd.s32 $0xFFFFD800  }
0x4f: {  	[tilespmem:s25], [sflag:$0x2] =	stream.indirect.gather [hbm4b:s4+s23], $0x50, s7, s23, $0xb8;
	[tilespmem:$0x1B380] =	vst v63  }
0x50: {  	_ =	swait.ge [sflag:s26], $0x2800  }
0x51: {  	[sflag:s26] =	ssyncset.done $0x0  }
0x52: {  	s21 =	sadd.s32 $0x4F00, s3;
	[sflag:s26] =	ssyncadd.s32 $0xFFFFD800  }
0x53: {  	[spmem:s1] =	stream.indirect.scatter.add.f32 [tilespmem:s24], [sflag:$0x3], $0x50, s21, s23, $0xb8;
	[tilespmem:$0x1B380] =	vst v63  }
0x54: {  	_ =	swait.ge [sflag:s20], $0x2800  }
0x55: {  	[sflag:s20] =	ssyncset.done $0x0  }
0x56: {  	s9 =	sadd.s32 $0x100, s3;
	[sflag:s20] =	ssyncadd.s32 $0xFFFFD800  }
0x57: {  	[tilespmem:s24], [sflag:$0x1] =	stream.indirect.gather [hbm4b:s4+s23], $0x50, s9, s23, $0xb8;
	[tilespmem:$0x1B380] =	vst v63  }
0x58: {  	_ =	swait.ge [sflag:s28], $0x2800  }
0x59: {  	[sflag:s28] =	ssyncset.done $0x0  }
0x5a: {  	s10 =	sadd.s32 $0x4F80, s3;
	[sflag:s28] =	ssyncadd.s32 $0xFFFFD800  }
0x5b: {  	[spmem:s1] =	stream.indirect.scatter.add.f32 [tilespmem:s25], [sflag:$0x3], $0x50, s10, s23, $0xb8;
	[tilespmem:$0x1B380] =	vst v63  }
0x5c: {  	_ =	swait.ge [sflag:s20], $0x2800  }
0x5d: {  	[sflag:s20] =	ssyncset.done $0x0  }
0x5e: {  	[sflag:s20] =	ssyncadd.s32 $0xFFFFD800  }
0x5f: {  	[tilespmem:s25], [sflag:$0x2] =	stream.indirect.gather [hbm4b:s4+s23], $0x50, s29, s23, $0xb8;
	[tilespmem:$0x1B380] =	vst v63  }
0x60: {  	_ =	swait.ge [sflag:s26], $0x2800  }
0x61: {  	[sflag:s26] =	ssyncset.done $0x0  }
0x62: {  	[sflag:s26] =	ssyncadd.s32 $0xFFFFD800  }
0x63: {  	[spmem:s1] =	stream.indirect.scatter.add.f32 [tilespmem:s24], [sflag:$0x3], $0x50, s30, s23, $0xb8;
	[tilespmem:$0x1B380] =	vst v63  }
0x64: {  	_ =	swait.ge [sflag:s20], $0x2800  }
0x65: {  	[sflag:s20] =	ssyncset.done $0x0  }
0x66: {  	[sflag:s20] =	ssyncadd.s32 $0xFFFFD800  }
0x67: {  	_ =	swait.ge [sflag:s28], $0x2800  }
0x68: {  	[sflag:s28] =	ssyncset.done $0x0  }
0x69: {  	[sflag:s28] =	ssyncadd.s32 $0xFFFFD800  }
0x6a: {  	[spmem:s1] =	stream.indirect.scatter.add.f32 [tilespmem:s25], [sflag:$0x3], $0x50, s31, s23, $0xb8;
	[tilespmem:$0x1B380] =	vst v63  }
0x6b: {  	_ =	swait.ge [sflag:s20], $0x2800  }
0x6c: {  	[sflag:s20] =	ssyncset.done $0x0  }
0x6d: {  	[sflag:s20] =	ssyncadd.s32 $0xFFFFD800  }
0x6e: {  	s3 =	simm.s32 @p0 $0x1;
	s7 =	simm.s32 @p0 $0x14;
	[bflag:$0x0] =	sbarrier.arrive $0xFFFF  }
0x6f: {  	s21 =	sshrl.u32 @p0 s13, $0x3;
	s9 =	simm.s32 @p0 $0xA;
	s10 =	rddreg [dreg:$0x7]  }
0x70: {  	[hbm:s10@s7], [sflag:s19] =	dma.strided @p0 [spmem:s21@s9], $0x1450, s3, $0xa   }
0x71: {  	s3 =	simm.s32 @p0 $0x3  }
0x72: {  	_ =	swait.ge @p0 [sflag:s3], $0x1450  }
0x73: {  	s7 =	simm.s32 @!p0 $0x1;
	s9 =	simm.s32 @!p0 $0x14;
	[sflag:s3] =	ssyncset.done @p0 $0x0  }
0x74: {  	s10 =	simm.s32 @!p0 $0xA;
	[sflag:s3] =	ssyncadd.s32 @p0 $0xFFFFEBB0;
	s3 =	sshrl.u32 @!p0 s8, $0x3  }
0x75: {  	[hbm:s11@s9], [sflag:s19] =	dma.strided @!p0 [spmem:s3@s10], $0x18B0, s7, $0xa   }
0x76: {  	s7 =	simm.s32 @!p0 $0x3  }
0x77: {  	_ =	swait.ge @!p0 [sflag:s7], $0x18B0  }
0x78: {  	[sflag:s7] =	ssyncset.done @!p0 $0x0  }
0x79: {  	[sflag:s7] =	ssyncadd.s32 @!p0 $0xFFFFE750  }
0x7a: {  	[bflag:$0x0] =	sbarrier.arrive $0xFFFF  }
0x7b: {  	[spmem:s6], [sflag:s19] =	dma.local [hbm:s5], $0x18B0  }
0x7c: {  	_ =	swait.ge [sflag:s20], $0x18B0  }
0x7d: {  	[sflag:s20] =	ssyncset.done $0x0  }
0x7e: {  	s12 =	simm.s32 $0x0;
	[sflag:s20] =	ssyncadd.s32 $0xFFFFE750  }
0x7f: {  	[tilespmem:s12], [sflag:$0x3] =	stream.linear.gather [hbm4b:s14+s12], $0x2780, $0x38;
	[tilespmem:$0x1B380] =	vst v63  }
0x80: {  	_ =	swait.ge [sflag:s20], $0x2780  }
0x81: {  	[sflag:s20] =	ssyncset.done $0x0  }
0x82: {  	[sflag:s20] =	ssyncadd.s32 $0xFFFFD880  }
0x83: {  	[tilespmem:s22], [sflag:$0x3] =	stream.linear.gather [hbm4b:s15+s12], $0x2780, $0x38;
	[tilespmem:$0x1B380] =	vst v63  }
0x84: {  	_ =	swait.ge [sflag:s20], $0x2780  }
0x85: {  	[sflag:s20] =	ssyncset.done $0x0  }
0x86: {  	[sflag:s20] =	ssyncadd.s32 $0xFFFFD880  }
0x87: {  	[bflag:$0x0] =	sbarrier.arrive $0xFFFF  }
0x88: {  	[tilespmem:s24], [sflag:$0x1] =	stream.indirect.gather [hbm4b:s4+s23], $0x50, s12, s23, $0xb8;
	[tilespmem:$0x1B380] =	vst v63  }
0x89: {  	s7 =	simm.s32 $0x80  }
0x8a: {  	[tilespmem:s25], [sflag:$0x2] =	stream.indirect.gather [hbm4b:s4+s23], $0x50, s7, s23, $0xb8;
	[tilespmem:$0x1B380] =	vst v63  }
0x8b: {  	_ =	swait.ge [sflag:s26], $0x2800  }
0x8c: {  	[sflag:s26] =	ssyncset.done $0x0  }
0x8d: {  	s9 =	simm.s32 $0x4F00;
	[sflag:s26] =	ssyncadd.s32 $0xFFFFD800  }
0x8e: {  	[spmem:s1] =	stream.indirect.scatter.add.f32 [tilespmem:s24], [sflag:$0x3], $0x50, s9, s23, $0xb8;
	[tilespmem:$0x1B380] =	vst v63  }
0x8f: {  	_ =	swait.ge [sflag:s20], $0x2800  }
0x90: {  	[sflag:s20] =	ssyncset.done $0x0  }
0x91: {  	s10 =	simm.s32 $0x100;
	[sflag:s20] =	ssyncadd.s32 $0xFFFFD800  }
0x92: {  	[tilespmem:s24], [sflag:$0x1] =	stream.indirect.gather [hbm4b:s4+s23], $0x50, s10, s23, $0xb8;
	[tilespmem:$0x1B380] =	vst v63  }
0x93: {  	_ =	swait.ge [sflag:s28], $0x2800  }
0x94: {  	[sflag:s28] =	ssyncset.done $0x0  }
0x95: {  	s12 =	simm.s32 $0x4F80;
	[sflag:s28] =	ssyncadd.s32 $0xFFFFD800  }
0x96: {  	[spmem:s1] =	stream.indirect.scatter.add.f32 [tilespmem:s25], [sflag:$0x3], $0x50, s12, s23, $0xb8;
	[tilespmem:$0x1B380] =	vst v63  }
0x97: {  	_ =	swait.ge [sflag:s20], $0x2800  }
0x98: {  	s6 =	simm.s32 $0x100;
	s7 =	simm.s32 $0x800;
	[sflag:s20] =	ssyncset.done $0x0  }
.LBB2_4:
0x99: {  	s9 =	sadd.s32 $0x80, s6  }
0x9a: {  	[sflag:s20] =	ssyncadd.s32 $0xFFFFD800;
	s10 =	smov.u32 s7;
	s12 =	sadd.s32 $0x400, s7  }
0x9b: {  	[tilespmem:s25], [sflag:$0x2] =	stream.indirect.gather [hbm4b:s4+s23], $0x50, s9, s23, $0xb8;
	[tilespmem:$0x1B380] =	vst v63  }
0x9c: {  	p1 =	sne.s32 s7, $0x13400;
	_ =	swait.ge [sflag:s26], $0x2800  }
0x9d: {  	[sflag:s26] =	ssyncset.done $0x0  }
0x9e: {  	s7 =	sadd.s32 $0x4F00, s6;
	[sflag:s26] =	ssyncadd.s32 $0xFFFFD800  }
0x9f: {  	[spmem:s1] =	stream.indirect.scatter.add.f32 [tilespmem:s24], [sflag:$0x3], $0x50, s7, s23, $0xb8;
	[tilespmem:$0x1B380] =	vst v63  }
0xa0: {  	_ =	swait.ge [sflag:s20], $0x2800  }
0xa1: {  	[sflag:s20] =	ssyncset.done $0x0  }
0xa2: {  	s7 =	sadd.s32 $0x100, s6;
	[sflag:s20] =	ssyncadd.s32 $0xFFFFD800  }
0xa3: {  	[tilespmem:s24], [sflag:$0x1] =	stream.indirect.gather [hbm4b:s4+s23], $0x50, s7, s23, $0xb8;
	[tilespmem:$0x1B380] =	vst v63  }
0xa4: {  	_ =	swait.ge [sflag:s28], $0x2800  }
.Ltmp1:
0xa5: {  	[sflag:s28] =	ssyncset.done $0x0;
	(pc) =	sbr.rel @p1 .LBB2_4-.Ltmp1, $4  }
0xa6: {  	s6 =	sadd.s32 $0x4F80, s6;
	[sflag:s28] =	ssyncadd.s32 $0xFFFFD800  }
0xa7: {  	[spmem:s1] =	stream.indirect.scatter.add.f32 [tilespmem:s25], [sflag:$0x3], $0x50, s6, s23, $0xb8;
	[tilespmem:$0x1B380] =	vst v63  }
0xa8: {  	_ =	swait.ge [sflag:s20], $0x2800  }
0xa9: {  	s7 =	smov.u32 s12;
	s6 =	sshra.s32 s10, $0x2;
	[sflag:s20] =	ssyncset.done $0x0  }
0xaa: {  	s7 =	sadd.s32 $0x80, s6;
	[sflag:s20] =	ssyncadd.s32 $0xFFFFD800  }
0xab: {  	[tilespmem:s25], [sflag:$0x2] =	stream.indirect.gather [hbm4b:s4+s23], $0x50, s7, s23, $0xb8;
	[tilespmem:$0x1B380] =	vst v63  }
0xac: {  	_ =	swait.ge [sflag:s26], $0x2800  }
0xad: {  	[sflag:s26] =	ssyncset.done $0x0  }
0xae: {  	s9 =	sadd.s32 $0x4F00, s6;
	[sflag:s26] =	ssyncadd.s32 $0xFFFFD800  }
0xaf: {  	[spmem:s1] =	stream.indirect.scatter.add.f32 [tilespmem:s24], [sflag:$0x3], $0x50, s9, s23, $0xb8;
	[tilespmem:$0x1B380] =	vst v63  }
0xb0: {  	_ =	swait.ge [sflag:s20], $0x2800  }
0xb1: {  	[sflag:s20] =	ssyncset.done $0x0  }
0xb2: {  	s10 =	sadd.s32 $0x100, s6;
	[sflag:s20] =	ssyncadd.s32 $0xFFFFD800  }
0xb3: {  	[tilespmem:s24], [sflag:$0x1] =	stream.indirect.gather [hbm4b:s4+s23], $0x50, s10, s23, $0xb8;
	[tilespmem:$0x1B380] =	vst v63  }
0xb4: {  	_ =	swait.ge [sflag:s28], $0x2800  }
0xb5: {  	[sflag:s28] =	ssyncset.done $0x0  }
0xb6: {  	s12 =	sadd.s32 $0x4F80, s6;
	[sflag:s28] =	ssyncadd.s32 $0xFFFFD800  }
0xb7: {  	[spmem:s1] =	stream.indirect.scatter.add.f32 [tilespmem:s25], [sflag:$0x3], $0x50, s12, s23, $0xb8;
	[tilespmem:$0x1B380] =	vst v63  }
0xb8: {  	_ =	swait.ge [sflag:s20], $0x2800  }
0xb9: {  	[sflag:s20] =	ssyncset.done $0x0  }
0xba: {  	[sflag:s20] =	ssyncadd.s32 $0xFFFFD800  }
0xbb: {  	[tilespmem:s25], [sflag:$0x2] =	stream.indirect.gather [hbm4b:s4+s23], $0x50, s29, s23, $0xb8;
	[tilespmem:$0x1B380] =	vst v63  }
0xbc: {  	_ =	swait.ge [sflag:s26], $0x2800  }
0xbd: {  	[sflag:s26] =	ssyncset.done $0x0  }
0xbe: {  	[sflag:s26] =	ssyncadd.s32 $0xFFFFD800  }
0xbf: {  	[spmem:s1] =	stream.indirect.scatter.add.f32 [tilespmem:s24], [sflag:$0x3], $0x50, s30, s23, $0xb8;
	[tilespmem:$0x1B380] =	vst v63  }
0xc0: {  	_ =	swait.ge [sflag:s20], $0x2800  }
0xc1: {  	[sflag:s20] =	ssyncset.done $0x0  }
0xc2: {  	[sflag:s20] =	ssyncadd.s32 $0xFFFFD800  }
0xc3: {  	_ =	swait.ge [sflag:s28], $0x2800  }
0xc4: {  	[sflag:s28] =	ssyncset.done $0x0  }
0xc5: {  	[sflag:s28] =	ssyncadd.s32 $0xFFFFD800  }
0xc6: {  	[spmem:s1] =	stream.indirect.scatter.add.f32 [tilespmem:s25], [sflag:$0x3], $0x50, s31, s23, $0xb8;
	[tilespmem:$0x1B380] =	vst v63  }
0xc7: {  	_ =	swait.ge [sflag:s20], $0x2800  }
0xc8: {  	[sflag:s20] =	ssyncset.done $0x0  }
0xc9: {  	s6 =	simm.s32 @p0 $0x1;
	[sflag:s20] =	ssyncadd.s32 $0xFFFFD800  }
0xca: {  	s7 =	simm.s32 @p0 $0x14;
	s9 =	simm.s32 @p0 $0xA;
	[bflag:$0x0] =	sbarrier.arrive $0xFFFF  }
0xcb: {  	[hbm:s17@s7], [sflag:s19] =	dma.strided @p0 [spmem:s21@s9], $0x1450, s6, $0xa   }
0xcc: {  	s6 =	simm.s32 @p0 $0x3  }
0xcd: {  	_ =	swait.ge @p0 [sflag:s6], $0x1450  }
0xce: {  	s0 =	sadd.s32 $0x1, s0;
	s7 =	simm.s32 @!p0 $0x14;
	[sflag:s6] =	ssyncset.done @p0 $0x0  }
0xcf: {  	s9 =	simm.s32 @!p0 $0xA;
	[sflag:s6] =	ssyncadd.s32 @p0 $0xFFFFEBB0;
	s6 =	simm.s32 @!p0 $0x1  }
0xd0: {  	[hbm:s16@s7], [sflag:s19] =	dma.strided @!p0 [spmem:s3@s9], $0x18B0, s6, $0xa   }
0xd1: {  	p1 =	sne.s32 s0, s18;
	s3 =	simm.s32 @!p0 $0x3  }
.Ltmp2:
0xd2: {  	_ =	swait.ge @!p0 [sflag:s3], $0x18B0;
	(pc) =	sbr.rel @p1 .LBB2_1-.Ltmp2, $3  }
0xd3: {  	[sflag:s3] =	ssyncset.done @!p0 $0x0  }
0xd4: {  	[sflag:s3] =	ssyncadd.s32 @!p0 $0xFFFFE750  }
0xd5: {  	[bflag:$0x0] =	sbarrier.arrive $0xFFFF;
	_ =	sdelay $0x1  }
0xd6: {  	_ =	sfence.sel $0x180000  }
0xd7: {  	[bflag:$0x0] =	sbarrier.arrive $0xFFFF  }
0xd8: {  	_ =	strace $0x9000004A  }
0xd9: {  	s0 =	stileid.u32;
	[bflag:$0x2] =	sbarrier.arrive $0xFFFF  }
0xda: {  	p0 =	sne.s32 s0, $0x0;
	s0 =	rddreg [dreg:$0x2]  }
0xdb: {  	s0 =	sadd.s32 @!p0 $0x100000, s0  }
0xdc: {  	[sflag:s0] =	ssyncadd.tile.s32 @!p0 $0x1;
	_ =	shalt  }
.Lfunc_end2:
_tile_overlayer_lowered:
.L_overlay_start_2:
0xdd: {  	(tag) =	ssettag $0x2  }
0xde: {  	s0 =	rddreg [dreg:$0x0];
	s2 =	stileid.u32  }
0xdf: {  	s1 =	rddreg [dreg:$0x1];
	p0 =	sne.s32 s2, $0x0  }
0xe0: {  	s3 =	rddreg [dreg:$0x2];
	[bflag:$0x3] =	sbarrier.arrive $0xFFFF;
	s2 =	simm.s32 @!p0 $0x1C03  }
0xe1: {  	[timem:s3], [sflag:s2] =	dma.local @!p0 [hbm:s0], s1  }
0xe2: {  	s0 =	simm.s32 @!p0 $0x3  }
0xe3: {  	_ =	swait.ge @!p0 [sflag:s0], s1  }
0xe4: {  	s1 =	ssub.s32 @!p0 $0x0, s1;
	[sflag:s0] =	ssyncset.done @!p0 $0x0  }
0xe5: {  	[sflag:s0] =	ssyncadd.s32 @!p0 s1  }
0xe6: {  	[bflag:$0x3] =	sbarrier.arrive $0xFFFF  }
0xe7: {  	_ =	shalt  }

// kernel: kernel.22.cloned.1.call-start
scs
__scs_entry_jumppad:
0x0: {  	(pc) =	sbr.rel $0x88, $3  }
0x1: {  	(tag) =	ssettag $0x0;
	lr =	simm.s32 $0x1  }
0x2: {  	[smem:$0x3F94] =	sst lr;
	_ =	strace $0xD0000000  }
0x3: {  	_ = 	snop  }
0x4: {  	_ = 	snop  }
0x5: {  	_ = 	snop  }
0x6: {  	_ = 	snop  }
0x7: {  	_ = 	snop  }
__scs_overlays_trampoline_lowered:
0x8: {  	[smem:$0x3FA3] =	sst s0  }
0x9: {  	[smem:$0x3FA4] =	sst s1  }
0xa: {  	[smem:$0x3FA5] =	sst s2  }
0xb: {  	[smem:$0x3FA6] =	sst s3  }
0xc: {  	[smem:$0x3FA7] =	sst s4  }
0xd: {  	[smem:$0x3FA8] =	sst s5  }
0xe: {  	[smem:$0x3FA9] =	sst s6  }
0xf: {  	[smem:$0x3FAA] =	sst s7  }
0x10: {  	[smem:$0x3FAB] =	sst s8  }
0x11: {  	[smem:$0x3FAC] =	sst s9;
	s0 =	simm.s32 @!p0 $0x0  }
0x12: {  	s1 =	sld [smem:$0x3F92];
	s0 =	simm.s32 @p0 $0x1  }
0x13: {  	[smem:$0x3FAD] =	sst s0;
	s0 =	simm.s32 @!p1 $0x0  }
0x14: {  	s2 =	sld [smem:$0x3F91];
	s0 =	simm.s32 @p1 $0x1  }
0x15: {  	[smem:$0x3FAE] =	sst s0;
	s0 =	simm.s32 @!p2 $0x0  }
0x16: {  	s3 =	sld [smem:$0x3FDB];
	s0 =	simm.s32 @p2 $0x1  }
0x17: {  	s4 =	simm.s32 $0x1BF5;
	[smem:$0x3FB0] =	sst s0  }
0x18: {  	s0 =	sld [smem:$0x3F93];
	_ =	swait.ge [sflag:s4], $0x0  }
0x19: {  	s7 =	sld [smem:$0x3F94]  }
0x1a: {  	s8 =	sadd.s32 $0xFFFFE003, lr  }
0x1b: {  	s9 =	sadd.s32 $0xFFFFFEF7, lr;
	s5 =	simm.s32 $0xFFFFFFFF;
	p2 =	slt.u32 s8, $0xFFFFF086  }
0x1c: {  	p1 =	slt.u32 s9, $0xF7A;
	s5 =	simm.s32 @!p2 $0x0  }
0x1d: {  	s5 =	simm.s32 @p1 $0x1;
	p0 =	seq.s32 s7, s2  }
0x1e: {  	s7 =	smul.u32 @!p0 $0xF7A, s2;
	p2 =	seq.s32 @!p0 s5, $0x0  }
0x1f: {  	s9 =	smul.u32 $0xF7A, s1;
	s8 =	simm.s32 @!p0 $0x1BF5;
	p2 =	por !p2, p0  }
0x20: {  	[sflag:s8] =	ssyncset.s32 @!p0 $0xFFFFF086;
	s6 =	sadd.s32 @!p0 s3, s7;
	s7 =	simm.s32 @!p0 $0x108  }
0x21: {  	s3 =	sadd.s32 s3, s9;
	s6 =	sadd.s32 @!p0 $0x88, s6;
	s7 =	simm.s32 @p2 $0x1082  }
0x22: {  	[simem:s7], [sflag:s8] =	dma.local @!p0 [hbm:s6], $0xF7A  }
0x23: {  	s9 =	sor.u32 $0xD0000000, s2;
	s6 =	simm.s32 $0x108;
	_ =	swait.ge @!p0 [sflag:s8], $0x0  }
0x24: {  	s3 =	sadd.s32 $0x88, s3;
	s6 =	simm.s32 @!p1 $0x1082;
	[sflag:s4] =	ssyncset.s32 $0xFFFFF086  }
0x25: {  	[simem:s6], [sflag:s4] =	dma.local [hbm:s3], $0xF7A  }
0x26: {  	[smem:$0x3F94] =	sst s1;
	(tag) =	ssettag s2;
	_ =	strace s9  }
0x27: {  	s1 =	sld [smem:$0x3FA4]  }
0x28: {  	s2 =	sld [smem:$0x3FA5]  }
0x29: {  	s4 =	sld [smem:$0x3FA7]  }
0x2a: {  	p0 =	seq.s32 s5, $0x0;
	s5 =	sld [smem:$0x3FA8]  }
0x2b: {  	s6 =	sld [smem:$0x3FA9]  }
0x2c: {  	s7 =	sld [smem:$0x3FAA]  }
0x2d: {  	s3 =	simm.s32 $0x108;
	s8 =	sld [smem:$0x3FAB]  }
0x2e: {  	s3 =	simm.s32 @!p0 $0x1082;
	s9 =	sld [smem:$0x3FAC]  }
0x2f: {  	lr =	sadd.s32 s0, s3;
	s0 =	sld [smem:$0x3FA3]  }
0x30: {  	s3 =	sld [smem:$0x3FA6]  }
0x31: {  	[smem:$0x3FAF] =	sst s10  }
0x32: {  	s10 =	sld [smem:$0x3FAD];
	_ =	sdelay $0x3  }
0x33: {  	p0 =	seq.s32 s10, $0x1;
	s10 =	sld [smem:$0x3FAF];
	_ =	sdelay $0x3  }
0x34: {  	[smem:$0x3FAF] =	sst s10  }
0x35: {  	s10 =	sld [smem:$0x3FAE];
	_ =	sdelay $0x3  }
0x36: {  	p1 =	seq.s32 s10, $0x1;
	s10 =	sld [smem:$0x3FAF];
	_ =	sdelay $0x3  }
0x37: {  	[smem:$0x3FAF] =	sst s10  }
0x38: {  	s10 =	sld [smem:$0x3FB0]  }
0x39: {  	_ = 	snop;
	(pc) =	sbr.ind lr, $3  }
0x3a: {  	_ = 	snop  }
0x3b: {  	_ = 	snop  }
0x3c: {  	p2 =	seq.s32 s10, $0x1;
	s10 =	sld [smem:$0x3FAF]  }
0x3d: {  	_ =	shalt  }
0x3e: {  	_ =	shalt  }
0x3f: {  	_ =	shalt  }
0x40: {  	_ =	shalt  }
0x41: {  	_ =	shalt  }
0x42: {  	_ =	shalt  }
0x43: {  	_ =	shalt  }
0x44: {  	_ =	shalt  }
0x45: {  	_ =	shalt  }
0x46: {  	_ =	shalt  }
0x47: {  	_ =	shalt  }
0x48: {  	_ =	shalt  }
0x49: {  	_ =	shalt  }
0x4a: {  	_ =	shalt  }
0x4b: {  	_ =	shalt  }
0x4c: {  	_ =	shalt  }
0x4d: {  	_ =	shalt  }
0x4e: {  	_ =	shalt  }
0x4f: {  	_ =	shalt  }
0x50: {  	_ =	shalt  }
0x51: {  	_ =	shalt  }
0x52: {  	_ =	shalt  }
0x53: {  	_ =	shalt  }
0x54: {  	_ =	shalt  }
0x55: {  	_ =	shalt  }
0x56: {  	_ =	shalt  }
0x57: {  	_ =	shalt  }
0x58: {  	_ =	shalt  }
0x59: {  	_ =	shalt  }
0x5a: {  	_ =	shalt  }
0x5b: {  	_ =	shalt  }
0x5c: {  	_ =	shalt  }
0x5d: {  	_ =	shalt  }
0x5e: {  	_ =	shalt  }
0x5f: {  	_ =	shalt  }
0x60: {  	_ =	shalt  }
0x61: {  	_ =	shalt  }
0x62: {  	_ =	shalt  }
0x63: {  	_ =	shalt  }
0x64: {  	_ =	shalt  }
0x65: {  	_ =	shalt  }
0x66: {  	_ =	shalt  }
0x67: {  	_ =	shalt  }
0x68: {  	_ =	shalt  }
0x69: {  	_ =	shalt  }
0x6a: {  	_ =	shalt  }
0x6b: {  	_ =	shalt  }
0x6c: {  	_ =	shalt  }
0x6d: {  	_ =	shalt  }
0x6e: {  	_ =	shalt  }
0x6f: {  	_ =	shalt  }
0x70: {  	_ =	shalt  }
0x71: {  	_ =	shalt  }
0x72: {  	_ =	shalt  }
0x73: {  	_ =	shalt  }
0x74: {  	_ =	shalt  }
0x75: {  	_ =	shalt  }
0x76: {  	_ =	shalt  }
0x77: {  	_ =	shalt  }
0x78: {  	_ =	shalt  }
0x79: {  	_ =	shalt  }
0x7a: {  	_ =	shalt  }
0x7b: {  	_ =	shalt  }
0x7c: {  	_ =	shalt  }
0x7d: {  	_ =	shalt  }
0x7e: {  	_ =	shalt  }
0x7f: {  	_ =	shalt  }
0x80: {  	_ =	shalt  }
0x81: {  	_ =	shalt  }
0x82: {  	_ =	shalt  }
0x83: {  	_ =	shalt  }
0x84: {  	_ =	shalt  }
0x85: {  	_ =	shalt  }
0x86: {  	_ =	shalt  }
0x87: {  	_ =	shalt  }
.Lfunc_end0:
.L_simem_size_0:
called_computation.2_lowered:
.L_overlay_start_0:
0x88: {  	s2 =	sld [smem:$0x3FD9]  }
0x89: {  	s3 =	sld [smem:$0x3FFE];
	_ =	sdelay $0x1  }
0x8a: {  	s1 =	srdreg.scid  }
0x8b: {  	s0 =	sand.u32 $0x1, s1  }
0x8c: {  	s17 =	sshll.u32 s0, $0xA;
	s2 =	sadd.s32 s3, s2  }
0x8d: {  	s2 =	sadd.s32 s2, s17  }
0x8e: {  	[smem:$0x3FBB] =	sst s2  }
0x8f: {  	_ = 	snop  }
0x90: {  	(tm) =	ssettm $0x1  }
0x91: {  	s18 =	sld [smem:$0x3FFB];
	_ =	sdelay $0x3  }
0x92: {  	_ =	strace s18  }
0x93: {  	s2 =	sld [smem:$0x3FFC];
	_ =	sdelay $0x3  }
0x94: {  	_ =	strace s2  }
0x95: {  	s2 =	sld [smem:$0x3FFD];
	_ =	sdelay $0x3  }
0x96: {  	_ =	strace s2  }
0x97: {  	_ =	strace $0x8FFFFFFF  }
0x98: {  	s19 =	sld [smem:$0x3FDB];
	_ =	sdelay $0x1  }
0x99: {  	s20 =	simm.s32 $_scs_section_size  }
0x9a: {  	s4 =	simm.s32 $_size__tile_overlayer_lowered;
	s5 =	simm.s32 $_tile_overlayer_lowered  }
0x9b: {  	s6 =	simm.s32 $0x1BFF;
	s21 =	sshll.u32 s5, $0x1;
	s3 =	sadd.s32 s20, s19  }
0x9c: {  	s22 =	simm.s32 $0x0;
	s4 =	sshll.u32 s4, $0x1;
	s5 =	sadd.s32 s21, s3  }
0x9d: {  	[timem:s22], [sflag:s6] =	dma.local [hbm:s5], s4  }
0x9e: {  	_ =	swait.ge [sflag:s6], s4  }
0x9f: {  	s4 =	ssub.s32 $0x0, s4;
	[sflag:s6] =	ssyncset.done $0x0  }
0xa0: {  	[sflag:s6] =	ssyncadd.s32 s4;
	_ =	sdelay $0x1  }
0xa1: {  	s23 =	simm.s32 $0x1B8B  }
0xa2: {  	_ =	swait.ge [sflag:s23], $0x1  }
0xa3: {  	[sflag:s23] =	ssyncset.done $0x0  }
0xa4: {  	[sflag:s23] =	ssyncadd.s32 $0xFFFFFFFF  }
0xa5: {  	s4 =	sld [smem:$0x0]  }
0xa6: {  	s5 =	sand.u32 $0xFFFFFFFE, s1  }
0xa7: {  	p0 =	sne.s32 s1, s5  }
0xa8: {  	s5 =	sshll.u32 @p0 s5, $0xE  }
0xa9: {  	s5 =	sadd.s32 @p0 $0x11B8D, s5;
	s6 =	sshll.u32 @p0 s4, $0x11  }
0xaa: {  	s5 =	sor.u32 @p0 s6, s5  }
0xab: {  	[sflag:s5] =	ssyncadd.remote.s32 @p0 $0x1;
	_ =	sdelay $0x1  }
0xac: {  	s5 =	simm.s32 @p0 $0x1B8D  }
0xad: {  	_ =	swait.eq @p0 [sflag:s5], $0x1  }
0xae: {  	[sflag:s5] =	ssyncadd.s32 @p0 $0xFFFFFFFF  }
0xaf: {  	s6 =	sshll.u32 @!p0 s1, $0xE  }
0xb0: {  	s6 =	sor.u32 @!p0 $0x4000, s6;
	s5 =	simm.s32 @!p0 $0x1B8D  }
0xb1: {  	s4 =	sshll.u32 @!p0 s4, $0x11;
	s6 =	sadd.s32 @!p0 $0x11B8D, s6;
	_ =	swait.eq @!p0 [sflag:s5], $0x1  }
0xb2: {  	s4 =	sor.u32 @!p0 s4, s6;
	[sflag:s5] =	ssyncadd.s32 @!p0 $0xFFFFFFFF  }
0xb3: {  	s25 =	simm.s32 $0x1B8E;
	s24 =	sld [smem:$0x3FFE];
	[sflag:s4] =	ssyncadd.remote.s32 @!p0 $0x1  }
0xb4: {  	s26 =	simm.s32 $execute0_lowered;
	[smem:$0x3FD2] =	sst s25  }
0xb5: {  	s5 =	sshll.u32 s26, $0x1;
	_ =	strace $0x8000004C;
	[dreg:$0x1] =	wrdreg $0xFFFFFFFF  }
0xb6: {  	s28 =	simm.s32 $_size_execute0_lowered;
	s3 =	sadd.s32 s3, s5;
	[dreg:$0x0] =	wrdreg $0x0  }
0xb7: {  	s5 =	sshll.u32 s28, $0x1;
	[dreg:$0x2] =	wrdreg s3  }
0xb8: {  	[dreg:$0x3] =	wrdreg s5  }
0xb9: {  	[dreg:$0x4] =	wrdreg $0xC0  }
0xba: {  	_ =	task [dreg:s22], $0x5FFFF  }
0xbb: {  	[dreg:$0x1] =	wrdreg $0xFFFFFFFF  }
0xbc: {  	[dreg:$0x0] =	wrdreg $0x60  }
0xbd: {  	[dreg:$0x2] =	wrdreg s24  }
0xbe: {  	[dreg:$0x3] =	wrdreg $0xEE000  }
0xbf: {  	[dreg:$0x4] =	wrdreg $0xA  }
0xc0: {  	_ =	task.clear_ibuf [dreg:s22], $0x5FFFF;
	_ =	strace $0x9000004C  }
0xc1: {  	s29 =	simm.s32 $0xA;
	_ =	strace $0x8000004E  }
0xc2: {  	_ =	swait.ge [sflag:s29], $0x1  }
0xc3: {  	[sflag:s29] =	ssyncadd.s32 $0xFFFFFFFF  }
0xc4: {  	_ =	strace $0x9000004E  }
0xc5: {  	_ =	sfence  }
0xc6: {  	s30 =	sld [smem:$0x0];
	_ =	sdelay $0x2  }
0xc7: {  	s31 =	sshll.u32 s1, $0xD;
	s1 =	sshrl.u32 s1, $0x2  }
0xc8: {  	s4 =	sand.u32 $0x4000, s31;
	s1 =	sadd.s32 s1, s30  }
0xc9: {  	s0 =	sor.u32 s4, s0;
	s1 =	sshll.u32 s1, $0x11  }
0xca: {  	s0 =	sor.u32 s1, s0  }
0xcb: {  	s0 =	sadd.s32 $0x8F2B, s0  }
0xcc: {  	[sflag:s0] =	ssyncadd.remote.s32 $0x1  }
0xcd: {  	_ =	sfence.sel $0xFFFF  }
0xce: {  	[dreg:$0x0] =	wrdreg $0xFFFFFFFF;
	(pc) =	sbr.abs _section_cstart, $3  }
0xcf: {  	[dreg:$0x1] =	wrdreg $0xFFFFFFFF  }
0xd0: {  	_ =	task.clear_ibuf [dreg:s22], $0x2FFFF;
	_ =	strace $0x9FFFFFFF  }
0xd1: {  	(tm) =	ssettm $0x7FFFFFFF  }
tec
execute0_lowered:
.L_overlay_start_1:
0x0: {  	(tag) =	ssettag $0x1  }
0x1: {  	s0 =	rddreg [dreg:$0x0]  }
0x2: {  	s1 =	rddreg [dreg:$0x1];
	s2 =	simm.s32 $0x0  }
0x3: {  	s3 =	srdreg.scid;
	s19 =	stileid.u32;
	s20 =	simm.s32 $0x3  }
0x4: {  	s22 =	simm.s32 $0x2780;
	s28 =	simm.s32 $0x2;
	s29 =	simm.s32 $0x4E80  }
0x5: {  	s30 =	simm.s32 $0x9D00;
	s31 =	simm.s32 $0x9D80;
	s4 =	sadd.s32 $0x200E00, s0  }
0x6: {  	[smem:$0x7FF] =	sst s2;
	s6 =	sadd.s32 $0x115E00, s0;
	s10 =	smul.u32 $0x2780, s19  }
0x7: {  	s3 =	sand.u32 $0x1, s3;
	s7 =	sadd.s32 $0xEE600, s0;
	s12 =	smul.u32 $0x31600, s19  }
0x8: {  	s9 =	sadd.s32 $0x3E00, s0;
	s5 =	sadd.s32 $0x2B600, s0;
	s23 =	smul.u32 $0x18B00, s19  }
0x9: {  	s0 =	sadd.s32 $0x13D600, s0;
	p0 =	seq.s32 s19, $0xF;
	s8 =	smul.u32 $0x4F000, s3  }
0xa: {  	_ =	strace $0x8000004D;
	s11 =	ssub.s32 $0x2, s3;
	s3 =	smul.u32 $0x186A00, s3  }
0xb: {  	s13 =	sshrl.u32 s11, $0x1;
	s24 =	sshrl.u32 s12, $0x2;
	s8 =	sadd.s32 s10, s8  }
0xc: {  	s18 =	ssub.s32 s11, s13;
	s10 =	sadd.s32 s23, s3;
	s3 =	sshrl.u32 s3, $0x3  }
0xd: {  	s13 =	sadd.s32 $0xB9280, s1;
	s23 =	simm.s32 $0x80;
	s14 =	sshrl.u32 s8, $0x3  }
0xe: {  	s26 =	sshrl.u32 s10, $0x3;
	s18 =	smax.u32 s18, $0x1;
	s8 =	sadd.s32 s9, s14  }
0xf: {  	s15 =	sadd.s32 $0x4F00, s14;
	s25 =	sadd.s32 s6, s14;
	s11 =	sadd.s32 s0, s26  }
0x10: {  	s0 =	sadd.s32 s0, s3;
	s14 =	sadd.s32 s7, s14;
	s26 =	simm.s32 $0x1  }
0x11: {  	[dreg:$0x3] =	wrdreg s8;
	s9 =	sadd.s32 s9, s15;
	s8 =	sadd.s32 s24, s1  }
0x12: {  	[dreg:$0x5] =	wrdreg s25;
	s6 =	sadd.s32 s6, s15;
	s3 =	sadd.s32 $0x2E4A0, s0  }
0x13: {  	s15 =	sadd.s32 s7, s15;
	s16 =	sadd.s32 $0xA, s11;
	[dreg:$0x4] =	wrdreg s9  }
0x14: {  	s17 =	sadd.s32 $0x2E4AA, s0;
	s24 =	simm.s32 $0x9E00;
	[dreg:$0x6] =	wrdreg s6  }
0x15: {  	s25 =	simm.s32 $0xC600;
	s0 =	simm.s32 $0x0;
	[dreg:$0x7] =	wrdreg s3  }
.LBB2_1:
0x16: {  	s3 =	rddreg [dreg:$0x3];
	s6 =	simm.s32 $0x4F00  }
0x17: {  	[tilespmem:s6], [sflag:$0x3] =	stream.linear.gather [hbm4b:s3+s2], $0x2780, $0x38;
	[tilespmem:$0x1B380] =	vst v63  }
0x18: {  	_ =	swait.ge [sflag:s20], $0x2780  }
0x19: {  	[sflag:s20] =	ssyncset.done $0x0  }
0x1a: {  	s12 =	simm.s32 $0x7680;
	s10 =	rddreg [dreg:$0x4];
	[sflag:s20] =	ssyncadd.s32 $0xFFFFD880  }
0x1b: {  	[tilespmem:s12], [sflag:$0x3] =	stream.linear.gather [hbm4b:s10+s2], $0x2780, $0x38;
	[tilespmem:$0x1B380] =	vst v63  }
0x1c: {  	s19 =	stileid.u32;
	_ =	swait.ge [sflag:s20], $0x2780  }
0x1d: {  	s3 =	sshll.u32 s19, $0x6;
	[sflag:s20] =	ssyncset.done $0x0  }
0x1e: {  	s6 =	sshrl.u32 s8, $0x3;
	s19 =	sor.u32 $0x1C03, s3;
	[sflag:s20] =	ssyncadd.s32 $0xFFFFD880  }
0x1f: {  	[spmem:s6], [sflag:s19] =	dma.local [hbm:s5], $0x18B0  }
0x20: {  	_ =	swait.ge [sflag:s20], $0x18B0  }
0x21: {  	[sflag:s20] =	ssyncset.done $0x0  }
0x22: {  	s21 =	rddreg [dreg:$0x5];
	[sflag:s20] =	ssyncadd.s32 $0xFFFFE750  }
0x23: {  	[tilespmem:s2], [sflag:$0x3] =	stream.linear.gather [hbm4b:s21+s2], $0x2780, $0x38;
	[tilespmem:$0x1B380] =	vst v63  }
0x24: {  	_ =	swait.ge [sflag:s20], $0x2780  }
0x25: {  	[sflag:s20] =	ssyncset.done $0x0  }
0x26: {  	s7 =	rddreg [dreg:$0x6];
	[sflag:s20] =	ssyncadd.s32 $0xFFFFD880  }
0x27: {  	[tilespmem:s22], [sflag:$0x3] =	stream.linear.gather [hbm4b:s7+s2], $0x2780, $0x38;
	[tilespmem:$0x1B380] =	vst v63  }
0x28: {  	_ =	swait.ge [sflag:s20], $0x2780  }
0x29: {  	[sflag:s20] =	ssyncset.done $0x0  }
0x2a: {  	[sflag:s20] =	ssyncadd.s32 $0xFFFFD880  }
0x2b: {  	[bflag:$0x0] =	sbarrier.arrive $0xFFFF  }
0x2c: {  	[tilespmem:s24], [sflag:$0x1] =	stream.indirect.gather [hbm4b:s4+s23], $0x50, s2, s23, $0xb8;
	[tilespmem:$0x1B380] =	vst v63  }
0x2d: {  	s9 =	simm.s32 $0x80  }
0x2e: {  	[tilespmem:s25], [sflag:$0x2] =	stream.indirect.gather [hbm4b:s4+s23], $0x50, s9, s23, $0xb8;
	[tilespmem:$0x1B380] =	vst v63  }
0x2f: {  	_ =	swait.ge [sflag:s26], $0x2800  }
0x30: {  	[sflag:s26] =	ssyncset.done $0x0  }
0x31: {  	s10 =	simm.s32 $0x4F00;
	[sflag:s26] =	ssyncadd.s32 $0xFFFFD800  }
0x32: {  	[spmem:s1] =	stream.indirect.scatter.add.f32 [tilespmem:s24], [sflag:$0x3], $0x50, s10, s23, $0xb8;
	[tilespmem:$0x1B380] =	vst v63  }
0x33: {  	_ =	swait.ge [sflag:s20], $0x2800  }
0x34: {  	[sflag:s20] =	ssyncset.done $0x0  }
0x35: {  	s12 =	simm.s32 $0x100;
	[sflag:s20] =	ssyncadd.s32 $0xFFFFD800  }
0x36: {  	[tilespmem:s24], [sflag:$0x1] =	stream.indirect.gather [hbm4b:s4+s23], $0x50, s12, s23, $0xb8;
	[tilespmem:$0x1B380] =	vst v63  }
0x37: {  	_ =	swait.ge [sflag:s28], $0x2800  }
0x38: {  	[sflag:s28] =	ssyncset.done $0x0  }
0x39: {  	s21 =	simm.s32 $0x4F80;
	[sflag:s28] =	ssyncadd.s32 $0xFFFFD800  }
0x3a: {  	[spmem:s1] =	stream.indirect.scatter.add.f32 [tilespmem:s25], [sflag:$0x3], $0x50, s21, s23, $0xb8;
	[tilespmem:$0x1B380] =	vst v63  }
0x3b: {  	_ =	swait.ge [sflag:s20], $0x2800  }
0x3c: {  	s3 =	simm.s32 $0x100;
	s21 =	simm.s32 $0x800;
	[sflag:s20] =	ssyncset.done $0x0  }
.LBB2_2:
0x3d: {  	s7 =	sadd.s32 $0x80, s3  }
0x3e: {  	[sflag:s20] =	ssyncadd.s32 $0xFFFFD800;
	s9 =	smov.u32 s21;
	s10 =	sadd.s32 $0x400, s21  }
0x3f: {  	[tilespmem:s25], [sflag:$0x2] =	stream.indirect.gather [hbm4b:s4+s23], $0x50, s7, s23, $0xb8;
	[tilespmem:$0x1B380] =	vst v63  }
0x40: {  	p1 =	sne.s32 s21, $0x13400;
	_ =	swait.ge [sflag:s26], $0x2800  }
0x41: {  	[sflag:s26] =	ssyncset.done $0x0  }
0x42: {  	s7 =	sadd.s32 $0x4F00, s3;
	[sflag:s26] =	ssyncadd.s32 $0xFFFFD800  }
0x43: {  	[spmem:s1] =	stream.indirect.scatter.add.f32 [tilespmem:s24], [sflag:$0x3], $0x50, s7, s23, $0xb8;
	[tilespmem:$0x1B380] =	vst v63  }
0x44: {  	_ =	swait.ge [sflag:s20], $0x2800  }
0x45: {  	[sflag:s20] =	ssyncset.done $0x0  }
0x46: {  	s7 =	sadd.s32 $0x100, s3;
	[sflag:s20] =	ssyncadd.s32 $0xFFFFD800  }
0x47: {  	[tilespmem:s24], [sflag:$0x1] =	stream.indirect.gather [hbm4b:s4+s23], $0x50, s7, s23, $0xb8;
	[tilespmem:$0x1B380] =	vst v63  }
0x48: {  	_ =	swait.ge [sflag:s28], $0x2800  }
.Ltmp0:
0x49: {  	[sflag:s28] =	ssyncset.done $0x0;
	(pc) =	sbr.rel @p1 .LBB2_2-.Ltmp0, $4  }
0x4a: {  	s3 =	sadd.s32 $0x4F80, s3;
	[sflag:s28] =	ssyncadd.s32 $0xFFFFD800  }
0x4b: {  	[spmem:s1] =	stream.indirect.scatter.add.f32 [tilespmem:s25], [sflag:$0x3], $0x50, s3, s23, $0xb8;
	[tilespmem:$0x1B380] =	vst v63  }
0x4c: {  	_ =	swait.ge [sflag:s20], $0x2800  }
0x4d: {  	s21 =	smov.u32 s10;
	s3 =	sshra.s32 s9, $0x2;
	[sflag:s20] =	ssyncset.done $0x0  }
0x4e: {  	s7 =	sadd.s32 $0x80, s3;
	[sflag:s20] =	ssyncadd.s32 $0xFFFFD800  }
0x4f: {  	[tilespmem:s25], [sflag:$0x2] =	stream.indirect.gather [hbm4b:s4+s23], $0x50, s7, s23, $0xb8;
	[tilespmem:$0x1B380] =	vst v63  }
0x50: {  	_ =	swait.ge [sflag:s26], $0x2800  }
0x51: {  	[sflag:s26] =	ssyncset.done $0x0  }
0x52: {  	s21 =	sadd.s32 $0x4F00, s3;
	[sflag:s26] =	ssyncadd.s32 $0xFFFFD800  }
0x53: {  	[spmem:s1] =	stream.indirect.scatter.add.f32 [tilespmem:s24], [sflag:$0x3], $0x50, s21, s23, $0xb8;
	[tilespmem:$0x1B380] =	vst v63  }
0x54: {  	_ =	swait.ge [sflag:s20], $0x2800  }
0x55: {  	[sflag:s20] =	ssyncset.done $0x0  }
0x56: {  	s9 =	sadd.s32 $0x100, s3;
	[sflag:s20] =	ssyncadd.s32 $0xFFFFD800  }
0x57: {  	[tilespmem:s24], [sflag:$0x1] =	stream.indirect.gather [hbm4b:s4+s23], $0x50, s9, s23, $0xb8;
	[tilespmem:$0x1B380] =	vst v63  }
0x58: {  	_ =	swait.ge [sflag:s28], $0x2800  }
0x59: {  	[sflag:s28] =	ssyncset.done $0x0  }
0x5a: {  	s10 =	sadd.s32 $0x4F80, s3;
	[sflag:s28] =	ssyncadd.s32 $0xFFFFD800  }
0x5b: {  	[spmem:s1] =	stream.indirect.scatter.add.f32 [tilespmem:s25], [sflag:$0x3], $0x50, s10, s23, $0xb8;
	[tilespmem:$0x1B380] =	vst v63  }
0x5c: {  	_ =	swait.ge [sflag:s20], $0x2800  }
0x5d: {  	[sflag:s20] =	ssyncset.done $0x0  }
0x5e: {  	[sflag:s20] =	ssyncadd.s32 $0xFFFFD800  }
0x5f: {  	[tilespmem:s25], [sflag:$0x2] =	stream.indirect.gather [hbm4b:s4+s23], $0x50, s29, s23, $0xb8;
	[tilespmem:$0x1B380] =	vst v63  }
0x60: {  	_ =	swait.ge [sflag:s26], $0x2800  }
0x61: {  	[sflag:s26] =	ssyncset.done $0x0  }
0x62: {  	[sflag:s26] =	ssyncadd.s32 $0xFFFFD800  }
0x63: {  	[spmem:s1] =	stream.indirect.scatter.add.f32 [tilespmem:s24], [sflag:$0x3], $0x50, s30, s23, $0xb8;
	[tilespmem:$0x1B380] =	vst v63  }
0x64: {  	_ =	swait.ge [sflag:s20], $0x2800  }
0x65: {  	[sflag:s20] =	ssyncset.done $0x0  }
0x66: {  	[sflag:s20] =	ssyncadd.s32 $0xFFFFD800  }
0x67: {  	_ =	swait.ge [sflag:s28], $0x2800  }
0x68: {  	[sflag:s28] =	ssyncset.done $0x0  }
0x69: {  	[sflag:s28] =	ssyncadd.s32 $0xFFFFD800  }
0x6a: {  	[spmem:s1] =	stream.indirect.scatter.add.f32 [tilespmem:s25], [sflag:$0x3], $0x50, s31, s23, $0xb8;
	[tilespmem:$0x1B380] =	vst v63  }
0x6b: {  	_ =	swait.ge [sflag:s20], $0x2800  }
0x6c: {  	[sflag:s20] =	ssyncset.done $0x0  }
0x6d: {  	[sflag:s20] =	ssyncadd.s32 $0xFFFFD800  }
0x6e: {  	s3 =	simm.s32 @p0 $0x1;
	s7 =	simm.s32 @p0 $0x14;
	[bflag:$0x0] =	sbarrier.arrive $0xFFFF  }
0x6f: {  	s21 =	sshrl.u32 @p0 s13, $0x3;
	s9 =	simm.s32 @p0 $0xA;
	s10 =	rddreg [dreg:$0x7]  }
0x70: {  	[hbm:s10@s7], [sflag:s19] =	dma.strided @p0 [spmem:s21@s9], $0x1450, s3, $0xa   }
0x71: {  	s3 =	simm.s32 @p0 $0x3  }
0x72: {  	_ =	swait.ge @p0 [sflag:s3], $0x1450  }
0x73: {  	s7 =	simm.s32 @!p0 $0x1;
	s9 =	simm.s32 @!p0 $0x14;
	[sflag:s3] =	ssyncset.done @p0 $0x0  }
0x74: {  	s10 =	simm.s32 @!p0 $0xA;
	[sflag:s3] =	ssyncadd.s32 @p0 $0xFFFFEBB0;
	s3 =	sshrl.u32 @!p0 s8, $0x3  }
0x75: {  	[hbm:s11@s9], [sflag:s19] =	dma.strided @!p0 [spmem:s3@s10], $0x18B0, s7, $0xa   }
0x76: {  	s7 =	simm.s32 @!p0 $0x3  }
0x77: {  	_ =	swait.ge @!p0 [sflag:s7], $0x18B0  }
0x78: {  	[sflag:s7] =	ssyncset.done @!p0 $0x0  }
0x79: {  	[sflag:s7] =	ssyncadd.s32 @!p0 $0xFFFFE750  }
0x7a: {  	[bflag:$0x0] =	sbarrier.arrive $0xFFFF  }
0x7b: {  	[spmem:s6], [sflag:s19] =	dma.local [hbm:s5], $0x18B0  }
0x7c: {  	_ =	swait.ge [sflag:s20], $0x18B0  }
0x7d: {  	[sflag:s20] =	ssyncset.done $0x0  }
0x7e: {  	s12 =	simm.s32 $0x0;
	[sflag:s20] =	ssyncadd.s32 $0xFFFFE750  }
0x7f: {  	[tilespmem:s12], [sflag:$0x3] =	stream.linear.gather [hbm4b:s14+s12], $0x2780, $0x38;
	[tilespmem:$0x1B380] =	vst v63  }
0x80: {  	_ =	swait.ge [sflag:s20], $0x2780  }
0x81: {  	[sflag:s20] =	ssyncset.done $0x0  }
0x82: {  	[sflag:s20] =	ssyncadd.s32 $0xFFFFD880  }
0x83: {  	[tilespmem:s22], [sflag:$0x3] =	stream.linear.gather [hbm4b:s15+s12], $0x2780, $0x38;
	[tilespmem:$0x1B380] =	vst v63  }
0x84: {  	_ =	swait.ge [sflag:s20], $0x2780  }
0x85: {  	[sflag:s20] =	ssyncset.done $0x0  }
0x86: {  	[sflag:s20] =	ssyncadd.s32 $0xFFFFD880  }
0x87: {  	[bflag:$0x0] =	sbarrier.arrive $0xFFFF  }
0x88: {  	[tilespmem:s24], [sflag:$0x1] =	stream.indirect.gather [hbm4b:s4+s23], $0x50, s12, s23, $0xb8;
	[tilespmem:$0x1B380] =	vst v63  }
0x89: {  	s7 =	simm.s32 $0x80  }
0x8a: {  	[tilespmem:s25], [sflag:$0x2] =	stream.indirect.gather [hbm4b:s4+s23], $0x50, s7, s23, $0xb8;
	[tilespmem:$0x1B380] =	vst v63  }
0x8b: {  	_ =	swait.ge [sflag:s26], $0x2800  }
0x8c: {  	[sflag:s26] =	ssyncset.done $0x0  }
0x8d: {  	s9 =	simm.s32 $0x4F00;
	[sflag:s26] =	ssyncadd.s32 $0xFFFFD800  }
0x8e: {  	[spmem:s1] =	stream.indirect.scatter.add.f32 [tilespmem:s24], [sflag:$0x3], $0x50, s9, s23, $0xb8;
	[tilespmem:$0x1B380] =	vst v63  }
0x8f: {  	_ =	swait.ge [sflag:s20], $0x2800  }
0x90: {  	[sflag:s20] =	ssyncset.done $0x0  }
0x91: {  	s10 =	simm.s32 $0x100;
	[sflag:s20] =	ssyncadd.s32 $0xFFFFD800  }
0x92: {  	[tilespmem:s24], [sflag:$0x1] =	stream.indirect.gather [hbm4b:s4+s23], $0x50, s10, s23, $0xb8;
	[tilespmem:$0x1B380] =	vst v63  }
0x93: {  	_ =	swait.ge [sflag:s28], $0x2800  }
0x94: {  	[sflag:s28] =	ssyncset.done $0x0  }
0x95: {  	s12 =	simm.s32 $0x4F80;
	[sflag:s28] =	ssyncadd.s32 $0xFFFFD800  }
0x96: {  	[spmem:s1] =	stream.indirect.scatter.add.f32 [tilespmem:s25], [sflag:$0x3], $0x50, s12, s23, $0xb8;
	[tilespmem:$0x1B380] =	vst v63  }
0x97: {  	_ =	swait.ge [sflag:s20], $0x2800  }
0x98: {  	s6 =	simm.s32 $0x100;
	s7 =	simm.s32 $0x800;
	[sflag:s20] =	ssyncset.done $0x0  }
.LBB2_4:
0x99: {  	s9 =	sadd.s32 $0x80, s6  }
0x9a: {  	[sflag:s20] =	ssyncadd.s32 $0xFFFFD800;
	s10 =	smov.u32 s7;
	s12 =	sadd.s32 $0x400, s7  }
0x9b: {  	[tilespmem:s25], [sflag:$0x2] =	stream.indirect.gather [hbm4b:s4+s23], $0x50, s9, s23, $0xb8;
	[tilespmem:$0x1B380] =	vst v63  }
0x9c: {  	p1 =	sne.s32 s7, $0x13400;
	_ =	swait.ge [sflag:s26], $0x2800  }
0x9d: {  	[sflag:s26] =	ssyncset.done $0x0  }
0x9e: {  	s7 =	sadd.s32 $0x4F00, s6;
	[sflag:s26] =	ssyncadd.s32 $0xFFFFD800  }
0x9f: {  	[spmem:s1] =	stream.indirect.scatter.add.f32 [tilespmem:s24], [sflag:$0x3], $0x50, s7, s23, $0xb8;
	[tilespmem:$0x1B380] =	vst v63  }
0xa0: {  	_ =	swait.ge [sflag:s20], $0x2800  }
0xa1: {  	[sflag:s20] =	ssyncset.done $0x0  }
0xa2: {  	s7 =	sadd.s32 $0x100, s6;
	[sflag:s20] =	ssyncadd.s32 $0xFFFFD800  }
0xa3: {  	[tilespmem:s24], [sflag:$0x1] =	stream.indirect.gather [hbm4b:s4+s23], $0x50, s7, s23, $0xb8;
	[tilespmem:$0x1B380] =	vst v63  }
0xa4: {  	_ =	swait.ge [sflag:s28], $0x2800  }
.Ltmp1:
0xa5: {  	[sflag:s28] =	ssyncset.done $0x0;
	(pc) =	sbr.rel @p1 .LBB2_4-.Ltmp1, $4  }
0xa6: {  	s6 =	sadd.s32 $0x4F80, s6;
	[sflag:s28] =	ssyncadd.s32 $0xFFFFD800  }
0xa7: {  	[spmem:s1] =	stream.indirect.scatter.add.f32 [tilespmem:s25], [sflag:$0x3], $0x50, s6, s23, $0xb8;
	[tilespmem:$0x1B380] =	vst v63  }
0xa8: {  	_ =	swait.ge [sflag:s20], $0x2800  }
0xa9: {  	s7 =	smov.u32 s12;
	s6 =	sshra.s32 s10, $0x2;
	[sflag:s20] =	ssyncset.done $0x0  }
0xaa: {  	s7 =	sadd.s32 $0x80, s6;
	[sflag:s20] =	ssyncadd.s32 $0xFFFFD800  }
0xab: {  	[tilespmem:s25], [sflag:$0x2] =	stream.indirect.gather [hbm4b:s4+s23], $0x50, s7, s23, $0xb8;
	[tilespmem:$0x1B380] =	vst v63  }
0xac: {  	_ =	swait.ge [sflag:s26], $0x2800  }
0xad: {  	[sflag:s26] =	ssyncset.done $0x0  }
0xae: {  	s9 =	sadd.s32 $0x4F00, s6;
	[sflag:s26] =	ssyncadd.s32 $0xFFFFD800  }
0xaf: {  	[spmem:s1] =	stream.indirect.scatter.add.f32 [tilespmem:s24], [sflag:$0x3], $0x50, s9, s23, $0xb8;
	[tilespmem:$0x1B380] =	vst v63  }
0xb0: {  	_ =	swait.ge [sflag:s20], $0x2800  }
0xb1: {  	[sflag:s20] =	ssyncset.done $0x0  }
0xb2: {  	s10 =	sadd.s32 $0x100, s6;
	[sflag:s20] =	ssyncadd.s32 $0xFFFFD800  }
0xb3: {  	[tilespmem:s24], [sflag:$0x1] =	stream.indirect.gather [hbm4b:s4+s23], $0x50, s10, s23, $0xb8;
	[tilespmem:$0x1B380] =	vst v63  }
0xb4: {  	_ =	swait.ge [sflag:s28], $0x2800  }
0xb5: {  	[sflag:s28] =	ssyncset.done $0x0  }
0xb6: {  	s12 =	sadd.s32 $0x4F80, s6;
	[sflag:s28] =	ssyncadd.s32 $0xFFFFD800  }
0xb7: {  	[spmem:s1] =	stream.indirect.scatter.add.f32 [tilespmem:s25], [sflag:$0x3], $0x50, s12, s23, $0xb8;
	[tilespmem:$0x1B380] =	vst v63  }
0xb8: {  	_ =	swait.ge [sflag:s20], $0x2800  }
0xb9: {  	[sflag:s20] =	ssyncset.done $0x0  }
0xba: {  	[sflag:s20] =	ssyncadd.s32 $0xFFFFD800  }
0xbb: {  	[tilespmem:s25], [sflag:$0x2] =	stream.indirect.gather [hbm4b:s4+s23], $0x50, s29, s23, $0xb8;
	[tilespmem:$0x1B380] =	vst v63  }
0xbc: {  	_ =	swait.ge [sflag:s26], $0x2800  }
0xbd: {  	[sflag:s26] =	ssyncset.done $0x0  }
0xbe: {  	[sflag:s26] =	ssyncadd.s32 $0xFFFFD800  }
0xbf: {  	[spmem:s1] =	stream.indirect.scatter.add.f32 [tilespmem:s24], [sflag:$0x3], $0x50, s30, s23, $0xb8;
	[tilespmem:$0x1B380] =	vst v63  }
0xc0: {  	_ =	swait.ge [sflag:s20], $0x2800  }
0xc1: {  	[sflag:s20] =	ssyncset.done $0x0  }
0xc2: {  	[sflag:s20] =	ssyncadd.s32 $0xFFFFD800  }
0xc3: {  	_ =	swait.ge [sflag:s28], $0x2800  }
0xc4: {  	[sflag:s28] =	ssyncset.done $0x0  }
0xc5: {  	[sflag:s28] =	ssyncadd.s32 $0xFFFFD800  }
0xc6: {  	[spmem:s1] =	stream.indirect.scatter.add.f32 [tilespmem:s25], [sflag:$0x3], $0x50, s31, s23, $0xb8;
	[tilespmem:$0x1B380] =	vst v63  }
0xc7: {  	_ =	swait.ge [sflag:s20], $0x2800  }
0xc8: {  	[sflag:s20] =	ssyncset.done $0x0  }
0xc9: {  	s6 =	simm.s32 @p0 $0x1;
	[sflag:s20] =	ssyncadd.s32 $0xFFFFD800  }
0xca: {  	s7 =	simm.s32 @p0 $0x14;
	s9 =	simm.s32 @p0 $0xA;
	[bflag:$0x0] =	sbarrier.arrive $0xFFFF  }
0xcb: {  	[hbm:s17@s7], [sflag:s19] =	dma.strided @p0 [spmem:s21@s9], $0x1450, s6, $0xa   }
0xcc: {  	s6 =	simm.s32 @p0 $0x3  }
0xcd: {  	_ =	swait.ge @p0 [sflag:s6], $0x1450  }
0xce: {  	s0 =	sadd.s32 $0x1, s0;
	s7 =	simm.s32 @!p0 $0x14;
	[sflag:s6] =	ssyncset.done @p0 $0x0  }
0xcf: {  	s9 =	simm.s32 @!p0 $0xA;
	[sflag:s6] =	ssyncadd.s32 @p0 $0xFFFFEBB0;
	s6 =	simm.s32 @!p0 $0x1  }
0xd0: {  	[hbm:s16@s7], [sflag:s19] =	dma.strided @!p0 [spmem:s3@s9], $0x18B0, s6, $0xa   }
0xd1: {  	p1 =	sne.s32 s0, s18;
	s3 =	simm.s32 @!p0 $0x3  }
.Ltmp2:
0xd2: {  	_ =	swait.ge @!p0 [sflag:s3], $0x18B0;
	(pc) =	sbr.rel @p1 .LBB2_1-.Ltmp2, $3  }
0xd3: {  	[sflag:s3] =	ssyncset.done @!p0 $0x0  }
0xd4: {  	[sflag:s3] =	ssyncadd.s32 @!p0 $0xFFFFE750  }
0xd5: {  	[bflag:$0x0] =	sbarrier.arrive $0xFFFF;
	_ =	sdelay $0x1  }
0xd6: {  	_ =	sfence.sel $0x180000  }
0xd7: {  	[bflag:$0x0] =	sbarrier.arrive $0xFFFF  }
0xd8: {  	_ =	strace $0x9000004D  }
0xd9: {  	s0 =	stileid.u32;
	[bflag:$0x2] =	sbarrier.arrive $0xFFFF  }
0xda: {  	p0 =	sne.s32 s0, $0x0;
	s0 =	rddreg [dreg:$0x2]  }
0xdb: {  	s0 =	sadd.s32 @!p0 $0x100000, s0  }
0xdc: {  	[sflag:s0] =	ssyncadd.tile.s32 @!p0 $0x1;
	_ =	shalt  }
.Lfunc_end2:
_tile_overlayer_lowered:
.L_overlay_start_2:
0xdd: {  	(tag) =	ssettag $0x2  }
0xde: {  	s0 =	rddreg [dreg:$0x0];
	s2 =	stileid.u32  }
0xdf: {  	s1 =	rddreg [dreg:$0x1];
	p0 =	sne.s32 s2, $0x0  }
0xe0: {  	s3 =	rddreg [dreg:$0x2];
	[bflag:$0x3] =	sbarrier.arrive $0xFFFF;
	s2 =	simm.s32 @!p0 $0x1C03  }
0xe1: {  	[timem:s3], [sflag:s2] =	dma.local @!p0 [hbm:s0], s1  }
0xe2: {  	s0 =	simm.s32 @!p0 $0x3  }
0xe3: {  	_ =	swait.ge @!p0 [sflag:s0], s1  }
0xe4: {  	s1 =	ssub.s32 @!p0 $0x0, s1;
	[sflag:s0] =	ssyncset.done @!p0 $0x0  }
0xe5: {  	[sflag:s0] =	ssyncadd.s32 @!p0 s1  }
0xe6: {  	[bflag:$0x3] =	sbarrier.arrive $0xFFFF  }
0xe7: {  	_ =	shalt  }

// kernel: kernel.25.cloned.1.call-start
scs
__scs_entry_jumppad:
0x0: {  	(pc) =	sbr.rel $0x88, $3  }
0x1: {  	(tag) =	ssettag $0x0;
	lr =	simm.s32 $0x1  }
0x2: {  	[smem:$0x3F94] =	sst lr;
	_ =	strace $0xD0000000  }
0x3: {  	_ = 	snop  }
0x4: {  	_ = 	snop  }
0x5: {  	_ = 	snop  }
0x6: {  	_ = 	snop  }
0x7: {  	_ = 	snop  }
__scs_overlays_trampoline_lowered:
0x8: {  	[smem:$0x3FA3] =	sst s0  }
0x9: {  	[smem:$0x3FA4] =	sst s1  }
0xa: {  	[smem:$0x3FA5] =	sst s2  }
0xb: {  	[smem:$0x3FA6] =	sst s3  }
0xc: {  	[smem:$0x3FA7] =	sst s4  }
0xd: {  	[smem:$0x3FA8] =	sst s5  }
0xe: {  	[smem:$0x3FA9] =	sst s6  }
0xf: {  	[smem:$0x3FAA] =	sst s7  }
0x10: {  	[smem:$0x3FAB] =	sst s8  }
0x11: {  	[smem:$0x3FAC] =	sst s9;
	s0 =	simm.s32 @!p0 $0x0  }
0x12: {  	s1 =	sld [smem:$0x3F92];
	s0 =	simm.s32 @p0 $0x1  }
0x13: {  	[smem:$0x3FAD] =	sst s0;
	s0 =	simm.s32 @!p1 $0x0  }
0x14: {  	s2 =	sld [smem:$0x3F91];
	s0 =	simm.s32 @p1 $0x1  }
0x15: {  	[smem:$0x3FAE] =	sst s0;
	s0 =	simm.s32 @!p2 $0x0  }
0x16: {  	s3 =	sld [smem:$0x3FDB];
	s0 =	simm.s32 @p2 $0x1  }
0x17: {  	s4 =	simm.s32 $0x1BF5;
	[smem:$0x3FB0] =	sst s0  }
0x18: {  	s0 =	sld [smem:$0x3F93];
	_ =	swait.ge [sflag:s4], $0x0  }
0x19: {  	s7 =	sld [smem:$0x3F94]  }
0x1a: {  	s8 =	sadd.s32 $0xFFFFE003, lr  }
0x1b: {  	s9 =	sadd.s32 $0xFFFFFEF7, lr;
	s5 =	simm.s32 $0xFFFFFFFF;
	p2 =	slt.u32 s8, $0xFFFFF086  }
0x1c: {  	p1 =	slt.u32 s9, $0xF7A;
	s5 =	simm.s32 @!p2 $0x0  }
0x1d: {  	s5 =	simm.s32 @p1 $0x1;
	p0 =	seq.s32 s7, s2  }
0x1e: {  	s7 =	smul.u32 @!p0 $0xF7A, s2;
	p2 =	seq.s32 @!p0 s5, $0x0  }
0x1f: {  	s9 =	smul.u32 $0xF7A, s1;
	s8 =	simm.s32 @!p0 $0x1BF5;
	p2 =	por !p2, p0  }
0x20: {  	[sflag:s8] =	ssyncset.s32 @!p0 $0xFFFFF086;
	s6 =	sadd.s32 @!p0 s3, s7;
	s7 =	simm.s32 @!p0 $0x108  }
0x21: {  	s3 =	sadd.s32 s3, s9;
	s6 =	sadd.s32 @!p0 $0x88, s6;
	s7 =	simm.s32 @p2 $0x1082  }
0x22: {  	[simem:s7], [sflag:s8] =	dma.local @!p0 [hbm:s6], $0xF7A  }
0x23: {  	s9 =	sor.u32 $0xD0000000, s2;
	s6 =	simm.s32 $0x108;
	_ =	swait.ge @!p0 [sflag:s8], $0x0  }
0x24: {  	s3 =	sadd.s32 $0x88, s3;
	s6 =	simm.s32 @!p1 $0x1082;
	[sflag:s4] =	ssyncset.s32 $0xFFFFF086  }
0x25: {  	[simem:s6], [sflag:s4] =	dma.local [hbm:s3], $0xF7A  }
0x26: {  	[smem:$0x3F94] =	sst s1;
	(tag) =	ssettag s2;
	_ =	strace s9  }
0x27: {  	s1 =	sld [smem:$0x3FA4]  }
0x28: {  	s2 =	sld [smem:$0x3FA5]  }
0x29: {  	s4 =	sld [smem:$0x3FA7]  }
0x2a: {  	p0 =	seq.s32 s5, $0x0;
	s5 =	sld [smem:$0x3FA8]  }
0x2b: {  	s6 =	sld [smem:$0x3FA9]  }
0x2c: {  	s7 =	sld [smem:$0x3FAA]  }
0x2d: {  	s3 =	simm.s32 $0x108;
	s8 =	sld [smem:$0x3FAB]  }
0x2e: {  	s3 =	simm.s32 @!p0 $0x1082;
	s9 =	sld [smem:$0x3FAC]  }
0x2f: {  	lr =	sadd.s32 s0, s3;
	s0 =	sld [smem:$0x3FA3]  }
0x30: {  	s3 =	sld [smem:$0x3FA6]  }
0x31: {  	[smem:$0x3FAF] =	sst s10  }
0x32: {  	s10 =	sld [smem:$0x3FAD];
	_ =	sdelay $0x3  }
0x33: {  	p0 =	seq.s32 s10, $0x1;
	s10 =	sld [smem:$0x3FAF];
	_ =	sdelay $0x3  }
0x34: {  	[smem:$0x3FAF] =	sst s10  }
0x35: {  	s10 =	sld [smem:$0x3FAE];
	_ =	sdelay $0x3  }
0x36: {  	p1 =	seq.s32 s10, $0x1;
	s10 =	sld [smem:$0x3FAF];
	_ =	sdelay $0x3  }
0x37: {  	[smem:$0x3FAF] =	sst s10  }
0x38: {  	s10 =	sld [smem:$0x3FB0]  }
0x39: {  	_ = 	snop;
	(pc) =	sbr.ind lr, $3  }
0x3a: {  	_ = 	snop  }
0x3b: {  	_ = 	snop  }
0x3c: {  	p2 =	seq.s32 s10, $0x1;
	s10 =	sld [smem:$0x3FAF]  }
0x3d: {  	_ =	shalt  }
0x3e: {  	_ =	shalt  }
0x3f: {  	_ =	shalt  }
0x40: {  	_ =	shalt  }
0x41: {  	_ =	shalt  }
0x42: {  	_ =	shalt  }
0x43: {  	_ =	shalt  }
0x44: {  	_ =	shalt  }
0x45: {  	_ =	shalt  }
0x46: {  	_ =	shalt  }
0x47: {  	_ =	shalt  }
0x48: {  	_ =	shalt  }
0x49: {  	_ =	shalt  }
0x4a: {  	_ =	shalt  }
0x4b: {  	_ =	shalt  }
0x4c: {  	_ =	shalt  }
0x4d: {  	_ =	shalt  }
0x4e: {  	_ =	shalt  }
0x4f: {  	_ =	shalt  }
0x50: {  	_ =	shalt  }
0x51: {  	_ =	shalt  }
0x52: {  	_ =	shalt  }
0x53: {  	_ =	shalt  }
0x54: {  	_ =	shalt  }
0x55: {  	_ =	shalt  }
0x56: {  	_ =	shalt  }
0x57: {  	_ =	shalt  }
0x58: {  	_ =	shalt  }
0x59: {  	_ =	shalt  }
0x5a: {  	_ =	shalt  }
0x5b: {  	_ =	shalt  }
0x5c: {  	_ =	shalt  }
0x5d: {  	_ =	shalt  }
0x5e: {  	_ =	shalt  }
0x5f: {  	_ =	shalt  }
0x60: {  	_ =	shalt  }
0x61: {  	_ =	shalt  }
0x62: {  	_ =	shalt  }
0x63: {  	_ =	shalt  }
0x64: {  	_ =	shalt  }
0x65: {  	_ =	shalt  }
0x66: {  	_ =	shalt  }
0x67: {  	_ =	shalt  }
0x68: {  	_ =	shalt  }
0x69: {  	_ =	shalt  }
0x6a: {  	_ =	shalt  }
0x6b: {  	_ =	shalt  }
0x6c: {  	_ =	shalt  }
0x6d: {  	_ =	shalt  }
0x6e: {  	_ =	shalt  }
0x6f: {  	_ =	shalt  }
0x70: {  	_ =	shalt  }
0x71: {  	_ =	shalt  }
0x72: {  	_ =	shalt  }
0x73: {  	_ =	shalt  }
0x74: {  	_ =	shalt  }
0x75: {  	_ =	shalt  }
0x76: {  	_ =	shalt  }
0x77: {  	_ =	shalt  }
0x78: {  	_ =	shalt  }
0x79: {  	_ =	shalt  }
0x7a: {  	_ =	shalt  }
0x7b: {  	_ =	shalt  }
0x7c: {  	_ =	shalt  }
0x7d: {  	_ =	shalt  }
0x7e: {  	_ =	shalt  }
0x7f: {  	_ =	shalt  }
0x80: {  	_ =	shalt  }
0x81: {  	_ =	shalt  }
0x82: {  	_ =	shalt  }
0x83: {  	_ =	shalt  }
0x84: {  	_ =	shalt  }
0x85: {  	_ =	shalt  }
0x86: {  	_ =	shalt  }
0x87: {  	_ =	shalt  }
.Lfunc_end0:
.L_simem_size_0:
called_computation.3_lowered:
.L_overlay_start_0:
0x88: {  	s2 =	sld [smem:$0x3FD9]  }
0x89: {  	s3 =	sld [smem:$0x3FFE];
	_ =	sdelay $0x1  }
0x8a: {  	s1 =	srdreg.scid  }
0x8b: {  	s0 =	sand.u32 $0x1, s1  }
0x8c: {  	s17 =	sshll.u32 s0, $0xA;
	s2 =	sadd.s32 s3, s2  }
0x8d: {  	s2 =	sadd.s32 s2, s17  }
0x8e: {  	[smem:$0x3FBB] =	sst s2  }
0x8f: {  	_ = 	snop  }
0x90: {  	(tm) =	ssettm $0x1  }
0x91: {  	s18 =	sld [smem:$0x3FFB];
	_ =	sdelay $0x3  }
0x92: {  	_ =	strace s18  }
0x93: {  	s2 =	sld [smem:$0x3FFC];
	_ =	sdelay $0x3  }
0x94: {  	_ =	strace s2  }
0x95: {  	s2 =	sld [smem:$0x3FFD];
	_ =	sdelay $0x3  }
0x96: {  	_ =	strace s2  }
0x97: {  	_ =	strace $0x8FFFFFFF  }
0x98: {  	s19 =	sld [smem:$0x3FDB];
	_ =	sdelay $0x1  }
0x99: {  	s20 =	simm.s32 $_scs_section_size  }
0x9a: {  	s4 =	simm.s32 $_size__tile_overlayer_lowered;
	s5 =	simm.s32 $_tile_overlayer_lowered  }
0x9b: {  	s6 =	simm.s32 $0x1BFF;
	s21 =	sshll.u32 s5, $0x1;
	s3 =	sadd.s32 s20, s19  }
0x9c: {  	s22 =	simm.s32 $0x0;
	s4 =	sshll.u32 s4, $0x1;
	s5 =	sadd.s32 s21, s3  }
0x9d: {  	[timem:s22], [sflag:s6] =	dma.local [hbm:s5], s4  }
0x9e: {  	_ =	swait.ge [sflag:s6], s4  }
0x9f: {  	s4 =	ssub.s32 $0x0, s4;
	[sflag:s6] =	ssyncset.done $0x0  }
0xa0: {  	[sflag:s6] =	ssyncadd.s32 s4;
	_ =	sdelay $0x1  }
0xa1: {  	s23 =	simm.s32 $0x1B8B  }
0xa2: {  	_ =	swait.ge [sflag:s23], $0x1  }
0xa3: {  	[sflag:s23] =	ssyncset.done $0x0  }
0xa4: {  	[sflag:s23] =	ssyncadd.s32 $0xFFFFFFFF  }
0xa5: {  	s4 =	sld [smem:$0x0]  }
0xa6: {  	s5 =	sand.u32 $0xFFFFFFFE, s1  }
0xa7: {  	p0 =	sne.s32 s1, s5  }
0xa8: {  	s5 =	sshll.u32 @p0 s5, $0xE  }
0xa9: {  	s5 =	sadd.s32 @p0 $0x11B8D, s5;
	s6 =	sshll.u32 @p0 s4, $0x11  }
0xaa: {  	s5 =	sor.u32 @p0 s6, s5  }
0xab: {  	[sflag:s5] =	ssyncadd.remote.s32 @p0 $0x1;
	_ =	sdelay $0x1  }
0xac: {  	s5 =	simm.s32 @p0 $0x1B8D  }
0xad: {  	_ =	swait.eq @p0 [sflag:s5], $0x1  }
0xae: {  	[sflag:s5] =	ssyncadd.s32 @p0 $0xFFFFFFFF  }
0xaf: {  	s6 =	sshll.u32 @!p0 s1, $0xE  }
0xb0: {  	s6 =	sor.u32 @!p0 $0x4000, s6;
	s5 =	simm.s32 @!p0 $0x1B8D  }
0xb1: {  	s4 =	sshll.u32 @!p0 s4, $0x11;
	s6 =	sadd.s32 @!p0 $0x11B8D, s6;
	_ =	swait.eq @!p0 [sflag:s5], $0x1  }
0xb2: {  	s4 =	sor.u32 @!p0 s4, s6;
	[sflag:s5] =	ssyncadd.s32 @!p0 $0xFFFFFFFF  }
0xb3: {  	s25 =	simm.s32 $0x1B8E;
	s24 =	sld [smem:$0x3FFE];
	[sflag:s4] =	ssyncadd.remote.s32 @!p0 $0x1  }
0xb4: {  	s26 =	simm.s32 $execute0_lowered;
	[smem:$0x3FD2] =	sst s25  }
0xb5: {  	s5 =	sshll.u32 s26, $0x1;
	_ =	strace $0x8000004F;
	[dreg:$0x1] =	wrdreg $0xFFFFFFFF  }
0xb6: {  	s28 =	simm.s32 $_size_execute0_lowered;
	s3 =	sadd.s32 s3, s5;
	[dreg:$0x0] =	wrdreg $0x0  }
0xb7: {  	s5 =	sshll.u32 s28, $0x1;
	[dreg:$0x2] =	wrdreg s3  }
0xb8: {  	[dreg:$0x3] =	wrdreg s5  }
0xb9: {  	[dreg:$0x4] =	wrdreg $0xC0  }
0xba: {  	_ =	task [dreg:s22], $0x5FFFF  }
0xbb: {  	[dreg:$0x1] =	wrdreg $0xFFFFFFFF  }
0xbc: {  	[dreg:$0x0] =	wrdreg $0x60  }
0xbd: {  	[dreg:$0x2] =	wrdreg s24  }
0xbe: {  	[dreg:$0x3] =	wrdreg $0xEE000  }
0xbf: {  	[dreg:$0x4] =	wrdreg $0x9  }
0xc0: {  	_ =	task.clear_ibuf [dreg:s22], $0x5FFFF;
	_ =	strace $0x9000004F  }
0xc1: {  	s29 =	simm.s32 $0x9;
	_ =	strace $0x80000051  }
0xc2: {  	_ =	swait.ge [sflag:s29], $0x1  }
0xc3: {  	[sflag:s29] =	ssyncadd.s32 $0xFFFFFFFF  }
0xc4: {  	_ =	strace $0x90000051  }
0xc5: {  	_ =	sfence  }
0xc6: {  	s30 =	sld [smem:$0x0];
	_ =	sdelay $0x2  }
0xc7: {  	s31 =	sshll.u32 s1, $0xD;
	s1 =	sshrl.u32 s1, $0x2  }
0xc8: {  	s4 =	sand.u32 $0x4000, s31;
	s1 =	sadd.s32 s1, s30  }
0xc9: {  	s0 =	sor.u32 s4, s0;
	s1 =	sshll.u32 s1, $0x11  }
0xca: {  	s0 =	sor.u32 s1, s0  }
0xcb: {  	s0 =	sadd.s32 $0x8F2B, s0  }
0xcc: {  	[sflag:s0] =	ssyncadd.remote.s32 $0x1  }
0xcd: {  	_ =	sfence.sel $0xFFFF  }
0xce: {  	[dreg:$0x0] =	wrdreg $0xFFFFFFFF;
	(pc) =	sbr.abs _section_cstart, $3  }
0xcf: {  	[dreg:$0x1] =	wrdreg $0xFFFFFFFF  }
0xd0: {  	_ =	task.clear_ibuf [dreg:s22], $0x2FFFF;
	_ =	strace $0x9FFFFFFF  }
0xd1: {  	(tm) =	ssettm $0x7FFFFFFF  }
tec
execute0_lowered:
.L_overlay_start_1:
0x0: {  	(tag) =	ssettag $0x1  }
0x1: {  	s0 =	rddreg [dreg:$0x0]  }
0x2: {  	s1 =	rddreg [dreg:$0x1];
	s2 =	simm.s32 $0x0;
	s3 =	srdreg.scid  }
0x3: {  	s12 =	stileid.u32;
	s20 =	simm.s32 $0x3;
	s28 =	simm.s32 $0x2  }
0x4: {  	s29 =	simm.s32 $0x4E80;
	s30 =	simm.s32 $0x9D00;
	s31 =	simm.s32 $0x9D80  }
0x5: {  	[smem:$0x7FF] =	sst s2;
	s3 =	sand.u32 $0x1, s3;
	s4 =	sadd.s32 $0x499000, s0  }
0x6: {  	s7 =	sadd.s32 $0x115E00, s0;
	s15 =	sadd.s32 $0xEE600, s0;
	s8 =	smul.u32 $0x2780, s12  }
0x7: {  	s9 =	sadd.s32 $0x3E00, s0;
	s5 =	sadd.s32 $0x2B600, s0;
	s22 =	smul.u32 $0x31600, s12  }
0x8: {  	s0 =	sadd.s32 $0x19F200, s0;
	s23 =	smul.u32 $0x18B00, s12;
	s13 =	sadd.s32 $0xB9280, s1  }
0x9: {  	p0 =	seq.s32 s12, $0xF;
	s6 =	smul.u32 $0x4F000, s3;
	s10 =	ssub.s32 $0x2, s3  }
0xa: {  	_ =	strace $0x80000050;
	s3 =	smul.u32 $0x186A00, s3;
	s11 =	sshrl.u32 s10, $0x1  }
0xb: {  	s6 =	sadd.s32 s8, s6;
	s18 =	ssub.s32 s10, s11;
	s8 =	sshrl.u32 s22, $0x2  }
0xc: {  	s10 =	sadd.s32 s23, s3;
	s3 =	sshrl.u32 s3, $0x3;
	s22 =	simm.s32 $0x2780  }
0xd: {  	s23 =	simm.s32 $0x80;
	s6 =	sshrl.u32 s6, $0x3;
	s8 =	sadd.s32 s8, s1  }
0xe: {  	s26 =	sshrl.u32 s10, $0x3;
	s18 =	smax.u32 s18, $0x1;
	s14 =	sadd.s32 $0x13C00, s6  }
0xf: {  	s6 =	sadd.s32 $0x18B00, s6;
	s11 =	sadd.s32 s0, s26;
	s0 =	sadd.s32 s0, s3  }
0x10: {  	s26 =	simm.s32 $0x1;
	s24 =	sadd.s32 s9, s14;
	s9 =	sadd.s32 s9, s6  }
0x11: {  	s25 =	sadd.s32 s7, s14;
	s7 =	sadd.s32 s7, s6;
	[dreg:$0x3] =	wrdreg s24  }
0x12: {  	s3 =	sadd.s32 $0x2E4A0, s0;
	s14 =	sadd.s32 s15, s14;
	[dreg:$0x4] =	wrdreg s9  }
0x13: {  	s15 =	sadd.s32 s15, s6;
	s16 =	sadd.s32 $0xA, s11;
	[dreg:$0x5] =	wrdreg s25  }
0x14: {  	s17 =	sadd.s32 $0x2E4AA, s0;
	s0 =	simm.s32 $0x0;
	[dreg:$0x6] =	wrdreg s7  }
0x15: {  	[dreg:$0x7] =	wrdreg s3;
	s24 =	simm.s32 $0x9E00;
	s25 =	simm.s32 $0xC600  }
.LBB2_1:
0x16: {  	s3 =	rddreg [dreg:$0x3];
	s6 =	simm.s32 $0x4F00  }
0x17: {  	[tilespmem:s6], [sflag:$0x3] =	stream.linear.gather [hbm4b:s3+s2], $0x2780, $0x38;
	[tilespmem:$0x1B380] =	vst v63  }
0x18: {  	_ =	swait.ge [sflag:s20], $0x2780  }
0x19: {  	[sflag:s20] =	ssyncset.done $0x0  }
0x1a: {  	s12 =	simm.s32 $0x7680;
	s10 =	rddreg [dreg:$0x4];
	[sflag:s20] =	ssyncadd.s32 $0xFFFFD880  }
0x1b: {  	[tilespmem:s12], [sflag:$0x3] =	stream.linear.gather [hbm4b:s10+s2], $0x2780, $0x38;
	[tilespmem:$0x1B380] =	vst v63  }
0x1c: {  	s19 =	stileid.u32;
	_ =	swait.ge [sflag:s20], $0x2780  }
0x1d: {  	s3 =	sshll.u32 s19, $0x6;
	[sflag:s20] =	ssyncset.done $0x0  }
0x1e: {  	s6 =	sshrl.u32 s8, $0x3;
	s19 =	sor.u32 $0x1C03, s3;
	[sflag:s20] =	ssyncadd.s32 $0xFFFFD880  }
0x1f: {  	[spmem:s6], [sflag:s19] =	dma.local [hbm:s5], $0x18B0  }
0x20: {  	_ =	swait.ge [sflag:s20], $0x18B0  }
0x21: {  	[sflag:s20] =	ssyncset.done $0x0  }
0x22: {  	s21 =	rddreg [dreg:$0x5];
	[sflag:s20] =	ssyncadd.s32 $0xFFFFE750  }
0x23: {  	[tilespmem:s2], [sflag:$0x3] =	stream.linear.gather [hbm4b:s21+s2], $0x2780, $0x38;
	[tilespmem:$0x1B380] =	vst v63  }
0x24: {  	_ =	swait.ge [sflag:s20], $0x2780  }
0x25: {  	[sflag:s20] =	ssyncset.done $0x0  }
0x26: {  	s7 =	rddreg [dreg:$0x6];
	[sflag:s20] =	ssyncadd.s32 $0xFFFFD880  }
0x27: {  	[tilespmem:s22], [sflag:$0x3] =	stream.linear.gather [hbm4b:s7+s2], $0x2780, $0x38;
	[tilespmem:$0x1B380] =	vst v63  }
0x28: {  	_ =	swait.ge [sflag:s20], $0x2780  }
0x29: {  	[sflag:s20] =	ssyncset.done $0x0  }
0x2a: {  	[sflag:s20] =	ssyncadd.s32 $0xFFFFD880  }
0x2b: {  	[bflag:$0x0] =	sbarrier.arrive $0xFFFF  }
0x2c: {  	[tilespmem:s24], [sflag:$0x1] =	stream.indirect.gather [hbm4b:s4+s23], $0x50, s2, s23, $0xb8;
	[tilespmem:$0x1B380] =	vst v63  }
0x2d: {  	s9 =	simm.s32 $0x80  }
0x2e: {  	[tilespmem:s25], [sflag:$0x2] =	stream.indirect.gather [hbm4b:s4+s23], $0x50, s9, s23, $0xb8;
	[tilespmem:$0x1B380] =	vst v63  }
0x2f: {  	_ =	swait.ge [sflag:s26], $0x2800  }
0x30: {  	[sflag:s26] =	ssyncset.done $0x0  }
0x31: {  	s10 =	simm.s32 $0x4F00;
	[sflag:s26] =	ssyncadd.s32 $0xFFFFD800  }
0x32: {  	[spmem:s1] =	stream.indirect.scatter.add.f32 [tilespmem:s24], [sflag:$0x3], $0x50, s10, s23, $0xb8;
	[tilespmem:$0x1B380] =	vst v63  }
0x33: {  	_ =	swait.ge [sflag:s20], $0x2800  }
0x34: {  	[sflag:s20] =	ssyncset.done $0x0  }
0x35: {  	s12 =	simm.s32 $0x100;
	[sflag:s20] =	ssyncadd.s32 $0xFFFFD800  }
0x36: {  	[tilespmem:s24], [sflag:$0x1] =	stream.indirect.gather [hbm4b:s4+s23], $0x50, s12, s23, $0xb8;
	[tilespmem:$0x1B380] =	vst v63  }
0x37: {  	_ =	swait.ge [sflag:s28], $0x2800  }
0x38: {  	[sflag:s28] =	ssyncset.done $0x0  }
0x39: {  	s21 =	simm.s32 $0x4F80;
	[sflag:s28] =	ssyncadd.s32 $0xFFFFD800  }
0x3a: {  	[spmem:s1] =	stream.indirect.scatter.add.f32 [tilespmem:s25], [sflag:$0x3], $0x50, s21, s23, $0xb8;
	[tilespmem:$0x1B380] =	vst v63  }
0x3b: {  	_ =	swait.ge [sflag:s20], $0x2800  }
0x3c: {  	s3 =	simm.s32 $0x100;
	s21 =	simm.s32 $0x800;
	[sflag:s20] =	ssyncset.done $0x0  }
.LBB2_2:
0x3d: {  	s7 =	sadd.s32 $0x80, s3  }
0x3e: {  	[sflag:s20] =	ssyncadd.s32 $0xFFFFD800;
	s9 =	smov.u32 s21;
	s10 =	sadd.s32 $0x400, s21  }
0x3f: {  	[tilespmem:s25], [sflag:$0x2] =	stream.indirect.gather [hbm4b:s4+s23], $0x50, s7, s23, $0xb8;
	[tilespmem:$0x1B380] =	vst v63  }
0x40: {  	p1 =	sne.s32 s21, $0x13400;
	_ =	swait.ge [sflag:s26], $0x2800  }
0x41: {  	[sflag:s26] =	ssyncset.done $0x0  }
0x42: {  	s7 =	sadd.s32 $0x4F00, s3;
	[sflag:s26] =	ssyncadd.s32 $0xFFFFD800  }
0x43: {  	[spmem:s1] =	stream.indirect.scatter.add.f32 [tilespmem:s24], [sflag:$0x3], $0x50, s7, s23, $0xb8;
	[tilespmem:$0x1B380] =	vst v63  }
0x44: {  	_ =	swait.ge [sflag:s20], $0x2800  }
0x45: {  	[sflag:s20] =	ssyncset.done $0x0  }
0x46: {  	s7 =	sadd.s32 $0x100, s3;
	[sflag:s20] =	ssyncadd.s32 $0xFFFFD800  }
0x47: {  	[tilespmem:s24], [sflag:$0x1] =	stream.indirect.gather [hbm4b:s4+s23], $0x50, s7, s23, $0xb8;
	[tilespmem:$0x1B380] =	vst v63  }
0x48: {  	_ =	swait.ge [sflag:s28], $0x2800  }
.Ltmp0:
0x49: {  	[sflag:s28] =	ssyncset.done $0x0;
	(pc) =	sbr.rel @p1 .LBB2_2-.Ltmp0, $4  }
0x4a: {  	s3 =	sadd.s32 $0x4F80, s3;
	[sflag:s28] =	ssyncadd.s32 $0xFFFFD800  }
0x4b: {  	[spmem:s1] =	stream.indirect.scatter.add.f32 [tilespmem:s25], [sflag:$0x3], $0x50, s3, s23, $0xb8;
	[tilespmem:$0x1B380] =	vst v63  }
0x4c: {  	_ =	swait.ge [sflag:s20], $0x2800  }
0x4d: {  	s21 =	smov.u32 s10;
	s3 =	sshra.s32 s9, $0x2;
	[sflag:s20] =	ssyncset.done $0x0  }
0x4e: {  	s7 =	sadd.s32 $0x80, s3;
	[sflag:s20] =	ssyncadd.s32 $0xFFFFD800  }
0x4f: {  	[tilespmem:s25], [sflag:$0x2] =	stream.indirect.gather [hbm4b:s4+s23], $0x50, s7, s23, $0xb8;
	[tilespmem:$0x1B380] =	vst v63  }
0x50: {  	_ =	swait.ge [sflag:s26], $0x2800  }
0x51: {  	[sflag:s26] =	ssyncset.done $0x0  }
0x52: {  	s21 =	sadd.s32 $0x4F00, s3;
	[sflag:s26] =	ssyncadd.s32 $0xFFFFD800  }
0x53: {  	[spmem:s1] =	stream.indirect.scatter.add.f32 [tilespmem:s24], [sflag:$0x3], $0x50, s21, s23, $0xb8;
	[tilespmem:$0x1B380] =	vst v63  }
0x54: {  	_ =	swait.ge [sflag:s20], $0x2800  }
0x55: {  	[sflag:s20] =	ssyncset.done $0x0  }
0x56: {  	s9 =	sadd.s32 $0x100, s3;
	[sflag:s20] =	ssyncadd.s32 $0xFFFFD800  }
0x57: {  	[tilespmem:s24], [sflag:$0x1] =	stream.indirect.gather [hbm4b:s4+s23], $0x50, s9, s23, $0xb8;
	[tilespmem:$0x1B380] =	vst v63  }
0x58: {  	_ =	swait.ge [sflag:s28], $0x2800  }
0x59: {  	[sflag:s28] =	ssyncset.done $0x0  }
0x5a: {  	s10 =	sadd.s32 $0x4F80, s3;
	[sflag:s28] =	ssyncadd.s32 $0xFFFFD800  }
0x5b: {  	[spmem:s1] =	stream.indirect.scatter.add.f32 [tilespmem:s25], [sflag:$0x3], $0x50, s10, s23, $0xb8;
	[tilespmem:$0x1B380] =	vst v63  }
0x5c: {  	_ =	swait.ge [sflag:s20], $0x2800  }
0x5d: {  	[sflag:s20] =	ssyncset.done $0x0  }
0x5e: {  	[sflag:s20] =	ssyncadd.s32 $0xFFFFD800  }
0x5f: {  	[tilespmem:s25], [sflag:$0x2] =	stream.indirect.gather [hbm4b:s4+s23], $0x50, s29, s23, $0xb8;
	[tilespmem:$0x1B380] =	vst v63  }
0x60: {  	_ =	swait.ge [sflag:s26], $0x2800  }
0x61: {  	[sflag:s26] =	ssyncset.done $0x0  }
0x62: {  	[sflag:s26] =	ssyncadd.s32 $0xFFFFD800  }
0x63: {  	[spmem:s1] =	stream.indirect.scatter.add.f32 [tilespmem:s24], [sflag:$0x3], $0x50, s30, s23, $0xb8;
	[tilespmem:$0x1B380] =	vst v63  }
0x64: {  	_ =	swait.ge [sflag:s20], $0x2800  }
0x65: {  	[sflag:s20] =	ssyncset.done $0x0  }
0x66: {  	[sflag:s20] =	ssyncadd.s32 $0xFFFFD800  }
0x67: {  	_ =	swait.ge [sflag:s28], $0x2800  }
0x68: {  	[sflag:s28] =	ssyncset.done $0x0  }
0x69: {  	[sflag:s28] =	ssyncadd.s32 $0xFFFFD800  }
0x6a: {  	[spmem:s1] =	stream.indirect.scatter.add.f32 [tilespmem:s25], [sflag:$0x3], $0x50, s31, s23, $0xb8;
	[tilespmem:$0x1B380] =	vst v63  }
0x6b: {  	_ =	swait.ge [sflag:s20], $0x2800  }
0x6c: {  	[sflag:s20] =	ssyncset.done $0x0  }
0x6d: {  	[sflag:s20] =	ssyncadd.s32 $0xFFFFD800  }
0x6e: {  	s3 =	simm.s32 @p0 $0x1;
	s7 =	simm.s32 @p0 $0x14;
	[bflag:$0x0] =	sbarrier.arrive $0xFFFF  }
0x6f: {  	s21 =	sshrl.u32 @p0 s13, $0x3;
	s9 =	simm.s32 @p0 $0xA;
	s10 =	rddreg [dreg:$0x7]  }
0x70: {  	[hbm:s10@s7], [sflag:s19] =	dma.strided @p0 [spmem:s21@s9], $0x1450, s3, $0xa   }
0x71: {  	s3 =	simm.s32 @p0 $0x3  }
0x72: {  	_ =	swait.ge @p0 [sflag:s3], $0x1450  }
0x73: {  	s7 =	simm.s32 @!p0 $0x1;
	s9 =	simm.s32 @!p0 $0x14;
	[sflag:s3] =	ssyncset.done @p0 $0x0  }
0x74: {  	s10 =	simm.s32 @!p0 $0xA;
	[sflag:s3] =	ssyncadd.s32 @p0 $0xFFFFEBB0;
	s3 =	sshrl.u32 @!p0 s8, $0x3  }
0x75: {  	[hbm:s11@s9], [sflag:s19] =	dma.strided @!p0 [spmem:s3@s10], $0x18B0, s7, $0xa   }
0x76: {  	s7 =	simm.s32 @!p0 $0x3  }
0x77: {  	_ =	swait.ge @!p0 [sflag:s7], $0x18B0  }
0x78: {  	[sflag:s7] =	ssyncset.done @!p0 $0x0  }
0x79: {  	[sflag:s7] =	ssyncadd.s32 @!p0 $0xFFFFE750  }
0x7a: {  	[bflag:$0x0] =	sbarrier.arrive $0xFFFF  }
0x7b: {  	[spmem:s6], [sflag:s19] =	dma.local [hbm:s5], $0x18B0  }
0x7c: {  	_ =	swait.ge [sflag:s20], $0x18B0  }
0x7d: {  	[sflag:s20] =	ssyncset.done $0x0  }
0x7e: {  	s12 =	simm.s32 $0x0;
	[sflag:s20] =	ssyncadd.s32 $0xFFFFE750  }
0x7f: {  	[tilespmem:s12], [sflag:$0x3] =	stream.linear.gather [hbm4b:s14+s12], $0x2780, $0x38;
	[tilespmem:$0x1B380] =	vst v63  }
0x80: {  	_ =	swait.ge [sflag:s20], $0x2780  }
0x81: {  	[sflag:s20] =	ssyncset.done $0x0  }
0x82: {  	[sflag:s20] =	ssyncadd.s32 $0xFFFFD880  }
0x83: {  	[tilespmem:s22], [sflag:$0x3] =	stream.linear.gather [hbm4b:s15+s12], $0x2780, $0x38;
	[tilespmem:$0x1B380] =	vst v63  }
0x84: {  	_ =	swait.ge [sflag:s20], $0x2780  }
0x85: {  	[sflag:s20] =	ssyncset.done $0x0  }
0x86: {  	[sflag:s20] =	ssyncadd.s32 $0xFFFFD880  }
0x87: {  	[bflag:$0x0] =	sbarrier.arrive $0xFFFF  }
0x88: {  	[tilespmem:s24], [sflag:$0x1] =	stream.indirect.gather [hbm4b:s4+s23], $0x50, s12, s23, $0xb8;
	[tilespmem:$0x1B380] =	vst v63  }
0x89: {  	s7 =	simm.s32 $0x80  }
0x8a: {  	[tilespmem:s25], [sflag:$0x2] =	stream.indirect.gather [hbm4b:s4+s23], $0x50, s7, s23, $0xb8;
	[tilespmem:$0x1B380] =	vst v63  }
0x8b: {  	_ =	swait.ge [sflag:s26], $0x2800  }
0x8c: {  	[sflag:s26] =	ssyncset.done $0x0  }
0x8d: {  	s9 =	simm.s32 $0x4F00;
	[sflag:s26] =	ssyncadd.s32 $0xFFFFD800  }
0x8e: {  	[spmem:s1] =	stream.indirect.scatter.add.f32 [tilespmem:s24], [sflag:$0x3], $0x50, s9, s23, $0xb8;
	[tilespmem:$0x1B380] =	vst v63  }
0x8f: {  	_ =	swait.ge [sflag:s20], $0x2800  }
0x90: {  	[sflag:s20] =	ssyncset.done $0x0  }
0x91: {  	s10 =	simm.s32 $0x100;
	[sflag:s20] =	ssyncadd.s32 $0xFFFFD800  }
0x92: {  	[tilespmem:s24], [sflag:$0x1] =	stream.indirect.gather [hbm4b:s4+s23], $0x50, s10, s23, $0xb8;
	[tilespmem:$0x1B380] =	vst v63  }
0x93: {  	_ =	swait.ge [sflag:s28], $0x2800  }
0x94: {  	[sflag:s28] =	ssyncset.done $0x0  }
0x95: {  	s12 =	simm.s32 $0x4F80;
	[sflag:s28] =	ssyncadd.s32 $0xFFFFD800  }
0x96: {  	[spmem:s1] =	stream.indirect.scatter.add.f32 [tilespmem:s25], [sflag:$0x3], $0x50, s12, s23, $0xb8;
	[tilespmem:$0x1B380] =	vst v63  }
0x97: {  	_ =	swait.ge [sflag:s20], $0x2800  }
0x98: {  	s6 =	simm.s32 $0x100;
	s7 =	simm.s32 $0x800;
	[sflag:s20] =	ssyncset.done $0x0  }
.LBB2_4:
0x99: {  	s9 =	sadd.s32 $0x80, s6  }
0x9a: {  	[sflag:s20] =	ssyncadd.s32 $0xFFFFD800;
	s10 =	smov.u32 s7;
	s12 =	sadd.s32 $0x400, s7  }
0x9b: {  	[tilespmem:s25], [sflag:$0x2] =	stream.indirect.gather [hbm4b:s4+s23], $0x50, s9, s23, $0xb8;
	[tilespmem:$0x1B380] =	vst v63  }
0x9c: {  	p1 =	sne.s32 s7, $0x13400;
	_ =	swait.ge [sflag:s26], $0x2800  }
0x9d: {  	[sflag:s26] =	ssyncset.done $0x0  }
0x9e: {  	s7 =	sadd.s32 $0x4F00, s6;
	[sflag:s26] =	ssyncadd.s32 $0xFFFFD800  }
0x9f: {  	[spmem:s1] =	stream.indirect.scatter.add.f32 [tilespmem:s24], [sflag:$0x3], $0x50, s7, s23, $0xb8;
	[tilespmem:$0x1B380] =	vst v63  }
0xa0: {  	_ =	swait.ge [sflag:s20], $0x2800  }
0xa1: {  	[sflag:s20] =	ssyncset.done $0x0  }
0xa2: {  	s7 =	sadd.s32 $0x100, s6;
	[sflag:s20] =	ssyncadd.s32 $0xFFFFD800  }
0xa3: {  	[tilespmem:s24], [sflag:$0x1] =	stream.indirect.gather [hbm4b:s4+s23], $0x50, s7, s23, $0xb8;
	[tilespmem:$0x1B380] =	vst v63  }
0xa4: {  	_ =	swait.ge [sflag:s28], $0x2800  }
.Ltmp1:
0xa5: {  	[sflag:s28] =	ssyncset.done $0x0;
	(pc) =	sbr.rel @p1 .LBB2_4-.Ltmp1, $4  }
0xa6: {  	s6 =	sadd.s32 $0x4F80, s6;
	[sflag:s28] =	ssyncadd.s32 $0xFFFFD800  }
0xa7: {  	[spmem:s1] =	stream.indirect.scatter.add.f32 [tilespmem:s25], [sflag:$0x3], $0x50, s6, s23, $0xb8;
	[tilespmem:$0x1B380] =	vst v63  }
0xa8: {  	_ =	swait.ge [sflag:s20], $0x2800  }
0xa9: {  	s7 =	smov.u32 s12;
	s6 =	sshra.s32 s10, $0x2;
	[sflag:s20] =	ssyncset.done $0x0  }
0xaa: {  	s7 =	sadd.s32 $0x80, s6;
	[sflag:s20] =	ssyncadd.s32 $0xFFFFD800  }
0xab: {  	[tilespmem:s25], [sflag:$0x2] =	stream.indirect.gather [hbm4b:s4+s23], $0x50, s7, s23, $0xb8;
	[tilespmem:$0x1B380] =	vst v63  }
0xac: {  	_ =	swait.ge [sflag:s26], $0x2800  }
0xad: {  	[sflag:s26] =	ssyncset.done $0x0  }
0xae: {  	s9 =	sadd.s32 $0x4F00, s6;
	[sflag:s26] =	ssyncadd.s32 $0xFFFFD800  }
0xaf: {  	[spmem:s1] =	stream.indirect.scatter.add.f32 [tilespmem:s24], [sflag:$0x3], $0x50, s9, s23, $0xb8;
	[tilespmem:$0x1B380] =	vst v63  }
0xb0: {  	_ =	swait.ge [sflag:s20], $0x2800  }
0xb1: {  	[sflag:s20] =	ssyncset.done $0x0  }
0xb2: {  	s10 =	sadd.s32 $0x100, s6;
	[sflag:s20] =	ssyncadd.s32 $0xFFFFD800  }
0xb3: {  	[tilespmem:s24], [sflag:$0x1] =	stream.indirect.gather [hbm4b:s4+s23], $0x50, s10, s23, $0xb8;
	[tilespmem:$0x1B380] =	vst v63  }
0xb4: {  	_ =	swait.ge [sflag:s28], $0x2800  }
0xb5: {  	[sflag:s28] =	ssyncset.done $0x0  }
0xb6: {  	s12 =	sadd.s32 $0x4F80, s6;
	[sflag:s28] =	ssyncadd.s32 $0xFFFFD800  }
0xb7: {  	[spmem:s1] =	stream.indirect.scatter.add.f32 [tilespmem:s25], [sflag:$0x3], $0x50, s12, s23, $0xb8;
	[tilespmem:$0x1B380] =	vst v63  }
0xb8: {  	_ =	swait.ge [sflag:s20], $0x2800  }
0xb9: {  	[sflag:s20] =	ssyncset.done $0x0  }
0xba: {  	[sflag:s20] =	ssyncadd.s32 $0xFFFFD800  }
0xbb: {  	[tilespmem:s25], [sflag:$0x2] =	stream.indirect.gather [hbm4b:s4+s23], $0x50, s29, s23, $0xb8;
	[tilespmem:$0x1B380] =	vst v63  }
0xbc: {  	_ =	swait.ge [sflag:s26], $0x2800  }
0xbd: {  	[sflag:s26] =	ssyncset.done $0x0  }
0xbe: {  	[sflag:s26] =	ssyncadd.s32 $0xFFFFD800  }
0xbf: {  	[spmem:s1] =	stream.indirect.scatter.add.f32 [tilespmem:s24], [sflag:$0x3], $0x50, s30, s23, $0xb8;
	[tilespmem:$0x1B380] =	vst v63  }
0xc0: {  	_ =	swait.ge [sflag:s20], $0x2800  }
0xc1: {  	[sflag:s20] =	ssyncset.done $0x0  }
0xc2: {  	[sflag:s20] =	ssyncadd.s32 $0xFFFFD800  }
0xc3: {  	_ =	swait.ge [sflag:s28], $0x2800  }
0xc4: {  	[sflag:s28] =	ssyncset.done $0x0  }
0xc5: {  	[sflag:s28] =	ssyncadd.s32 $0xFFFFD800  }
0xc6: {  	[spmem:s1] =	stream.indirect.scatter.add.f32 [tilespmem:s25], [sflag:$0x3], $0x50, s31, s23, $0xb8;
	[tilespmem:$0x1B380] =	vst v63  }
0xc7: {  	_ =	swait.ge [sflag:s20], $0x2800  }
0xc8: {  	[sflag:s20] =	ssyncset.done $0x0  }
0xc9: {  	s6 =	simm.s32 @p0 $0x1;
	[sflag:s20] =	ssyncadd.s32 $0xFFFFD800  }
0xca: {  	s7 =	simm.s32 @p0 $0x14;
	s9 =	simm.s32 @p0 $0xA;
	[bflag:$0x0] =	sbarrier.arrive $0xFFFF  }
0xcb: {  	[hbm:s17@s7], [sflag:s19] =	dma.strided @p0 [spmem:s21@s9], $0x1450, s6, $0xa   }
0xcc: {  	s6 =	simm.s32 @p0 $0x3  }
0xcd: {  	_ =	swait.ge @p0 [sflag:s6], $0x1450  }
0xce: {  	s0 =	sadd.s32 $0x1, s0;
	s7 =	simm.s32 @!p0 $0x14;
	[sflag:s6] =	ssyncset.done @p0 $0x0  }
0xcf: {  	s9 =	simm.s32 @!p0 $0xA;
	[sflag:s6] =	ssyncadd.s32 @p0 $0xFFFFEBB0;
	s6 =	simm.s32 @!p0 $0x1  }
0xd0: {  	[hbm:s16@s7], [sflag:s19] =	dma.strided @!p0 [spmem:s3@s9], $0x18B0, s6, $0xa   }
0xd1: {  	p1 =	sne.s32 s0, s18;
	s3 =	simm.s32 @!p0 $0x3  }
.Ltmp2:
0xd2: {  	_ =	swait.ge @!p0 [sflag:s3], $0x18B0;
	(pc) =	sbr.rel @p1 .LBB2_1-.Ltmp2, $3  }
0xd3: {  	[sflag:s3] =	ssyncset.done @!p0 $0x0  }
0xd4: {  	[sflag:s3] =	ssyncadd.s32 @!p0 $0xFFFFE750  }
0xd5: {  	[bflag:$0x0] =	sbarrier.arrive $0xFFFF;
	_ =	sdelay $0x1  }
0xd6: {  	_ =	sfence.sel $0x180000  }
0xd7: {  	[bflag:$0x0] =	sbarrier.arrive $0xFFFF  }
0xd8: {  	_ =	strace $0x90000050  }
0xd9: {  	s0 =	stileid.u32;
	[bflag:$0x2] =	sbarrier.arrive $0xFFFF  }
0xda: {  	p0 =	sne.s32 s0, $0x0;
	s0 =	rddreg [dreg:$0x2]  }
0xdb: {  	s0 =	sadd.s32 @!p0 $0x100000, s0  }
0xdc: {  	[sflag:s0] =	ssyncadd.tile.s32 @!p0 $0x1;
	_ =	shalt  }
.Lfunc_end2:
_tile_overlayer_lowered:
.L_overlay_start_2:
0xdd: {  	(tag) =	ssettag $0x2  }
0xde: {  	s0 =	rddreg [dreg:$0x0];
	s2 =	stileid.u32  }
0xdf: {  	s1 =	rddreg [dreg:$0x1];
	p0 =	sne.s32 s2, $0x0  }
0xe0: {  	s3 =	rddreg [dreg:$0x2];
	[bflag:$0x3] =	sbarrier.arrive $0xFFFF;
	s2 =	simm.s32 @!p0 $0x1C03  }
0xe1: {  	[timem:s3], [sflag:s2] =	dma.local @!p0 [hbm:s0], s1  }
0xe2: {  	s0 =	simm.s32 @!p0 $0x3  }
0xe3: {  	_ =	swait.ge @!p0 [sflag:s0], s1  }
0xe4: {  	s1 =	ssub.s32 @!p0 $0x0, s1;
	[sflag:s0] =	ssyncset.done @!p0 $0x0  }
0xe5: {  	[sflag:s0] =	ssyncadd.s32 @!p0 s1  }
0xe6: {  	[bflag:$0x3] =	sbarrier.arrive $0xFFFF  }
0xe7: {  	_ =	shalt  }

</sc_bundles>
